<compile_context>
chip_gen: v7x
topology: tpu7x:2x2x1
jax: 0.10.2.dev20260603
libtpu: 0.0.44.dev20260713+nightly
codegen_flags: <defaults>
</compile_context>

<pallas_src>
import functools

import jax
import jax.numpy as jnp
from jax import lax
from jax.experimental import pallas as pl
from jax.experimental.pallas import tpu as pltpu
from jax.experimental.pallas import tpu_sc as plsc

N_NODES = 10000
N_PAD = 10240
D = 128
G = 128
E = 320000
NC = 2
NS = 16
NW = NC * NS
CHUNK = 125
NCHUNK = 80
ROWS_PER_TILE = N_PAD // NS
BLK = 512
NBLK = N_PAD // BLK

_mesh = plsc.VectorSubcoreMesh(core_axis_name="c", subcore_axis_name="s")


@functools.partial(
    pl.kernel,
    mesh=_mesh,
    out_type=jax.ShapeDtypeStruct((NC, N_PAD), jnp.float32),
    scratch_types=[
        pltpu.VMEM((NCHUNK, CHUNK), jnp.int32),
        pltpu.VMEM((128,), jnp.float32),
        pltpu.VMEM((ROWS_PER_TILE,), jnp.float32),
        pltpu.VMEM_SHARED((N_PAD,), jnp.float32),
        pltpu.SemaphoreType.DMA,
        pltpu.SemaphoreType.DMA,
    ],
)
def _sc_degree(dstq_hbm, out_hbm, idxs, ones_v, zero_v, acc, si, ss):
    c = lax.axis_index("c")
    s = lax.axis_index("s")
    wid = c * NS + s
    pltpu.async_copy(dstq_hbm.at[wid], idxs, si)
    for k in range(8):
        ones_v[pl.ds(k * 16, 16)] = jnp.ones((16,), jnp.float32)

    def zbody(i, carry):
        zero_v[pl.ds(i * 16, 16)] = jnp.zeros((16,), jnp.float32)
        return carry

    lax.fori_loop(0, ROWS_PER_TILE // 16, zbody, 0)
    r0 = s * ROWS_PER_TILE
    pltpu.sync_copy(zero_v, acc.at[pl.ds(r0, ROWS_PER_TILE)])
    plsc.subcore_barrier()
    pltpu.make_async_copy(dstq_hbm.at[wid], idxs, si).wait()

    def body(i, carry):
        j = 8 * i
        for k in range(8):
            pltpu.async_copy(ones_v.at[pl.ds(0, CHUNK)],
                             acc.at[idxs.at[j + k]], ss, add=True)
        for k in range(8):
            pltpu.make_async_copy(ones_v.at[pl.ds(0, CHUNK)],
                                  acc.at[idxs.at[j + k]], ss).wait()
        return carry

    lax.fori_loop(0, NCHUNK // 8, body, 0)
    plsc.subcore_barrier()
    pltpu.sync_copy(acc.at[pl.ds(r0, ROWS_PER_TILE)],
                    out_hbm.at[c, pl.ds(r0, ROWS_PER_TILE)])


NSLAB = NCHUNK // 8
NPAIR = NSLAB // 2


@functools.partial(
    pl.kernel,
    mesh=_mesh,
    out_type=jax.ShapeDtypeStruct((NC, N_PAD, D), jnp.float32),
    scratch_types=[
        pltpu.VMEM((8, 2, CHUNK), jnp.int32),
        pltpu.VMEM((8, 2, CHUNK), jnp.int32),
        pltpu.VMEM((CHUNK, D), jnp.float32),
        pltpu.VMEM((CHUNK, D), jnp.float32),
        pltpu.VMEM_SHARED((N_PAD, D), jnp.float32),
        pltpu.SemaphoreType.DMA,
        pltpu.SemaphoreType.DMA,
        pltpu.SemaphoreType.DMA,
        pltpu.SemaphoreType.DMA,
    ],
)
def _sc_aggregate(g_hbm, eidx_hbm, out_hbm, ia, ib, r0b, r1b, acc,
                  sg0, sg1, si_a, si_b):
    c = lax.axis_index("c")
    s = lax.axis_index("s")
    wid = c * NS + s
    pltpu.async_copy(eidx_hbm.at[wid, 0], ia, si_a)

    def zbody(i, carry):
        for k in range(8):
            r1b[i, pl.ds(k * 16, 16)] = jnp.zeros((16,), jnp.float32)
        return carry

    lax.fori_loop(0, CHUNK, zbody, 0)
    pltpu.make_async_copy(eidx_hbm.at[wid, 0], ia, si_a).wait()
    pltpu.async_copy(eidx_hbm.at[wid, 1], ib, si_b)
    pltpu.async_copy(g_hbm.at[ia.at[0, 0]], r0b, sg0)
    rbase = s * ROWS_PER_TILE
    for t in range(ROWS_PER_TILE // CHUNK):
        pltpu.sync_copy(r1b, acc.at[pl.ds(rbase + t * CHUNK, CHUNK)])
    rem = ROWS_PER_TILE - (ROWS_PER_TILE // CHUNK) * CHUNK
    pltpu.sync_copy(
        r1b.at[pl.ds(0, rem)],
        acc.at[pl.ds(rbase + (ROWS_PER_TILE // CHUNK) * CHUNK, rem)])
    plsc.subcore_barrier()

    rows = (r0b, r1b)
    gsems = (sg0, sg1)

    def pair(sp, carry):
        for k in range(16):
            slab, kk = (ia, k) if k < 8 else (ib, k - 8)
            cur, csem = rows[k % 2], gsems[k % 2]
            nxt, nsem = rows[(k + 1) % 2], gsems[(k + 1) % 2]
            if k == 7:
                pltpu.make_async_copy(eidx_hbm.at[wid, 0], ib, si_b).wait()
            if k < 15:
                nslab, nkk = (ia, k + 1) if k + 1 < 8 else (ib, k - 7)
                pltpu.async_copy(g_hbm.at[nslab.at[nkk, 0]], nxt, nsem)
            else:
                @pl.when(sp < NPAIR - 1)
                def _():
                    pltpu.make_async_copy(eidx_hbm.at[wid, 0], ia, si_a).wait()
                    pltpu.async_copy(g_hbm.at[ia.at[0, 0]], nxt, nsem)

            pltpu.make_async_copy(g_hbm.at[slab.at[kk, 0]], cur, csem).wait()
            pltpu.sync_copy(cur, acc.at[slab.at[kk, 1]], add=True)

            if k == 7:
                @pl.when(sp < NPAIR - 1)
                def _():
                    pltpu.async_copy(eidx_hbm.at[wid, 2 * sp + 2], ia, si_a)
            if k == 15:
                @pl.when(sp < NPAIR - 1)
                def _():
                    pltpu.async_copy(eidx_hbm.at[wid, 2 * sp + 3], ib, si_b)
        return carry

    lax.fori_loop(0, NPAIR, pair, 0)
    plsc.subcore_barrier()
    pltpu.sync_copy(acc.at[pl.ds(rbase, ROWS_PER_TILE)],
                    out_hbm.at[c, pl.ds(rbase, ROWS_PER_TILE)])


def _tc_prep_body(x_ref, w_ref, deg_ref, dinv_ref, g_ref):
    deg = deg_ref[0, :] + deg_ref[1, :] + 1.0
    dinv = lax.rsqrt(deg)
    dinv_ref[...] = dinv
    xw = jnp.dot(x_ref[...], w_ref[...], preferred_element_type=jnp.float32)
    g_ref[...] = xw * dinv[:, None]


_tc_prep = pl.pallas_call(
    _tc_prep_body,
    grid=(NBLK,),
    in_specs=[
        pl.BlockSpec((BLK, D), lambda i: (i, 0)),
        pl.BlockSpec((D, D), lambda i: (0, 0)),
        pl.BlockSpec((NC, BLK), lambda i: (0, i)),
    ],
    out_specs=[
        pl.BlockSpec((BLK,), lambda i: (i,)),
        pl.BlockSpec((BLK, D), lambda i: (i, 0)),
    ],
    out_shape=[
        jax.ShapeDtypeStruct((N_PAD,), jnp.float32),
        jax.ShapeDtypeStruct((N_PAD, D), jnp.float32),
    ],
)


def _layer_head(parts_ref, gprev_ref, dinv_ref, b_ref, batch_ref):
    ssum = parts_ref[0] + parts_ref[1] + gprev_ref[...]
    dinv = dinv_ref[...][:, None]
    h = jnp.maximum(ssum * dinv + b_ref[...], 0.0)
    onehot = (batch_ref[...][:, None]
              == lax.broadcasted_iota(jnp.int32, (BLK, G), 1)).astype(jnp.float32)
    contrib = lax.dot_general(onehot, h, (((0,), (0,)), ((), ())),
                              preferred_element_type=jnp.float32)
    return h, dinv, contrib


def _tc_mid_body(parts_ref, gprev_ref, dinv_ref, b_ref, w_ref, batch_ref,
                 gnext_ref, pool_ref):
    i = pl.program_id(0)
    h, dinv, contrib = _layer_head(parts_ref, gprev_ref, dinv_ref, b_ref, batch_ref)
    gnext_ref[...] = jnp.dot(h, w_ref[...],
                             preferred_element_type=jnp.float32) * dinv

    @pl.when(i == 0)
    def _():
        pool_ref[...] = contrib

    @pl.when(i > 0)
    def _():
        pool_ref[...] += contrib


_tc_mid = pl.pallas_call(
    _tc_mid_body,
    grid=(NBLK,),
    in_specs=[
        pl.BlockSpec((NC, BLK, D), lambda i: (0, i, 0)),
        pl.BlockSpec((BLK, D), lambda i: (i, 0)),
        pl.BlockSpec((BLK,), lambda i: (i,)),
        pl.BlockSpec((1, D), lambda i: (0, 0)),
        pl.BlockSpec((D, D), lambda i: (0, 0)),
        pl.BlockSpec((BLK,), lambda i: (i,)),
    ],
    out_specs=[
        pl.BlockSpec((BLK, D), lambda i: (i, 0)),
        pl.BlockSpec((G, D), lambda i: (0, 0)),
    ],
    out_shape=[
        jax.ShapeDtypeStruct((N_PAD, D), jnp.float32),
        jax.ShapeDtypeStruct((G, D), jnp.float32),
    ],
)


def _tc_last_body(parts_ref, gprev_ref, dinv_ref, b_ref, batch_ref, pool_ref):
    i = pl.program_id(0)
    _, _, contrib = _layer_head(parts_ref, gprev_ref, dinv_ref, b_ref, batch_ref)

    @pl.when(i == 0)
    def _():
        pool_ref[...] = contrib

    @pl.when(i > 0)
    def _():
        pool_ref[...] += contrib


_tc_last = pl.pallas_call(
    _tc_last_body,
    grid=(NBLK,),
    in_specs=[
        pl.BlockSpec((NC, BLK, D), lambda i: (0, i, 0)),
        pl.BlockSpec((BLK, D), lambda i: (i, 0)),
        pl.BlockSpec((BLK,), lambda i: (i,)),
        pl.BlockSpec((1, D), lambda i: (0, 0)),
        pl.BlockSpec((BLK,), lambda i: (i,)),
    ],
    out_specs=pl.BlockSpec((G, D), lambda i: (0, 0)),
    out_shape=jax.ShapeDtypeStruct((G, D), jnp.float32),
)


def kernel(x, edge_index, batch, W1, b1, W2, b2, W3, b3):
    e32 = edge_index.astype(jnp.int32)
    dstq = e32[1].reshape(NW, NCHUNK, CHUNK)
    eidx = jnp.stack([e32[0].reshape(NW, NCHUNK, CHUNK), dstq],
                     axis=2).reshape(NW, NSLAB, 8, 2, CHUNK)
    x_pad = jnp.pad(x, ((0, N_PAD - N_NODES), (0, 0)))
    batch_pad = jnp.pad(batch.astype(jnp.int32), (0, N_PAD - N_NODES),
                        constant_values=G)

    deg = _sc_degree(dstq)
    dinv, g1 = _tc_prep(x_pad, W1, deg)
    p1 = _sc_aggregate(g1, eidx)
    g2, pool1 = _tc_mid(p1, g1, dinv, b1.reshape(1, D), W2, batch_pad)
    p2 = _sc_aggregate(g2, eidx)
    g3, pool2 = _tc_mid(p2, g2, dinv, b2.reshape(1, D), W3, batch_pad)
    p3 = _sc_aggregate(g3, eidx)
    pool3 = _tc_last(p3, g3, dinv, b3.reshape(1, D), batch_pad)
    return jnp.concatenate([pool1, pool2, pool3], axis=1)

# --- scband reference (transcript-rebuilt; emitter-appended) ---
"""Pipeline reference for scband-mgclprune-aug-41068477284989 (READ-ONLY COPY).

The authoritative reference and input builder live on the scoring server;
editing this copy changes nothing except your own understanding.
"""

import jax, jax.numpy as jnp
import numpy as np

N_NODES = 10000
N_EDGES = 320000
D_FEAT = 128
HIDDEN = 128
N_GRAPHS = 128


def setup_inputs(seed: int = 0) -> dict:
    key = jax.random.key(seed)
    k = jax.random.split(key, 12)
    x = jax.random.normal(k[0], (N_NODES, D_FEAT), dtype=jnp.float32)
    edge_index = jax.random.randint(k[1], (2, N_EDGES), 0, N_NODES, dtype=jnp.int64)
    batch = jnp.sort(jax.random.randint(k[2], (N_NODES,), 0, N_GRAPHS, dtype=jnp.int64))
    def xavier(kk, fan_in, fan_out):
        limit = float(np.sqrt(6.0 / (fan_in + fan_out)))
        return jax.random.uniform(kk, (fan_in, fan_out), dtype=jnp.float32, minval=-limit, maxval=limit)
    W1 = xavier(k[3], D_FEAT, HIDDEN)
    W2 = xavier(k[4], HIDDEN, HIDDEN)
    W3 = xavier(k[5], HIDDEN, HIDDEN)
    b1 = jnp.zeros((HIDDEN,), dtype=jnp.float32)
    b2 = jnp.zeros((HIDDEN,), dtype=jnp.float32)
    b3 = jnp.zeros((HIDDEN,), dtype=jnp.float32)
    return {"x": x, "edge_index": edge_index, "batch": batch,
            "W1": W1, "b1": b1, "W2": W2, "b2": b2, "W3": W3, "b3": b3}


def _gcn_norm(edge_index, num_nodes):
    # add self loops and compute symmetric normalization D^-1/2 (A+I) D^-1/2
    src, dst = edge_index[0], edge_index[1]
    loop = jnp.arange(num_nodes, dtype=src.dtype)
    row = jnp.concatenate([src, loop])
    col = jnp.concatenate([dst, loop])
    w = jnp.ones(row.shape[0], dtype=jnp.float32)
    deg = jax.ops.segment_sum(w, col, num_segments=num_nodes)
    deg_inv_sqrt = jnp.where(deg > 0, 1.0 / jnp.sqrt(deg), 0.0)
    norm = deg_inv_sqrt[row] * w * deg_inv_sqrt[col]
    return row, col, norm


def _gcn_conv(x, row, col, norm, W, b, num_nodes):
    h = x @ W
    msg = h[row] * norm[:, None]  # gather source features
    out = jax.ops.segment_sum(msg, col, num_segments=num_nodes)  # scatter-add to dst
    return out + b


def reference(x, edge_index, batch, W1, b1, W2, b2, W3, b3):
    num_nodes = x.shape[0]
    row, col, norm = _gcn_norm(edge_index, num_nodes)
    xs = []
    h = x
    for (W, b) in ((W1, b1), (W2, b2), (W3, b3)):
        h = _gcn_conv(h, row, col, norm, W, b, num_nodes)
        h = jax.nn.relu(h)
        xs.append(h)
    # global_add_pool per layer, then concat (GCN encoder, pool='sum')
    pooled = [jax.ops.segment_sum(h_i, batch, num_segments=N_GRAPHS) for h_i in xs]
    global_rep = jnp.concatenate(pooled, axis=1)
    return global_rep

if __name__ == "__main__":
    import jax
    _d = setup_inputs()
    print(jax.jit(kernel)(*tuple(_d.values())))

</pallas_src>

<mosaic_0001>
#map = affine_map<(d0, d1) -> (0, 0)>
#map1 = affine_map<(d0, d1) -> (0, 0, 0, 0, 0)>
#map2 = affine_map<(d0, d1) -> (0, 0, 0)>
module attributes {stable_mosaic.version = 14 : i64} {
  func.func @_sc_aggregate(%arg0: i32, %arg1: i32, %arg2: memref<10240x128xf32, #tpu.memory_space<hbm>>, %arg3: memref<32x10x8x2x125xi32, #tpu.memory_space<hbm>>, %arg4: memref<2x10240x128xf32, #tpu.memory_space<hbm>>, %arg5: memref<8x2x125xi32, #tpu.memory_space<vmem>>, %arg6: memref<8x2x125xi32, #tpu.memory_space<vmem>>, %arg7: memref<125x128xf32, #tpu.memory_space<vmem>>, %arg8: memref<125x128xf32, #tpu.memory_space<vmem>>, %arg9: memref<10240x128xf32, #tpu.memory_space<vmem_shared>>, %arg10: memref<!tpu.dma_semaphore, #tpu.memory_space<semaphore_mem>>, %arg11: memref<!tpu.dma_semaphore, #tpu.memory_space<semaphore_mem>>, %arg12: memref<!tpu.dma_semaphore, #tpu.memory_space<semaphore_mem>>, %arg13: memref<!tpu.dma_semaphore, #tpu.memory_space<semaphore_mem>>) attributes {dimension_semantics = [#tpu.dimension_semantics<core_parallel>, #tpu.dimension_semantics<subcore_parallel>], iteration_bounds = array<i64: 2, 16>, scalar_prefetch = 0 : i64, scratch_operands = 9 : i64, tpu.core_type = #tpu.core_type<sc_vector_subcore>, window_params = [{transform_indices = #map}, {transform_indices = #map1}, {transform_indices = #map2}]} {
    %mul3A = arith.constant 16 : i32
    %mul3A_0 = arith.muli %arg0, %mul3A : i32
    %add3A = arith.addi %mul3A_0, %arg1 : i32
    %dma_start3A = arith.constant 0 : i32
    %dma_start3A_1 = arith.constant 0 : i32
    %dma_start3A_2 = arith.constant 0 : i32
    %dma_start3A_3 = arith.constant 0 : i32
    %dma_start3A_4 = tpu.memref_slice %arg3[%add3A, %dma_start3A, %dma_start3A_1, %dma_start3A_2, %dma_start3A_3] : memref<32x10x8x2x125xi32, #tpu.memory_space<hbm>> -> memref<1x1x8x2x125xi32, #tpu.memory_space<hbm>>
    %dma_start3A_5 = tpu.memref_squeeze %dma_start3A_4 : memref<1x1x8x2x125xi32, #tpu.memory_space<hbm>> -> memref<8x2x125xi32, #tpu.memory_space<hbm>>
    %dma_start3A_6 = arith.constant 0 : i32
    %dma_start3A_7 = arith.constant 0 : i32
    %dma_start3A_8 = arith.constant 0 : i32
    %dma_start3A_9 = tpu.memref_slice %arg3[%add3A, %dma_start3A, %dma_start3A_6, %dma_start3A_7, %dma_start3A_8] : memref<32x10x8x2x125xi32, #tpu.memory_space<hbm>> -> memref<1x1x8x2x125xi32, #tpu.memory_space<hbm>>
    %dma_start3A_10 = tpu.memref_squeeze %dma_start3A_9 : memref<1x1x8x2x125xi32, #tpu.memory_space<hbm>> -> memref<8x2x125xi32, #tpu.memory_space<hbm>>
    tpu.enqueue_dma source(%dma_start3A_10 : memref<8x2x125xi32, #tpu.memory_space<hbm>>) target(%arg5 : memref<8x2x125xi32, #tpu.memory_space<vmem>>) target_semaphore(%arg12 : memref<!tpu.dma_semaphore, #tpu.memory_space<semaphore_mem>>)
    %scan3A = arith.constant 0 : i32
    %scan3A_11 = arith.constant 0 : i32
    %scan3A_12 = arith.constant 125 : i32
    %scan3A_13 = arith.addi %scan3A_11, %scan3A_12 : i32
    %scan3A_14 = arith.constant 1 : i32
    scf.for %scan3A_66 = %scan3A_11 to %scan3A_13 step %scan3A_14  : i32 {
      %broadcast_in_dim3A = arith.constant 0.000000e+00 : f32
      %broadcast_in_dim3A_67 = vector.broadcast %broadcast_in_dim3A : f32 to vector<16xf32>
      %swap3A = arith.index_cast %scan3A_66 : i32 to index
      %swap3A_68 = arith.constant 0 : index
      %swap3A_69 = tpu.vector_load %arg8[%swap3A, %swap3A_68] {strides = array<i32>} : memref<125x128xf32, #tpu.memory_space<vmem>>, vector<1x16xf32>,
      %swap3A_70 = vector.shape_cast %swap3A_69 : vector<1x16xf32> to vector<16xf32>
      %swap3A_71 = vector.shape_cast %broadcast_in_dim3A_67 : vector<16xf32> to vector<1x16xf32>
      tpu.vector_store %arg8[%swap3A, %swap3A_68], %swap3A_71 {strides = array<i32>} : memref<125x128xf32, #tpu.memory_space<vmem>>, vector<1x16xf32>,
      %broadcast_in_dim3A_72 = arith.constant 0.000000e+00 : f32
      %broadcast_in_dim3A_73 = vector.broadcast %broadcast_in_dim3A_72 : f32 to vector<16xf32>
      %swap3A_74 = arith.index_cast %scan3A_66 : i32 to index
      %swap3A_75 = arith.constant 16 : index
      %swap3A_76 = tpu.vector_load %arg8[%swap3A_74, %swap3A_75] {strides = array<i32>} : memref<125x128xf32, #tpu.memory_space<vmem>>, vector<1x16xf32>,
      %swap3A_77 = vector.shape_cast %swap3A_76 : vector<1x16xf32> to vector<16xf32>
      %swap3A_78 = vector.shape_cast %broadcast_in_dim3A_73 : vector<16xf32> to vector<1x16xf32>
      tpu.vector_store %arg8[%swap3A_74, %swap3A_75], %swap3A_78 {strides = array<i32>} : memref<125x128xf32, #tpu.memory_space<vmem>>, vector<1x16xf32>,
      %broadcast_in_dim3A_79 = arith.constant 0.000000e+00 : f32
      %broadcast_in_dim3A_80 = vector.broadcast %broadcast_in_dim3A_79 : f32 to vector<16xf32>
      %swap3A_81 = arith.index_cast %scan3A_66 : i32 to index
      %swap3A_82 = arith.constant 32 : index
      %swap3A_83 = tpu.vector_load %arg8[%swap3A_81, %swap3A_82] {strides = array<i32>} : memref<125x128xf32, #tpu.memory_space<vmem>>, vector<1x16xf32>,
      %swap3A_84 = vector.shape_cast %swap3A_83 : vector<1x16xf32> to vector<16xf32>
      %swap3A_85 = vector.shape_cast %broadcast_in_dim3A_80 : vector<16xf32> to vector<1x16xf32>
      tpu.vector_store %arg8[%swap3A_81, %swap3A_82], %swap3A_85 {strides = array<i32>} : memref<125x128xf32, #tpu.memory_space<vmem>>, vector<1x16xf32>,
      %broadcast_in_dim3A_86 = arith.constant 0.000000e+00 : f32
      %broadcast_in_dim3A_87 = vector.broadcast %broadcast_in_dim3A_86 : f32 to vector<16xf32>
      %swap3A_88 = arith.index_cast %scan3A_66 : i32 to index
      %swap3A_89 = arith.constant 48 : index
      %swap3A_90 = tpu.vector_load %arg8[%swap3A_88, %swap3A_89] {strides = array<i32>} : memref<125x128xf32, #tpu.memory_space<vmem>>, vector<1x16xf32>,
      %swap3A_91 = vector.shape_cast %swap3A_90 : vector<1x16xf32> to vector<16xf32>
      %swap3A_92 = vector.shape_cast %broadcast_in_dim3A_87 : vector<16xf32> to vector<1x16xf32>
      tpu.vector_store %arg8[%swap3A_88, %swap3A_89], %swap3A_92 {strides = array<i32>} : memref<125x128xf32, #tpu.memory_space<vmem>>, vector<1x16xf32>,
      %broadcast_in_dim3A_93 = arith.constant 0.000000e+00 : f32
      %broadcast_in_dim3A_94 = vector.broadcast %broadcast_in_dim3A_93 : f32 to vector<16xf32>
      %swap3A_95 = arith.index_cast %scan3A_66 : i32 to index
      %swap3A_96 = arith.constant 64 : index
      %swap3A_97 = tpu.vector_load %arg8[%swap3A_95, %swap3A_96] {strides = array<i32>} : memref<125x128xf32, #tpu.memory_space<vmem>>, vector<1x16xf32>,
      %swap3A_98 = vector.shape_cast %swap3A_97 : vector<1x16xf32> to vector<16xf32>
      %swap3A_99 = vector.shape_cast %broadcast_in_dim3A_94 : vector<16xf32> to vector<1x16xf32>
      tpu.vector_store %arg8[%swap3A_95, %swap3A_96], %swap3A_99 {strides = array<i32>} : memref<125x128xf32, #tpu.memory_space<vmem>>, vector<1x16xf32>,
      %broadcast_in_dim3A_100 = arith.constant 0.000000e+00 : f32
      %broadcast_in_dim3A_101 = vector.broadcast %broadcast_in_dim3A_100 : f32 to vector<16xf32>
      %swap3A_102 = arith.index_cast %scan3A_66 : i32 to index
      %swap3A_103 = arith.constant 80 : index
      %swap3A_104 = tpu.vector_load %arg8[%swap3A_102, %swap3A_103] {strides = array<i32>} : memref<125x128xf32, #tpu.memory_space<vmem>>, vector<1x16xf32>,
      %swap3A_105 = vector.shape_cast %swap3A_104 : vector<1x16xf32> to vector<16xf32>
      %swap3A_106 = vector.shape_cast %broadcast_in_dim3A_101 : vector<16xf32> to vector<1x16xf32>
      tpu.vector_store %arg8[%swap3A_102, %swap3A_103], %swap3A_106 {strides = array<i32>} : memref<125x128xf32, #tpu.memory_space<vmem>>, vector<1x16xf32>,
      %broadcast_in_dim3A_107 = arith.constant 0.000000e+00 : f32
      %broadcast_in_dim3A_108 = vector.broadcast %broadcast_in_dim3A_107 : f32 to vector<16xf32>
      %swap3A_109 = arith.index_cast %scan3A_66 : i32 to index
      %swap3A_110 = arith.constant 96 : index
      %swap3A_111 = tpu.vector_load %arg8[%swap3A_109, %swap3A_110] {strides = array<i32>} : memref<125x128xf32, #tpu.memory_space<vmem>>, vector<1x16xf32>,
      %swap3A_112 = vector.shape_cast %swap3A_111 : vector<1x16xf32> to vector<16xf32>
      %swap3A_113 = vector.shape_cast %broadcast_in_dim3A_108 : vector<16xf32> to vector<1x16xf32>
      tpu.vector_store %arg8[%swap3A_109, %swap3A_110], %swap3A_113 {strides = array<i32>} : memref<125x128xf32, #tpu.memory_space<vmem>>, vector<1x16xf32>,
      %broadcast_in_dim3A_114 = arith.constant 0.000000e+00 : f32
      %broadcast_in_dim3A_115 = vector.broadcast %broadcast_in_dim3A_114 : f32 to vector<16xf32>
      %swap3A_116 = arith.index_cast %scan3A_66 : i32 to index
      %swap3A_117 = arith.constant 112 : index
      %swap3A_118 = tpu.vector_load %arg8[%swap3A_116, %swap3A_117] {strides = array<i32>} : memref<125x128xf32, #tpu.memory_space<vmem>>, vector<1x16xf32>,
      %swap3A_119 = vector.shape_cast %swap3A_118 : vector<1x16xf32> to vector<16xf32>
      %swap3A_120 = vector.shape_cast %broadcast_in_dim3A_115 : vector<16xf32> to vector<1x16xf32>
      tpu.vector_store %arg8[%swap3A_116, %swap3A_117], %swap3A_120 {strides = array<i32>} : memref<125x128xf32, #tpu.memory_space<vmem>>, vector<1x16xf32>,
    }
    %scan3A_15 = arith.constant 125 : i32
    %dma_wait3A = arith.constant 0 : i32
    %dma_wait3A_16 = arith.constant 0 : i32
    %dma_wait3A_17 = arith.constant 0 : i32
    %dma_wait3A_18 = arith.constant 0 : i32
    %dma_wait3A_19 = tpu.memref_slice %arg3[%add3A, %dma_wait3A, %dma_wait3A_16, %dma_wait3A_17, %dma_wait3A_18] : memref<32x10x8x2x125xi32, #tpu.memory_space<hbm>> -> memref<1x1x8x2x125xi32, #tpu.memory_space<hbm>>
    %dma_wait3A_20 = tpu.memref_squeeze %dma_wait3A_19 : memref<1x1x8x2x125xi32, #tpu.memory_space<hbm>> -> memref<8x2x125xi32, #tpu.memory_space<hbm>>
    %dma_wait3A_21 = arith.constant 0 : i32
    %dma_wait3A_22 = arith.constant 0 : i32
    %dma_wait3A_23 = arith.constant 0 : i32
    %dma_wait3A_24 = tpu.memref_slice %arg3[%add3A, %dma_wait3A, %dma_wait3A_21, %dma_wait3A_22, %dma_wait3A_23] : memref<32x10x8x2x125xi32, #tpu.memory_space<hbm>> -> memref<1x1x8x2x125xi32, #tpu.memory_space<hbm>>
    %dma_wait3A_25 = tpu.memref_squeeze %dma_wait3A_24 : memref<1x1x8x2x125xi32, #tpu.memory_space<hbm>> -> memref<8x2x125xi32, #tpu.memory_space<hbm>>
    tpu.wait_dma2 semaphore(%arg12 : memref<!tpu.dma_semaphore, #tpu.memory_space<semaphore_mem>>) src(%dma_wait3A_25 : memref<8x2x125xi32, #tpu.memory_space<hbm>>) dst(%arg5 : memref<8x2x125xi32, #tpu.memory_space<vmem>>)
    %dma_start3A_26 = arith.constant 1 : i32
    %dma_start3A_27 = arith.constant 0 : i32
    %dma_start3A_28 = arith.constant 0 : i32
    %dma_start3A_29 = arith.constant 0 : i32
    %dma_start3A_30 = tpu.memref_slice %arg3[%add3A, %dma_start3A_26, %dma_start3A_27, %dma_start3A_28, %dma_start3A_29] : memref<32x10x8x2x125xi32, #tpu.memory_space<hbm>> -> memref<1x1x8x2x125xi32, #tpu.memory_space<hbm>>
    %dma_start3A_31 = tpu.memref_squeeze %dma_start3A_30 : memref<1x1x8x2x125xi32, #tpu.memory_space<hbm>> -> memref<8x2x125xi32, #tpu.memory_space<hbm>>
    %dma_start3A_32 = arith.constant 0 : i32
    %dma_start3A_33 = arith.constant 0 : i32
    %dma_start3A_34 = arith.constant 0 : i32
    %dma_start3A_35 = tpu.memref_slice %arg3[%add3A, %dma_start3A_26, %dma_start3A_32, %dma_start3A_33, %dma_start3A_34] : memref<32x10x8x2x125xi32, #tpu.memory_space<hbm>> -> memref<1x1x8x2x125xi32, #tpu.memory_space<hbm>>
    %dma_start3A_36 = tpu.memref_squeeze %dma_start3A_35 : memref<1x1x8x2x125xi32, #tpu.memory_space<hbm>> -> memref<8x2x125xi32, #tpu.memory_space<hbm>>
    tpu.enqueue_dma source(%dma_start3A_36 : memref<8x2x125xi32, #tpu.memory_space<hbm>>) target(%arg6 : memref<8x2x125xi32, #tpu.memory_space<vmem>>) target_semaphore(%arg13 : memref<!tpu.dma_semaphore, #tpu.memory_space<semaphore_mem>>)
    %dma_start3A_37 = arith.constant 0 : i32
    %dma_start3A_38 = arith.constant 0 : i32
    %dma_start3A_39 = arith.constant 0 : i32
    %dma_start3A_40 = tpu.memref_slice %arg5[%dma_start3A_37, %dma_start3A_38, %dma_start3A_39] : memref<8x2x125xi32, #tpu.memory_space<vmem>> -> memref<1x1x125xi32, #tpu.memory_space<vmem>>
    %dma_start3A_41 = tpu.memref_squeeze %dma_start3A_40 : memref<1x1x125xi32, #tpu.memory_space<vmem>> -> memref<125xi32, #tpu.memory_space<vmem>>
    %dma_start3A_42 = arith.constant 0 : i32
    %dma_start3A_43 = arith.constant 0 : i32
    %dma_start3A_44 = tpu.memref_slice %arg2[%dma_start3A_42, %dma_start3A_43] : memref<10240x128xf32, #tpu.memory_space<hbm>> -> memref<10240x128xf32, #tpu.memory_space<hbm>>
    tpu.enqueue_indirect_dma source(%dma_start3A_44 : memref<10240x128xf32, #tpu.memory_space<hbm>>) target(%arg7 : memref<125x128xf32, #tpu.memory_space<vmem>>) offsets(%dma_start3A_41 : memref<125xi32, #tpu.memory_space<vmem>>) semaphore(%arg10 : memref<!tpu.dma_semaphore, #tpu.memory_space<semaphore_mem>>)
    %mul3A_45 = arith.constant 640 : i32
    %mul3A_46 = arith.muli %arg1, %mul3A_45 : i32
    %add3A_47 = arith.constant 0 : i32
    %add3A_48 = arith.addi %mul3A_46, %add3A_47 : i32
    "tpu.region"() ({
      %run_scoped3A = tpu.sem_alloc : memref<!tpu.dma_semaphore, #tpu.memory_space<semaphore_mem>>
      %dma_start3A_66 = arith.constant 0 : i32
      %dma_start3A_67 = tpu.memref_slice %arg9[%add3A_48, %dma_start3A_66] : memref<10240x128xf32, #tpu.memory_space<vmem_shared>> -> memref<125x128xf32, #tpu.memory_space<vmem_shared>>
      %dma_start3A_68 = arith.constant 0 : i32
      %dma_start3A_69 = tpu.memref_slice %arg9[%add3A_48, %dma_start3A_68] : memref<10240x128xf32, #tpu.memory_space<vmem_shared>> -> memref<125x128xf32, #tpu.memory_space<vmem_shared>>
      tpu.enqueue_dma source(%arg8 : memref<125x128xf32, #tpu.memory_space<vmem>>) target(%dma_start3A_69 : memref<125x128xf32, #tpu.memory_space<vmem_shared>>) target_semaphore(%run_scoped3A : memref<!tpu.dma_semaphore, #tpu.memory_space<semaphore_mem>>)
      %dma_wait3A_70 = arith.constant 0 : i32
      %dma_wait3A_71 = tpu.memref_slice %arg9[%add3A_48, %dma_wait3A_70] : memref<10240x128xf32, #tpu.memory_space<vmem_shared>> -> memref<125x128xf32, #tpu.memory_space<vmem_shared>>
      %dma_wait3A_72 = arith.constant 0 : i32
      %dma_wait3A_73 = tpu.memref_slice %arg9[%add3A_48, %dma_wait3A_72] : memref<10240x128xf32, #tpu.memory_space<vmem_shared>> -> memref<125x128xf32, #tpu.memory_space<vmem_shared>>
      tpu.wait_dma2 semaphore(%run_scoped3A : memref<!tpu.dma_semaphore, #tpu.memory_space<semaphore_mem>>) src(%arg8 : memref<125x128xf32, #tpu.memory_space<vmem>>) dst(%dma_wait3A_73 : memref<125x128xf32, #tpu.memory_space<vmem_shared>>)
      tpu.yield
    }) : () -> ()
    %add3A_49 = arith.constant 125 : i32
    %add3A_50 = arith.addi %mul3A_46, %add3A_49 : i32
    "tpu.region"() ({
      %run_scoped3A = tpu.sem_alloc : memref<!tpu.dma_semaphore, #tpu.memory_space<semaphore_mem>>
      %dma_start3A_66 = arith.constant 0 : i32
      %dma_start3A_67 = tpu.memref_slice %arg9[%add3A_50, %dma_start3A_66] : memref<10240x128xf32, #tpu.memory_space<vmem_shared>> -> memref<125x128xf32, #tpu.memory_space<vmem_shared>>
      %dma_start3A_68 = arith.constant 0 : i32
      %dma_start3A_69 = tpu.memref_slice %arg9[%add3A_50, %dma_start3A_68] : memref<10240x128xf32, #tpu.memory_space<vmem_shared>> -> memref<125x128xf32, #tpu.memory_space<vmem_shared>>
      tpu.enqueue_dma source(%arg8 : memref<125x128xf32, #tpu.memory_space<vmem>>) target(%dma_start3A_69 : memref<125x128xf32, #tpu.memory_space<vmem_shared>>) target_semaphore(%run_scoped3A : memref<!tpu.dma_semaphore, #tpu.memory_space<semaphore_mem>>)
      %dma_wait3A_70 = arith.constant 0 : i32
      %dma_wait3A_71 = tpu.memref_slice %arg9[%add3A_50, %dma_wait3A_70] : memref<10240x128xf32, #tpu.memory_space<vmem_shared>> -> memref<125x128xf32, #tpu.memory_space<vmem_shared>>
      %dma_wait3A_72 = arith.constant 0 : i32
      %dma_wait3A_73 = tpu.memref_slice %arg9[%add3A_50, %dma_wait3A_72] : memref<10240x128xf32, #tpu.memory_space<vmem_shared>> -> memref<125x128xf32, #tpu.memory_space<vmem_shared>>
      tpu.wait_dma2 semaphore(%run_scoped3A : memref<!tpu.dma_semaphore, #tpu.memory_space<semaphore_mem>>) src(%arg8 : memref<125x128xf32, #tpu.memory_space<vmem>>) dst(%dma_wait3A_73 : memref<125x128xf32, #tpu.memory_space<vmem_shared>>)
      tpu.yield
    }) : () -> ()
    %add3A_51 = arith.constant 250 : i32
    %add3A_52 = arith.addi %mul3A_46, %add3A_51 : i32
    "tpu.region"() ({
      %run_scoped3A = tpu.sem_alloc : memref<!tpu.dma_semaphore, #tpu.memory_space<semaphore_mem>>
      %dma_start3A_66 = arith.constant 0 : i32
      %dma_start3A_67 = tpu.memref_slice %arg9[%add3A_52, %dma_start3A_66] : memref<10240x128xf32, #tpu.memory_space<vmem_shared>> -> memref<125x128xf32, #tpu.memory_space<vmem_shared>>
      %dma_start3A_68 = arith.constant 0 : i32
      %dma_start3A_69 = tpu.memref_slice %arg9[%add3A_52, %dma_start3A_68] : memref<10240x128xf32, #tpu.memory_space<vmem_shared>> -> memref<125x128xf32, #tpu.memory_space<vmem_shared>>
      tpu.enqueue_dma source(%arg8 : memref<125x128xf32, #tpu.memory_space<vmem>>) target(%dma_start3A_69 : memref<125x128xf32, #tpu.memory_space<vmem_shared>>) target_semaphore(%run_scoped3A : memref<!tpu.dma_semaphore, #tpu.memory_space<semaphore_mem>>)
      %dma_wait3A_70 = arith.constant 0 : i32
      %dma_wait3A_71 = tpu.memref_slice %arg9[%add3A_52, %dma_wait3A_70] : memref<10240x128xf32, #tpu.memory_space<vmem_shared>> -> memref<125x128xf32, #tpu.memory_space<vmem_shared>>
      %dma_wait3A_72 = arith.constant 0 : i32
      %dma_wait3A_73 = tpu.memref_slice %arg9[%add3A_52, %dma_wait3A_72] : memref<10240x128xf32, #tpu.memory_space<vmem_shared>> -> memref<125x128xf32, #tpu.memory_space<vmem_shared>>
      tpu.wait_dma2 semaphore(%run_scoped3A : memref<!tpu.dma_semaphore, #tpu.memory_space<semaphore_mem>>) src(%arg8 : memref<125x128xf32, #tpu.memory_space<vmem>>) dst(%dma_wait3A_73 : memref<125x128xf32, #tpu.memory_space<vmem_shared>>)
      tpu.yield
    }) : () -> ()
    %add3A_53 = arith.constant 375 : i32
    %add3A_54 = arith.addi %mul3A_46, %add3A_53 : i32
    "tpu.region"() ({
      %run_scoped3A = tpu.sem_alloc : memref<!tpu.dma_semaphore, #tpu.memory_space<semaphore_mem>>
      %dma_start3A_66 = arith.constant 0 : i32
      %dma_start3A_67 = tpu.memref_slice %arg9[%add3A_54, %dma_start3A_66] : memref<10240x128xf32, #tpu.memory_space<vmem_shared>> -> memref<125x128xf32, #tpu.memory_space<vmem_shared>>
      %dma_start3A_68 = arith.constant 0 : i32
      %dma_start3A_69 = tpu.memref_slice %arg9[%add3A_54, %dma_start3A_68] : memref<10240x128xf32, #tpu.memory_space<vmem_shared>> -> memref<125x128xf32, #tpu.memory_space<vmem_shared>>
      tpu.enqueue_dma source(%arg8 : memref<125x128xf32, #tpu.memory_space<vmem>>) target(%dma_start3A_69 : memref<125x128xf32, #tpu.memory_space<vmem_shared>>) target_semaphore(%run_scoped3A : memref<!tpu.dma_semaphore, #tpu.memory_space<semaphore_mem>>)
      %dma_wait3A_70 = arith.constant 0 : i32
      %dma_wait3A_71 = tpu.memref_slice %arg9[%add3A_54, %dma_wait3A_70] : memref<10240x128xf32, #tpu.memory_space<vmem_shared>> -> memref<125x128xf32, #tpu.memory_space<vmem_shared>>
      %dma_wait3A_72 = arith.constant 0 : i32
      %dma_wait3A_73 = tpu.memref_slice %arg9[%add3A_54, %dma_wait3A_72] : memref<10240x128xf32, #tpu.memory_space<vmem_shared>> -> memref<125x128xf32, #tpu.memory_space<vmem_shared>>
      tpu.wait_dma2 semaphore(%run_scoped3A : memref<!tpu.dma_semaphore, #tpu.memory_space<semaphore_mem>>) src(%arg8 : memref<125x128xf32, #tpu.memory_space<vmem>>) dst(%dma_wait3A_73 : memref<125x128xf32, #tpu.memory_space<vmem_shared>>)
      tpu.yield
    }) : () -> ()
    %add3A_55 = arith.constant 500 : i32
    %add3A_56 = arith.addi %mul3A_46, %add3A_55 : i32
    "tpu.region"() ({
      %run_scoped3A = tpu.sem_alloc : memref<!tpu.dma_semaphore, #tpu.memory_space<semaphore_mem>>
      %dma_start3A_66 = arith.constant 0 : i32
      %dma_start3A_67 = tpu.memref_slice %arg9[%add3A_56, %dma_start3A_66] : memref<10240x128xf32, #tpu.memory_space<vmem_shared>> -> memref<125x128xf32, #tpu.memory_space<vmem_shared>>
      %dma_start3A_68 = arith.constant 0 : i32
      %dma_start3A_69 = tpu.memref_slice %arg9[%add3A_56, %dma_start3A_68] : memref<10240x128xf32, #tpu.memory_space<vmem_shared>> -> memref<125x128xf32, #tpu.memory_space<vmem_shared>>
      tpu.enqueue_dma source(%arg8 : memref<125x128xf32, #tpu.memory_space<vmem>>) target(%dma_start3A_69 : memref<125x128xf32, #tpu.memory_space<vmem_shared>>) target_semaphore(%run_scoped3A : memref<!tpu.dma_semaphore, #tpu.memory_space<semaphore_mem>>)
      %dma_wait3A_70 = arith.constant 0 : i32
      %dma_wait3A_71 = tpu.memref_slice %arg9[%add3A_56, %dma_wait3A_70] : memref<10240x128xf32, #tpu.memory_space<vmem_shared>> -> memref<125x128xf32, #tpu.memory_space<vmem_shared>>
      %dma_wait3A_72 = arith.constant 0 : i32
      %dma_wait3A_73 = tpu.memref_slice %arg9[%add3A_56, %dma_wait3A_72] : memref<10240x128xf32, #tpu.memory_space<vmem_shared>> -> memref<125x128xf32, #tpu.memory_space<vmem_shared>>
      tpu.wait_dma2 semaphore(%run_scoped3A : memref<!tpu.dma_semaphore, #tpu.memory_space<semaphore_mem>>) src(%arg8 : memref<125x128xf32, #tpu.memory_space<vmem>>) dst(%dma_wait3A_73 : memref<125x128xf32, #tpu.memory_space<vmem_shared>>)
      tpu.yield
    }) : () -> ()
    %add3A_57 = arith.constant 625 : i32
    %add3A_58 = arith.addi %mul3A_46, %add3A_57 : i32
    "tpu.region"() ({
      %run_scoped3A = tpu.sem_alloc : memref<!tpu.dma_semaphore, #tpu.memory_space<semaphore_mem>>
      %dma_start3A_66 = arith.constant 0 : i32
      %dma_start3A_67 = arith.constant 0 : i32
      %dma_start3A_68 = tpu.memref_slice %arg8[%dma_start3A_66, %dma_start3A_67] : memref<125x128xf32, #tpu.memory_space<vmem>> -> memref<15x128xf32, #tpu.memory_space<vmem>>
      %dma_start3A_69 = arith.constant 0 : i32
      %dma_start3A_70 = tpu.memref_slice %arg9[%add3A_58, %dma_start3A_69] : memref<10240x128xf32, #tpu.memory_space<vmem_shared>> -> memref<15x128xf32, #tpu.memory_space<vmem_shared>>
      %dma_start3A_71 = arith.constant 0 : i32
      %dma_start3A_72 = tpu.memref_slice %arg9[%add3A_58, %dma_start3A_71] : memref<10240x128xf32, #tpu.memory_space<vmem_shared>> -> memref<15x128xf32, #tpu.memory_space<vmem_shared>>
      %dma_start3A_73 = arith.constant 0 : i32
      %dma_start3A_74 = arith.constant 0 : i32
      %dma_start3A_75 = tpu.memref_slice %arg8[%dma_start3A_73, %dma_start3A_74] : memref<125x128xf32, #tpu.memory_space<vmem>> -> memref<15x128xf32, #tpu.memory_space<vmem>>
      tpu.enqueue_dma source(%dma_start3A_75 : memref<15x128xf32, #tpu.memory_space<vmem>>) target(%dma_start3A_72 : memref<15x128xf32, #tpu.memory_space<vmem_shared>>) target_semaphore(%run_scoped3A : memref<!tpu.dma_semaphore, #tpu.memory_space<semaphore_mem>>)
      %dma_wait3A_76 = arith.constant 0 : i32
      %dma_wait3A_77 = arith.constant 0 : i32
      %dma_wait3A_78 = tpu.memref_slice %arg8[%dma_wait3A_76, %dma_wait3A_77] : memref<125x128xf32, #tpu.memory_space<vmem>> -> memref<15x128xf32, #tpu.memory_space<vmem>>
      %dma_wait3A_79 = arith.constant 0 : i32
      %dma_wait3A_80 = tpu.memref_slice %arg9[%add3A_58, %dma_wait3A_79] : memref<10240x128xf32, #tpu.memory_space<vmem_shared>> -> memref<15x128xf32, #tpu.memory_space<vmem_shared>>
      %dma_wait3A_81 = arith.constant 0 : i32
      %dma_wait3A_82 = tpu.memref_slice %arg9[%add3A_58, %dma_wait3A_81] : memref<10240x128xf32, #tpu.memory_space<vmem_shared>> -> memref<15x128xf32, #tpu.memory_space<vmem_shared>>
      %dma_wait3A_83 = arith.constant 0 : i32
      %dma_wait3A_84 = arith.constant 0 : i32
      %dma_wait3A_85 = tpu.memref_slice %arg8[%dma_wait3A_83, %dma_wait3A_84] : memref<125x128xf32, #tpu.memory_space<vmem>> -> memref<15x128xf32, #tpu.memory_space<vmem>>
      tpu.wait_dma2 semaphore(%run_scoped3A : memref<!tpu.dma_semaphore, #tpu.memory_space<semaphore_mem>>) src(%dma_wait3A_85 : memref<15x128xf32, #tpu.memory_space<vmem>>) dst(%dma_wait3A_82 : memref<15x128xf32, #tpu.memory_space<vmem_shared>>)
      tpu.yield
    }) : () -> ()
    %barrier3A = arith.constant 0 : index
    tpu.barrier barrier_id(%barrier3A)
    %scan3A_59 = arith.constant 0 : i32
    %scan3A_60 = arith.constant 0 : i32
    %scan3A_61 = arith.constant 5 : i32
    %scan3A_62 = arith.addi %scan3A_60, %scan3A_61 : i32
    %scan3A_63 = arith.constant 1 : i32
    scf.for %scan3A_66 = %scan3A_60 to %scan3A_62 step %scan3A_63  : i32 {
      %dma_start3A_67 = arith.constant 1 : i32
      %dma_start3A_68 = arith.constant 0 : i32
      %dma_start3A_69 = arith.constant 0 : i32
      %dma_start3A_70 = tpu.memref_slice %arg5[%dma_start3A_67, %dma_start3A_68, %dma_start3A_69] : memref<8x2x125xi32, #tpu.memory_space<vmem>> -> memref<1x1x125xi32, #tpu.memory_space<vmem>>
      %dma_start3A_71 = tpu.memref_squeeze %dma_start3A_70 : memref<1x1x125xi32, #tpu.memory_space<vmem>> -> memref<125xi32, #tpu.memory_space<vmem>>
      %dma_start3A_72 = arith.constant 0 : i32
      %dma_start3A_73 = arith.constant 0 : i32
      %dma_start3A_74 = tpu.memref_slice %arg2[%dma_start3A_72, %dma_start3A_73] : memref<10240x128xf32, #tpu.memory_space<hbm>> -> memref<10240x128xf32, #tpu.memory_space<hbm>>
      tpu.enqueue_indirect_dma source(%dma_start3A_74 : memref<10240x128xf32, #tpu.memory_space<hbm>>) target(%arg8 : memref<125x128xf32, #tpu.memory_space<vmem>>) offsets(%dma_start3A_71 : memref<125xi32, #tpu.memory_space<vmem>>) semaphore(%arg11 : memref<!tpu.dma_semaphore, #tpu.memory_space<semaphore_mem>>)
      %dma_wait3A_75 = arith.constant 0 : i32
      %dma_wait3A_76 = arith.constant 0 : i32
      %dma_wait3A_77 = arith.constant 0 : i32
      %dma_wait3A_78 = tpu.memref_slice %arg5[%dma_wait3A_75, %dma_wait3A_76, %dma_wait3A_77] : memref<8x2x125xi32, #tpu.memory_space<vmem>> -> memref<1x1x125xi32, #tpu.memory_space<vmem>>
      %dma_wait3A_79 = tpu.memref_squeeze %dma_wait3A_78 : memref<1x1x125xi32, #tpu.memory_space<vmem>> -> memref<125xi32, #tpu.memory_space<vmem>>
      %dma_wait3A_80 = arith.constant 0 : i32
      %dma_wait3A_81 = arith.constant 0 : i32
      %dma_wait3A_82 = tpu.memref_slice %arg2[%dma_wait3A_80, %dma_wait3A_81] : memref<10240x128xf32, #tpu.memory_space<hbm>> -> memref<10240x128xf32, #tpu.memory_space<hbm>>
      tpu.wait_indirect_dma semaphore(%arg10 : memref<!tpu.dma_semaphore, #tpu.memory_space<semaphore_mem>>) src(%dma_wait3A_82 : memref<10240x128xf32, #tpu.memory_space<hbm>>) dst(%arg7 : memref<125x128xf32, #tpu.memory_space<vmem>>)
      %run_scoped3A = arith.constant 0 : i32
      %run_scoped3A_83 = arith.constant 1 : i32
      "tpu.region"() ({
        %run_scoped3A_369 = tpu.sem_alloc : memref<!tpu.dma_semaphore, #tpu.memory_space<semaphore_mem>>
        %dma_start3A_370 = arith.constant 0 : i32
        %dma_start3A_371 = tpu.memref_slice %arg5[%run_scoped3A, %run_scoped3A_83, %dma_start3A_370] : memref<8x2x125xi32, #tpu.memory_space<vmem>> -> memref<1x1x125xi32, #tpu.memory_space<vmem>>
        %dma_start3A_372 = tpu.memref_squeeze %dma_start3A_371 : memref<1x1x125xi32, #tpu.memory_space<vmem>> -> memref<125xi32, #tpu.memory_space<vmem>>
        %dma_start3A_373 = arith.constant 0 : i32
        %dma_start3A_374 = arith.constant 0 : i32
        %dma_start3A_375 = tpu.memref_slice %arg9[%dma_start3A_373, %dma_start3A_374] : memref<10240x128xf32, #tpu.memory_space<vmem_shared>> -> memref<10240x128xf32, #tpu.memory_space<vmem_shared>>
        tpu.enqueue_indirect_dma source(%arg7 : memref<125x128xf32, #tpu.memory_space<vmem>>) target(%dma_start3A_375 : memref<10240x128xf32, #tpu.memory_space<vmem_shared>>) offsets(%dma_start3A_372 : memref<125xi32, #tpu.memory_space<vmem>>) semaphore(%run_scoped3A_369 : memref<!tpu.dma_semaphore, #tpu.memory_space<semaphore_mem>>) {add = true}
        %dma_wait3A_376 = arith.constant 0 : i32
        %dma_wait3A_377 = tpu.memref_slice %arg5[%run_scoped3A, %run_scoped3A_83, %dma_wait3A_376] : memref<8x2x125xi32, #tpu.memory_space<vmem>> -> memref<1x1x125xi32, #tpu.memory_space<vmem>>
        %dma_wait3A_378 = tpu.memref_squeeze %dma_wait3A_377 : memref<1x1x125xi32, #tpu.memory_space<vmem>> -> memref<125xi32, #tpu.memory_space<vmem>>
        %dma_wait3A_379 = arith.constant 0 : i32
        %dma_wait3A_380 = arith.constant 0 : i32
        %dma_wait3A_381 = tpu.memref_slice %arg9[%dma_wait3A_379, %dma_wait3A_380] : memref<10240x128xf32, #tpu.memory_space<vmem_shared>> -> memref<10240x128xf32, #tpu.memory_space<vmem_shared>>
        tpu.wait_indirect_dma semaphore(%run_scoped3A_369 : memref<!tpu.dma_semaphore, #tpu.memory_space<semaphore_mem>>) src(%arg7 : memref<125x128xf32, #tpu.memory_space<vmem>>) dst(%dma_wait3A_381 : memref<10240x128xf32, #tpu.memory_space<vmem_shared>>)
        tpu.yield
      }) : () -> ()
      %dma_start3A_84 = arith.constant 2 : i32
      %dma_start3A_85 = arith.constant 0 : i32
      %dma_start3A_86 = arith.constant 0 : i32
      %dma_start3A_87 = tpu.memref_slice %arg5[%dma_start3A_84, %dma_start3A_85, %dma_start3A_86] : memref<8x2x125xi32, #tpu.memory_space<vmem>> -> memref<1x1x125xi32, #tpu.memory_space<vmem>>
      %dma_start3A_88 = tpu.memref_squeeze %dma_start3A_87 : memref<1x1x125xi32, #tpu.memory_space<vmem>> -> memref<125xi32, #tpu.memory_space<vmem>>
      %dma_start3A_89 = arith.constant 0 : i32
      %dma_start3A_90 = arith.constant 0 : i32
      %dma_start3A_91 = tpu.memref_slice %arg2[%dma_start3A_89, %dma_start3A_90] : memref<10240x128xf32, #tpu.memory_space<hbm>> -> memref<10240x128xf32, #tpu.memory_space<hbm>>
      tpu.enqueue_indirect_dma source(%dma_start3A_91 : memref<10240x128xf32, #tpu.memory_space<hbm>>) target(%arg7 : memref<125x128xf32, #tpu.memory_space<vmem>>) offsets(%dma_start3A_88 : memref<125xi32, #tpu.memory_space<vmem>>) semaphore(%arg10 : memref<!tpu.dma_semaphore, #tpu.memory_space<semaphore_mem>>)
      %dma_wait3A_92 = arith.constant 1 : i32
      %dma_wait3A_93 = arith.constant 0 : i32
      %dma_wait3A_94 = arith.constant 0 : i32
      %dma_wait3A_95 = tpu.memref_slice %arg5[%dma_wait3A_92, %dma_wait3A_93, %dma_wait3A_94] : memref<8x2x125xi32, #tpu.memory_space<vmem>> -> memref<1x1x125xi32, #tpu.memory_space<vmem>>
      %dma_wait3A_96 = tpu.memref_squeeze %dma_wait3A_95 : memref<1x1x125xi32, #tpu.memory_space<vmem>> -> memref<125xi32, #tpu.memory_space<vmem>>
      %dma_wait3A_97 = arith.constant 0 : i32
      %dma_wait3A_98 = arith.constant 0 : i32
      %dma_wait3A_99 = tpu.memref_slice %arg2[%dma_wait3A_97, %dma_wait3A_98] : memref<10240x128xf32, #tpu.memory_space<hbm>> -> memref<10240x128xf32, #tpu.memory_space<hbm>>
      tpu.wait_indirect_dma semaphore(%arg11 : memref<!tpu.dma_semaphore, #tpu.memory_space<semaphore_mem>>) src(%dma_wait3A_99 : memref<10240x128xf32, #tpu.memory_space<hbm>>) dst(%arg8 : memref<125x128xf32, #tpu.memory_space<vmem>>)
      %run_scoped3A_100 = arith.constant 1 : i32
      %run_scoped3A_101 = arith.constant 1 : i32
      "tpu.region"() ({
        %run_scoped3A_369 = tpu.sem_alloc : memref<!tpu.dma_semaphore, #tpu.memory_space<semaphore_mem>>
        %dma_start3A_370 = arith.constant 0 : i32
        %dma_start3A_371 = tpu.memref_slice %arg5[%run_scoped3A_100, %run_scoped3A_101, %dma_start3A_370] : memref<8x2x125xi32, #tpu.memory_space<vmem>> -> memref<1x1x125xi32, #tpu.memory_space<vmem>>
        %dma_start3A_372 = tpu.memref_squeeze %dma_start3A_371 : memref<1x1x125xi32, #tpu.memory_space<vmem>> -> memref<125xi32, #tpu.memory_space<vmem>>
        %dma_start3A_373 = arith.constant 0 : i32
        %dma_start3A_374 = arith.constant 0 : i32
        %dma_start3A_375 = tpu.memref_slice %arg9[%dma_start3A_373, %dma_start3A_374] : memref<10240x128xf32, #tpu.memory_space<vmem_shared>> -> memref<10240x128xf32, #tpu.memory_space<vmem_shared>>
        tpu.enqueue_indirect_dma source(%arg8 : memref<125x128xf32, #tpu.memory_space<vmem>>) target(%dma_start3A_375 : memref<10240x128xf32, #tpu.memory_space<vmem_shared>>) offsets(%dma_start3A_372 : memref<125xi32, #tpu.memory_space<vmem>>) semaphore(%run_scoped3A_369 : memref<!tpu.dma_semaphore, #tpu.memory_space<semaphore_mem>>) {add = true}
        %dma_wait3A_376 = arith.constant 0 : i32
        %dma_wait3A_377 = tpu.memref_slice %arg5[%run_scoped3A_100, %run_scoped3A_101, %dma_wait3A_376] : memref<8x2x125xi32, #tpu.memory_space<vmem>> -> memref<1x1x125xi32, #tpu.memory_space<vmem>>
        %dma_wait3A_378 = tpu.memref_squeeze %dma_wait3A_377 : memref<1x1x125xi32, #tpu.memory_space<vmem>> -> memref<125xi32, #tpu.memory_space<vmem>>
        %dma_wait3A_379 = arith.constant 0 : i32
        %dma_wait3A_380 = arith.constant 0 : i32
        %dma_wait3A_381 = tpu.memref_slice %arg9[%dma_wait3A_379, %dma_wait3A_380] : memref<10240x128xf32, #tpu.memory_space<vmem_shared>> -> memref<10240x128xf32, #tpu.memory_space<vmem_shared>>
        tpu.wait_indirect_dma semaphore(%run_scoped3A_369 : memref<!tpu.dma_semaphore, #tpu.memory_space<semaphore_mem>>) src(%arg8 : memref<125x128xf32, #tpu.memory_space<vmem>>) dst(%dma_wait3A_381 : memref<10240x128xf32, #tpu.memory_space<vmem_shared>>)
        tpu.yield
      }) : () -> ()
      %dma_start3A_102 = arith.constant 3 : i32
      %dma_start3A_103 = arith.constant 0 : i32
      %dma_start3A_104 = arith.constant 0 : i32
      %dma_start3A_105 = tpu.memref_slice %arg5[%dma_start3A_102, %dma_start3A_103, %dma_start3A_104] : memref<8x2x125xi32, #tpu.memory_space<vmem>> -> memref<1x1x125xi32, #tpu.memory_space<vmem>>
      %dma_start3A_106 = tpu.memref_squeeze %dma_start3A_105 : memref<1x1x125xi32, #tpu.memory_space<vmem>> -> memref<125xi32, #tpu.memory_space<vmem>>
      %dma_start3A_107 = arith.constant 0 : i32
      %dma_start3A_108 = arith.constant 0 : i32
      %dma_start3A_109 = tpu.memref_slice %arg2[%dma_start3A_107, %dma_start3A_108] : memref<10240x128xf32, #tpu.memory_space<hbm>> -> memref<10240x128xf32, #tpu.memory_space<hbm>>
      tpu.enqueue_indirect_dma source(%dma_start3A_109 : memref<10240x128xf32, #tpu.memory_space<hbm>>) target(%arg8 : memref<125x128xf32, #tpu.memory_space<vmem>>) offsets(%dma_start3A_106 : memref<125xi32, #tpu.memory_space<vmem>>) semaphore(%arg11 : memref<!tpu.dma_semaphore, #tpu.memory_space<semaphore_mem>>)
      %dma_wait3A_110 = arith.constant 2 : i32
      %dma_wait3A_111 = arith.constant 0 : i32
      %dma_wait3A_112 = arith.constant 0 : i32
      %dma_wait3A_113 = tpu.memref_slice %arg5[%dma_wait3A_110, %dma_wait3A_111, %dma_wait3A_112] : memref<8x2x125xi32, #tpu.memory_space<vmem>> -> memref<1x1x125xi32, #tpu.memory_space<vmem>>
      %dma_wait3A_114 = tpu.memref_squeeze %dma_wait3A_113 : memref<1x1x125xi32, #tpu.memory_space<vmem>> -> memref<125xi32, #tpu.memory_space<vmem>>
      %dma_wait3A_115 = arith.constant 0 : i32
      %dma_wait3A_116 = arith.constant 0 : i32
      %dma_wait3A_117 = tpu.memref_slice %arg2[%dma_wait3A_115, %dma_wait3A_116] : memref<10240x128xf32, #tpu.memory_space<hbm>> -> memref<10240x128xf32, #tpu.memory_space<hbm>>
      tpu.wait_indirect_dma semaphore(%arg10 : memref<!tpu.dma_semaphore, #tpu.memory_space<semaphore_mem>>) src(%dma_wait3A_117 : memref<10240x128xf32, #tpu.memory_space<hbm>>) dst(%arg7 : memref<125x128xf32, #tpu.memory_space<vmem>>)
      %run_scoped3A_118 = arith.constant 2 : i32
      %run_scoped3A_119 = arith.constant 1 : i32
      "tpu.region"() ({
        %run_scoped3A_369 = tpu.sem_alloc : memref<!tpu.dma_semaphore, #tpu.memory_space<semaphore_mem>>
        %dma_start3A_370 = arith.constant 0 : i32
        %dma_start3A_371 = tpu.memref_slice %arg5[%run_scoped3A_118, %run_scoped3A_119, %dma_start3A_370] : memref<8x2x125xi32, #tpu.memory_space<vmem>> -> memref<1x1x125xi32, #tpu.memory_space<vmem>>
        %dma_start3A_372 = tpu.memref_squeeze %dma_start3A_371 : memref<1x1x125xi32, #tpu.memory_space<vmem>> -> memref<125xi32, #tpu.memory_space<vmem>>
        %dma_start3A_373 = arith.constant 0 : i32
        %dma_start3A_374 = arith.constant 0 : i32
        %dma_start3A_375 = tpu.memref_slice %arg9[%dma_start3A_373, %dma_start3A_374] : memref<10240x128xf32, #tpu.memory_space<vmem_shared>> -> memref<10240x128xf32, #tpu.memory_space<vmem_shared>>
        tpu.enqueue_indirect_dma source(%arg7 : memref<125x128xf32, #tpu.memory_space<vmem>>) target(%dma_start3A_375 : memref<10240x128xf32, #tpu.memory_space<vmem_shared>>) offsets(%dma_start3A_372 : memref<125xi32, #tpu.memory_space<vmem>>) semaphore(%run_scoped3A_369 : memref<!tpu.dma_semaphore, #tpu.memory_space<semaphore_mem>>) {add = true}
        %dma_wait3A_376 = arith.constant 0 : i32
        %dma_wait3A_377 = tpu.memref_slice %arg5[%run_scoped3A_118, %run_scoped3A_119, %dma_wait3A_376] : memref<8x2x125xi32, #tpu.memory_space<vmem>> -> memref<1x1x125xi32, #tpu.memory_space<vmem>>
        %dma_wait3A_378 = tpu.memref_squeeze %dma_wait3A_377 : memref<1x1x125xi32, #tpu.memory_space<vmem>> -> memref<125xi32, #tpu.memory_space<vmem>>
        %dma_wait3A_379 = arith.constant 0 : i32
        %dma_wait3A_380 = arith.constant 0 : i32
        %dma_wait3A_381 = tpu.memref_slice %arg9[%dma_wait3A_379, %dma_wait3A_380] : memref<10240x128xf32, #tpu.memory_space<vmem_shared>> -> memref<10240x128xf32, #tpu.memory_space<vmem_shared>>
        tpu.wait_indirect_dma semaphore(%run_scoped3A_369 : memref<!tpu.dma_semaphore, #tpu.memory_space<semaphore_mem>>) src(%arg7 : memref<125x128xf32, #tpu.memory_space<vmem>>) dst(%dma_wait3A_381 : memref<10240x128xf32, #tpu.memory_space<vmem_shared>>)
        tpu.yield
      }) : () -> ()
      %dma_start3A_120 = arith.constant 4 : i32
      %dma_start3A_121 = arith.constant 0 : i32
      %dma_start3A_122 = arith.constant 0 : i32
      %dma_start3A_123 = tpu.memref_slice %arg5[%dma_start3A_120, %dma_start3A_121, %dma_start3A_122] : memref<8x2x125xi32, #tpu.memory_space<vmem>> -> memref<1x1x125xi32, #tpu.memory_space<vmem>>
      %dma_start3A_124 = tpu.memref_squeeze %dma_start3A_123 : memref<1x1x125xi32, #tpu.memory_space<vmem>> -> memref<125xi32, #tpu.memory_space<vmem>>
      %dma_start3A_125 = arith.constant 0 : i32
      %dma_start3A_126 = arith.constant 0 : i32
      %dma_start3A_127 = tpu.memref_slice %arg2[%dma_start3A_125, %dma_start3A_126] : memref<10240x128xf32, #tpu.memory_space<hbm>> -> memref<10240x128xf32, #tpu.memory_space<hbm>>
      tpu.enqueue_indirect_dma source(%dma_start3A_127 : memref<10240x128xf32, #tpu.memory_space<hbm>>) target(%arg7 : memref<125x128xf32, #tpu.memory_space<vmem>>) offsets(%dma_start3A_124 : memref<125xi32, #tpu.memory_space<vmem>>) semaphore(%arg10 : memref<!tpu.dma_semaphore, #tpu.memory_space<semaphore_mem>>)
      %dma_wait3A_128 = arith.constant 3 : i32
      %dma_wait3A_129 = arith.constant 0 : i32
      %dma_wait3A_130 = arith.constant 0 : i32
      %dma_wait3A_131 = tpu.memref_slice %arg5[%dma_wait3A_128, %dma_wait3A_129, %dma_wait3A_130] : memref<8x2x125xi32, #tpu.memory_space<vmem>> -> memref<1x1x125xi32, #tpu.memory_space<vmem>>
      %dma_wait3A_132 = tpu.memref_squeeze %dma_wait3A_131 : memref<1x1x125xi32, #tpu.memory_space<vmem>> -> memref<125xi32, #tpu.memory_space<vmem>>
      %dma_wait3A_133 = arith.constant 0 : i32
      %dma_wait3A_134 = arith.constant 0 : i32
      %dma_wait3A_135 = tpu.memref_slice %arg2[%dma_wait3A_133, %dma_wait3A_134] : memref<10240x128xf32, #tpu.memory_space<hbm>> -> memref<10240x128xf32, #tpu.memory_space<hbm>>
      tpu.wait_indirect_dma semaphore(%arg11 : memref<!tpu.dma_semaphore, #tpu.memory_space<semaphore_mem>>) src(%dma_wait3A_135 : memref<10240x128xf32, #tpu.memory_space<hbm>>) dst(%arg8 : memref<125x128xf32, #tpu.memory_space<vmem>>)
      %run_scoped3A_136 = arith.constant 3 : i32
      %run_scoped3A_137 = arith.constant 1 : i32
      "tpu.region"() ({
        %run_scoped3A_369 = tpu.sem_alloc : memref<!tpu.dma_semaphore, #tpu.memory_space<semaphore_mem>>
        %dma_start3A_370 = arith.constant 0 : i32
        %dma_start3A_371 = tpu.memref_slice %arg5[%run_scoped3A_136, %run_scoped3A_137, %dma_start3A_370] : memref<8x2x125xi32, #tpu.memory_space<vmem>> -> memref<1x1x125xi32, #tpu.memory_space<vmem>>
        %dma_start3A_372 = tpu.memref_squeeze %dma_start3A_371 : memref<1x1x125xi32, #tpu.memory_space<vmem>> -> memref<125xi32, #tpu.memory_space<vmem>>
        %dma_start3A_373 = arith.constant 0 : i32
        %dma_start3A_374 = arith.constant 0 : i32
        %dma_start3A_375 = tpu.memref_slice %arg9[%dma_start3A_373, %dma_start3A_374] : memref<10240x128xf32, #tpu.memory_space<vmem_shared>> -> memref<10240x128xf32, #tpu.memory_space<vmem_shared>>
        tpu.enqueue_indirect_dma source(%arg8 : memref<125x128xf32, #tpu.memory_space<vmem>>) target(%dma_start3A_375 : memref<10240x128xf32, #tpu.memory_space<vmem_shared>>) offsets(%dma_start3A_372 : memref<125xi32, #tpu.memory_space<vmem>>) semaphore(%run_scoped3A_369 : memref<!tpu.dma_semaphore, #tpu.memory_space<semaphore_mem>>) {add = true}
        %dma_wait3A_376 = arith.constant 0 : i32
        %dma_wait3A_377 = tpu.memref_slice %arg5[%run_scoped3A_136, %run_scoped3A_137, %dma_wait3A_376] : memref<8x2x125xi32, #tpu.memory_space<vmem>> -> memref<1x1x125xi32, #tpu.memory_space<vmem>>
        %dma_wait3A_378 = tpu.memref_squeeze %dma_wait3A_377 : memref<1x1x125xi32, #tpu.memory_space<vmem>> -> memref<125xi32, #tpu.memory_space<vmem>>
        %dma_wait3A_379 = arith.constant 0 : i32
        %dma_wait3A_380 = arith.constant 0 : i32
        %dma_wait3A_381 = tpu.memref_slice %arg9[%dma_wait3A_379, %dma_wait3A_380] : memref<10240x128xf32, #tpu.memory_space<vmem_shared>> -> memref<10240x128xf32, #tpu.memory_space<vmem_shared>>
        tpu.wait_indirect_dma semaphore(%run_scoped3A_369 : memref<!tpu.dma_semaphore, #tpu.memory_space<semaphore_mem>>) src(%arg8 : memref<125x128xf32, #tpu.memory_space<vmem>>) dst(%dma_wait3A_381 : memref<10240x128xf32, #tpu.memory_space<vmem_shared>>)
        tpu.yield
      }) : () -> ()
      %dma_start3A_138 = arith.constant 5 : i32
      %dma_start3A_139 = arith.constant 0 : i32
      %dma_start3A_140 = arith.constant 0 : i32
      %dma_start3A_141 = tpu.memref_slice %arg5[%dma_start3A_138, %dma_start3A_139, %dma_start3A_140] : memref<8x2x125xi32, #tpu.memory_space<vmem>> -> memref<1x1x125xi32, #tpu.memory_space<vmem>>
      %dma_start3A_142 = tpu.memref_squeeze %dma_start3A_141 : memref<1x1x125xi32, #tpu.memory_space<vmem>> -> memref<125xi32, #tpu.memory_space<vmem>>
      %dma_start3A_143 = arith.constant 0 : i32
      %dma_start3A_144 = arith.constant 0 : i32
      %dma_start3A_145 = tpu.memref_slice %arg2[%dma_start3A_143, %dma_start3A_144] : memref<10240x128xf32, #tpu.memory_space<hbm>> -> memref<10240x128xf32, #tpu.memory_space<hbm>>
      tpu.enqueue_indirect_dma source(%dma_start3A_145 : memref<10240x128xf32, #tpu.memory_space<hbm>>) target(%arg8 : memref<125x128xf32, #tpu.memory_space<vmem>>) offsets(%dma_start3A_142 : memref<125xi32, #tpu.memory_space<vmem>>) semaphore(%arg11 : memref<!tpu.dma_semaphore, #tpu.memory_space<semaphore_mem>>)
      %dma_wait3A_146 = arith.constant 4 : i32
      %dma_wait3A_147 = arith.constant 0 : i32
      %dma_wait3A_148 = arith.constant 0 : i32
      %dma_wait3A_149 = tpu.memref_slice %arg5[%dma_wait3A_146, %dma_wait3A_147, %dma_wait3A_148] : memref<8x2x125xi32, #tpu.memory_space<vmem>> -> memref<1x1x125xi32, #tpu.memory_space<vmem>>
      %dma_wait3A_150 = tpu.memref_squeeze %dma_wait3A_149 : memref<1x1x125xi32, #tpu.memory_space<vmem>> -> memref<125xi32, #tpu.memory_space<vmem>>
      %dma_wait3A_151 = arith.constant 0 : i32
      %dma_wait3A_152 = arith.constant 0 : i32
      %dma_wait3A_153 = tpu.memref_slice %arg2[%dma_wait3A_151, %dma_wait3A_152] : memref<10240x128xf32, #tpu.memory_space<hbm>> -> memref<10240x128xf32, #tpu.memory_space<hbm>>
      tpu.wait_indirect_dma semaphore(%arg10 : memref<!tpu.dma_semaphore, #tpu.memory_space<semaphore_mem>>) src(%dma_wait3A_153 : memref<10240x128xf32, #tpu.memory_space<hbm>>) dst(%arg7 : memref<125x128xf32, #tpu.memory_space<vmem>>)
      %run_scoped3A_154 = arith.constant 4 : i32
      %run_scoped3A_155 = arith.constant 1 : i32
      "tpu.region"() ({
        %run_scoped3A_369 = tpu.sem_alloc : memref<!tpu.dma_semaphore, #tpu.memory_space<semaphore_mem>>
        %dma_start3A_370 = arith.constant 0 : i32
        %dma_start3A_371 = tpu.memref_slice %arg5[%run_scoped3A_154, %run_scoped3A_155, %dma_start3A_370] : memref<8x2x125xi32, #tpu.memory_space<vmem>> -> memref<1x1x125xi32, #tpu.memory_space<vmem>>
        %dma_start3A_372 = tpu.memref_squeeze %dma_start3A_371 : memref<1x1x125xi32, #tpu.memory_space<vmem>> -> memref<125xi32, #tpu.memory_space<vmem>>
        %dma_start3A_373 = arith.constant 0 : i32
        %dma_start3A_374 = arith.constant 0 : i32
        %dma_start3A_375 = tpu.memref_slice %arg9[%dma_start3A_373, %dma_start3A_374] : memref<10240x128xf32, #tpu.memory_space<vmem_shared>> -> memref<10240x128xf32, #tpu.memory_space<vmem_shared>>
        tpu.enqueue_indirect_dma source(%arg7 : memref<125x128xf32, #tpu.memory_space<vmem>>) target(%dma_start3A_375 : memref<10240x128xf32, #tpu.memory_space<vmem_shared>>) offsets(%dma_start3A_372 : memref<125xi32, #tpu.memory_space<vmem>>) semaphore(%run_scoped3A_369 : memref<!tpu.dma_semaphore, #tpu.memory_space<semaphore_mem>>) {add = true}
        %dma_wait3A_376 = arith.constant 0 : i32
        %dma_wait3A_377 = tpu.memref_slice %arg5[%run_scoped3A_154, %run_scoped3A_155, %dma_wait3A_376] : memref<8x2x125xi32, #tpu.memory_space<vmem>> -> memref<1x1x125xi32, #tpu.memory_space<vmem>>
        %dma_wait3A_378 = tpu.memref_squeeze %dma_wait3A_377 : memref<1x1x125xi32, #tpu.memory_space<vmem>> -> memref<125xi32, #tpu.memory_space<vmem>>
        %dma_wait3A_379 = arith.constant 0 : i32
        %dma_wait3A_380 = arith.constant 0 : i32
        %dma_wait3A_381 = tpu.memref_slice %arg9[%dma_wait3A_379, %dma_wait3A_380] : memref<10240x128xf32, #tpu.memory_space<vmem_shared>> -> memref<10240x128xf32, #tpu.memory_space<vmem_shared>>
        tpu.wait_indirect_dma semaphore(%run_scoped3A_369 : memref<!tpu.dma_semaphore, #tpu.memory_space<semaphore_mem>>) src(%arg7 : memref<125x128xf32, #tpu.memory_space<vmem>>) dst(%dma_wait3A_381 : memref<10240x128xf32, #tpu.memory_space<vmem_shared>>)
        tpu.yield
      }) : () -> ()
      %dma_start3A_156 = arith.constant 6 : i32
      %dma_start3A_157 = arith.constant 0 : i32
      %dma_start3A_158 = arith.constant 0 : i32
      %dma_start3A_159 = tpu.memref_slice %arg5[%dma_start3A_156, %dma_start3A_157, %dma_start3A_158] : memref<8x2x125xi32, #tpu.memory_space<vmem>> -> memref<1x1x125xi32, #tpu.memory_space<vmem>>
      %dma_start3A_160 = tpu.memref_squeeze %dma_start3A_159 : memref<1x1x125xi32, #tpu.memory_space<vmem>> -> memref<125xi32, #tpu.memory_space<vmem>>
      %dma_start3A_161 = arith.constant 0 : i32
      %dma_start3A_162 = arith.constant 0 : i32
      %dma_start3A_163 = tpu.memref_slice %arg2[%dma_start3A_161, %dma_start3A_162] : memref<10240x128xf32, #tpu.memory_space<hbm>> -> memref<10240x128xf32, #tpu.memory_space<hbm>>
      tpu.enqueue_indirect_dma source(%dma_start3A_163 : memref<10240x128xf32, #tpu.memory_space<hbm>>) target(%arg7 : memref<125x128xf32, #tpu.memory_space<vmem>>) offsets(%dma_start3A_160 : memref<125xi32, #tpu.memory_space<vmem>>) semaphore(%arg10 : memref<!tpu.dma_semaphore, #tpu.memory_space<semaphore_mem>>)
      %dma_wait3A_164 = arith.constant 5 : i32
      %dma_wait3A_165 = arith.constant 0 : i32
      %dma_wait3A_166 = arith.constant 0 : i32
      %dma_wait3A_167 = tpu.memref_slice %arg5[%dma_wait3A_164, %dma_wait3A_165, %dma_wait3A_166] : memref<8x2x125xi32, #tpu.memory_space<vmem>> -> memref<1x1x125xi32, #tpu.memory_space<vmem>>
      %dma_wait3A_168 = tpu.memref_squeeze %dma_wait3A_167 : memref<1x1x125xi32, #tpu.memory_space<vmem>> -> memref<125xi32, #tpu.memory_space<vmem>>
      %dma_wait3A_169 = arith.constant 0 : i32
      %dma_wait3A_170 = arith.constant 0 : i32
      %dma_wait3A_171 = tpu.memref_slice %arg2[%dma_wait3A_169, %dma_wait3A_170] : memref<10240x128xf32, #tpu.memory_space<hbm>> -> memref<10240x128xf32, #tpu.memory_space<hbm>>
      tpu.wait_indirect_dma semaphore(%arg11 : memref<!tpu.dma_semaphore, #tpu.memory_space<semaphore_mem>>) src(%dma_wait3A_171 : memref<10240x128xf32, #tpu.memory_space<hbm>>) dst(%arg8 : memref<125x128xf32, #tpu.memory_space<vmem>>)
      %run_scoped3A_172 = arith.constant 5 : i32
      %run_scoped3A_173 = arith.constant 1 : i32
      "tpu.region"() ({
        %run_scoped3A_369 = tpu.sem_alloc : memref<!tpu.dma_semaphore, #tpu.memory_space<semaphore_mem>>
        %dma_start3A_370 = arith.constant 0 : i32
        %dma_start3A_371 = tpu.memref_slice %arg5[%run_scoped3A_172, %run_scoped3A_173, %dma_start3A_370] : memref<8x2x125xi32, #tpu.memory_space<vmem>> -> memref<1x1x125xi32, #tpu.memory_space<vmem>>
        %dma_start3A_372 = tpu.memref_squeeze %dma_start3A_371 : memref<1x1x125xi32, #tpu.memory_space<vmem>> -> memref<125xi32, #tpu.memory_space<vmem>>
        %dma_start3A_373 = arith.constant 0 : i32
        %dma_start3A_374 = arith.constant 0 : i32
        %dma_start3A_375 = tpu.memref_slice %arg9[%dma_start3A_373, %dma_start3A_374] : memref<10240x128xf32, #tpu.memory_space<vmem_shared>> -> memref<10240x128xf32, #tpu.memory_space<vmem_shared>>
        tpu.enqueue_indirect_dma source(%arg8 : memref<125x128xf32, #tpu.memory_space<vmem>>) target(%dma_start3A_375 : memref<10240x128xf32, #tpu.memory_space<vmem_shared>>) offsets(%dma_start3A_372 : memref<125xi32, #tpu.memory_space<vmem>>) semaphore(%run_scoped3A_369 : memref<!tpu.dma_semaphore, #tpu.memory_space<semaphore_mem>>) {add = true}
        %dma_wait3A_376 = arith.constant 0 : i32
        %dma_wait3A_377 = tpu.memref_slice %arg5[%run_scoped3A_172, %run_scoped3A_173, %dma_wait3A_376] : memref<8x2x125xi32, #tpu.memory_space<vmem>> -> memref<1x1x125xi32, #tpu.memory_space<vmem>>
        %dma_wait3A_378 = tpu.memref_squeeze %dma_wait3A_377 : memref<1x1x125xi32, #tpu.memory_space<vmem>> -> memref<125xi32, #tpu.memory_space<vmem>>
        %dma_wait3A_379 = arith.constant 0 : i32
        %dma_wait3A_380 = arith.constant 0 : i32
        %dma_wait3A_381 = tpu.memref_slice %arg9[%dma_wait3A_379, %dma_wait3A_380] : memref<10240x128xf32, #tpu.memory_space<vmem_shared>> -> memref<10240x128xf32, #tpu.memory_space<vmem_shared>>
        tpu.wait_indirect_dma semaphore(%run_scoped3A_369 : memref<!tpu.dma_semaphore, #tpu.memory_space<semaphore_mem>>) src(%arg8 : memref<125x128xf32, #tpu.memory_space<vmem>>) dst(%dma_wait3A_381 : memref<10240x128xf32, #tpu.memory_space<vmem_shared>>)
        tpu.yield
      }) : () -> ()
      %dma_start3A_174 = arith.constant 7 : i32
      %dma_start3A_175 = arith.constant 0 : i32
      %dma_start3A_176 = arith.constant 0 : i32
      %dma_start3A_177 = tpu.memref_slice %arg5[%dma_start3A_174, %dma_start3A_175, %dma_start3A_176] : memref<8x2x125xi32, #tpu.memory_space<vmem>> -> memref<1x1x125xi32, #tpu.memory_space<vmem>>
      %dma_start3A_178 = tpu.memref_squeeze %dma_start3A_177 : memref<1x1x125xi32, #tpu.memory_space<vmem>> -> memref<125xi32, #tpu.memory_space<vmem>>
      %dma_start3A_179 = arith.constant 0 : i32
      %dma_start3A_180 = arith.constant 0 : i32
      %dma_start3A_181 = tpu.memref_slice %arg2[%dma_start3A_179, %dma_start3A_180] : memref<10240x128xf32, #tpu.memory_space<hbm>> -> memref<10240x128xf32, #tpu.memory_space<hbm>>
      tpu.enqueue_indirect_dma source(%dma_start3A_181 : memref<10240x128xf32, #tpu.memory_space<hbm>>) target(%arg8 : memref<125x128xf32, #tpu.memory_space<vmem>>) offsets(%dma_start3A_178 : memref<125xi32, #tpu.memory_space<vmem>>) semaphore(%arg11 : memref<!tpu.dma_semaphore, #tpu.memory_space<semaphore_mem>>)
      %dma_wait3A_182 = arith.constant 6 : i32
      %dma_wait3A_183 = arith.constant 0 : i32
      %dma_wait3A_184 = arith.constant 0 : i32
      %dma_wait3A_185 = tpu.memref_slice %arg5[%dma_wait3A_182, %dma_wait3A_183, %dma_wait3A_184] : memref<8x2x125xi32, #tpu.memory_space<vmem>> -> memref<1x1x125xi32, #tpu.memory_space<vmem>>
      %dma_wait3A_186 = tpu.memref_squeeze %dma_wait3A_185 : memref<1x1x125xi32, #tpu.memory_space<vmem>> -> memref<125xi32, #tpu.memory_space<vmem>>
      %dma_wait3A_187 = arith.constant 0 : i32
      %dma_wait3A_188 = arith.constant 0 : i32
      %dma_wait3A_189 = tpu.memref_slice %arg2[%dma_wait3A_187, %dma_wait3A_188] : memref<10240x128xf32, #tpu.memory_space<hbm>> -> memref<10240x128xf32, #tpu.memory_space<hbm>>
      tpu.wait_indirect_dma semaphore(%arg10 : memref<!tpu.dma_semaphore, #tpu.memory_space<semaphore_mem>>) src(%dma_wait3A_189 : memref<10240x128xf32, #tpu.memory_space<hbm>>) dst(%arg7 : memref<125x128xf32, #tpu.memory_space<vmem>>)
      %run_scoped3A_190 = arith.constant 6 : i32
      %run_scoped3A_191 = arith.constant 1 : i32
      "tpu.region"() ({
        %run_scoped3A_369 = tpu.sem_alloc : memref<!tpu.dma_semaphore, #tpu.memory_space<semaphore_mem>>
        %dma_start3A_370 = arith.constant 0 : i32
        %dma_start3A_371 = tpu.memref_slice %arg5[%run_scoped3A_190, %run_scoped3A_191, %dma_start3A_370] : memref<8x2x125xi32, #tpu.memory_space<vmem>> -> memref<1x1x125xi32, #tpu.memory_space<vmem>>
        %dma_start3A_372 = tpu.memref_squeeze %dma_start3A_371 : memref<1x1x125xi32, #tpu.memory_space<vmem>> -> memref<125xi32, #tpu.memory_space<vmem>>
        %dma_start3A_373 = arith.constant 0 : i32
        %dma_start3A_374 = arith.constant 0 : i32
        %dma_start3A_375 = tpu.memref_slice %arg9[%dma_start3A_373, %dma_start3A_374] : memref<10240x128xf32, #tpu.memory_space<vmem_shared>> -> memref<10240x128xf32, #tpu.memory_space<vmem_shared>>
        tpu.enqueue_indirect_dma source(%arg7 : memref<125x128xf32, #tpu.memory_space<vmem>>) target(%dma_start3A_375 : memref<10240x128xf32, #tpu.memory_space<vmem_shared>>) offsets(%dma_start3A_372 : memref<125xi32, #tpu.memory_space<vmem>>) semaphore(%run_scoped3A_369 : memref<!tpu.dma_semaphore, #tpu.memory_space<semaphore_mem>>) {add = true}
        %dma_wait3A_376 = arith.constant 0 : i32
        %dma_wait3A_377 = tpu.memref_slice %arg5[%run_scoped3A_190, %run_scoped3A_191, %dma_wait3A_376] : memref<8x2x125xi32, #tpu.memory_space<vmem>> -> memref<1x1x125xi32, #tpu.memory_space<vmem>>
        %dma_wait3A_378 = tpu.memref_squeeze %dma_wait3A_377 : memref<1x1x125xi32, #tpu.memory_space<vmem>> -> memref<125xi32, #tpu.memory_space<vmem>>
        %dma_wait3A_379 = arith.constant 0 : i32
        %dma_wait3A_380 = arith.constant 0 : i32
        %dma_wait3A_381 = tpu.memref_slice %arg9[%dma_wait3A_379, %dma_wait3A_380] : memref<10240x128xf32, #tpu.memory_space<vmem_shared>> -> memref<10240x128xf32, #tpu.memory_space<vmem_shared>>
        tpu.wait_indirect_dma semaphore(%run_scoped3A_369 : memref<!tpu.dma_semaphore, #tpu.memory_space<semaphore_mem>>) src(%arg7 : memref<125x128xf32, #tpu.memory_space<vmem>>) dst(%dma_wait3A_381 : memref<10240x128xf32, #tpu.memory_space<vmem_shared>>)
        tpu.yield
      }) : () -> ()
      %dma_wait3A_192 = arith.constant 0 : i32
      %dma_wait3A_193 = arith.constant 0 : i32
      %dma_wait3A_194 = arith.constant 0 : i32
      %dma_wait3A_195 = arith.constant 0 : i32
      %dma_wait3A_196 = tpu.memref_slice %arg3[%add3A, %dma_wait3A_192, %dma_wait3A_193, %dma_wait3A_194, %dma_wait3A_195] : memref<32x10x8x2x125xi32, #tpu.memory_space<hbm>> -> memref<1x1x8x2x125xi32, #tpu.memory_space<hbm>>
      %dma_wait3A_197 = tpu.memref_squeeze %dma_wait3A_196 : memref<1x1x8x2x125xi32, #tpu.memory_space<hbm>> -> memref<8x2x125xi32, #tpu.memory_space<hbm>>
      %dma_wait3A_198 = arith.constant 0 : i32
      %dma_wait3A_199 = arith.constant 0 : i32
      %dma_wait3A_200 = arith.constant 0 : i32
      %dma_wait3A_201 = tpu.memref_slice %arg3[%add3A, %dma_wait3A_192, %dma_wait3A_198, %dma_wait3A_199, %dma_wait3A_200] : memref<32x10x8x2x125xi32, #tpu.memory_space<hbm>> -> memref<1x1x8x2x125xi32, #tpu.memory_space<hbm>>
      %dma_wait3A_202 = tpu.memref_squeeze %dma_wait3A_201 : memref<1x1x8x2x125xi32, #tpu.memory_space<hbm>> -> memref<8x2x125xi32, #tpu.memory_space<hbm>>
      tpu.wait_dma2 semaphore(%arg13 : memref<!tpu.dma_semaphore, #tpu.memory_space<semaphore_mem>>) src(%dma_wait3A_202 : memref<8x2x125xi32, #tpu.memory_space<hbm>>) dst(%arg6 : memref<8x2x125xi32, #tpu.memory_space<vmem>>)
      %dma_start3A_203 = arith.constant 0 : i32
      %dma_start3A_204 = arith.constant 0 : i32
      %dma_start3A_205 = arith.constant 0 : i32
      %dma_start3A_206 = tpu.memref_slice %arg6[%dma_start3A_203, %dma_start3A_204, %dma_start3A_205] : memref<8x2x125xi32, #tpu.memory_space<vmem>> -> memref<1x1x125xi32, #tpu.memory_space<vmem>>
      %dma_start3A_207 = tpu.memref_squeeze %dma_start3A_206 : memref<1x1x125xi32, #tpu.memory_space<vmem>> -> memref<125xi32, #tpu.memory_space<vmem>>
      %dma_start3A_208 = arith.constant 0 : i32
      %dma_start3A_209 = arith.constant 0 : i32
      %dma_start3A_210 = tpu.memref_slice %arg2[%dma_start3A_208, %dma_start3A_209] : memref<10240x128xf32, #tpu.memory_space<hbm>> -> memref<10240x128xf32, #tpu.memory_space<hbm>>
      tpu.enqueue_indirect_dma source(%dma_start3A_210 : memref<10240x128xf32, #tpu.memory_space<hbm>>) target(%arg7 : memref<125x128xf32, #tpu.memory_space<vmem>>) offsets(%dma_start3A_207 : memref<125xi32, #tpu.memory_space<vmem>>) semaphore(%arg10 : memref<!tpu.dma_semaphore, #tpu.memory_space<semaphore_mem>>)
      %dma_wait3A_211 = arith.constant 7 : i32
      %dma_wait3A_212 = arith.constant 0 : i32
      %dma_wait3A_213 = arith.constant 0 : i32
      %dma_wait3A_214 = tpu.memref_slice %arg5[%dma_wait3A_211, %dma_wait3A_212, %dma_wait3A_213] : memref<8x2x125xi32, #tpu.memory_space<vmem>> -> memref<1x1x125xi32, #tpu.memory_space<vmem>>
      %dma_wait3A_215 = tpu.memref_squeeze %dma_wait3A_214 : memref<1x1x125xi32, #tpu.memory_space<vmem>> -> memref<125xi32, #tpu.memory_space<vmem>>
      %dma_wait3A_216 = arith.constant 0 : i32
      %dma_wait3A_217 = arith.constant 0 : i32
      %dma_wait3A_218 = tpu.memref_slice %arg2[%dma_wait3A_216, %dma_wait3A_217] : memref<10240x128xf32, #tpu.memory_space<hbm>> -> memref<10240x128xf32, #tpu.memory_space<hbm>>
      tpu.wait_indirect_dma semaphore(%arg11 : memref<!tpu.dma_semaphore, #tpu.memory_space<semaphore_mem>>) src(%dma_wait3A_218 : memref<10240x128xf32, #tpu.memory_space<hbm>>) dst(%arg8 : memref<125x128xf32, #tpu.memory_space<vmem>>)
      %run_scoped3A_219 = arith.constant 7 : i32
      %run_scoped3A_220 = arith.constant 1 : i32
      "tpu.region"() ({
        %run_scoped3A_369 = tpu.sem_alloc : memref<!tpu.dma_semaphore, #tpu.memory_space<semaphore_mem>>
        %dma_start3A_370 = arith.constant 0 : i32
        %dma_start3A_371 = tpu.memref_slice %arg5[%run_scoped3A_219, %run_scoped3A_220, %dma_start3A_370] : memref<8x2x125xi32, #tpu.memory_space<vmem>> -> memref<1x1x125xi32, #tpu.memory_space<vmem>>
        %dma_start3A_372 = tpu.memref_squeeze %dma_start3A_371 : memref<1x1x125xi32, #tpu.memory_space<vmem>> -> memref<125xi32, #tpu.memory_space<vmem>>
        %dma_start3A_373 = arith.constant 0 : i32
        %dma_start3A_374 = arith.constant 0 : i32
        %dma_start3A_375 = tpu.memref_slice %arg9[%dma_start3A_373, %dma_start3A_374] : memref<10240x128xf32, #tpu.memory_space<vmem_shared>> -> memref<10240x128xf32, #tpu.memory_space<vmem_shared>>
        tpu.enqueue_indirect_dma source(%arg8 : memref<125x128xf32, #tpu.memory_space<vmem>>) target(%dma_start3A_375 : memref<10240x128xf32, #tpu.memory_space<vmem_shared>>) offsets(%dma_start3A_372 : memref<125xi32, #tpu.memory_space<vmem>>) semaphore(%run_scoped3A_369 : memref<!tpu.dma_semaphore, #tpu.memory_space<semaphore_mem>>) {add = true}
        %dma_wait3A_376 = arith.constant 0 : i32
        %dma_wait3A_377 = tpu.memref_slice %arg5[%run_scoped3A_219, %run_scoped3A_220, %dma_wait3A_376] : memref<8x2x125xi32, #tpu.memory_space<vmem>> -> memref<1x1x125xi32, #tpu.memory_space<vmem>>
        %dma_wait3A_378 = tpu.memref_squeeze %dma_wait3A_377 : memref<1x1x125xi32, #tpu.memory_space<vmem>> -> memref<125xi32, #tpu.memory_space<vmem>>
        %dma_wait3A_379 = arith.constant 0 : i32
        %dma_wait3A_380 = arith.constant 0 : i32
        %dma_wait3A_381 = tpu.memref_slice %arg9[%dma_wait3A_379, %dma_wait3A_380] : memref<10240x128xf32, #tpu.memory_space<vmem_shared>> -> memref<10240x128xf32, #tpu.memory_space<vmem_shared>>
        tpu.wait_indirect_dma semaphore(%run_scoped3A_369 : memref<!tpu.dma_semaphore, #tpu.memory_space<semaphore_mem>>) src(%arg8 : memref<125x128xf32, #tpu.memory_space<vmem>>) dst(%dma_wait3A_381 : memref<10240x128xf32, #tpu.memory_space<vmem_shared>>)
        tpu.yield
      }) : () -> ()
      %lt3A = arith.constant 4 : i32
      %lt3A_221 = arith.cmpi slt, %scan3A_66, %lt3A : i32
      %convert_element_type3A = arith.extui %lt3A_221 : i1 to i32
      %cond3A = arith.constant 0 : i32
      %cond3A_222 = arith.cmpi ne, %convert_element_type3A, %cond3A : i32
      scf.if %cond3A_222 {
        %mul3A_369 = arith.constant 2 : i32
        %mul3A_370 = arith.muli %mul3A_369, %scan3A_66 : i32
        %add3A_371 = arith.constant 2 : i32
        %add3A_372 = arith.addi %mul3A_370, %add3A_371 : i32
        %dma_start3A_373 = arith.constant 0 : i32
        %dma_start3A_374 = arith.constant 0 : i32
        %dma_start3A_375 = arith.constant 0 : i32
        %dma_start3A_376 = tpu.memref_slice %arg3[%add3A, %add3A_372, %dma_start3A_373, %dma_start3A_374, %dma_start3A_375] : memref<32x10x8x2x125xi32, #tpu.memory_space<hbm>> -> memref<1x1x8x2x125xi32, #tpu.memory_space<hbm>>
        %dma_start3A_377 = tpu.memref_squeeze %dma_start3A_376 : memref<1x1x8x2x125xi32, #tpu.memory_space<hbm>> -> memref<8x2x125xi32, #tpu.memory_space<hbm>>
        %dma_start3A_378 = arith.constant 0 : i32
        %dma_start3A_379 = arith.constant 0 : i32
        %dma_start3A_380 = arith.constant 0 : i32
        %dma_start3A_381 = tpu.memref_slice %arg3[%add3A, %add3A_372, %dma_start3A_378, %dma_start3A_379, %dma_start3A_380] : memref<32x10x8x2x125xi32, #tpu.memory_space<hbm>> -> memref<1x1x8x2x125xi32, #tpu.memory_space<hbm>>
        %dma_start3A_382 = tpu.memref_squeeze %dma_start3A_381 : memref<1x1x8x2x125xi32, #tpu.memory_space<hbm>> -> memref<8x2x125xi32, #tpu.memory_space<hbm>>
        tpu.enqueue_dma source(%dma_start3A_382 : memref<8x2x125xi32, #tpu.memory_space<hbm>>) target(%arg5 : memref<8x2x125xi32, #tpu.memory_space<vmem>>) target_semaphore(%arg12 : memref<!tpu.dma_semaphore, #tpu.memory_space<semaphore_mem>>)
      } else {
      }
      %dma_start3A_223 = arith.constant 1 : i32
      %dma_start3A_224 = arith.constant 0 : i32
      %dma_start3A_225 = arith.constant 0 : i32
      %dma_start3A_226 = tpu.memref_slice %arg6[%dma_start3A_223, %dma_start3A_224, %dma_start3A_225] : memref<8x2x125xi32, #tpu.memory_space<vmem>> -> memref<1x1x125xi32, #tpu.memory_space<vmem>>
      %dma_start3A_227 = tpu.memref_squeeze %dma_start3A_226 : memref<1x1x125xi32, #tpu.memory_space<vmem>> -> memref<125xi32, #tpu.memory_space<vmem>>
      %dma_start3A_228 = arith.constant 0 : i32
      %dma_start3A_229 = arith.constant 0 : i32
      %dma_start3A_230 = tpu.memref_slice %arg2[%dma_start3A_228, %dma_start3A_229] : memref<10240x128xf32, #tpu.memory_space<hbm>> -> memref<10240x128xf32, #tpu.memory_space<hbm>>
      tpu.enqueue_indirect_dma source(%dma_start3A_230 : memref<10240x128xf32, #tpu.memory_space<hbm>>) target(%arg8 : memref<125x128xf32, #tpu.memory_space<vmem>>) offsets(%dma_start3A_227 : memref<125xi32, #tpu.memory_space<vmem>>) semaphore(%arg11 : memref<!tpu.dma_semaphore, #tpu.memory_space<semaphore_mem>>)
      %dma_wait3A_231 = arith.constant 0 : i32
      %dma_wait3A_232 = arith.constant 0 : i32
      %dma_wait3A_233 = arith.constant 0 : i32
      %dma_wait3A_234 = tpu.memref_slice %arg6[%dma_wait3A_231, %dma_wait3A_232, %dma_wait3A_233] : memref<8x2x125xi32, #tpu.memory_space<vmem>> -> memref<1x1x125xi32, #tpu.memory_space<vmem>>
      %dma_wait3A_235 = tpu.memref_squeeze %dma_wait3A_234 : memref<1x1x125xi32, #tpu.memory_space<vmem>> -> memref<125xi32, #tpu.memory_space<vmem>>
      %dma_wait3A_236 = arith.constant 0 : i32
      %dma_wait3A_237 = arith.constant 0 : i32
      %dma_wait3A_238 = tpu.memref_slice %arg2[%dma_wait3A_236, %dma_wait3A_237] : memref<10240x128xf32, #tpu.memory_space<hbm>> -> memref<10240x128xf32, #tpu.memory_space<hbm>>
      tpu.wait_indirect_dma semaphore(%arg10 : memref<!tpu.dma_semaphore, #tpu.memory_space<semaphore_mem>>) src(%dma_wait3A_238 : memref<10240x128xf32, #tpu.memory_space<hbm>>) dst(%arg7 : memref<125x128xf32, #tpu.memory_space<vmem>>)
      %run_scoped3A_239 = arith.constant 0 : i32
      %run_scoped3A_240 = arith.constant 1 : i32
      "tpu.region"() ({
        %run_scoped3A_369 = tpu.sem_alloc : memref<!tpu.dma_semaphore, #tpu.memory_space<semaphore_mem>>
        %dma_start3A_370 = arith.constant 0 : i32
        %dma_start3A_371 = tpu.memref_slice %arg6[%run_scoped3A_239, %run_scoped3A_240, %dma_start3A_370] : memref<8x2x125xi32, #tpu.memory_space<vmem>> -> memref<1x1x125xi32, #tpu.memory_space<vmem>>
        %dma_start3A_372 = tpu.memref_squeeze %dma_start3A_371 : memref<1x1x125xi32, #tpu.memory_space<vmem>> -> memref<125xi32, #tpu.memory_space<vmem>>
        %dma_start3A_373 = arith.constant 0 : i32
        %dma_start3A_374 = arith.constant 0 : i32
        %dma_start3A_375 = tpu.memref_slice %arg9[%dma_start3A_373, %dma_start3A_374] : memref<10240x128xf32, #tpu.memory_space<vmem_shared>> -> memref<10240x128xf32, #tpu.memory_space<vmem_shared>>
        tpu.enqueue_indirect_dma source(%arg7 : memref<125x128xf32, #tpu.memory_space<vmem>>) target(%dma_start3A_375 : memref<10240x128xf32, #tpu.memory_space<vmem_shared>>) offsets(%dma_start3A_372 : memref<125xi32, #tpu.memory_space<vmem>>) semaphore(%run_scoped3A_369 : memref<!tpu.dma_semaphore, #tpu.memory_space<semaphore_mem>>) {add = true}
        %dma_wait3A_376 = arith.constant 0 : i32
        %dma_wait3A_377 = tpu.memref_slice %arg6[%run_scoped3A_239, %run_scoped3A_240, %dma_wait3A_376] : memref<8x2x125xi32, #tpu.memory_space<vmem>> -> memref<1x1x125xi32, #tpu.memory_space<vmem>>
        %dma_wait3A_378 = tpu.memref_squeeze %dma_wait3A_377 : memref<1x1x125xi32, #tpu.memory_space<vmem>> -> memref<125xi32, #tpu.memory_space<vmem>>
        %dma_wait3A_379 = arith.constant 0 : i32
        %dma_wait3A_380 = arith.constant 0 : i32
        %dma_wait3A_381 = tpu.memref_slice %arg9[%dma_wait3A_379, %dma_wait3A_380] : memref<10240x128xf32, #tpu.memory_space<vmem_shared>> -> memref<10240x128xf32, #tpu.memory_space<vmem_shared>>
        tpu.wait_indirect_dma semaphore(%run_scoped3A_369 : memref<!tpu.dma_semaphore, #tpu.memory_space<semaphore_mem>>) src(%arg7 : memref<125x128xf32, #tpu.memory_space<vmem>>) dst(%dma_wait3A_381 : memref<10240x128xf32, #tpu.memory_space<vmem_shared>>)
        tpu.yield
      }) : () -> ()
      %dma_start3A_241 = arith.constant 2 : i32
      %dma_start3A_242 = arith.constant 0 : i32
      %dma_start3A_243 = arith.constant 0 : i32
      %dma_start3A_244 = tpu.memref_slice %arg6[%dma_start3A_241, %dma_start3A_242, %dma_start3A_243] : memref<8x2x125xi32, #tpu.memory_space<vmem>> -> memref<1x1x125xi32, #tpu.memory_space<vmem>>
      %dma_start3A_245 = tpu.memref_squeeze %dma_start3A_244 : memref<1x1x125xi32, #tpu.memory_space<vmem>> -> memref<125xi32, #tpu.memory_space<vmem>>
      %dma_start3A_246 = arith.constant 0 : i32
      %dma_start3A_247 = arith.constant 0 : i32
      %dma_start3A_248 = tpu.memref_slice %arg2[%dma_start3A_246, %dma_start3A_247] : memref<10240x128xf32, #tpu.memory_space<hbm>> -> memref<10240x128xf32, #tpu.memory_space<hbm>>
      tpu.enqueue_indirect_dma source(%dma_start3A_248 : memref<10240x128xf32, #tpu.memory_space<hbm>>) target(%arg7 : memref<125x128xf32, #tpu.memory_space<vmem>>) offsets(%dma_start3A_245 : memref<125xi32, #tpu.memory_space<vmem>>) semaphore(%arg10 : memref<!tpu.dma_semaphore, #tpu.memory_space<semaphore_mem>>)
      %dma_wait3A_249 = arith.constant 1 : i32
      %dma_wait3A_250 = arith.constant 0 : i32
      %dma_wait3A_251 = arith.constant 0 : i32
      %dma_wait3A_252 = tpu.memref_slice %arg6[%dma_wait3A_249, %dma_wait3A_250, %dma_wait3A_251] : memref<8x2x125xi32, #tpu.memory_space<vmem>> -> memref<1x1x125xi32, #tpu.memory_space<vmem>>
      %dma_wait3A_253 = tpu.memref_squeeze %dma_wait3A_252 : memref<1x1x125xi32, #tpu.memory_space<vmem>> -> memref<125xi32, #tpu.memory_space<vmem>>
      %dma_wait3A_254 = arith.constant 0 : i32
      %dma_wait3A_255 = arith.constant 0 : i32
      %dma_wait3A_256 = tpu.memref_slice %arg2[%dma_wait3A_254, %dma_wait3A_255] : memref<10240x128xf32, #tpu.memory_space<hbm>> -> memref<10240x128xf32, #tpu.memory_space<hbm>>
      tpu.wait_indirect_dma semaphore(%arg11 : memref<!tpu.dma_semaphore, #tpu.memory_space<semaphore_mem>>) src(%dma_wait3A_256 : memref<10240x128xf32, #tpu.memory_space<hbm>>) dst(%arg8 : memref<125x128xf32, #tpu.memory_space<vmem>>)
      %run_scoped3A_257 = arith.constant 1 : i32
      %run_scoped3A_258 = arith.constant 1 : i32
      "tpu.region"() ({
        %run_scoped3A_369 = tpu.sem_alloc : memref<!tpu.dma_semaphore, #tpu.memory_space<semaphore_mem>>
        %dma_start3A_370 = arith.constant 0 : i32
        %dma_start3A_371 = tpu.memref_slice %arg6[%run_scoped3A_257, %run_scoped3A_258, %dma_start3A_370] : memref<8x2x125xi32, #tpu.memory_space<vmem>> -> memref<1x1x125xi32, #tpu.memory_space<vmem>>
        %dma_start3A_372 = tpu.memref_squeeze %dma_start3A_371 : memref<1x1x125xi32, #tpu.memory_space<vmem>> -> memref<125xi32, #tpu.memory_space<vmem>>
        %dma_start3A_373 = arith.constant 0 : i32
        %dma_start3A_374 = arith.constant 0 : i32
        %dma_start3A_375 = tpu.memref_slice %arg9[%dma_start3A_373, %dma_start3A_374] : memref<10240x128xf32, #tpu.memory_space<vmem_shared>> -> memref<10240x128xf32, #tpu.memory_space<vmem_shared>>
        tpu.enqueue_indirect_dma source(%arg8 : memref<125x128xf32, #tpu.memory_space<vmem>>) target(%dma_start3A_375 : memref<10240x128xf32, #tpu.memory_space<vmem_shared>>) offsets(%dma_start3A_372 : memref<125xi32, #tpu.memory_space<vmem>>) semaphore(%run_scoped3A_369 : memref<!tpu.dma_semaphore, #tpu.memory_space<semaphore_mem>>) {add = true}
        %dma_wait3A_376 = arith.constant 0 : i32
        %dma_wait3A_377 = tpu.memref_slice %arg6[%run_scoped3A_257, %run_scoped3A_258, %dma_wait3A_376] : memref<8x2x125xi32, #tpu.memory_space<vmem>> -> memref<1x1x125xi32, #tpu.memory_space<vmem>>
        %dma_wait3A_378 = tpu.memref_squeeze %dma_wait3A_377 : memref<1x1x125xi32, #tpu.memory_space<vmem>> -> memref<125xi32, #tpu.memory_space<vmem>>
        %dma_wait3A_379 = arith.constant 0 : i32
        %dma_wait3A_380 = arith.constant 0 : i32
        %dma_wait3A_381 = tpu.memref_slice %arg9[%dma_wait3A_379, %dma_wait3A_380] : memref<10240x128xf32, #tpu.memory_space<vmem_shared>> -> memref<10240x128xf32, #tpu.memory_space<vmem_shared>>
        tpu.wait_indirect_dma semaphore(%run_scoped3A_369 : memref<!tpu.dma_semaphore, #tpu.memory_space<semaphore_mem>>) src(%arg8 : memref<125x128xf32, #tpu.memory_space<vmem>>) dst(%dma_wait3A_381 : memref<10240x128xf32, #tpu.memory_space<vmem_shared>>)
        tpu.yield
      }) : () -> ()
      %dma_start3A_259 = arith.constant 3 : i32
      %dma_start3A_260 = arith.constant 0 : i32
      %dma_start3A_261 = arith.constant 0 : i32
      %dma_start3A_262 = tpu.memref_slice %arg6[%dma_start3A_259, %dma_start3A_260, %dma_start3A_261] : memref<8x2x125xi32, #tpu.memory_space<vmem>> -> memref<1x1x125xi32, #tpu.memory_space<vmem>>
      %dma_start3A_263 = tpu.memref_squeeze %dma_start3A_262 : memref<1x1x125xi32, #tpu.memory_space<vmem>> -> memref<125xi32, #tpu.memory_space<vmem>>
      %dma_start3A_264 = arith.constant 0 : i32
      %dma_start3A_265 = arith.constant 0 : i32
      %dma_start3A_266 = tpu.memref_slice %arg2[%dma_start3A_264, %dma_start3A_265] : memref<10240x128xf32, #tpu.memory_space<hbm>> -> memref<10240x128xf32, #tpu.memory_space<hbm>>
      tpu.enqueue_indirect_dma source(%dma_start3A_266 : memref<10240x128xf32, #tpu.memory_space<hbm>>) target(%arg8 : memref<125x128xf32, #tpu.memory_space<vmem>>) offsets(%dma_start3A_263 : memref<125xi32, #tpu.memory_space<vmem>>) semaphore(%arg11 : memref<!tpu.dma_semaphore, #tpu.memory_space<semaphore_mem>>)
      %dma_wait3A_267 = arith.constant 2 : i32
      %dma_wait3A_268 = arith.constant 0 : i32
      %dma_wait3A_269 = arith.constant 0 : i32
      %dma_wait3A_270 = tpu.memref_slice %arg6[%dma_wait3A_267, %dma_wait3A_268, %dma_wait3A_269] : memref<8x2x125xi32, #tpu.memory_space<vmem>> -> memref<1x1x125xi32, #tpu.memory_space<vmem>>
      %dma_wait3A_271 = tpu.memref_squeeze %dma_wait3A_270 : memref<1x1x125xi32, #tpu.memory_space<vmem>> -> memref<125xi32, #tpu.memory_space<vmem>>
      %dma_wait3A_272 = arith.constant 0 : i32
      %dma_wait3A_273 = arith.constant 0 : i32
      %dma_wait3A_274 = tpu.memref_slice %arg2[%dma_wait3A_272, %dma_wait3A_273] : memref<10240x128xf32, #tpu.memory_space<hbm>> -> memref<10240x128xf32, #tpu.memory_space<hbm>>
      tpu.wait_indirect_dma semaphore(%arg10 : memref<!tpu.dma_semaphore, #tpu.memory_space<semaphore_mem>>) src(%dma_wait3A_274 : memref<10240x128xf32, #tpu.memory_space<hbm>>) dst(%arg7 : memref<125x128xf32, #tpu.memory_space<vmem>>)
      %run_scoped3A_275 = arith.constant 2 : i32
      %run_scoped3A_276 = arith.constant 1 : i32
      "tpu.region"() ({
        %run_scoped3A_369 = tpu.sem_alloc : memref<!tpu.dma_semaphore, #tpu.memory_space<semaphore_mem>>
        %dma_start3A_370 = arith.constant 0 : i32
        %dma_start3A_371 = tpu.memref_slice %arg6[%run_scoped3A_275, %run_scoped3A_276, %dma_start3A_370] : memref<8x2x125xi32, #tpu.memory_space<vmem>> -> memref<1x1x125xi32, #tpu.memory_space<vmem>>
        %dma_start3A_372 = tpu.memref_squeeze %dma_start3A_371 : memref<1x1x125xi32, #tpu.memory_space<vmem>> -> memref<125xi32, #tpu.memory_space<vmem>>
        %dma_start3A_373 = arith.constant 0 : i32
        %dma_start3A_374 = arith.constant 0 : i32
        %dma_start3A_375 = tpu.memref_slice %arg9[%dma_start3A_373, %dma_start3A_374] : memref<10240x128xf32, #tpu.memory_space<vmem_shared>> -> memref<10240x128xf32, #tpu.memory_space<vmem_shared>>
        tpu.enqueue_indirect_dma source(%arg7 : memref<125x128xf32, #tpu.memory_space<vmem>>) target(%dma_start3A_375 : memref<10240x128xf32, #tpu.memory_space<vmem_shared>>) offsets(%dma_start3A_372 : memref<125xi32, #tpu.memory_space<vmem>>) semaphore(%run_scoped3A_369 : memref<!tpu.dma_semaphore, #tpu.memory_space<semaphore_mem>>) {add = true}
        %dma_wait3A_376 = arith.constant 0 : i32
        %dma_wait3A_377 = tpu.memref_slice %arg6[%run_scoped3A_275, %run_scoped3A_276, %dma_wait3A_376] : memref<8x2x125xi32, #tpu.memory_space<vmem>> -> memref<1x1x125xi32, #tpu.memory_space<vmem>>
        %dma_wait3A_378 = tpu.memref_squeeze %dma_wait3A_377 : memref<1x1x125xi32, #tpu.memory_space<vmem>> -> memref<125xi32, #tpu.memory_space<vmem>>
        %dma_wait3A_379 = arith.constant 0 : i32
        %dma_wait3A_380 = arith.constant 0 : i32
        %dma_wait3A_381 = tpu.memref_slice %arg9[%dma_wait3A_379, %dma_wait3A_380] : memref<10240x128xf32, #tpu.memory_space<vmem_shared>> -> memref<10240x128xf32, #tpu.memory_space<vmem_shared>>
        tpu.wait_indirect_dma semaphore(%run_scoped3A_369 : memref<!tpu.dma_semaphore, #tpu.memory_space<semaphore_mem>>) src(%arg7 : memref<125x128xf32, #tpu.memory_space<vmem>>) dst(%dma_wait3A_381 : memref<10240x128xf32, #tpu.memory_space<vmem_shared>>)
        tpu.yield
      }) : () -> ()
      %dma_start3A_277 = arith.constant 4 : i32
      %dma_start3A_278 = arith.constant 0 : i32
      %dma_start3A_279 = arith.constant 0 : i32
      %dma_start3A_280 = tpu.memref_slice %arg6[%dma_start3A_277, %dma_start3A_278, %dma_start3A_279] : memref<8x2x125xi32, #tpu.memory_space<vmem>> -> memref<1x1x125xi32, #tpu.memory_space<vmem>>
      %dma_start3A_281 = tpu.memref_squeeze %dma_start3A_280 : memref<1x1x125xi32, #tpu.memory_space<vmem>> -> memref<125xi32, #tpu.memory_space<vmem>>
      %dma_start3A_282 = arith.constant 0 : i32
      %dma_start3A_283 = arith.constant 0 : i32
      %dma_start3A_284 = tpu.memref_slice %arg2[%dma_start3A_282, %dma_start3A_283] : memref<10240x128xf32, #tpu.memory_space<hbm>> -> memref<10240x128xf32, #tpu.memory_space<hbm>>
      tpu.enqueue_indirect_dma source(%dma_start3A_284 : memref<10240x128xf32, #tpu.memory_space<hbm>>) target(%arg7 : memref<125x128xf32, #tpu.memory_space<vmem>>) offsets(%dma_start3A_281 : memref<125xi32, #tpu.memory_space<vmem>>) semaphore(%arg10 : memref<!tpu.dma_semaphore, #tpu.memory_space<semaphore_mem>>)
      %dma_wait3A_285 = arith.constant 3 : i32
      %dma_wait3A_286 = arith.constant 0 : i32
      %dma_wait3A_287 = arith.constant 0 : i32
      %dma_wait3A_288 = tpu.memref_slice %arg6[%dma_wait3A_285, %dma_wait3A_286, %dma_wait3A_287] : memref<8x2x125xi32, #tpu.memory_space<vmem>> -> memref<1x1x125xi32, #tpu.memory_space<vmem>>
      %dma_wait3A_289 = tpu.memref_squeeze %dma_wait3A_288 : memref<1x1x125xi32, #tpu.memory_space<vmem>> -> memref<125xi32, #tpu.memory_space<vmem>>
      %dma_wait3A_290 = arith.constant 0 : i32
      %dma_wait3A_291 = arith.constant 0 : i32
      %dma_wait3A_292 = tpu.memref_slice %arg2[%dma_wait3A_290, %dma_wait3A_291] : memref<10240x128xf32, #tpu.memory_space<hbm>> -> memref<10240x128xf32, #tpu.memory_space<hbm>>
      tpu.wait_indirect_dma semaphore(%arg11 : memref<!tpu.dma_semaphore, #tpu.memory_space<semaphore_mem>>) src(%dma_wait3A_292 : memref<10240x128xf32, #tpu.memory_space<hbm>>) dst(%arg8 : memref<125x128xf32, #tpu.memory_space<vmem>>)
      %run_scoped3A_293 = arith.constant 3 : i32
      %run_scoped3A_294 = arith.constant 1 : i32
      "tpu.region"() ({
        %run_scoped3A_369 = tpu.sem_alloc : memref<!tpu.dma_semaphore, #tpu.memory_space<semaphore_mem>>
        %dma_start3A_370 = arith.constant 0 : i32
        %dma_start3A_371 = tpu.memref_slice %arg6[%run_scoped3A_293, %run_scoped3A_294, %dma_start3A_370] : memref<8x2x125xi32, #tpu.memory_space<vmem>> -> memref<1x1x125xi32, #tpu.memory_space<vmem>>
        %dma_start3A_372 = tpu.memref_squeeze %dma_start3A_371 : memref<1x1x125xi32, #tpu.memory_space<vmem>> -> memref<125xi32, #tpu.memory_space<vmem>>
        %dma_start3A_373 = arith.constant 0 : i32
        %dma_start3A_374 = arith.constant 0 : i32
        %dma_start3A_375 = tpu.memref_slice %arg9[%dma_start3A_373, %dma_start3A_374] : memref<10240x128xf32, #tpu.memory_space<vmem_shared>> -> memref<10240x128xf32, #tpu.memory_space<vmem_shared>>
        tpu.enqueue_indirect_dma source(%arg8 : memref<125x128xf32, #tpu.memory_space<vmem>>) target(%dma_start3A_375 : memref<10240x128xf32, #tpu.memory_space<vmem_shared>>) offsets(%dma_start3A_372 : memref<125xi32, #tpu.memory_space<vmem>>) semaphore(%run_scoped3A_369 : memref<!tpu.dma_semaphore, #tpu.memory_space<semaphore_mem>>) {add = true}
        %dma_wait3A_376 = arith.constant 0 : i32
        %dma_wait3A_377 = tpu.memref_slice %arg6[%run_scoped3A_293, %run_scoped3A_294, %dma_wait3A_376] : memref<8x2x125xi32, #tpu.memory_space<vmem>> -> memref<1x1x125xi32, #tpu.memory_space<vmem>>
        %dma_wait3A_378 = tpu.memref_squeeze %dma_wait3A_377 : memref<1x1x125xi32, #tpu.memory_space<vmem>> -> memref<125xi32, #tpu.memory_space<vmem>>
        %dma_wait3A_379 = arith.constant 0 : i32
        %dma_wait3A_380 = arith.constant 0 : i32
        %dma_wait3A_381 = tpu.memref_slice %arg9[%dma_wait3A_379, %dma_wait3A_380] : memref<10240x128xf32, #tpu.memory_space<vmem_shared>> -> memref<10240x128xf32, #tpu.memory_space<vmem_shared>>
        tpu.wait_indirect_dma semaphore(%run_scoped3A_369 : memref<!tpu.dma_semaphore, #tpu.memory_space<semaphore_mem>>) src(%arg8 : memref<125x128xf32, #tpu.memory_space<vmem>>) dst(%dma_wait3A_381 : memref<10240x128xf32, #tpu.memory_space<vmem_shared>>)
        tpu.yield
      }) : () -> ()
      %dma_start3A_295 = arith.constant 5 : i32
      %dma_start3A_296 = arith.constant 0 : i32
      %dma_start3A_297 = arith.constant 0 : i32
      %dma_start3A_298 = tpu.memref_slice %arg6[%dma_start3A_295, %dma_start3A_296, %dma_start3A_297] : memref<8x2x125xi32, #tpu.memory_space<vmem>> -> memref<1x1x125xi32, #tpu.memory_space<vmem>>
      %dma_start3A_299 = tpu.memref_squeeze %dma_start3A_298 : memref<1x1x125xi32, #tpu.memory_space<vmem>> -> memref<125xi32, #tpu.memory_space<vmem>>
      %dma_start3A_300 = arith.constant 0 : i32
      %dma_start3A_301 = arith.constant 0 : i32
      %dma_start3A_302 = tpu.memref_slice %arg2[%dma_start3A_300, %dma_start3A_301] : memref<10240x128xf32, #tpu.memory_space<hbm>> -> memref<10240x128xf32, #tpu.memory_space<hbm>>
      tpu.enqueue_indirect_dma source(%dma_start3A_302 : memref<10240x128xf32, #tpu.memory_space<hbm>>) target(%arg8 : memref<125x128xf32, #tpu.memory_space<vmem>>) offsets(%dma_start3A_299 : memref<125xi32, #tpu.memory_space<vmem>>) semaphore(%arg11 : memref<!tpu.dma_semaphore, #tpu.memory_space<semaphore_mem>>)
      %dma_wait3A_303 = arith.constant 4 : i32
      %dma_wait3A_304 = arith.constant 0 : i32
      %dma_wait3A_305 = arith.constant 0 : i32
      %dma_wait3A_306 = tpu.memref_slice %arg6[%dma_wait3A_303, %dma_wait3A_304, %dma_wait3A_305] : memref<8x2x125xi32, #tpu.memory_space<vmem>> -> memref<1x1x125xi32, #tpu.memory_space<vmem>>
      %dma_wait3A_307 = tpu.memref_squeeze %dma_wait3A_306 : memref<1x1x125xi32, #tpu.memory_space<vmem>> -> memref<125xi32, #tpu.memory_space<vmem>>
      %dma_wait3A_308 = arith.constant 0 : i32
      %dma_wait3A_309 = arith.constant 0 : i32
      %dma_wait3A_310 = tpu.memref_slice %arg2[%dma_wait3A_308, %dma_wait3A_309] : memref<10240x128xf32, #tpu.memory_space<hbm>> -> memref<10240x128xf32, #tpu.memory_space<hbm>>
      tpu.wait_indirect_dma semaphore(%arg10 : memref<!tpu.dma_semaphore, #tpu.memory_space<semaphore_mem>>) src(%dma_wait3A_310 : memref<10240x128xf32, #tpu.memory_space<hbm>>) dst(%arg7 : memref<125x128xf32, #tpu.memory_space<vmem>>)
      %run_scoped3A_311 = arith.constant 4 : i32
      %run_scoped3A_312 = arith.constant 1 : i32
      "tpu.region"() ({
        %run_scoped3A_369 = tpu.sem_alloc : memref<!tpu.dma_semaphore, #tpu.memory_space<semaphore_mem>>
        %dma_start3A_370 = arith.constant 0 : i32
        %dma_start3A_371 = tpu.memref_slice %arg6[%run_scoped3A_311, %run_scoped3A_312, %dma_start3A_370] : memref<8x2x125xi32, #tpu.memory_space<vmem>> -> memref<1x1x125xi32, #tpu.memory_space<vmem>>
        %dma_start3A_372 = tpu.memref_squeeze %dma_start3A_371 : memref<1x1x125xi32, #tpu.memory_space<vmem>> -> memref<125xi32, #tpu.memory_space<vmem>>
        %dma_start3A_373 = arith.constant 0 : i32
        %dma_start3A_374 = arith.constant 0 : i32
        %dma_start3A_375 = tpu.memref_slice %arg9[%dma_start3A_373, %dma_start3A_374] : memref<10240x128xf32, #tpu.memory_space<vmem_shared>> -> memref<10240x128xf32, #tpu.memory_space<vmem_shared>>
        tpu.enqueue_indirect_dma source(%arg7 : memref<125x128xf32, #tpu.memory_space<vmem>>) target(%dma_start3A_375 : memref<10240x128xf32, #tpu.memory_space<vmem_shared>>) offsets(%dma_start3A_372 : memref<125xi32, #tpu.memory_space<vmem>>) semaphore(%run_scoped3A_369 : memref<!tpu.dma_semaphore, #tpu.memory_space<semaphore_mem>>) {add = true}
        %dma_wait3A_376 = arith.constant 0 : i32
        %dma_wait3A_377 = tpu.memref_slice %arg6[%run_scoped3A_311, %run_scoped3A_312, %dma_wait3A_376] : memref<8x2x125xi32, #tpu.memory_space<vmem>> -> memref<1x1x125xi32, #tpu.memory_space<vmem>>
        %dma_wait3A_378 = tpu.memref_squeeze %dma_wait3A_377 : memref<1x1x125xi32, #tpu.memory_space<vmem>> -> memref<125xi32, #tpu.memory_space<vmem>>
        %dma_wait3A_379 = arith.constant 0 : i32
        %dma_wait3A_380 = arith.constant 0 : i32
        %dma_wait3A_381 = tpu.memref_slice %arg9[%dma_wait3A_379, %dma_wait3A_380] : memref<10240x128xf32, #tpu.memory_space<vmem_shared>> -> memref<10240x128xf32, #tpu.memory_space<vmem_shared>>
        tpu.wait_indirect_dma semaphore(%run_scoped3A_369 : memref<!tpu.dma_semaphore, #tpu.memory_space<semaphore_mem>>) src(%arg7 : memref<125x128xf32, #tpu.memory_space<vmem>>) dst(%dma_wait3A_381 : memref<10240x128xf32, #tpu.memory_space<vmem_shared>>)
        tpu.yield
      }) : () -> ()
      %dma_start3A_313 = arith.constant 6 : i32
      %dma_start3A_314 = arith.constant 0 : i32
      %dma_start3A_315 = arith.constant 0 : i32
      %dma_start3A_316 = tpu.memref_slice %arg6[%dma_start3A_313, %dma_start3A_314, %dma_start3A_315] : memref<8x2x125xi32, #tpu.memory_space<vmem>> -> memref<1x1x125xi32, #tpu.memory_space<vmem>>
      %dma_start3A_317 = tpu.memref_squeeze %dma_start3A_316 : memref<1x1x125xi32, #tpu.memory_space<vmem>> -> memref<125xi32, #tpu.memory_space<vmem>>
      %dma_start3A_318 = arith.constant 0 : i32
      %dma_start3A_319 = arith.constant 0 : i32
      %dma_start3A_320 = tpu.memref_slice %arg2[%dma_start3A_318, %dma_start3A_319] : memref<10240x128xf32, #tpu.memory_space<hbm>> -> memref<10240x128xf32, #tpu.memory_space<hbm>>
      tpu.enqueue_indirect_dma source(%dma_start3A_320 : memref<10240x128xf32, #tpu.memory_space<hbm>>) target(%arg7 : memref<125x128xf32, #tpu.memory_space<vmem>>) offsets(%dma_start3A_317 : memref<125xi32, #tpu.memory_space<vmem>>) semaphore(%arg10 : memref<!tpu.dma_semaphore, #tpu.memory_space<semaphore_mem>>)
      %dma_wait3A_321 = arith.constant 5 : i32
      %dma_wait3A_322 = arith.constant 0 : i32
      %dma_wait3A_323 = arith.constant 0 : i32
      %dma_wait3A_324 = tpu.memref_slice %arg6[%dma_wait3A_321, %dma_wait3A_322, %dma_wait3A_323] : memref<8x2x125xi32, #tpu.memory_space<vmem>> -> memref<1x1x125xi32, #tpu.memory_space<vmem>>
      %dma_wait3A_325 = tpu.memref_squeeze %dma_wait3A_324 : memref<1x1x125xi32, #tpu.memory_space<vmem>> -> memref<125xi32, #tpu.memory_space<vmem>>
      %dma_wait3A_326 = arith.constant 0 : i32
      %dma_wait3A_327 = arith.constant 0 : i32
      %dma_wait3A_328 = tpu.memref_slice %arg2[%dma_wait3A_326, %dma_wait3A_327] : memref<10240x128xf32, #tpu.memory_space<hbm>> -> memref<10240x128xf32, #tpu.memory_space<hbm>>
      tpu.wait_indirect_dma semaphore(%arg11 : memref<!tpu.dma_semaphore, #tpu.memory_space<semaphore_mem>>) src(%dma_wait3A_328 : memref<10240x128xf32, #tpu.memory_space<hbm>>) dst(%arg8 : memref<125x128xf32, #tpu.memory_space<vmem>>)
      %run_scoped3A_329 = arith.constant 5 : i32
      %run_scoped3A_330 = arith.constant 1 : i32
      "tpu.region"() ({
        %run_scoped3A_369 = tpu.sem_alloc : memref<!tpu.dma_semaphore, #tpu.memory_space<semaphore_mem>>
        %dma_start3A_370 = arith.constant 0 : i32
        %dma_start3A_371 = tpu.memref_slice %arg6[%run_scoped3A_329, %run_scoped3A_330, %dma_start3A_370] : memref<8x2x125xi32, #tpu.memory_space<vmem>> -> memref<1x1x125xi32, #tpu.memory_space<vmem>>
        %dma_start3A_372 = tpu.memref_squeeze %dma_start3A_371 : memref<1x1x125xi32, #tpu.memory_space<vmem>> -> memref<125xi32, #tpu.memory_space<vmem>>
        %dma_start3A_373 = arith.constant 0 : i32
        %dma_start3A_374 = arith.constant 0 : i32
        %dma_start3A_375 = tpu.memref_slice %arg9[%dma_start3A_373, %dma_start3A_374] : memref<10240x128xf32, #tpu.memory_space<vmem_shared>> -> memref<10240x128xf32, #tpu.memory_space<vmem_shared>>
        tpu.enqueue_indirect_dma source(%arg8 : memref<125x128xf32, #tpu.memory_space<vmem>>) target(%dma_start3A_375 : memref<10240x128xf32, #tpu.memory_space<vmem_shared>>) offsets(%dma_start3A_372 : memref<125xi32, #tpu.memory_space<vmem>>) semaphore(%run_scoped3A_369 : memref<!tpu.dma_semaphore, #tpu.memory_space<semaphore_mem>>) {add = true}
        %dma_wait3A_376 = arith.constant 0 : i32
        %dma_wait3A_377 = tpu.memref_slice %arg6[%run_scoped3A_329, %run_scoped3A_330, %dma_wait3A_376] : memref<8x2x125xi32, #tpu.memory_space<vmem>> -> memref<1x1x125xi32, #tpu.memory_space<vmem>>
        %dma_wait3A_378 = tpu.memref_squeeze %dma_wait3A_377 : memref<1x1x125xi32, #tpu.memory_space<vmem>> -> memref<125xi32, #tpu.memory_space<vmem>>
        %dma_wait3A_379 = arith.constant 0 : i32
        %dma_wait3A_380 = arith.constant 0 : i32
        %dma_wait3A_381 = tpu.memref_slice %arg9[%dma_wait3A_379, %dma_wait3A_380] : memref<10240x128xf32, #tpu.memory_space<vmem_shared>> -> memref<10240x128xf32, #tpu.memory_space<vmem_shared>>
        tpu.wait_indirect_dma semaphore(%run_scoped3A_369 : memref<!tpu.dma_semaphore, #tpu.memory_space<semaphore_mem>>) src(%arg8 : memref<125x128xf32, #tpu.memory_space<vmem>>) dst(%dma_wait3A_381 : memref<10240x128xf32, #tpu.memory_space<vmem_shared>>)
        tpu.yield
      }) : () -> ()
      %dma_start3A_331 = arith.constant 7 : i32
      %dma_start3A_332 = arith.constant 0 : i32
      %dma_start3A_333 = arith.constant 0 : i32
      %dma_start3A_334 = tpu.memref_slice %arg6[%dma_start3A_331, %dma_start3A_332, %dma_start3A_333] : memref<8x2x125xi32, #tpu.memory_space<vmem>> -> memref<1x1x125xi32, #tpu.memory_space<vmem>>
      %dma_start3A_335 = tpu.memref_squeeze %dma_start3A_334 : memref<1x1x125xi32, #tpu.memory_space<vmem>> -> memref<125xi32, #tpu.memory_space<vmem>>
      %dma_start3A_336 = arith.constant 0 : i32
      %dma_start3A_337 = arith.constant 0 : i32
      %dma_start3A_338 = tpu.memref_slice %arg2[%dma_start3A_336, %dma_start3A_337] : memref<10240x128xf32, #tpu.memory_space<hbm>> -> memref<10240x128xf32, #tpu.memory_space<hbm>>
      tpu.enqueue_indirect_dma source(%dma_start3A_338 : memref<10240x128xf32, #tpu.memory_space<hbm>>) target(%arg8 : memref<125x128xf32, #tpu.memory_space<vmem>>) offsets(%dma_start3A_335 : memref<125xi32, #tpu.memory_space<vmem>>) semaphore(%arg11 : memref<!tpu.dma_semaphore, #tpu.memory_space<semaphore_mem>>)
      %dma_wait3A_339 = arith.constant 6 : i32
      %dma_wait3A_340 = arith.constant 0 : i32
      %dma_wait3A_341 = arith.constant 0 : i32
      %dma_wait3A_342 = tpu.memref_slice %arg6[%dma_wait3A_339, %dma_wait3A_340, %dma_wait3A_341] : memref<8x2x125xi32, #tpu.memory_space<vmem>> -> memref<1x1x125xi32, #tpu.memory_space<vmem>>
      %dma_wait3A_343 = tpu.memref_squeeze %dma_wait3A_342 : memref<1x1x125xi32, #tpu.memory_space<vmem>> -> memref<125xi32, #tpu.memory_space<vmem>>
      %dma_wait3A_344 = arith.constant 0 : i32
      %dma_wait3A_345 = arith.constant 0 : i32
      %dma_wait3A_346 = tpu.memref_slice %arg2[%dma_wait3A_344, %dma_wait3A_345] : memref<10240x128xf32, #tpu.memory_space<hbm>> -> memref<10240x128xf32, #tpu.memory_space<hbm>>
      tpu.wait_indirect_dma semaphore(%arg10 : memref<!tpu.dma_semaphore, #tpu.memory_space<semaphore_mem>>) src(%dma_wait3A_346 : memref<10240x128xf32, #tpu.memory_space<hbm>>) dst(%arg7 : memref<125x128xf32, #tpu.memory_space<vmem>>)
      %run_scoped3A_347 = arith.constant 6 : i32
      %run_scoped3A_348 = arith.constant 1 : i32
      "tpu.region"() ({
        %run_scoped3A_369 = tpu.sem_alloc : memref<!tpu.dma_semaphore, #tpu.memory_space<semaphore_mem>>
        %dma_start3A_370 = arith.constant 0 : i32
        %dma_start3A_371 = tpu.memref_slice %arg6[%run_scoped3A_347, %run_scoped3A_348, %dma_start3A_370] : memref<8x2x125xi32, #tpu.memory_space<vmem>> -> memref<1x1x125xi32, #tpu.memory_space<vmem>>
        %dma_start3A_372 = tpu.memref_squeeze %dma_start3A_371 : memref<1x1x125xi32, #tpu.memory_space<vmem>> -> memref<125xi32, #tpu.memory_space<vmem>>
        %dma_start3A_373 = arith.constant 0 : i32
        %dma_start3A_374 = arith.constant 0 : i32
        %dma_start3A_375 = tpu.memref_slice %arg9[%dma_start3A_373, %dma_start3A_374] : memref<10240x128xf32, #tpu.memory_space<vmem_shared>> -> memref<10240x128xf32, #tpu.memory_space<vmem_shared>>
        tpu.enqueue_indirect_dma source(%arg7 : memref<125x128xf32, #tpu.memory_space<vmem>>) target(%dma_start3A_375 : memref<10240x128xf32, #tpu.memory_space<vmem_shared>>) offsets(%dma_start3A_372 : memref<125xi32, #tpu.memory_space<vmem>>) semaphore(%run_scoped3A_369 : memref<!tpu.dma_semaphore, #tpu.memory_space<semaphore_mem>>) {add = true}
        %dma_wait3A_376 = arith.constant 0 : i32
        %dma_wait3A_377 = tpu.memref_slice %arg6[%run_scoped3A_347, %run_scoped3A_348, %dma_wait3A_376] : memref<8x2x125xi32, #tpu.memory_space<vmem>> -> memref<1x1x125xi32, #tpu.memory_space<vmem>>
        %dma_wait3A_378 = tpu.memref_squeeze %dma_wait3A_377 : memref<1x1x125xi32, #tpu.memory_space<vmem>> -> memref<125xi32, #tpu.memory_space<vmem>>
        %dma_wait3A_379 = arith.constant 0 : i32
        %dma_wait3A_380 = arith.constant 0 : i32
        %dma_wait3A_381 = tpu.memref_slice %arg9[%dma_wait3A_379, %dma_wait3A_380] : memref<10240x128xf32, #tpu.memory_space<vmem_shared>> -> memref<10240x128xf32, #tpu.memory_space<vmem_shared>>
        tpu.wait_indirect_dma semaphore(%run_scoped3A_369 : memref<!tpu.dma_semaphore, #tpu.memory_space<semaphore_mem>>) src(%arg7 : memref<125x128xf32, #tpu.memory_space<vmem>>) dst(%dma_wait3A_381 : memref<10240x128xf32, #tpu.memory_space<vmem_shared>>)
        tpu.yield
      }) : () -> ()
      %lt3A_349 = arith.constant 4 : i32
      %lt3A_350 = arith.cmpi slt, %scan3A_66, %lt3A_349 : i32
      %convert_element_type3A_351 = arith.extui %lt3A_350 : i1 to i32
      %cond3A_352 = arith.constant 0 : i32
      %cond3A_353 = arith.cmpi ne, %convert_element_type3A_351, %cond3A_352 : i32
      scf.if %cond3A_353 {
        %dma_wait3A_369 = arith.constant 0 : i32
        %dma_wait3A_370 = arith.constant 0 : i32
        %dma_wait3A_371 = arith.constant 0 : i32
        %dma_wait3A_372 = arith.constant 0 : i32
        %dma_wait3A_373 = tpu.memref_slice %arg3[%add3A, %dma_wait3A_369, %dma_wait3A_370, %dma_wait3A_371, %dma_wait3A_372] : memref<32x10x8x2x125xi32, #tpu.memory_space<hbm>> -> memref<1x1x8x2x125xi32, #tpu.memory_space<hbm>>
        %dma_wait3A_374 = tpu.memref_squeeze %dma_wait3A_373 : memref<1x1x8x2x125xi32, #tpu.memory_space<hbm>> -> memref<8x2x125xi32, #tpu.memory_space<hbm>>
        %dma_wait3A_375 = arith.constant 0 : i32
        %dma_wait3A_376 = arith.constant 0 : i32
        %dma_wait3A_377 = arith.constant 0 : i32
        %dma_wait3A_378 = tpu.memref_slice %arg3[%add3A, %dma_wait3A_369, %dma_wait3A_375, %dma_wait3A_376, %dma_wait3A_377] : memref<32x10x8x2x125xi32, #tpu.memory_space<hbm>> -> memref<1x1x8x2x125xi32, #tpu.memory_space<hbm>>
        %dma_wait3A_379 = tpu.memref_squeeze %dma_wait3A_378 : memref<1x1x8x2x125xi32, #tpu.memory_space<hbm>> -> memref<8x2x125xi32, #tpu.memory_space<hbm>>
        tpu.wait_dma2 semaphore(%arg12 : memref<!tpu.dma_semaphore, #tpu.memory_space<semaphore_mem>>) src(%dma_wait3A_379 : memref<8x2x125xi32, #tpu.memory_space<hbm>>) dst(%arg5 : memref<8x2x125xi32, #tpu.memory_space<vmem>>)
        %dma_start3A_380 = arith.constant 0 : i32
        %dma_start3A_381 = arith.constant 0 : i32
        %dma_start3A_382 = arith.constant 0 : i32
        %dma_start3A_383 = tpu.memref_slice %arg5[%dma_start3A_380, %dma_start3A_381, %dma_start3A_382] : memref<8x2x125xi32, #tpu.memory_space<vmem>> -> memref<1x1x125xi32, #tpu.memory_space<vmem>>
        %dma_start3A_384 = tpu.memref_squeeze %dma_start3A_383 : memref<1x1x125xi32, #tpu.memory_space<vmem>> -> memref<125xi32, #tpu.memory_space<vmem>>
        %dma_start3A_385 = arith.constant 0 : i32
        %dma_start3A_386 = arith.constant 0 : i32
        %dma_start3A_387 = tpu.memref_slice %arg2[%dma_start3A_385, %dma_start3A_386] : memref<10240x128xf32, #tpu.memory_space<hbm>> -> memref<10240x128xf32, #tpu.memory_space<hbm>>
        tpu.enqueue_indirect_dma source(%dma_start3A_387 : memref<10240x128xf32, #tpu.memory_space<hbm>>) target(%arg7 : memref<125x128xf32, #tpu.memory_space<vmem>>) offsets(%dma_start3A_384 : memref<125xi32, #tpu.memory_space<vmem>>) semaphore(%arg10 : memref<!tpu.dma_semaphore, #tpu.memory_space<semaphore_mem>>)
      } else {
      }
      %dma_wait3A_354 = arith.constant 7 : i32
      %dma_wait3A_355 = arith.constant 0 : i32
      %dma_wait3A_356 = arith.constant 0 : i32
      %dma_wait3A_357 = tpu.memref_slice %arg6[%dma_wait3A_354, %dma_wait3A_355, %dma_wait3A_356] : memref<8x2x125xi32, #tpu.memory_space<vmem>> -> memref<1x1x125xi32, #tpu.memory_space<vmem>>
      %dma_wait3A_358 = tpu.memref_squeeze %dma_wait3A_357 : memref<1x1x125xi32, #tpu.memory_space<vmem>> -> memref<125xi32, #tpu.memory_space<vmem>>
      %dma_wait3A_359 = arith.constant 0 : i32
      %dma_wait3A_360 = arith.constant 0 : i32
      %dma_wait3A_361 = tpu.memref_slice %arg2[%dma_wait3A_359, %dma_wait3A_360] : memref<10240x128xf32, #tpu.memory_space<hbm>> -> memref<10240x128xf32, #tpu.memory_space<hbm>>
      tpu.wait_indirect_dma semaphore(%arg11 : memref<!tpu.dma_semaphore, #tpu.memory_space<semaphore_mem>>) src(%dma_wait3A_361 : memref<10240x128xf32, #tpu.memory_space<hbm>>) dst(%arg8 : memref<125x128xf32, #tpu.memory_space<vmem>>)
      %run_scoped3A_362 = arith.constant 7 : i32
      %run_scoped3A_363 = arith.constant 1 : i32
      "tpu.region"() ({
        %run_scoped3A_369 = tpu.sem_alloc : memref<!tpu.dma_semaphore, #tpu.memory_space<semaphore_mem>>
        %dma_start3A_370 = arith.constant 0 : i32
        %dma_start3A_371 = tpu.memref_slice %arg6[%run_scoped3A_362, %run_scoped3A_363, %dma_start3A_370] : memref<8x2x125xi32, #tpu.memory_space<vmem>> -> memref<1x1x125xi32, #tpu.memory_space<vmem>>
        %dma_start3A_372 = tpu.memref_squeeze %dma_start3A_371 : memref<1x1x125xi32, #tpu.memory_space<vmem>> -> memref<125xi32, #tpu.memory_space<vmem>>
        %dma_start3A_373 = arith.constant 0 : i32
        %dma_start3A_374 = arith.constant 0 : i32
        %dma_start3A_375 = tpu.memref_slice %arg9[%dma_start3A_373, %dma_start3A_374] : memref<10240x128xf32, #tpu.memory_space<vmem_shared>> -> memref<10240x128xf32, #tpu.memory_space<vmem_shared>>
        tpu.enqueue_indirect_dma source(%arg8 : memref<125x128xf32, #tpu.memory_space<vmem>>) target(%dma_start3A_375 : memref<10240x128xf32, #tpu.memory_space<vmem_shared>>) offsets(%dma_start3A_372 : memref<125xi32, #tpu.memory_space<vmem>>) semaphore(%run_scoped3A_369 : memref<!tpu.dma_semaphore, #tpu.memory_space<semaphore_mem>>) {add = true}
        %dma_wait3A_376 = arith.constant 0 : i32
        %dma_wait3A_377 = tpu.memref_slice %arg6[%run_scoped3A_362, %run_scoped3A_363, %dma_wait3A_376] : memref<8x2x125xi32, #tpu.memory_space<vmem>> -> memref<1x1x125xi32, #tpu.memory_space<vmem>>
        %dma_wait3A_378 = tpu.memref_squeeze %dma_wait3A_377 : memref<1x1x125xi32, #tpu.memory_space<vmem>> -> memref<125xi32, #tpu.memory_space<vmem>>
        %dma_wait3A_379 = arith.constant 0 : i32
        %dma_wait3A_380 = arith.constant 0 : i32
        %dma_wait3A_381 = tpu.memref_slice %arg9[%dma_wait3A_379, %dma_wait3A_380] : memref<10240x128xf32, #tpu.memory_space<vmem_shared>> -> memref<10240x128xf32, #tpu.memory_space<vmem_shared>>
        tpu.wait_indirect_dma semaphore(%run_scoped3A_369 : memref<!tpu.dma_semaphore, #tpu.memory_space<semaphore_mem>>) src(%arg8 : memref<125x128xf32, #tpu.memory_space<vmem>>) dst(%dma_wait3A_381 : memref<10240x128xf32, #tpu.memory_space<vmem_shared>>)
        tpu.yield
      }) : () -> ()
      %lt3A_364 = arith.constant 4 : i32
      %lt3A_365 = arith.cmpi slt, %scan3A_66, %lt3A_364 : i32
      %convert_element_type3A_366 = arith.extui %lt3A_365 : i1 to i32
      %cond3A_367 = arith.constant 0 : i32
      %cond3A_368 = arith.cmpi ne, %convert_element_type3A_366, %cond3A_367 : i32
      scf.if %cond3A_368 {
        %mul3A_369 = arith.constant 2 : i32
        %mul3A_370 = arith.muli %mul3A_369, %scan3A_66 : i32
        %add3A_371 = arith.constant 3 : i32
        %add3A_372 = arith.addi %mul3A_370, %add3A_371 : i32
        %dma_start3A_373 = arith.constant 0 : i32
        %dma_start3A_374 = arith.constant 0 : i32
        %dma_start3A_375 = arith.constant 0 : i32
        %dma_start3A_376 = tpu.memref_slice %arg3[%add3A, %add3A_372, %dma_start3A_373, %dma_start3A_374, %dma_start3A_375] : memref<32x10x8x2x125xi32, #tpu.memory_space<hbm>> -> memref<1x1x8x2x125xi32, #tpu.memory_space<hbm>>
        %dma_start3A_377 = tpu.memref_squeeze %dma_start3A_376 : memref<1x1x8x2x125xi32, #tpu.memory_space<hbm>> -> memref<8x2x125xi32, #tpu.memory_space<hbm>>
        %dma_start3A_378 = arith.constant 0 : i32
        %dma_start3A_379 = arith.constant 0 : i32
        %dma_start3A_380 = arith.constant 0 : i32
        %dma_start3A_381 = tpu.memref_slice %arg3[%add3A, %add3A_372, %dma_start3A_378, %dma_start3A_379, %dma_start3A_380] : memref<32x10x8x2x125xi32, #tpu.memory_space<hbm>> -> memref<1x1x8x2x125xi32, #tpu.memory_space<hbm>>
        %dma_start3A_382 = tpu.memref_squeeze %dma_start3A_381 : memref<1x1x8x2x125xi32, #tpu.memory_space<hbm>> -> memref<8x2x125xi32, #tpu.memory_space<hbm>>
        tpu.enqueue_dma source(%dma_start3A_382 : memref<8x2x125xi32, #tpu.memory_space<hbm>>) target(%arg6 : memref<8x2x125xi32, #tpu.memory_space<vmem>>) target_semaphore(%arg13 : memref<!tpu.dma_semaphore, #tpu.memory_space<semaphore_mem>>)
      } else {
      }
    }
    %scan3A_64 = arith.constant 5 : i32
    %barrier3A_65 = arith.constant 0 : index
    tpu.barrier barrier_id(%barrier3A_65)
    "tpu.region"() ({
      %run_scoped3A = tpu.sem_alloc : memref<!tpu.dma_semaphore, #tpu.memory_space<semaphore_mem>>
      %dma_start3A_66 = arith.constant 0 : i32
      %dma_start3A_67 = tpu.memref_slice %arg4[%arg0, %mul3A_46, %dma_start3A_66] : memref<2x10240x128xf32, #tpu.memory_space<hbm>> -> memref<1x640x128xf32, #tpu.memory_space<hbm>>
      %dma_start3A_68 = tpu.memref_squeeze %dma_start3A_67 : memref<1x640x128xf32, #tpu.memory_space<hbm>> -> memref<640x128xf32, #tpu.memory_space<hbm>>
      %dma_start3A_69 = arith.constant 0 : i32
      %dma_start3A_70 = tpu.memref_slice %arg9[%mul3A_46, %dma_start3A_69] : memref<10240x128xf32, #tpu.memory_space<vmem_shared>> -> memref<640x128xf32, #tpu.memory_space<vmem_shared>>
      tpu.enqueue_dma source(%dma_start3A_70 : memref<640x128xf32, #tpu.memory_space<vmem_shared>>) target(%dma_start3A_68 : memref<640x128xf32, #tpu.memory_space<hbm>>) target_semaphore(%run_scoped3A : memref<!tpu.dma_semaphore, #tpu.memory_space<semaphore_mem>>)
      %dma_wait3A_71 = arith.constant 0 : i32
      %dma_wait3A_72 = tpu.memref_slice %arg4[%arg0, %mul3A_46, %dma_wait3A_71] : memref<2x10240x128xf32, #tpu.memory_space<hbm>> -> memref<1x640x128xf32, #tpu.memory_space<hbm>>
      %dma_wait3A_73 = tpu.memref_squeeze %dma_wait3A_72 : memref<1x640x128xf32, #tpu.memory_space<hbm>> -> memref<640x128xf32, #tpu.memory_space<hbm>>
      %dma_wait3A_74 = arith.constant 0 : i32
      %dma_wait3A_75 = tpu.memref_slice %arg9[%mul3A_46, %dma_wait3A_74] : memref<10240x128xf32, #tpu.memory_space<vmem_shared>> -> memref<640x128xf32, #tpu.memory_space<vmem_shared>>
      tpu.wait_dma2 semaphore(%run_scoped3A : memref<!tpu.dma_semaphore, #tpu.memory_space<semaphore_mem>>) src(%dma_wait3A_75 : memref<640x128xf32, #tpu.memory_space<vmem_shared>>) dst(%dma_wait3A_73 : memref<640x128xf32, #tpu.memory_space<hbm>>)
      tpu.yield
    }) : () -> ()
    return
  }
}

#map = affine_map<(d0, d1) -> (0, 0, 0)>
#map1 = affine_map<(d0, d1) -> (0, 0)>
module attributes {stable_mosaic.version = 14 : i64} {
  func.func @_sc_degree(%arg0: i32, %arg1: i32, %arg2: memref<32x80x125xi32, #tpu.memory_space<hbm>>, %arg3: memref<2x10240xf32, #tpu.memory_space<hbm>>, %arg4: memref<80x125xi32, #tpu.memory_space<vmem>>, %arg5: memref<128xf32, #tpu.memory_space<vmem>>, %arg6: memref<640xf32, #tpu.memory_space<vmem>>, %arg7: memref<10240xf32, #tpu.memory_space<vmem_shared>>, %arg8: memref<!tpu.dma_semaphore, #tpu.memory_space<semaphore_mem>>, %arg9: memref<!tpu.dma_semaphore, #tpu.memory_space<semaphore_mem>>) attributes {dimension_semantics = [#tpu.dimension_semantics<core_parallel>, #tpu.dimension_semantics<subcore_parallel>], iteration_bounds = array<i64: 2, 16>, scalar_prefetch = 0 : i64, scratch_operands = 6 : i64, tpu.core_type = #tpu.core_type<sc_vector_subcore>, window_params = [{transform_indices = #map}, {transform_indices = #map1}]} {
    %mul3A = arith.constant 16 : i32
    %mul3A_0 = arith.muli %arg0, %mul3A : i32
    %add3A = arith.addi %mul3A_0, %arg1 : i32
    %dma_start3A = arith.constant 0 : i32
    %dma_start3A_1 = arith.constant 0 : i32
    %dma_start3A_2 = tpu.memref_slice %arg2[%add3A, %dma_start3A, %dma_start3A_1] : memref<32x80x125xi32, #tpu.memory_space<hbm>> -> memref<1x80x125xi32, #tpu.memory_space<hbm>>
    %dma_start3A_3 = tpu.memref_squeeze %dma_start3A_2 : memref<1x80x125xi32, #tpu.memory_space<hbm>> -> memref<80x125xi32, #tpu.memory_space<hbm>>
    %dma_start3A_4 = arith.constant 0 : i32
    %dma_start3A_5 = arith.constant 0 : i32
    %dma_start3A_6 = tpu.memref_slice %arg2[%add3A, %dma_start3A_4, %dma_start3A_5] : memref<32x80x125xi32, #tpu.memory_space<hbm>> -> memref<1x80x125xi32, #tpu.memory_space<hbm>>
    %dma_start3A_7 = tpu.memref_squeeze %dma_start3A_6 : memref<1x80x125xi32, #tpu.memory_space<hbm>> -> memref<80x125xi32, #tpu.memory_space<hbm>>
    tpu.enqueue_dma source(%dma_start3A_7 : memref<80x125xi32, #tpu.memory_space<hbm>>) target(%arg4 : memref<80x125xi32, #tpu.memory_space<vmem>>) target_semaphore(%arg8 : memref<!tpu.dma_semaphore, #tpu.memory_space<semaphore_mem>>)
    %broadcast_in_dim3A = arith.constant 1.000000e+00 : f32
    %broadcast_in_dim3A_8 = vector.broadcast %broadcast_in_dim3A : f32 to vector<16xf32>
    %swap3A = arith.constant 0 : index
    %swap3A_9 = tpu.vector_load %arg5[%swap3A] {strides = array<i32>} : memref<128xf32, #tpu.memory_space<vmem>>, vector<16xf32>,
    %swap3A_10 = vector.shape_cast %swap3A_9 : vector<16xf32> to vector<16xf32>
    %swap3A_11 = vector.shape_cast %broadcast_in_dim3A_8 : vector<16xf32> to vector<16xf32>
    tpu.vector_store %arg5[%swap3A], %swap3A_11 {strides = array<i32>} : memref<128xf32, #tpu.memory_space<vmem>>, vector<16xf32>,
    %broadcast_in_dim3A_12 = arith.constant 1.000000e+00 : f32
    %broadcast_in_dim3A_13 = vector.broadcast %broadcast_in_dim3A_12 : f32 to vector<16xf32>
    %swap3A_14 = arith.constant 16 : index
    %swap3A_15 = tpu.vector_load %arg5[%swap3A_14] {strides = array<i32>} : memref<128xf32, #tpu.memory_space<vmem>>, vector<16xf32>,
    %swap3A_16 = vector.shape_cast %swap3A_15 : vector<16xf32> to vector<16xf32>
    %swap3A_17 = vector.shape_cast %broadcast_in_dim3A_13 : vector<16xf32> to vector<16xf32>
    tpu.vector_store %arg5[%swap3A_14], %swap3A_17 {strides = array<i32>} : memref<128xf32, #tpu.memory_space<vmem>>, vector<16xf32>,
    %broadcast_in_dim3A_18 = arith.constant 1.000000e+00 : f32
    %broadcast_in_dim3A_19 = vector.broadcast %broadcast_in_dim3A_18 : f32 to vector<16xf32>
    %swap3A_20 = arith.constant 32 : index
    %swap3A_21 = tpu.vector_load %arg5[%swap3A_20] {strides = array<i32>} : memref<128xf32, #tpu.memory_space<vmem>>, vector<16xf32>,
    %swap3A_22 = vector.shape_cast %swap3A_21 : vector<16xf32> to vector<16xf32>
    %swap3A_23 = vector.shape_cast %broadcast_in_dim3A_19 : vector<16xf32> to vector<16xf32>
    tpu.vector_store %arg5[%swap3A_20], %swap3A_23 {strides = array<i32>} : memref<128xf32, #tpu.memory_space<vmem>>, vector<16xf32>,
    %broadcast_in_dim3A_24 = arith.constant 1.000000e+00 : f32
    %broadcast_in_dim3A_25 = vector.broadcast %broadcast_in_dim3A_24 : f32 to vector<16xf32>
    %swap3A_26 = arith.constant 48 : index
    %swap3A_27 = tpu.vector_load %arg5[%swap3A_26] {strides = array<i32>} : memref<128xf32, #tpu.memory_space<vmem>>, vector<16xf32>,
    %swap3A_28 = vector.shape_cast %swap3A_27 : vector<16xf32> to vector<16xf32>
    %swap3A_29 = vector.shape_cast %broadcast_in_dim3A_25 : vector<16xf32> to vector<16xf32>
    tpu.vector_store %arg5[%swap3A_26], %swap3A_29 {strides = array<i32>} : memref<128xf32, #tpu.memory_space<vmem>>, vector<16xf32>,
    %broadcast_in_dim3A_30 = arith.constant 1.000000e+00 : f32
    %broadcast_in_dim3A_31 = vector.broadcast %broadcast_in_dim3A_30 : f32 to vector<16xf32>
    %swap3A_32 = arith.constant 64 : index
    %swap3A_33 = tpu.vector_load %arg5[%swap3A_32] {strides = array<i32>} : memref<128xf32, #tpu.memory_space<vmem>>, vector<16xf32>,
    %swap3A_34 = vector.shape_cast %swap3A_33 : vector<16xf32> to vector<16xf32>
    %swap3A_35 = vector.shape_cast %broadcast_in_dim3A_31 : vector<16xf32> to vector<16xf32>
    tpu.vector_store %arg5[%swap3A_32], %swap3A_35 {strides = array<i32>} : memref<128xf32, #tpu.memory_space<vmem>>, vector<16xf32>,
    %broadcast_in_dim3A_36 = arith.constant 1.000000e+00 : f32
    %broadcast_in_dim3A_37 = vector.broadcast %broadcast_in_dim3A_36 : f32 to vector<16xf32>
    %swap3A_38 = arith.constant 80 : index
    %swap3A_39 = tpu.vector_load %arg5[%swap3A_38] {strides = array<i32>} : memref<128xf32, #tpu.memory_space<vmem>>, vector<16xf32>,
    %swap3A_40 = vector.shape_cast %swap3A_39 : vector<16xf32> to vector<16xf32>
    %swap3A_41 = vector.shape_cast %broadcast_in_dim3A_37 : vector<16xf32> to vector<16xf32>
    tpu.vector_store %arg5[%swap3A_38], %swap3A_41 {strides = array<i32>} : memref<128xf32, #tpu.memory_space<vmem>>, vector<16xf32>,
    %broadcast_in_dim3A_42 = arith.constant 1.000000e+00 : f32
    %broadcast_in_dim3A_43 = vector.broadcast %broadcast_in_dim3A_42 : f32 to vector<16xf32>
    %swap3A_44 = arith.constant 96 : index
    %swap3A_45 = tpu.vector_load %arg5[%swap3A_44] {strides = array<i32>} : memref<128xf32, #tpu.memory_space<vmem>>, vector<16xf32>,
    %swap3A_46 = vector.shape_cast %swap3A_45 : vector<16xf32> to vector<16xf32>
    %swap3A_47 = vector.shape_cast %broadcast_in_dim3A_43 : vector<16xf32> to vector<16xf32>
    tpu.vector_store %arg5[%swap3A_44], %swap3A_47 {strides = array<i32>} : memref<128xf32, #tpu.memory_space<vmem>>, vector<16xf32>,
    %broadcast_in_dim3A_48 = arith.constant 1.000000e+00 : f32
    %broadcast_in_dim3A_49 = vector.broadcast %broadcast_in_dim3A_48 : f32 to vector<16xf32>
    %swap3A_50 = arith.constant 112 : index
    %swap3A_51 = tpu.vector_load %arg5[%swap3A_50] {strides = array<i32>} : memref<128xf32, #tpu.memory_space<vmem>>, vector<16xf32>,
    %swap3A_52 = vector.shape_cast %swap3A_51 : vector<16xf32> to vector<16xf32>
    %swap3A_53 = vector.shape_cast %broadcast_in_dim3A_49 : vector<16xf32> to vector<16xf32>
    tpu.vector_store %arg5[%swap3A_50], %swap3A_53 {strides = array<i32>} : memref<128xf32, #tpu.memory_space<vmem>>, vector<16xf32>,
    %scan3A = arith.constant 0 : i32
    %scan3A_54 = arith.constant 0 : i32
    %scan3A_55 = arith.constant 40 : i32
    %scan3A_56 = arith.addi %scan3A_54, %scan3A_55 : i32
    %scan3A_57 = arith.constant 1 : i32
    scf.for %scan3A_75 = %scan3A_54 to %scan3A_56 step %scan3A_57  : i32 {
      %broadcast_in_dim3A_76 = arith.constant 0.000000e+00 : f32
      %broadcast_in_dim3A_77 = vector.broadcast %broadcast_in_dim3A_76 : f32 to vector<16xf32>
      %mul3A_78 = arith.constant 16 : i32
      %mul3A_79 = arith.muli %scan3A_75, %mul3A_78 : i32
      %swap3A_80 = arith.index_cast %mul3A_79 : i32 to index
      %swap3A_81 = tpu.vector_load %arg6[%swap3A_80] {strides = array<i32>} : memref<640xf32, #tpu.memory_space<vmem>>, vector<16xf32>,
      %swap3A_82 = vector.shape_cast %swap3A_81 : vector<16xf32> to vector<16xf32>
      %swap3A_83 = vector.shape_cast %broadcast_in_dim3A_77 : vector<16xf32> to vector<16xf32>
      tpu.vector_store %arg6[%swap3A_80], %swap3A_83 {strides = array<i32>} : memref<640xf32, #tpu.memory_space<vmem>>, vector<16xf32>,
    }
    %scan3A_58 = arith.constant 40 : i32
    %mul3A_59 = arith.constant 640 : i32
    %mul3A_60 = arith.muli %arg1, %mul3A_59 : i32
    "tpu.region"() ({
      %run_scoped3A = tpu.sem_alloc : memref<!tpu.dma_semaphore, #tpu.memory_space<semaphore_mem>>
      %dma_start3A_75 = tpu.memref_slice %arg7[%mul3A_60] : memref<10240xf32, #tpu.memory_space<vmem_shared>> -> memref<640xf32, #tpu.memory_space<vmem_shared>>
      %dma_start3A_76 = tpu.memref_slice %arg7[%mul3A_60] : memref<10240xf32, #tpu.memory_space<vmem_shared>> -> memref<640xf32, #tpu.memory_space<vmem_shared>>
      tpu.enqueue_dma source(%arg6 : memref<640xf32, #tpu.memory_space<vmem>>) target(%dma_start3A_76 : memref<640xf32, #tpu.memory_space<vmem_shared>>) target_semaphore(%run_scoped3A : memref<!tpu.dma_semaphore, #tpu.memory_space<semaphore_mem>>)
      %dma_wait3A_77 = tpu.memref_slice %arg7[%mul3A_60] : memref<10240xf32, #tpu.memory_space<vmem_shared>> -> memref<640xf32, #tpu.memory_space<vmem_shared>>
      %dma_wait3A_78 = tpu.memref_slice %arg7[%mul3A_60] : memref<10240xf32, #tpu.memory_space<vmem_shared>> -> memref<640xf32, #tpu.memory_space<vmem_shared>>
      tpu.wait_dma2 semaphore(%run_scoped3A : memref<!tpu.dma_semaphore, #tpu.memory_space<semaphore_mem>>) src(%arg6 : memref<640xf32, #tpu.memory_space<vmem>>) dst(%dma_wait3A_78 : memref<640xf32, #tpu.memory_space<vmem_shared>>)
      tpu.yield
    }) : () -> ()
    %barrier3A = arith.constant 0 : index
    tpu.barrier barrier_id(%barrier3A)
    %dma_wait3A = arith.constant 0 : i32
    %dma_wait3A_61 = arith.constant 0 : i32
    %dma_wait3A_62 = tpu.memref_slice %arg2[%add3A, %dma_wait3A, %dma_wait3A_61] : memref<32x80x125xi32, #tpu.memory_space<hbm>> -> memref<1x80x125xi32, #tpu.memory_space<hbm>>
    %dma_wait3A_63 = tpu.memref_squeeze %dma_wait3A_62 : memref<1x80x125xi32, #tpu.memory_space<hbm>> -> memref<80x125xi32, #tpu.memory_space<hbm>>
    %dma_wait3A_64 = arith.constant 0 : i32
    %dma_wait3A_65 = arith.constant 0 : i32
    %dma_wait3A_66 = tpu.memref_slice %arg2[%add3A, %dma_wait3A_64, %dma_wait3A_65] : memref<32x80x125xi32, #tpu.memory_space<hbm>> -> memref<1x80x125xi32, #tpu.memory_space<hbm>>
    %dma_wait3A_67 = tpu.memref_squeeze %dma_wait3A_66 : memref<1x80x125xi32, #tpu.memory_space<hbm>> -> memref<80x125xi32, #tpu.memory_space<hbm>>
    tpu.wait_dma2 semaphore(%arg8 : memref<!tpu.dma_semaphore, #tpu.memory_space<semaphore_mem>>) src(%dma_wait3A_67 : memref<80x125xi32, #tpu.memory_space<hbm>>) dst(%arg4 : memref<80x125xi32, #tpu.memory_space<vmem>>)
    %scan3A_68 = arith.constant 0 : i32
    %scan3A_69 = arith.constant 0 : i32
    %scan3A_70 = arith.constant 10 : i32
    %scan3A_71 = arith.addi %scan3A_69, %scan3A_70 : i32
    %scan3A_72 = arith.constant 1 : i32
    scf.for %scan3A_75 = %scan3A_69 to %scan3A_71 step %scan3A_72  : i32 {
      %mul3A_76 = arith.constant 8 : i32
      %mul3A_77 = arith.muli %mul3A_76, %scan3A_75 : i32
      %add3A_78 = arith.constant 0 : i32
      %add3A_79 = arith.addi %mul3A_77, %add3A_78 : i32
      %dma_start3A_80 = arith.constant 0 : i32
      %dma_start3A_81 = tpu.memref_slice %arg5[%dma_start3A_80] : memref<128xf32, #tpu.memory_space<vmem>> -> memref<125xf32, #tpu.memory_space<vmem>>
      %dma_start3A_82 = arith.constant 0 : i32
      %dma_start3A_83 = tpu.memref_slice %arg4[%add3A_79, %dma_start3A_82] : memref<80x125xi32, #tpu.memory_space<vmem>> -> memref<1x125xi32, #tpu.memory_space<vmem>>
      %dma_start3A_84 = tpu.memref_squeeze %dma_start3A_83 : memref<1x125xi32, #tpu.memory_space<vmem>> -> memref<125xi32, #tpu.memory_space<vmem>>
      %dma_start3A_85 = arith.constant 0 : i32
      %dma_start3A_86 = tpu.memref_slice %arg7[%dma_start3A_85] : memref<10240xf32, #tpu.memory_space<vmem_shared>> -> memref<10240xf32, #tpu.memory_space<vmem_shared>>
      tpu.enqueue_indirect_dma source(%dma_start3A_81 : memref<125xf32, #tpu.memory_space<vmem>>) target(%dma_start3A_86 : memref<10240xf32, #tpu.memory_space<vmem_shared>>) offsets(%dma_start3A_84 : memref<125xi32, #tpu.memory_space<vmem>>) semaphore(%arg9 : memref<!tpu.dma_semaphore, #tpu.memory_space<semaphore_mem>>) {add = true}
      %add3A_87 = arith.constant 1 : i32
      %add3A_88 = arith.addi %mul3A_77, %add3A_87 : i32
      %dma_start3A_89 = arith.constant 0 : i32
      %dma_start3A_90 = tpu.memref_slice %arg5[%dma_start3A_89] : memref<128xf32, #tpu.memory_space<vmem>> -> memref<125xf32, #tpu.memory_space<vmem>>
      %dma_start3A_91 = arith.constant 0 : i32
      %dma_start3A_92 = tpu.memref_slice %arg4[%add3A_88, %dma_start3A_91] : memref<80x125xi32, #tpu.memory_space<vmem>> -> memref<1x125xi32, #tpu.memory_space<vmem>>
      %dma_start3A_93 = tpu.memref_squeeze %dma_start3A_92 : memref<1x125xi32, #tpu.memory_space<vmem>> -> memref<125xi32, #tpu.memory_space<vmem>>
      %dma_start3A_94 = arith.constant 0 : i32
      %dma_start3A_95 = tpu.memref_slice %arg7[%dma_start3A_94] : memref<10240xf32, #tpu.memory_space<vmem_shared>> -> memref<10240xf32, #tpu.memory_space<vmem_shared>>
      tpu.enqueue_indirect_dma source(%dma_start3A_90 : memref<125xf32, #tpu.memory_space<vmem>>) target(%dma_start3A_95 : memref<10240xf32, #tpu.memory_space<vmem_shared>>) offsets(%dma_start3A_93 : memref<125xi32, #tpu.memory_space<vmem>>) semaphore(%arg9 : memref<!tpu.dma_semaphore, #tpu.memory_space<semaphore_mem>>) {add = true}
      %add3A_96 = arith.constant 2 : i32
      %add3A_97 = arith.addi %mul3A_77, %add3A_96 : i32
      %dma_start3A_98 = arith.constant 0 : i32
      %dma_start3A_99 = tpu.memref_slice %arg5[%dma_start3A_98] : memref<128xf32, #tpu.memory_space<vmem>> -> memref<125xf32, #tpu.memory_space<vmem>>
      %dma_start3A_100 = arith.constant 0 : i32
      %dma_start3A_101 = tpu.memref_slice %arg4[%add3A_97, %dma_start3A_100] : memref<80x125xi32, #tpu.memory_space<vmem>> -> memref<1x125xi32, #tpu.memory_space<vmem>>
      %dma_start3A_102 = tpu.memref_squeeze %dma_start3A_101 : memref<1x125xi32, #tpu.memory_space<vmem>> -> memref<125xi32, #tpu.memory_space<vmem>>
      %dma_start3A_103 = arith.constant 0 : i32
      %dma_start3A_104 = tpu.memref_slice %arg7[%dma_start3A_103] : memref<10240xf32, #tpu.memory_space<vmem_shared>> -> memref<10240xf32, #tpu.memory_space<vmem_shared>>
      tpu.enqueue_indirect_dma source(%dma_start3A_99 : memref<125xf32, #tpu.memory_space<vmem>>) target(%dma_start3A_104 : memref<10240xf32, #tpu.memory_space<vmem_shared>>) offsets(%dma_start3A_102 : memref<125xi32, #tpu.memory_space<vmem>>) semaphore(%arg9 : memref<!tpu.dma_semaphore, #tpu.memory_space<semaphore_mem>>) {add = true}
      %add3A_105 = arith.constant 3 : i32
      %add3A_106 = arith.addi %mul3A_77, %add3A_105 : i32
      %dma_start3A_107 = arith.constant 0 : i32
      %dma_start3A_108 = tpu.memref_slice %arg5[%dma_start3A_107] : memref<128xf32, #tpu.memory_space<vmem>> -> memref<125xf32, #tpu.memory_space<vmem>>
      %dma_start3A_109 = arith.constant 0 : i32
      %dma_start3A_110 = tpu.memref_slice %arg4[%add3A_106, %dma_start3A_109] : memref<80x125xi32, #tpu.memory_space<vmem>> -> memref<1x125xi32, #tpu.memory_space<vmem>>
      %dma_start3A_111 = tpu.memref_squeeze %dma_start3A_110 : memref<1x125xi32, #tpu.memory_space<vmem>> -> memref<125xi32, #tpu.memory_space<vmem>>
      %dma_start3A_112 = arith.constant 0 : i32
      %dma_start3A_113 = tpu.memref_slice %arg7[%dma_start3A_112] : memref<10240xf32, #tpu.memory_space<vmem_shared>> -> memref<10240xf32, #tpu.memory_space<vmem_shared>>
      tpu.enqueue_indirect_dma source(%dma_start3A_108 : memref<125xf32, #tpu.memory_space<vmem>>) target(%dma_start3A_113 : memref<10240xf32, #tpu.memory_space<vmem_shared>>) offsets(%dma_start3A_111 : memref<125xi32, #tpu.memory_space<vmem>>) semaphore(%arg9 : memref<!tpu.dma_semaphore, #tpu.memory_space<semaphore_mem>>) {add = true}
      %add3A_114 = arith.constant 4 : i32
      %add3A_115 = arith.addi %mul3A_77, %add3A_114 : i32
      %dma_start3A_116 = arith.constant 0 : i32
      %dma_start3A_117 = tpu.memref_slice %arg5[%dma_start3A_116] : memref<128xf32, #tpu.memory_space<vmem>> -> memref<125xf32, #tpu.memory_space<vmem>>
      %dma_start3A_118 = arith.constant 0 : i32
      %dma_start3A_119 = tpu.memref_slice %arg4[%add3A_115, %dma_start3A_118] : memref<80x125xi32, #tpu.memory_space<vmem>> -> memref<1x125xi32, #tpu.memory_space<vmem>>
      %dma_start3A_120 = tpu.memref_squeeze %dma_start3A_119 : memref<1x125xi32, #tpu.memory_space<vmem>> -> memref<125xi32, #tpu.memory_space<vmem>>
      %dma_start3A_121 = arith.constant 0 : i32
      %dma_start3A_122 = tpu.memref_slice %arg7[%dma_start3A_121] : memref<10240xf32, #tpu.memory_space<vmem_shared>> -> memref<10240xf32, #tpu.memory_space<vmem_shared>>
      tpu.enqueue_indirect_dma source(%dma_start3A_117 : memref<125xf32, #tpu.memory_space<vmem>>) target(%dma_start3A_122 : memref<10240xf32, #tpu.memory_space<vmem_shared>>) offsets(%dma_start3A_120 : memref<125xi32, #tpu.memory_space<vmem>>) semaphore(%arg9 : memref<!tpu.dma_semaphore, #tpu.memory_space<semaphore_mem>>) {add = true}
      %add3A_123 = arith.constant 5 : i32
      %add3A_124 = arith.addi %mul3A_77, %add3A_123 : i32
      %dma_start3A_125 = arith.constant 0 : i32
      %dma_start3A_126 = tpu.memref_slice %arg5[%dma_start3A_125] : memref<128xf32, #tpu.memory_space<vmem>> -> memref<125xf32, #tpu.memory_space<vmem>>
      %dma_start3A_127 = arith.constant 0 : i32
      %dma_start3A_128 = tpu.memref_slice %arg4[%add3A_124, %dma_start3A_127] : memref<80x125xi32, #tpu.memory_space<vmem>> -> memref<1x125xi32, #tpu.memory_space<vmem>>
      %dma_start3A_129 = tpu.memref_squeeze %dma_start3A_128 : memref<1x125xi32, #tpu.memory_space<vmem>> -> memref<125xi32, #tpu.memory_space<vmem>>
      %dma_start3A_130 = arith.constant 0 : i32
      %dma_start3A_131 = tpu.memref_slice %arg7[%dma_start3A_130] : memref<10240xf32, #tpu.memory_space<vmem_shared>> -> memref<10240xf32, #tpu.memory_space<vmem_shared>>
      tpu.enqueue_indirect_dma source(%dma_start3A_126 : memref<125xf32, #tpu.memory_space<vmem>>) target(%dma_start3A_131 : memref<10240xf32, #tpu.memory_space<vmem_shared>>) offsets(%dma_start3A_129 : memref<125xi32, #tpu.memory_space<vmem>>) semaphore(%arg9 : memref<!tpu.dma_semaphore, #tpu.memory_space<semaphore_mem>>) {add = true}
      %add3A_132 = arith.constant 6 : i32
      %add3A_133 = arith.addi %mul3A_77, %add3A_132 : i32
      %dma_start3A_134 = arith.constant 0 : i32
      %dma_start3A_135 = tpu.memref_slice %arg5[%dma_start3A_134] : memref<128xf32, #tpu.memory_space<vmem>> -> memref<125xf32, #tpu.memory_space<vmem>>
      %dma_start3A_136 = arith.constant 0 : i32
      %dma_start3A_137 = tpu.memref_slice %arg4[%add3A_133, %dma_start3A_136] : memref<80x125xi32, #tpu.memory_space<vmem>> -> memref<1x125xi32, #tpu.memory_space<vmem>>
      %dma_start3A_138 = tpu.memref_squeeze %dma_start3A_137 : memref<1x125xi32, #tpu.memory_space<vmem>> -> memref<125xi32, #tpu.memory_space<vmem>>
      %dma_start3A_139 = arith.constant 0 : i32
      %dma_start3A_140 = tpu.memref_slice %arg7[%dma_start3A_139] : memref<10240xf32, #tpu.memory_space<vmem_shared>> -> memref<10240xf32, #tpu.memory_space<vmem_shared>>
      tpu.enqueue_indirect_dma source(%dma_start3A_135 : memref<125xf32, #tpu.memory_space<vmem>>) target(%dma_start3A_140 : memref<10240xf32, #tpu.memory_space<vmem_shared>>) offsets(%dma_start3A_138 : memref<125xi32, #tpu.memory_space<vmem>>) semaphore(%arg9 : memref<!tpu.dma_semaphore, #tpu.memory_space<semaphore_mem>>) {add = true}
      %add3A_141 = arith.constant 7 : i32
      %add3A_142 = arith.addi %mul3A_77, %add3A_141 : i32
      %dma_start3A_143 = arith.constant 0 : i32
      %dma_start3A_144 = tpu.memref_slice %arg5[%dma_start3A_143] : memref<128xf32, #tpu.memory_space<vmem>> -> memref<125xf32, #tpu.memory_space<vmem>>
      %dma_start3A_145 = arith.constant 0 : i32
      %dma_start3A_146 = tpu.memref_slice %arg4[%add3A_142, %dma_start3A_145] : memref<80x125xi32, #tpu.memory_space<vmem>> -> memref<1x125xi32, #tpu.memory_space<vmem>>
      %dma_start3A_147 = tpu.memref_squeeze %dma_start3A_146 : memref<1x125xi32, #tpu.memory_space<vmem>> -> memref<125xi32, #tpu.memory_space<vmem>>
      %dma_start3A_148 = arith.constant 0 : i32
      %dma_start3A_149 = tpu.memref_slice %arg7[%dma_start3A_148] : memref<10240xf32, #tpu.memory_space<vmem_shared>> -> memref<10240xf32, #tpu.memory_space<vmem_shared>>
      tpu.enqueue_indirect_dma source(%dma_start3A_144 : memref<125xf32, #tpu.memory_space<vmem>>) target(%dma_start3A_149 : memref<10240xf32, #tpu.memory_space<vmem_shared>>) offsets(%dma_start3A_147 : memref<125xi32, #tpu.memory_space<vmem>>) semaphore(%arg9 : memref<!tpu.dma_semaphore, #tpu.memory_space<semaphore_mem>>) {add = true}
      %add3A_150 = arith.constant 0 : i32
      %add3A_151 = arith.addi %mul3A_77, %add3A_150 : i32
      %dma_wait3A_152 = arith.constant 0 : i32
      %dma_wait3A_153 = tpu.memref_slice %arg5[%dma_wait3A_152] : memref<128xf32, #tpu.memory_space<vmem>> -> memref<125xf32, #tpu.memory_space<vmem>>
      %dma_wait3A_154 = arith.constant 0 : i32
      %dma_wait3A_155 = tpu.memref_slice %arg4[%add3A_151, %dma_wait3A_154] : memref<80x125xi32, #tpu.memory_space<vmem>> -> memref<1x125xi32, #tpu.memory_space<vmem>>
      %dma_wait3A_156 = tpu.memref_squeeze %dma_wait3A_155 : memref<1x125xi32, #tpu.memory_space<vmem>> -> memref<125xi32, #tpu.memory_space<vmem>>
      %dma_wait3A_157 = arith.constant 0 : i32
      %dma_wait3A_158 = tpu.memref_slice %arg7[%dma_wait3A_157] : memref<10240xf32, #tpu.memory_space<vmem_shared>> -> memref<10240xf32, #tpu.memory_space<vmem_shared>>
      tpu.wait_indirect_dma semaphore(%arg9 : memref<!tpu.dma_semaphore, #tpu.memory_space<semaphore_mem>>) src(%dma_wait3A_153 : memref<125xf32, #tpu.memory_space<vmem>>) dst(%dma_wait3A_158 : memref<10240xf32, #tpu.memory_space<vmem_shared>>)
      %add3A_159 = arith.constant 1 : i32
      %add3A_160 = arith.addi %mul3A_77, %add3A_159 : i32
      %dma_wait3A_161 = arith.constant 0 : i32
      %dma_wait3A_162 = tpu.memref_slice %arg5[%dma_wait3A_161] : memref<128xf32, #tpu.memory_space<vmem>> -> memref<125xf32, #tpu.memory_space<vmem>>
      %dma_wait3A_163 = arith.constant 0 : i32
      %dma_wait3A_164 = tpu.memref_slice %arg4[%add3A_160, %dma_wait3A_163] : memref<80x125xi32, #tpu.memory_space<vmem>> -> memref<1x125xi32, #tpu.memory_space<vmem>>
      %dma_wait3A_165 = tpu.memref_squeeze %dma_wait3A_164 : memref<1x125xi32, #tpu.memory_space<vmem>> -> memref<125xi32, #tpu.memory_space<vmem>>
      %dma_wait3A_166 = arith.constant 0 : i32
      %dma_wait3A_167 = tpu.memref_slice %arg7[%dma_wait3A_166] : memref<10240xf32, #tpu.memory_space<vmem_shared>> -> memref<10240xf32, #tpu.memory_space<vmem_shared>>
      tpu.wait_indirect_dma semaphore(%arg9 : memref<!tpu.dma_semaphore, #tpu.memory_space<semaphore_mem>>) src(%dma_wait3A_162 : memref<125xf32, #tpu.memory_space<vmem>>) dst(%dma_wait3A_167 : memref<10240xf32, #tpu.memory_space<vmem_shared>>)
      %add3A_168 = arith.constant 2 : i32
      %add3A_169 = arith.addi %mul3A_77, %add3A_168 : i32
      %dma_wait3A_170 = arith.constant 0 : i32
      %dma_wait3A_171 = tpu.memref_slice %arg5[%dma_wait3A_170] : memref<128xf32, #tpu.memory_space<vmem>> -> memref<125xf32, #tpu.memory_space<vmem>>
      %dma_wait3A_172 = arith.constant 0 : i32
      %dma_wait3A_173 = tpu.memref_slice %arg4[%add3A_169, %dma_wait3A_172] : memref<80x125xi32, #tpu.memory_space<vmem>> -> memref<1x125xi32, #tpu.memory_space<vmem>>
      %dma_wait3A_174 = tpu.memref_squeeze %dma_wait3A_173 : memref<1x125xi32, #tpu.memory_space<vmem>> -> memref<125xi32, #tpu.memory_space<vmem>>
      %dma_wait3A_175 = arith.constant 0 : i32
      %dma_wait3A_176 = tpu.memref_slice %arg7[%dma_wait3A_175] : memref<10240xf32, #tpu.memory_space<vmem_shared>> -> memref<10240xf32, #tpu.memory_space<vmem_shared>>
      tpu.wait_indirect_dma semaphore(%arg9 : memref<!tpu.dma_semaphore, #tpu.memory_space<semaphore_mem>>) src(%dma_wait3A_171 : memref<125xf32, #tpu.memory_space<vmem>>) dst(%dma_wait3A_176 : memref<10240xf32, #tpu.memory_space<vmem_shared>>)
      %add3A_177 = arith.constant 3 : i32
      %add3A_178 = arith.addi %mul3A_77, %add3A_177 : i32
      %dma_wait3A_179 = arith.constant 0 : i32
      %dma_wait3A_180 = tpu.memref_slice %arg5[%dma_wait3A_179] : memref<128xf32, #tpu.memory_space<vmem>> -> memref<125xf32, #tpu.memory_space<vmem>>
      %dma_wait3A_181 = arith.constant 0 : i32
      %dma_wait3A_182 = tpu.memref_slice %arg4[%add3A_178, %dma_wait3A_181] : memref<80x125xi32, #tpu.memory_space<vmem>> -> memref<1x125xi32, #tpu.memory_space<vmem>>
      %dma_wait3A_183 = tpu.memref_squeeze %dma_wait3A_182 : memref<1x125xi32, #tpu.memory_space<vmem>> -> memref<125xi32, #tpu.memory_space<vmem>>
      %dma_wait3A_184 = arith.constant 0 : i32
      %dma_wait3A_185 = tpu.memref_slice %arg7[%dma_wait3A_184] : memref<10240xf32, #tpu.memory_space<vmem_shared>> -> memref<10240xf32, #tpu.memory_space<vmem_shared>>
      tpu.wait_indirect_dma semaphore(%arg9 : memref<!tpu.dma_semaphore, #tpu.memory_space<semaphore_mem>>) src(%dma_wait3A_180 : memref<125xf32, #tpu.memory_space<vmem>>) dst(%dma_wait3A_185 : memref<10240xf32, #tpu.memory_space<vmem_shared>>)
      %add3A_186 = arith.constant 4 : i32
      %add3A_187 = arith.addi %mul3A_77, %add3A_186 : i32
      %dma_wait3A_188 = arith.constant 0 : i32
      %dma_wait3A_189 = tpu.memref_slice %arg5[%dma_wait3A_188] : memref<128xf32, #tpu.memory_space<vmem>> -> memref<125xf32, #tpu.memory_space<vmem>>
      %dma_wait3A_190 = arith.constant 0 : i32
      %dma_wait3A_191 = tpu.memref_slice %arg4[%add3A_187, %dma_wait3A_190] : memref<80x125xi32, #tpu.memory_space<vmem>> -> memref<1x125xi32, #tpu.memory_space<vmem>>
      %dma_wait3A_192 = tpu.memref_squeeze %dma_wait3A_191 : memref<1x125xi32, #tpu.memory_space<vmem>> -> memref<125xi32, #tpu.memory_space<vmem>>
      %dma_wait3A_193 = arith.constant 0 : i32
      %dma_wait3A_194 = tpu.memref_slice %arg7[%dma_wait3A_193] : memref<10240xf32, #tpu.memory_space<vmem_shared>> -> memref<10240xf32, #tpu.memory_space<vmem_shared>>
      tpu.wait_indirect_dma semaphore(%arg9 : memref<!tpu.dma_semaphore, #tpu.memory_space<semaphore_mem>>) src(%dma_wait3A_189 : memref<125xf32, #tpu.memory_space<vmem>>) dst(%dma_wait3A_194 : memref<10240xf32, #tpu.memory_space<vmem_shared>>)
      %add3A_195 = arith.constant 5 : i32
      %add3A_196 = arith.addi %mul3A_77, %add3A_195 : i32
      %dma_wait3A_197 = arith.constant 0 : i32
      %dma_wait3A_198 = tpu.memref_slice %arg5[%dma_wait3A_197] : memref<128xf32, #tpu.memory_space<vmem>> -> memref<125xf32, #tpu.memory_space<vmem>>
      %dma_wait3A_199 = arith.constant 0 : i32
      %dma_wait3A_200 = tpu.memref_slice %arg4[%add3A_196, %dma_wait3A_199] : memref<80x125xi32, #tpu.memory_space<vmem>> -> memref<1x125xi32, #tpu.memory_space<vmem>>
      %dma_wait3A_201 = tpu.memref_squeeze %dma_wait3A_200 : memref<1x125xi32, #tpu.memory_space<vmem>> -> memref<125xi32, #tpu.memory_space<vmem>>
      %dma_wait3A_202 = arith.constant 0 : i32
      %dma_wait3A_203 = tpu.memref_slice %arg7[%dma_wait3A_202] : memref<10240xf32, #tpu.memory_space<vmem_shared>> -> memref<10240xf32, #tpu.memory_space<vmem_shared>>
      tpu.wait_indirect_dma semaphore(%arg9 : memref<!tpu.dma_semaphore, #tpu.memory_space<semaphore_mem>>) src(%dma_wait3A_198 : memref<125xf32, #tpu.memory_space<vmem>>) dst(%dma_wait3A_203 : memref<10240xf32, #tpu.memory_space<vmem_shared>>)
      %add3A_204 = arith.constant 6 : i32
      %add3A_205 = arith.addi %mul3A_77, %add3A_204 : i32
      %dma_wait3A_206 = arith.constant 0 : i32
      %dma_wait3A_207 = tpu.memref_slice %arg5[%dma_wait3A_206] : memref<128xf32, #tpu.memory_space<vmem>> -> memref<125xf32, #tpu.memory_space<vmem>>
      %dma_wait3A_208 = arith.constant 0 : i32
      %dma_wait3A_209 = tpu.memref_slice %arg4[%add3A_205, %dma_wait3A_208] : memref<80x125xi32, #tpu.memory_space<vmem>> -> memref<1x125xi32, #tpu.memory_space<vmem>>
      %dma_wait3A_210 = tpu.memref_squeeze %dma_wait3A_209 : memref<1x125xi32, #tpu.memory_space<vmem>> -> memref<125xi32, #tpu.memory_space<vmem>>
      %dma_wait3A_211 = arith.constant 0 : i32
      %dma_wait3A_212 = tpu.memref_slice %arg7[%dma_wait3A_211] : memref<10240xf32, #tpu.memory_space<vmem_shared>> -> memref<10240xf32, #tpu.memory_space<vmem_shared>>
      tpu.wait_indirect_dma semaphore(%arg9 : memref<!tpu.dma_semaphore, #tpu.memory_space<semaphore_mem>>) src(%dma_wait3A_207 : memref<125xf32, #tpu.memory_space<vmem>>) dst(%dma_wait3A_212 : memref<10240xf32, #tpu.memory_space<vmem_shared>>)
      %add3A_213 = arith.constant 7 : i32
      %add3A_214 = arith.addi %mul3A_77, %add3A_213 : i32
      %dma_wait3A_215 = arith.constant 0 : i32
      %dma_wait3A_216 = tpu.memref_slice %arg5[%dma_wait3A_215] : memref<128xf32, #tpu.memory_space<vmem>> -> memref<125xf32, #tpu.memory_space<vmem>>
      %dma_wait3A_217 = arith.constant 0 : i32
      %dma_wait3A_218 = tpu.memref_slice %arg4[%add3A_214, %dma_wait3A_217] : memref<80x125xi32, #tpu.memory_space<vmem>> -> memref<1x125xi32, #tpu.memory_space<vmem>>
      %dma_wait3A_219 = tpu.memref_squeeze %dma_wait3A_218 : memref<1x125xi32, #tpu.memory_space<vmem>> -> memref<125xi32, #tpu.memory_space<vmem>>
      %dma_wait3A_220 = arith.constant 0 : i32
      %dma_wait3A_221 = tpu.memref_slice %arg7[%dma_wait3A_220] : memref<10240xf32, #tpu.memory_space<vmem_shared>> -> memref<10240xf32, #tpu.memory_space<vmem_shared>>
      tpu.wait_indirect_dma semaphore(%arg9 : memref<!tpu.dma_semaphore, #tpu.memory_space<semaphore_mem>>) src(%dma_wait3A_216 : memref<125xf32, #tpu.memory_space<vmem>>) dst(%dma_wait3A_221 : memref<10240xf32, #tpu.memory_space<vmem_shared>>)
    }
    %scan3A_73 = arith.constant 10 : i32
    %barrier3A_74 = arith.constant 0 : index
    tpu.barrier barrier_id(%barrier3A_74)
    "tpu.region"() ({
      %run_scoped3A = tpu.sem_alloc : memref<!tpu.dma_semaphore, #tpu.memory_space<semaphore_mem>>
      %dma_start3A_75 = tpu.memref_slice %arg3[%arg0, %mul3A_60] : memref<2x10240xf32, #tpu.memory_space<hbm>> -> memref<1x640xf32, #tpu.memory_space<hbm>>
      %dma_start3A_76 = tpu.memref_squeeze %dma_start3A_75 : memref<1x640xf32, #tpu.memory_space<hbm>> -> memref<640xf32, #tpu.memory_space<hbm>>
      %dma_start3A_77 = tpu.memref_slice %arg7[%mul3A_60] : memref<10240xf32, #tpu.memory_space<vmem_shared>> -> memref<640xf32, #tpu.memory_space<vmem_shared>>
      tpu.enqueue_dma source(%dma_start3A_77 : memref<640xf32, #tpu.memory_space<vmem_shared>>) target(%dma_start3A_76 : memref<640xf32, #tpu.memory_space<hbm>>) target_semaphore(%run_scoped3A : memref<!tpu.dma_semaphore, #tpu.memory_space<semaphore_mem>>)
      %dma_wait3A_78 = tpu.memref_slice %arg3[%arg0, %mul3A_60] : memref<2x10240xf32, #tpu.memory_space<hbm>> -> memref<1x640xf32, #tpu.memory_space<hbm>>
      %dma_wait3A_79 = tpu.memref_squeeze %dma_wait3A_78 : memref<1x640xf32, #tpu.memory_space<hbm>> -> memref<640xf32, #tpu.memory_space<hbm>>
      %dma_wait3A_80 = tpu.memref_slice %arg7[%mul3A_60] : memref<10240xf32, #tpu.memory_space<vmem_shared>> -> memref<640xf32, #tpu.memory_space<vmem_shared>>
      tpu.wait_dma2 semaphore(%run_scoped3A : memref<!tpu.dma_semaphore, #tpu.memory_space<semaphore_mem>>) src(%dma_wait3A_80 : memref<640xf32, #tpu.memory_space<vmem_shared>>) dst(%dma_wait3A_79 : memref<640xf32, #tpu.memory_space<hbm>>)
      tpu.yield
    }) : () -> ()
    return
  }
}

#map = affine_map<(d0, d1) -> (0, 0)>
#map1 = affine_map<(d0, d1) -> (0, 0, 0, 0, 0)>
#map2 = affine_map<(d0, d1) -> (0, 0, 0)>
module attributes {stable_mosaic.version = 14 : i64} {
  func.func @_sc_aggregate(%arg0: i32, %arg1: i32, %arg2: memref<10240x128xf32, #tpu.memory_space<hbm>>, %arg3: memref<32x10x8x2x125xi32, #tpu.memory_space<hbm>>, %arg4: memref<2x10240x128xf32, #tpu.memory_space<hbm>>, %arg5: memref<8x2x125xi32, #tpu.memory_space<vmem>>, %arg6: memref<8x2x125xi32, #tpu.memory_space<vmem>>, %arg7: memref<125x128xf32, #tpu.memory_space<vmem>>, %arg8: memref<125x128xf32, #tpu.memory_space<vmem>>, %arg9: memref<10240x128xf32, #tpu.memory_space<vmem_shared>>, %arg10: memref<!tpu.dma_semaphore, #tpu.memory_space<semaphore_mem>>, %arg11: memref<!tpu.dma_semaphore, #tpu.memory_space<semaphore_mem>>, %arg12: memref<!tpu.dma_semaphore, #tpu.memory_space<semaphore_mem>>, %arg13: memref<!tpu.dma_semaphore, #tpu.memory_space<semaphore_mem>>) attributes {dimension_semantics = [#tpu.dimension_semantics<core_parallel>, #tpu.dimension_semantics<subcore_parallel>], iteration_bounds = array<i64: 2, 16>, scalar_prefetch = 0 : i64, scratch_operands = 9 : i64, tpu.core_type = #tpu.core_type<sc_vector_subcore>, window_params = [{transform_indices = #map}, {transform_indices = #map1}, {transform_indices = #map2}]} {
    %mul3A = arith.constant 16 : i32
    %mul3A_0 = arith.muli %arg0, %mul3A : i32
    %add3A = arith.addi %mul3A_0, %arg1 : i32
    %dma_start3A = arith.constant 0 : i32
    %dma_start3A_1 = arith.constant 0 : i32
    %dma_start3A_2 = arith.constant 0 : i32
    %dma_start3A_3 = arith.constant 0 : i32
    %dma_start3A_4 = tpu.memref_slice %arg3[%add3A, %dma_start3A, %dma_start3A_1, %dma_start3A_2, %dma_start3A_3] : memref<32x10x8x2x125xi32, #tpu.memory_space<hbm>> -> memref<1x1x8x2x125xi32, #tpu.memory_space<hbm>>
    %dma_start3A_5 = tpu.memref_squeeze %dma_start3A_4 : memref<1x1x8x2x125xi32, #tpu.memory_space<hbm>> -> memref<8x2x125xi32, #tpu.memory_space<hbm>>
    %dma_start3A_6 = arith.constant 0 : i32
    %dma_start3A_7 = arith.constant 0 : i32
    %dma_start3A_8 = arith.constant 0 : i32
    %dma_start3A_9 = tpu.memref_slice %arg3[%add3A, %dma_start3A, %dma_start3A_6, %dma_start3A_7, %dma_start3A_8] : memref<32x10x8x2x125xi32, #tpu.memory_space<hbm>> -> memref<1x1x8x2x125xi32, #tpu.memory_space<hbm>>
    %dma_start3A_10 = tpu.memref_squeeze %dma_start3A_9 : memref<1x1x8x2x125xi32, #tpu.memory_space<hbm>> -> memref<8x2x125xi32, #tpu.memory_space<hbm>>
    tpu.enqueue_dma source(%dma_start3A_10 : memref<8x2x125xi32, #tpu.memory_space<hbm>>) target(%arg5 : memref<8x2x125xi32, #tpu.memory_space<vmem>>) target_semaphore(%arg12 : memref<!tpu.dma_semaphore, #tpu.memory_space<semaphore_mem>>)
    %scan3A = arith.constant 0 : i32
    %scan3A_11 = arith.constant 0 : i32
    %scan3A_12 = arith.constant 125 : i32
    %scan3A_13 = arith.addi %scan3A_11, %scan3A_12 : i32
    %scan3A_14 = arith.constant 1 : i32
    scf.for %scan3A_66 = %scan3A_11 to %scan3A_13 step %scan3A_14  : i32 {
      %broadcast_in_dim3A = arith.constant 0.000000e+00 : f32
      %broadcast_in_dim3A_67 = vector.broadcast %broadcast_in_dim3A : f32 to vector<16xf32>
      %swap3A = arith.index_cast %scan3A_66 : i32 to index
      %swap3A_68 = arith.constant 0 : index
      %swap3A_69 = tpu.vector_load %arg8[%swap3A, %swap3A_68] {strides = array<i32>} : memref<125x128xf32, #tpu.memory_space<vmem>>, vector<1x16xf32>,
      %swap3A_70 = vector.shape_cast %swap3A_69 : vector<1x16xf32> to vector<16xf32>
      %swap3A_71 = vector.shape_cast %broadcast_in_dim3A_67 : vector<16xf32> to vector<1x16xf32>
      tpu.vector_store %arg8[%swap3A, %swap3A_68], %swap3A_71 {strides = array<i32>} : memref<125x128xf32, #tpu.memory_space<vmem>>, vector<1x16xf32>,
      %broadcast_in_dim3A_72 = arith.constant 0.000000e+00 : f32
      %broadcast_in_dim3A_73 = vector.broadcast %broadcast_in_dim3A_72 : f32 to vector<16xf32>
      %swap3A_74 = arith.index_cast %scan3A_66 : i32 to index
      %swap3A_75 = arith.constant 16 : index
      %swap3A_76 = tpu.vector_load %arg8[%swap3A_74, %swap3A_75] {strides = array<i32>} : memref<125x128xf32, #tpu.memory_space<vmem>>, vector<1x16xf32>,
      %swap3A_77 = vector.shape_cast %swap3A_76 : vector<1x16xf32> to vector<16xf32>
      %swap3A_78 = vector.shape_cast %broadcast_in_dim3A_73 : vector<16xf32> to vector<1x16xf32>
      tpu.vector_store %arg8[%swap3A_74, %swap3A_75], %swap3A_78 {strides = array<i32>} : memref<125x128xf32, #tpu.memory_space<vmem>>, vector<1x16xf32>,
      %broadcast_in_dim3A_79 = arith.constant 0.000000e+00 : f32
      %broadcast_in_dim3A_80 = vector.broadcast %broadcast_in_dim3A_79 : f32 to vector<16xf32>
      %swap3A_81 = arith.index_cast %scan3A_66 : i32 to index
      %swap3A_82 = arith.constant 32 : index
      %swap3A_83 = tpu.vector_load %arg8[%swap3A_81, %swap3A_82] {strides = array<i32>} : memref<125x128xf32, #tpu.memory_space<vmem>>, vector<1x16xf32>,
      %swap3A_84 = vector.shape_cast %swap3A_83 : vector<1x16xf32> to vector<16xf32>
      %swap3A_85 = vector.shape_cast %broadcast_in_dim3A_80 : vector<16xf32> to vector<1x16xf32>
      tpu.vector_store %arg8[%swap3A_81, %swap3A_82], %swap3A_85 {strides = array<i32>} : memref<125x128xf32, #tpu.memory_space<vmem>>, vector<1x16xf32>,
      %broadcast_in_dim3A_86 = arith.constant 0.000000e+00 : f32
      %broadcast_in_dim3A_87 = vector.broadcast %broadcast_in_dim3A_86 : f32 to vector<16xf32>
      %swap3A_88 = arith.index_cast %scan3A_66 : i32 to index
      %swap3A_89 = arith.constant 48 : index
      %swap3A_90 = tpu.vector_load %arg8[%swap3A_88, %swap3A_89] {strides = array<i32>} : memref<125x128xf32, #tpu.memory_space<vmem>>, vector<1x16xf32>,
      %swap3A_91 = vector.shape_cast %swap3A_90 : vector<1x16xf32> to vector<16xf32>
      %swap3A_92 = vector.shape_cast %broadcast_in_dim3A_87 : vector<16xf32> to vector<1x16xf32>
      tpu.vector_store %arg8[%swap3A_88, %swap3A_89], %swap3A_92 {strides = array<i32>} : memref<125x128xf32, #tpu.memory_space<vmem>>, vector<1x16xf32>,
      %broadcast_in_dim3A_93 = arith.constant 0.000000e+00 : f32
      %broadcast_in_dim3A_94 = vector.broadcast %broadcast_in_dim3A_93 : f32 to vector<16xf32>
      %swap3A_95 = arith.index_cast %scan3A_66 : i32 to index
      %swap3A_96 = arith.constant 64 : index
      %swap3A_97 = tpu.vector_load %arg8[%swap3A_95, %swap3A_96] {strides = array<i32>} : memref<125x128xf32, #tpu.memory_space<vmem>>, vector<1x16xf32>,
      %swap3A_98 = vector.shape_cast %swap3A_97 : vector<1x16xf32> to vector<16xf32>
      %swap3A_99 = vector.shape_cast %broadcast_in_dim3A_94 : vector<16xf32> to vector<1x16xf32>
      tpu.vector_store %arg8[%swap3A_95, %swap3A_96], %swap3A_99 {strides = array<i32>} : memref<125x128xf32, #tpu.memory_space<vmem>>, vector<1x16xf32>,
      %broadcast_in_dim3A_100 = arith.constant 0.000000e+00 : f32
      %broadcast_in_dim3A_101 = vector.broadcast %broadcast_in_dim3A_100 : f32 to vector<16xf32>
      %swap3A_102 = arith.index_cast %scan3A_66 : i32 to index
      %swap3A_103 = arith.constant 80 : index
      %swap3A_104 = tpu.vector_load %arg8[%swap3A_102, %swap3A_103] {strides = array<i32>} : memref<125x128xf32, #tpu.memory_space<vmem>>, vector<1x16xf32>,
      %swap3A_105 = vector.shape_cast %swap3A_104 : vector<1x16xf32> to vector<16xf32>
      %swap3A_106 = vector.shape_cast %broadcast_in_dim3A_101 : vector<16xf32> to vector<1x16xf32>
      tpu.vector_store %arg8[%swap3A_102, %swap3A_103], %swap3A_106 {strides = array<i32>} : memref<125x128xf32, #tpu.memory_space<vmem>>, vector<1x16xf32>,
      %broadcast_in_dim3A_107 = arith.constant 0.000000e+00 : f32
      %broadcast_in_dim3A_108 = vector.broadcast %broadcast_in_dim3A_107 : f32 to vector<16xf32>
      %swap3A_109 = arith.index_cast %scan3A_66 : i32 to index
      %swap3A_110 = arith.constant 96 : index
      %swap3A_111 = tpu.vector_load %arg8[%swap3A_109, %swap3A_110] {strides = array<i32>} : memref<125x128xf32, #tpu.memory_space<vmem>>, vector<1x16xf32>,
      %swap3A_112 = vector.shape_cast %swap3A_111 : vector<1x16xf32> to vector<16xf32>
      %swap3A_113 = vector.shape_cast %broadcast_in_dim3A_108 : vector<16xf32> to vector<1x16xf32>
      tpu.vector_store %arg8[%swap3A_109, %swap3A_110], %swap3A_113 {strides = array<i32>} : memref<125x128xf32, #tpu.memory_space<vmem>>, vector<1x16xf32>,
      %broadcast_in_dim3A_114 = arith.constant 0.000000e+00 : f32
      %broadcast_in_dim3A_115 = vector.broadcast %broadcast_in_dim3A_114 : f32 to vector<16xf32>
      %swap3A_116 = arith.index_cast %scan3A_66 : i32 to index
      %swap3A_117 = arith.constant 112 : index
      %swap3A_118 = tpu.vector_load %arg8[%swap3A_116, %swap3A_117] {strides = array<i32>} : memref<125x128xf32, #tpu.memory_space<vmem>>, vector<1x16xf32>,
      %swap3A_119 = vector.shape_cast %swap3A_118 : vector<1x16xf32> to vector<16xf32>
      %swap3A_120 = vector.shape_cast %broadcast_in_dim3A_115 : vector<16xf32> to vector<1x16xf32>
      tpu.vector_store %arg8[%swap3A_116, %swap3A_117], %swap3A_120 {strides = array<i32>} : memref<125x128xf32, #tpu.memory_space<vmem>>, vector<1x16xf32>,
    }
    %scan3A_15 = arith.constant 125 : i32
    %dma_wait3A = arith.constant 0 : i32
    %dma_wait3A_16 = arith.constant 0 : i32
    %dma_wait3A_17 = arith.constant 0 : i32
    %dma_wait3A_18 = arith.constant 0 : i32
    %dma_wait3A_19 = tpu.memref_slice %arg3[%add3A, %dma_wait3A, %dma_wait3A_16, %dma_wait3A_17, %dma_wait3A_18] : memref<32x10x8x2x125xi32, #tpu.memory_space<hbm>> -> memref<1x1x8x2x125xi32, #tpu.memory_space<hbm>>
    %dma_wait3A_20 = tpu.memref_squeeze %dma_wait3A_19 : memref<1x1x8x2x125xi32, #tpu.memory_space<hbm>> -> memref<8x2x125xi32, #tpu.memory_space<hbm>>
    %dma_wait3A_21 = arith.constant 0 : i32
    %dma_wait3A_22 = arith.constant 0 : i32
    %dma_wait3A_23 = arith.constant 0 : i32
    %dma_wait3A_24 = tpu.memref_slice %arg3[%add3A, %dma_wait3A, %dma_wait3A_21, %dma_wait3A_22, %dma_wait3A_23] : memref<32x10x8x2x125xi32, #tpu.memory_space<hbm>> -> memref<1x1x8x2x125xi32, #tpu.memory_space<hbm>>
    %dma_wait3A_25 = tpu.memref_squeeze %dma_wait3A_24 : memref<1x1x8x2x125xi32, #tpu.memory_space<hbm>> -> memref<8x2x125xi32, #tpu.memory_space<hbm>>
    tpu.wait_dma2 semaphore(%arg12 : memref<!tpu.dma_semaphore, #tpu.memory_space<semaphore_mem>>) src(%dma_wait3A_25 : memref<8x2x125xi32, #tpu.memory_space<hbm>>) dst(%arg5 : memref<8x2x125xi32, #tpu.memory_space<vmem>>)
    %dma_start3A_26 = arith.constant 1 : i32
    %dma_start3A_27 = arith.constant 0 : i32
    %dma_start3A_28 = arith.constant 0 : i32
    %dma_start3A_29 = arith.constant 0 : i32
    %dma_start3A_30 = tpu.memref_slice %arg3[%add3A, %dma_start3A_26, %dma_start3A_27, %dma_start3A_28, %dma_start3A_29] : memref<32x10x8x2x125xi32, #tpu.memory_space<hbm>> -> memref<1x1x8x2x125xi32, #tpu.memory_space<hbm>>
    %dma_start3A_31 = tpu.memref_squeeze %dma_start3A_30 : memref<1x1x8x2x125xi32, #tpu.memory_space<hbm>> -> memref<8x2x125xi32, #tpu.memory_space<hbm>>
    %dma_start3A_32 = arith.constant 0 : i32
    %dma_start3A_33 = arith.constant 0 : i32
    %dma_start3A_34 = arith.constant 0 : i32
    %dma_start3A_35 = tpu.memref_slice %arg3[%add3A, %dma_start3A_26, %dma_start3A_32, %dma_start3A_33, %dma_start3A_34] : memref<32x10x8x2x125xi32, #tpu.memory_space<hbm>> -> memref<1x1x8x2x125xi32, #tpu.memory_space<hbm>>
    %dma_start3A_36 = tpu.memref_squeeze %dma_start3A_35 : memref<1x1x8x2x125xi32, #tpu.memory_space<hbm>> -> memref<8x2x125xi32, #tpu.memory_space<hbm>>
    tpu.enqueue_dma source(%dma_start3A_36 : memref<8x2x125xi32, #tpu.memory_space<hbm>>) target(%arg6 : memref<8x2x125xi32, #tpu.memory_space<vmem>>) target_semaphore(%arg13 : memref<!tpu.dma_semaphore, #tpu.memory_space<semaphore_mem>>)
    %dma_start3A_37 = arith.constant 0 : i32
    %dma_start3A_38 = arith.constant 0 : i32
    %dma_start3A_39 = arith.constant 0 : i32
    %dma_start3A_40 = tpu.memref_slice %arg5[%dma_start3A_37, %dma_start3A_38, %dma_start3A_39] : memref<8x2x125xi32, #tpu.memory_space<vmem>> -> memref<1x1x125xi32, #tpu.memory_space<vmem>>
    %dma_start3A_41 = tpu.memref_squeeze %dma_start3A_40 : memref<1x1x125xi32, #tpu.memory_space<vmem>> -> memref<125xi32, #tpu.memory_space<vmem>>
    %dma_start3A_42 = arith.constant 0 : i32
    %dma_start3A_43 = arith.constant 0 : i32
    %dma_start3A_44 = tpu.memref_slice %arg2[%dma_start3A_42, %dma_start3A_43] : memref<10240x128xf32, #tpu.memory_space<hbm>> -> memref<10240x128xf32, #tpu.memory_space<hbm>>
    tpu.enqueue_indirect_dma source(%dma_start3A_44 : memref<10240x128xf32, #tpu.memory_space<hbm>>) target(%arg7 : memref<125x128xf32, #tpu.memory_space<vmem>>) offsets(%dma_start3A_41 : memref<125xi32, #tpu.memory_space<vmem>>) semaphore(%arg10 : memref<!tpu.dma_semaphore, #tpu.memory_space<semaphore_mem>>)
    %mul3A_45 = arith.constant 640 : i32
    %mul3A_46 = arith.muli %arg1, %mul3A_45 : i32
    %add3A_47 = arith.constant 0 : i32
    %add3A_48 = arith.addi %mul3A_46, %add3A_47 : i32
    "tpu.region"() ({
      %run_scoped3A = tpu.sem_alloc : memref<!tpu.dma_semaphore, #tpu.memory_space<semaphore_mem>>
      %dma_start3A_66 = arith.constant 0 : i32
      %dma_start3A_67 = tpu.memref_slice %arg9[%add3A_48, %dma_start3A_66] : memref<10240x128xf32, #tpu.memory_space<vmem_shared>> -> memref<125x128xf32, #tpu.memory_space<vmem_shared>>
      %dma_start3A_68 = arith.constant 0 : i32
      %dma_start3A_69 = tpu.memref_slice %arg9[%add3A_48, %dma_start3A_68] : memref<10240x128xf32, #tpu.memory_space<vmem_shared>> -> memref<125x128xf32, #tpu.memory_space<vmem_shared>>
      tpu.enqueue_dma source(%arg8 : memref<125x128xf32, #tpu.memory_space<vmem>>) target(%dma_start3A_69 : memref<125x128xf32, #tpu.memory_space<vmem_shared>>) target_semaphore(%run_scoped3A : memref<!tpu.dma_semaphore, #tpu.memory_space<semaphore_mem>>)
      %dma_wait3A_70 = arith.constant 0 : i32
      %dma_wait3A_71 = tpu.memref_slice %arg9[%add3A_48, %dma_wait3A_70] : memref<10240x128xf32, #tpu.memory_space<vmem_shared>> -> memref<125x128xf32, #tpu.memory_space<vmem_shared>>
      %dma_wait3A_72 = arith.constant 0 : i32
      %dma_wait3A_73 = tpu.memref_slice %arg9[%add3A_48, %dma_wait3A_72] : memref<10240x128xf32, #tpu.memory_space<vmem_shared>> -> memref<125x128xf32, #tpu.memory_space<vmem_shared>>
      tpu.wait_dma2 semaphore(%run_scoped3A : memref<!tpu.dma_semaphore, #tpu.memory_space<semaphore_mem>>) src(%arg8 : memref<125x128xf32, #tpu.memory_space<vmem>>) dst(%dma_wait3A_73 : memref<125x128xf32, #tpu.memory_space<vmem_shared>>)
      tpu.yield
    }) : () -> ()
    %add3A_49 = arith.constant 125 : i32
    %add3A_50 = arith.addi %mul3A_46, %add3A_49 : i32
    "tpu.region"() ({
      %run_scoped3A = tpu.sem_alloc : memref<!tpu.dma_semaphore, #tpu.memory_space<semaphore_mem>>
      %dma_start3A_66 = arith.constant 0 : i32
      %dma_start3A_67 = tpu.memref_slice %arg9[%add3A_50, %dma_start3A_66] : memref<10240x128xf32, #tpu.memory_space<vmem_shared>> -> memref<125x128xf32, #tpu.memory_space<vmem_shared>>
      %dma_start3A_68 = arith.constant 0 : i32
      %dma_start3A_69 = tpu.memref_slice %arg9[%add3A_50, %dma_start3A_68] : memref<10240x128xf32, #tpu.memory_space<vmem_shared>> -> memref<125x128xf32, #tpu.memory_space<vmem_shared>>
      tpu.enqueue_dma source(%arg8 : memref<125x128xf32, #tpu.memory_space<vmem>>) target(%dma_start3A_69 : memref<125x128xf32, #tpu.memory_space<vmem_shared>>) target_semaphore(%run_scoped3A : memref<!tpu.dma_semaphore, #tpu.memory_space<semaphore_mem>>)
      %dma_wait3A_70 = arith.constant 0 : i32
      %dma_wait3A_71 = tpu.memref_slice %arg9[%add3A_50, %dma_wait3A_70] : memref<10240x128xf32, #tpu.memory_space<vmem_shared>> -> memref<125x128xf32, #tpu.memory_space<vmem_shared>>
      %dma_wait3A_72 = arith.constant 0 : i32
      %dma_wait3A_73 = tpu.memref_slice %arg9[%add3A_50, %dma_wait3A_72] : memref<10240x128xf32, #tpu.memory_space<vmem_shared>> -> memref<125x128xf32, #tpu.memory_space<vmem_shared>>
      tpu.wait_dma2 semaphore(%run_scoped3A : memref<!tpu.dma_semaphore, #tpu.memory_space<semaphore_mem>>) src(%arg8 : memref<125x128xf32, #tpu.memory_space<vmem>>) dst(%dma_wait3A_73 : memref<125x128xf32, #tpu.memory_space<vmem_shared>>)
      tpu.yield
    }) : () -> ()
    %add3A_51 = arith.constant 250 : i32
    %add3A_52 = arith.addi %mul3A_46, %add3A_51 : i32
    "tpu.region"() ({
      %run_scoped3A = tpu.sem_alloc : memref<!tpu.dma_semaphore, #tpu.memory_space<semaphore_mem>>
      %dma_start3A_66 = arith.constant 0 : i32
      %dma_start3A_67 = tpu.memref_slice %arg9[%add3A_52, %dma_start3A_66] : memref<10240x128xf32, #tpu.memory_space<vmem_shared>> -> memref<125x128xf32, #tpu.memory_space<vmem_shared>>
      %dma_start3A_68 = arith.constant 0 : i32
      %dma_start3A_69 = tpu.memref_slice %arg9[%add3A_52, %dma_start3A_68] : memref<10240x128xf32, #tpu.memory_space<vmem_shared>> -> memref<125x128xf32, #tpu.memory_space<vmem_shared>>
      tpu.enqueue_dma source(%arg8 : memref<125x128xf32, #tpu.memory_space<vmem>>) target(%dma_start3A_69 : memref<125x128xf32, #tpu.memory_space<vmem_shared>>) target_semaphore(%run_scoped3A : memref<!tpu.dma_semaphore, #tpu.memory_space<semaphore_mem>>)
      %dma_wait3A_70 = arith.constant 0 : i32
      %dma_wait3A_71 = tpu.memref_slice %arg9[%add3A_52, %dma_wait3A_70] : memref<10240x128xf32, #tpu.memory_space<vmem_shared>> -> memref<125x128xf32, #tpu.memory_space<vmem_shared>>
      %dma_wait3A_72 = arith.constant 0 : i32
      %dma_wait3A_73 = tpu.memref_slice %arg9[%add3A_52, %dma_wait3A_72] : memref<10240x128xf32, #tpu.memory_space<vmem_shared>> -> memref<125x128xf32, #tpu.memory_space<vmem_shared>>
      tpu.wait_dma2 semaphore(%run_scoped3A : memref<!tpu.dma_semaphore, #tpu.memory_space<semaphore_mem>>) src(%arg8 : memref<125x128xf32, #tpu.memory_space<vmem>>) dst(%dma_wait3A_73 : memref<125x128xf32, #tpu.memory_space<vmem_shared>>)
      tpu.yield
    }) : () -> ()
    %add3A_53 = arith.constant 375 : i32
    %add3A_54 = arith.addi %mul3A_46, %add3A_53 : i32
    "tpu.region"() ({
      %run_scoped3A = tpu.sem_alloc : memref<!tpu.dma_semaphore, #tpu.memory_space<semaphore_mem>>
      %dma_start3A_66 = arith.constant 0 : i32
      %dma_start3A_67 = tpu.memref_slice %arg9[%add3A_54, %dma_start3A_66] : memref<10240x128xf32, #tpu.memory_space<vmem_shared>> -> memref<125x128xf32, #tpu.memory_space<vmem_shared>>
      %dma_start3A_68 = arith.constant 0 : i32
      %dma_start3A_69 = tpu.memref_slice %arg9[%add3A_54, %dma_start3A_68] : memref<10240x128xf32, #tpu.memory_space<vmem_shared>> -> memref<125x128xf32, #tpu.memory_space<vmem_shared>>
      tpu.enqueue_dma source(%arg8 : memref<125x128xf32, #tpu.memory_space<vmem>>) target(%dma_start3A_69 : memref<125x128xf32, #tpu.memory_space<vmem_shared>>) target_semaphore(%run_scoped3A : memref<!tpu.dma_semaphore, #tpu.memory_space<semaphore_mem>>)
      %dma_wait3A_70 = arith.constant 0 : i32
      %dma_wait3A_71 = tpu.memref_slice %arg9[%add3A_54, %dma_wait3A_70] : memref<10240x128xf32, #tpu.memory_space<vmem_shared>> -> memref<125x128xf32, #tpu.memory_space<vmem_shared>>
      %dma_wait3A_72 = arith.constant 0 : i32
      %dma_wait3A_73 = tpu.memref_slice %arg9[%add3A_54, %dma_wait3A_72] : memref<10240x128xf32, #tpu.memory_space<vmem_shared>> -> memref<125x128xf32, #tpu.memory_space<vmem_shared>>
      tpu.wait_dma2 semaphore(%run_scoped3A : memref<!tpu.dma_semaphore, #tpu.memory_space<semaphore_mem>>) src(%arg8 : memref<125x128xf32, #tpu.memory_space<vmem>>) dst(%dma_wait3A_73 : memref<125x128xf32, #tpu.memory_space<vmem_shared>>)
      tpu.yield
    }) : () -> ()
    %add3A_55 = arith.constant 500 : i32
    %add3A_56 = arith.addi %mul3A_46, %add3A_55 : i32
    "tpu.region"() ({
      %run_scoped3A = tpu.sem_alloc : memref<!tpu.dma_semaphore, #tpu.memory_space<semaphore_mem>>
      %dma_start3A_66 = arith.constant 0 : i32
      %dma_start3A_67 = tpu.memref_slice %arg9[%add3A_56, %dma_start3A_66] : memref<10240x128xf32, #tpu.memory_space<vmem_shared>> -> memref<125x128xf32, #tpu.memory_space<vmem_shared>>
      %dma_start3A_68 = arith.constant 0 : i32
      %dma_start3A_69 = tpu.memref_slice %arg9[%add3A_56, %dma_start3A_68] : memref<10240x128xf32, #tpu.memory_space<vmem_shared>> -> memref<125x128xf32, #tpu.memory_space<vmem_shared>>
      tpu.enqueue_dma source(%arg8 : memref<125x128xf32, #tpu.memory_space<vmem>>) target(%dma_start3A_69 : memref<125x128xf32, #tpu.memory_space<vmem_shared>>) target_semaphore(%run_scoped3A : memref<!tpu.dma_semaphore, #tpu.memory_space<semaphore_mem>>)
      %dma_wait3A_70 = arith.constant 0 : i32
      %dma_wait3A_71 = tpu.memref_slice %arg9[%add3A_56, %dma_wait3A_70] : memref<10240x128xf32, #tpu.memory_space<vmem_shared>> -> memref<125x128xf32, #tpu.memory_space<vmem_shared>>
      %dma_wait3A_72 = arith.constant 0 : i32
      %dma_wait3A_73 = tpu.memref_slice %arg9[%add3A_56, %dma_wait3A_72] : memref<10240x128xf32, #tpu.memory_space<vmem_shared>> -> memref<125x128xf32, #tpu.memory_space<vmem_shared>>
      tpu.wait_dma2 semaphore(%run_scoped3A : memref<!tpu.dma_semaphore, #tpu.memory_space<semaphore_mem>>) src(%arg8 : memref<125x128xf32, #tpu.memory_space<vmem>>) dst(%dma_wait3A_73 : memref<125x128xf32, #tpu.memory_space<vmem_shared>>)
      tpu.yield
    }) : () -> ()
    %add3A_57 = arith.constant 625 : i32
    %add3A_58 = arith.addi %mul3A_46, %add3A_57 : i32
    "tpu.region"() ({
      %run_scoped3A = tpu.sem_alloc : memref<!tpu.dma_semaphore, #tpu.memory_space<semaphore_mem>>
      %dma_start3A_66 = arith.constant 0 : i32
      %dma_start3A_67 = arith.constant 0 : i32
      %dma_start3A_68 = tpu.memref_slice %arg8[%dma_start3A_66, %dma_start3A_67] : memref<125x128xf32, #tpu.memory_space<vmem>> -> memref<15x128xf32, #tpu.memory_space<vmem>>
      %dma_start3A_69 = arith.constant 0 : i32
      %dma_start3A_70 = tpu.memref_slice %arg9[%add3A_58, %dma_start3A_69] : memref<10240x128xf32, #tpu.memory_space<vmem_shared>> -> memref<15x128xf32, #tpu.memory_space<vmem_shared>>
      %dma_start3A_71 = arith.constant 0 : i32
      %dma_start3A_72 = tpu.memref_slice %arg9[%add3A_58, %dma_start3A_71] : memref<10240x128xf32, #tpu.memory_space<vmem_shared>> -> memref<15x128xf32, #tpu.memory_space<vmem_shared>>
      %dma_start3A_73 = arith.constant 0 : i32
      %dma_start3A_74 = arith.constant 0 : i32
      %dma_start3A_75 = tpu.memref_slice %arg8[%dma_start3A_73, %dma_start3A_74] : memref<125x128xf32, #tpu.memory_space<vmem>> -> memref<15x128xf32, #tpu.memory_space<vmem>>
      tpu.enqueue_dma source(%dma_start3A_75 : memref<15x128xf32, #tpu.memory_space<vmem>>) target(%dma_start3A_72 : memref<15x128xf32, #tpu.memory_space<vmem_shared>>) target_semaphore(%run_scoped3A : memref<!tpu.dma_semaphore, #tpu.memory_space<semaphore_mem>>)
      %dma_wait3A_76 = arith.constant 0 : i32
      %dma_wait3A_77 = arith.constant 0 : i32
      %dma_wait3A_78 = tpu.memref_slice %arg8[%dma_wait3A_76, %dma_wait3A_77] : memref<125x128xf32, #tpu.memory_space<vmem>> -> memref<15x128xf32, #tpu.memory_space<vmem>>
      %dma_wait3A_79 = arith.constant 0 : i32
      %dma_wait3A_80 = tpu.memref_slice %arg9[%add3A_58, %dma_wait3A_79] : memref<10240x128xf32, #tpu.memory_space<vmem_shared>> -> memref<15x128xf32, #tpu.memory_space<vmem_shared>>
      %dma_wait3A_81 = arith.constant 0 : i32
      %dma_wait3A_82 = tpu.memref_slice %arg9[%add3A_58, %dma_wait3A_81] : memref<10240x128xf32, #tpu.memory_space<vmem_shared>> -> memref<15x128xf32, #tpu.memory_space<vmem_shared>>
      %dma_wait3A_83 = arith.constant 0 : i32
      %dma_wait3A_84 = arith.constant 0 : i32
      %dma_wait3A_85 = tpu.memref_slice %arg8[%dma_wait3A_83, %dma_wait3A_84] : memref<125x128xf32, #tpu.memory_space<vmem>> -> memref<15x128xf32, #tpu.memory_space<vmem>>
      tpu.wait_dma2 semaphore(%run_scoped3A : memref<!tpu.dma_semaphore, #tpu.memory_space<semaphore_mem>>) src(%dma_wait3A_85 : memref<15x128xf32, #tpu.memory_space<vmem>>) dst(%dma_wait3A_82 : memref<15x128xf32, #tpu.memory_space<vmem_shared>>)
      tpu.yield
    }) : () -> ()
    %barrier3A = arith.constant 0 : index
    tpu.barrier barrier_id(%barrier3A)
    %scan3A_59 = arith.constant 0 : i32
    %scan3A_60 = arith.constant 0 : i32
    %scan3A_61 = arith.constant 5 : i32
    %scan3A_62 = arith.addi %scan3A_60, %scan3A_61 : i32
    %scan3A_63 = arith.constant 1 : i32
    scf.for %scan3A_66 = %scan3A_60 to %scan3A_62 step %scan3A_63  : i32 {
      %dma_start3A_67 = arith.constant 1 : i32
      %dma_start3A_68 = arith.constant 0 : i32
      %dma_start3A_69 = arith.constant 0 : i32
      %dma_start3A_70 = tpu.memref_slice %arg5[%dma_start3A_67, %dma_start3A_68, %dma_start3A_69] : memref<8x2x125xi32, #tpu.memory_space<vmem>> -> memref<1x1x125xi32, #tpu.memory_space<vmem>>
      %dma_start3A_71 = tpu.memref_squeeze %dma_start3A_70 : memref<1x1x125xi32, #tpu.memory_space<vmem>> -> memref<125xi32, #tpu.memory_space<vmem>>
      %dma_start3A_72 = arith.constant 0 : i32
      %dma_start3A_73 = arith.constant 0 : i32
      %dma_start3A_74 = tpu.memref_slice %arg2[%dma_start3A_72, %dma_start3A_73] : memref<10240x128xf32, #tpu.memory_space<hbm>> -> memref<10240x128xf32, #tpu.memory_space<hbm>>
      tpu.enqueue_indirect_dma source(%dma_start3A_74 : memref<10240x128xf32, #tpu.memory_space<hbm>>) target(%arg8 : memref<125x128xf32, #tpu.memory_space<vmem>>) offsets(%dma_start3A_71 : memref<125xi32, #tpu.memory_space<vmem>>) semaphore(%arg11 : memref<!tpu.dma_semaphore, #tpu.memory_space<semaphore_mem>>)
      %dma_wait3A_75 = arith.constant 0 : i32
      %dma_wait3A_76 = arith.constant 0 : i32
      %dma_wait3A_77 = arith.constant 0 : i32
      %dma_wait3A_78 = tpu.memref_slice %arg5[%dma_wait3A_75, %dma_wait3A_76, %dma_wait3A_77] : memref<8x2x125xi32, #tpu.memory_space<vmem>> -> memref<1x1x125xi32, #tpu.memory_space<vmem>>
      %dma_wait3A_79 = tpu.memref_squeeze %dma_wait3A_78 : memref<1x1x125xi32, #tpu.memory_space<vmem>> -> memref<125xi32, #tpu.memory_space<vmem>>
      %dma_wait3A_80 = arith.constant 0 : i32
      %dma_wait3A_81 = arith.constant 0 : i32
      %dma_wait3A_82 = tpu.memref_slice %arg2[%dma_wait3A_80, %dma_wait3A_81] : memref<10240x128xf32, #tpu.memory_space<hbm>> -> memref<10240x128xf32, #tpu.memory_space<hbm>>
      tpu.wait_indirect_dma semaphore(%arg10 : memref<!tpu.dma_semaphore, #tpu.memory_space<semaphore_mem>>) src(%dma_wait3A_82 : memref<10240x128xf32, #tpu.memory_space<hbm>>) dst(%arg7 : memref<125x128xf32, #tpu.memory_space<vmem>>)
      %run_scoped3A = arith.constant 0 : i32
      %run_scoped3A_83 = arith.constant 1 : i32
      "tpu.region"() ({
        %run_scoped3A_369 = tpu.sem_alloc : memref<!tpu.dma_semaphore, #tpu.memory_space<semaphore_mem>>
        %dma_start3A_370 = arith.constant 0 : i32
        %dma_start3A_371 = tpu.memref_slice %arg5[%run_scoped3A, %run_scoped3A_83, %dma_start3A_370] : memref<8x2x125xi32, #tpu.memory_space<vmem>> -> memref<1x1x125xi32, #tpu.memory_space<vmem>>
        %dma_start3A_372 = tpu.memref_squeeze %dma_start3A_371 : memref<1x1x125xi32, #tpu.memory_space<vmem>> -> memref<125xi32, #tpu.memory_space<vmem>>
        %dma_start3A_373 = arith.constant 0 : i32
        %dma_start3A_374 = arith.constant 0 : i32
        %dma_start3A_375 = tpu.memref_slice %arg9[%dma_start3A_373, %dma_start3A_374] : memref<10240x128xf32, #tpu.memory_space<vmem_shared>> -> memref<10240x128xf32, #tpu.memory_space<vmem_shared>>
        tpu.enqueue_indirect_dma source(%arg7 : memref<125x128xf32, #tpu.memory_space<vmem>>) target(%dma_start3A_375 : memref<10240x128xf32, #tpu.memory_space<vmem_shared>>) offsets(%dma_start3A_372 : memref<125xi32, #tpu.memory_space<vmem>>) semaphore(%run_scoped3A_369 : memref<!tpu.dma_semaphore, #tpu.memory_space<semaphore_mem>>) {add = true}
        %dma_wait3A_376 = arith.constant 0 : i32
        %dma_wait3A_377 = tpu.memref_slice %arg5[%run_scoped3A, %run_scoped3A_83, %dma_wait3A_376] : memref<8x2x125xi32, #tpu.memory_space<vmem>> -> memref<1x1x125xi32, #tpu.memory_space<vmem>>
        %dma_wait3A_378 = tpu.memref_squeeze %dma_wait3A_377 : memref<1x1x125xi32, #tpu.memory_space<vmem>> -> memref<125xi32, #tpu.memory_space<vmem>>
        %dma_wait3A_379 = arith.constant 0 : i32
        %dma_wait3A_380 = arith.constant 0 : i32
        %dma_wait3A_381 = tpu.memref_slice %arg9[%dma_wait3A_379, %dma_wait3A_380] : memref<10240x128xf32, #tpu.memory_space<vmem_shared>> -> memref<10240x128xf32, #tpu.memory_space<vmem_shared>>
        tpu.wait_indirect_dma semaphore(%run_scoped3A_369 : memref<!tpu.dma_semaphore, #tpu.memory_space<semaphore_mem>>) src(%arg7 : memref<125x128xf32, #tpu.memory_space<vmem>>) dst(%dma_wait3A_381 : memref<10240x128xf32, #tpu.memory_space<vmem_shared>>)
        tpu.yield
      }) : () -> ()
      %dma_start3A_84 = arith.constant 2 : i32
      %dma_start3A_85 = arith.constant 0 : i32
      %dma_start3A_86 = arith.constant 0 : i32
      %dma_start3A_87 = tpu.memref_slice %arg5[%dma_start3A_84, %dma_start3A_85, %dma_start3A_86] : memref<8x2x125xi32, #tpu.memory_space<vmem>> -> memref<1x1x125xi32, #tpu.memory_space<vmem>>
      %dma_start3A_88 = tpu.memref_squeeze %dma_start3A_87 : memref<1x1x125xi32, #tpu.memory_space<vmem>> -> memref<125xi32, #tpu.memory_space<vmem>>
      %dma_start3A_89 = arith.constant 0 : i32
      %dma_start3A_90 = arith.constant 0 : i32
      %dma_start3A_91 = tpu.memref_slice %arg2[%dma_start3A_89, %dma_start3A_90] : memref<10240x128xf32, #tpu.memory_space<hbm>> -> memref<10240x128xf32, #tpu.memory_space<hbm>>
      tpu.enqueue_indirect_dma source(%dma_start3A_91 : memref<10240x128xf32, #tpu.memory_space<hbm>>) target(%arg7 : memref<125x128xf32, #tpu.memory_space<vmem>>) offsets(%dma_start3A_88 : memref<125xi32, #tpu.memory_space<vmem>>) semaphore(%arg10 : memref<!tpu.dma_semaphore, #tpu.memory_space<semaphore_mem>>)
      %dma_wait3A_92 = arith.constant 1 : i32
      %dma_wait3A_93 = arith.constant 0 : i32
      %dma_wait3A_94 = arith.constant 0 : i32
      %dma_wait3A_95 = tpu.memref_slice %arg5[%dma_wait3A_92, %dma_wait3A_93, %dma_wait3A_94] : memref<8x2x125xi32, #tpu.memory_space<vmem>> -> memref<1x1x125xi32, #tpu.memory_space<vmem>>
      %dma_wait3A_96 = tpu.memref_squeeze %dma_wait3A_95 : memref<1x1x125xi32, #tpu.memory_space<vmem>> -> memref<125xi32, #tpu.memory_space<vmem>>
      %dma_wait3A_97 = arith.constant 0 : i32
      %dma_wait3A_98 = arith.constant 0 : i32
      %dma_wait3A_99 = tpu.memref_slice %arg2[%dma_wait3A_97, %dma_wait3A_98] : memref<10240x128xf32, #tpu.memory_space<hbm>> -> memref<10240x128xf32, #tpu.memory_space<hbm>>
      tpu.wait_indirect_dma semaphore(%arg11 : memref<!tpu.dma_semaphore, #tpu.memory_space<semaphore_mem>>) src(%dma_wait3A_99 : memref<10240x128xf32, #tpu.memory_space<hbm>>) dst(%arg8 : memref<125x128xf32, #tpu.memory_space<vmem>>)
      %run_scoped3A_100 = arith.constant 1 : i32
      %run_scoped3A_101 = arith.constant 1 : i32
      "tpu.region"() ({
        %run_scoped3A_369 = tpu.sem_alloc : memref<!tpu.dma_semaphore, #tpu.memory_space<semaphore_mem>>
        %dma_start3A_370 = arith.constant 0 : i32
        %dma_start3A_371 = tpu.memref_slice %arg5[%run_scoped3A_100, %run_scoped3A_101, %dma_start3A_370] : memref<8x2x125xi32, #tpu.memory_space<vmem>> -> memref<1x1x125xi32, #tpu.memory_space<vmem>>
        %dma_start3A_372 = tpu.memref_squeeze %dma_start3A_371 : memref<1x1x125xi32, #tpu.memory_space<vmem>> -> memref<125xi32, #tpu.memory_space<vmem>>
        %dma_start3A_373 = arith.constant 0 : i32
        %dma_start3A_374 = arith.constant 0 : i32
        %dma_start3A_375 = tpu.memref_slice %arg9[%dma_start3A_373, %dma_start3A_374] : memref<10240x128xf32, #tpu.memory_space<vmem_shared>> -> memref<10240x128xf32, #tpu.memory_space<vmem_shared>>
        tpu.enqueue_indirect_dma source(%arg8 : memref<125x128xf32, #tpu.memory_space<vmem>>) target(%dma_start3A_375 : memref<10240x128xf32, #tpu.memory_space<vmem_shared>>) offsets(%dma_start3A_372 : memref<125xi32, #tpu.memory_space<vmem>>) semaphore(%run_scoped3A_369 : memref<!tpu.dma_semaphore, #tpu.memory_space<semaphore_mem>>) {add = true}
        %dma_wait3A_376 = arith.constant 0 : i32
        %dma_wait3A_377 = tpu.memref_slice %arg5[%run_scoped3A_100, %run_scoped3A_101, %dma_wait3A_376] : memref<8x2x125xi32, #tpu.memory_space<vmem>> -> memref<1x1x125xi32, #tpu.memory_space<vmem>>
        %dma_wait3A_378 = tpu.memref_squeeze %dma_wait3A_377 : memref<1x1x125xi32, #tpu.memory_space<vmem>> -> memref<125xi32, #tpu.memory_space<vmem>>
        %dma_wait3A_379 = arith.constant 0 : i32
        %dma_wait3A_380 = arith.constant 0 : i32
        %dma_wait3A_381 = tpu.memref_slice %arg9[%dma_wait3A_379, %dma_wait3A_380] : memref<10240x128xf32, #tpu.memory_space<vmem_shared>> -> memref<10240x128xf32, #tpu.memory_space<vmem_shared>>
        tpu.wait_indirect_dma semaphore(%run_scoped3A_369 : memref<!tpu.dma_semaphore, #tpu.memory_space<semaphore_mem>>) src(%arg8 : memref<125x128xf32, #tpu.memory_space<vmem>>) dst(%dma_wait3A_381 : memref<10240x128xf32, #tpu.memory_space<vmem_shared>>)
        tpu.yield
      }) : () -> ()
      %dma_start3A_102 = arith.constant 3 : i32
      %dma_start3A_103 = arith.constant 0 : i32
      %dma_start3A_104 = arith.constant 0 : i32
      %dma_start3A_105 = tpu.memref_slice %arg5[%dma_start3A_102, %dma_start3A_103, %dma_start3A_104] : memref<8x2x125xi32, #tpu.memory_space<vmem>> -> memref<1x1x125xi32, #tpu.memory_space<vmem>>
      %dma_start3A_106 = tpu.memref_squeeze %dma_start3A_105 : memref<1x1x125xi32, #tpu.memory_space<vmem>> -> memref<125xi32, #tpu.memory_space<vmem>>
      %dma_start3A_107 = arith.constant 0 : i32
      %dma_start3A_108 = arith.constant 0 : i32
      %dma_start3A_109 = tpu.memref_slice %arg2[%dma_start3A_107, %dma_start3A_108] : memref<10240x128xf32, #tpu.memory_space<hbm>> -> memref<10240x128xf32, #tpu.memory_space<hbm>>
      tpu.enqueue_indirect_dma source(%dma_start3A_109 : memref<10240x128xf32, #tpu.memory_space<hbm>>) target(%arg8 : memref<125x128xf32, #tpu.memory_space<vmem>>) offsets(%dma_start3A_106 : memref<125xi32, #tpu.memory_space<vmem>>) semaphore(%arg11 : memref<!tpu.dma_semaphore, #tpu.memory_space<semaphore_mem>>)
      %dma_wait3A_110 = arith.constant 2 : i32
      %dma_wait3A_111 = arith.constant 0 : i32
      %dma_wait3A_112 = arith.constant 0 : i32
      %dma_wait3A_113 = tpu.memref_slice %arg5[%dma_wait3A_110, %dma_wait3A_111, %dma_wait3A_112] : memref<8x2x125xi32, #tpu.memory_space<vmem>> -> memref<1x1x125xi32, #tpu.memory_space<vmem>>
      %dma_wait3A_114 = tpu.memref_squeeze %dma_wait3A_113 : memref<1x1x125xi32, #tpu.memory_space<vmem>> -> memref<125xi32, #tpu.memory_space<vmem>>
      %dma_wait3A_115 = arith.constant 0 : i32
      %dma_wait3A_116 = arith.constant 0 : i32
      %dma_wait3A_117 = tpu.memref_slice %arg2[%dma_wait3A_115, %dma_wait3A_116] : memref<10240x128xf32, #tpu.memory_space<hbm>> -> memref<10240x128xf32, #tpu.memory_space<hbm>>
      tpu.wait_indirect_dma semaphore(%arg10 : memref<!tpu.dma_semaphore, #tpu.memory_space<semaphore_mem>>) src(%dma_wait3A_117 : memref<10240x128xf32, #tpu.memory_space<hbm>>) dst(%arg7 : memref<125x128xf32, #tpu.memory_space<vmem>>)
      %run_scoped3A_118 = arith.constant 2 : i32
      %run_scoped3A_119 = arith.constant 1 : i32
      "tpu.region"() ({
        %run_scoped3A_369 = tpu.sem_alloc : memref<!tpu.dma_semaphore, #tpu.memory_space<semaphore_mem>>
        %dma_start3A_370 = arith.constant 0 : i32
        %dma_start3A_371 = tpu.memref_slice %arg5[%run_scoped3A_118, %run_scoped3A_119, %dma_start3A_370] : memref<8x2x125xi32, #tpu.memory_space<vmem>> -> memref<1x1x125xi32, #tpu.memory_space<vmem>>
        %dma_start3A_372 = tpu.memref_squeeze %dma_start3A_371 : memref<1x1x125xi32, #tpu.memory_space<vmem>> -> memref<125xi32, #tpu.memory_space<vmem>>
        %dma_start3A_373 = arith.constant 0 : i32
        %dma_start3A_374 = arith.constant 0 : i32
        %dma_start3A_375 = tpu.memref_slice %arg9[%dma_start3A_373, %dma_start3A_374] : memref<10240x128xf32, #tpu.memory_space<vmem_shared>> -> memref<10240x128xf32, #tpu.memory_space<vmem_shared>>
        tpu.enqueue_indirect_dma source(%arg7 : memref<125x128xf32, #tpu.memory_space<vmem>>) target(%dma_start3A_375 : memref<10240x128xf32, #tpu.memory_space<vmem_shared>>) offsets(%dma_start3A_372 : memref<125xi32, #tpu.memory_space<vmem>>) semaphore(%run_scoped3A_369 : memref<!tpu.dma_semaphore, #tpu.memory_space<semaphore_mem>>) {add = true}
        %dma_wait3A_376 = arith.constant 0 : i32
        %dma_wait3A_377 = tpu.memref_slice %arg5[%run_scoped3A_118, %run_scoped3A_119, %dma_wait3A_376] : memref<8x2x125xi32, #tpu.memory_space<vmem>> -> memref<1x1x125xi32, #tpu.memory_space<vmem>>
        %dma_wait3A_378 = tpu.memref_squeeze %dma_wait3A_377 : memref<1x1x125xi32, #tpu.memory_space<vmem>> -> memref<125xi32, #tpu.memory_space<vmem>>
        %dma_wait3A_379 = arith.constant 0 : i32
        %dma_wait3A_380 = arith.constant 0 : i32
        %dma_wait3A_381 = tpu.memref_slice %arg9[%dma_wait3A_379, %dma_wait3A_380] : memref<10240x128xf32, #tpu.memory_space<vmem_shared>> -> memref<10240x128xf32, #tpu.memory_space<vmem_shared>>
        tpu.wait_indirect_dma semaphore(%run_scoped3A_369 : memref<!tpu.dma_semaphore, #tpu.memory_space<semaphore_mem>>) src(%arg7 : memref<125x128xf32, #tpu.memory_space<vmem>>) dst(%dma_wait3A_381 : memref<10240x128xf32, #tpu.memory_space<vmem_shared>>)
        tpu.yield
      }) : () -> ()
      %dma_start3A_120 = arith.constant 4 : i32
      %dma_start3A_121 = arith.constant 0 : i32
      %dma_start3A_122 = arith.constant 0 : i32
      %dma_start3A_123 = tpu.memref_slice %arg5[%dma_start3A_120, %dma_start3A_121, %dma_start3A_122] : memref<8x2x125xi32, #tpu.memory_space<vmem>> -> memref<1x1x125xi32, #tpu.memory_space<vmem>>
      %dma_start3A_124 = tpu.memref_squeeze %dma_start3A_123 : memref<1x1x125xi32, #tpu.memory_space<vmem>> -> memref<125xi32, #tpu.memory_space<vmem>>
      %dma_start3A_125 = arith.constant 0 : i32
      %dma_start3A_126 = arith.constant 0 : i32
      %dma_start3A_127 = tpu.memref_slice %arg2[%dma_start3A_125, %dma_start3A_126] : memref<10240x128xf32, #tpu.memory_space<hbm>> -> memref<10240x128xf32, #tpu.memory_space<hbm>>
      tpu.enqueue_indirect_dma source(%dma_start3A_127 : memref<10240x128xf32, #tpu.memory_space<hbm>>) target(%arg7 : memref<125x128xf32, #tpu.memory_space<vmem>>) offsets(%dma_start3A_124 : memref<125xi32, #tpu.memory_space<vmem>>) semaphore(%arg10 : memref<!tpu.dma_semaphore, #tpu.memory_space<semaphore_mem>>)
      %dma_wait3A_128 = arith.constant 3 : i32
      %dma_wait3A_129 = arith.constant 0 : i32
      %dma_wait3A_130 = arith.constant 0 : i32
      %dma_wait3A_131 = tpu.memref_slice %arg5[%dma_wait3A_128, %dma_wait3A_129, %dma_wait3A_130] : memref<8x2x125xi32, #tpu.memory_space<vmem>> -> memref<1x1x125xi32, #tpu.memory_space<vmem>>
      %dma_wait3A_132 = tpu.memref_squeeze %dma_wait3A_131 : memref<1x1x125xi32, #tpu.memory_space<vmem>> -> memref<125xi32, #tpu.memory_space<vmem>>
      %dma_wait3A_133 = arith.constant 0 : i32
      %dma_wait3A_134 = arith.constant 0 : i32
      %dma_wait3A_135 = tpu.memref_slice %arg2[%dma_wait3A_133, %dma_wait3A_134] : memref<10240x128xf32, #tpu.memory_space<hbm>> -> memref<10240x128xf32, #tpu.memory_space<hbm>>
      tpu.wait_indirect_dma semaphore(%arg11 : memref<!tpu.dma_semaphore, #tpu.memory_space<semaphore_mem>>) src(%dma_wait3A_135 : memref<10240x128xf32, #tpu.memory_space<hbm>>) dst(%arg8 : memref<125x128xf32, #tpu.memory_space<vmem>>)
      %run_scoped3A_136 = arith.constant 3 : i32
      %run_scoped3A_137 = arith.constant 1 : i32
      "tpu.region"() ({
        %run_scoped3A_369 = tpu.sem_alloc : memref<!tpu.dma_semaphore, #tpu.memory_space<semaphore_mem>>
        %dma_start3A_370 = arith.constant 0 : i32
        %dma_start3A_371 = tpu.memref_slice %arg5[%run_scoped3A_136, %run_scoped3A_137, %dma_start3A_370] : memref<8x2x125xi32, #tpu.memory_space<vmem>> -> memref<1x1x125xi32, #tpu.memory_space<vmem>>
        %dma_start3A_372 = tpu.memref_squeeze %dma_start3A_371 : memref<1x1x125xi32, #tpu.memory_space<vmem>> -> memref<125xi32, #tpu.memory_space<vmem>>
        %dma_start3A_373 = arith.constant 0 : i32
        %dma_start3A_374 = arith.constant 0 : i32
        %dma_start3A_375 = tpu.memref_slice %arg9[%dma_start3A_373, %dma_start3A_374] : memref<10240x128xf32, #tpu.memory_space<vmem_shared>> -> memref<10240x128xf32, #tpu.memory_space<vmem_shared>>
        tpu.enqueue_indirect_dma source(%arg8 : memref<125x128xf32, #tpu.memory_space<vmem>>) target(%dma_start3A_375 : memref<10240x128xf32, #tpu.memory_space<vmem_shared>>) offsets(%dma_start3A_372 : memref<125xi32, #tpu.memory_space<vmem>>) semaphore(%run_scoped3A_369 : memref<!tpu.dma_semaphore, #tpu.memory_space<semaphore_mem>>) {add = true}
        %dma_wait3A_376 = arith.constant 0 : i32
        %dma_wait3A_377 = tpu.memref_slice %arg5[%run_scoped3A_136, %run_scoped3A_137, %dma_wait3A_376] : memref<8x2x125xi32, #tpu.memory_space<vmem>> -> memref<1x1x125xi32, #tpu.memory_space<vmem>>
        %dma_wait3A_378 = tpu.memref_squeeze %dma_wait3A_377 : memref<1x1x125xi32, #tpu.memory_space<vmem>> -> memref<125xi32, #tpu.memory_space<vmem>>
        %dma_wait3A_379 = arith.constant 0 : i32
        %dma_wait3A_380 = arith.constant 0 : i32
        %dma_wait3A_381 = tpu.memref_slice %arg9[%dma_wait3A_379, %dma_wait3A_380] : memref<10240x128xf32, #tpu.memory_space<vmem_shared>> -> memref<10240x128xf32, #tpu.memory_space<vmem_shared>>
        tpu.wait_indirect_dma semaphore(%run_scoped3A_369 : memref<!tpu.dma_semaphore, #tpu.memory_space<semaphore_mem>>) src(%arg8 : memref<125x128xf32, #tpu.memory_space<vmem>>) dst(%dma_wait3A_381 : memref<10240x128xf32, #tpu.memory_space<vmem_shared>>)
        tpu.yield
      }) : () -> ()
      %dma_start3A_138 = arith.constant 5 : i32
      %dma_start3A_139 = arith.constant 0 : i32
      %dma_start3A_140 = arith.constant 0 : i32
      %dma_start3A_141 = tpu.memref_slice %arg5[%dma_start3A_138, %dma_start3A_139, %dma_start3A_140] : memref<8x2x125xi32, #tpu.memory_space<vmem>> -> memref<1x1x125xi32, #tpu.memory_space<vmem>>
      %dma_start3A_142 = tpu.memref_squeeze %dma_start3A_141 : memref<1x1x125xi32, #tpu.memory_space<vmem>> -> memref<125xi32, #tpu.memory_space<vmem>>
      %dma_start3A_143 = arith.constant 0 : i32
      %dma_start3A_144 = arith.constant 0 : i32
      %dma_start3A_145 = tpu.memref_slice %arg2[%dma_start3A_143, %dma_start3A_144] : memref<10240x128xf32, #tpu.memory_space<hbm>> -> memref<10240x128xf32, #tpu.memory_space<hbm>>
      tpu.enqueue_indirect_dma source(%dma_start3A_145 : memref<10240x128xf32, #tpu.memory_space<hbm>>) target(%arg8 : memref<125x128xf32, #tpu.memory_space<vmem>>) offsets(%dma_start3A_142 : memref<125xi32, #tpu.memory_space<vmem>>) semaphore(%arg11 : memref<!tpu.dma_semaphore, #tpu.memory_space<semaphore_mem>>)
      %dma_wait3A_146 = arith.constant 4 : i32
      %dma_wait3A_147 = arith.constant 0 : i32
      %dma_wait3A_148 = arith.constant 0 : i32
      %dma_wait3A_149 = tpu.memref_slice %arg5[%dma_wait3A_146, %dma_wait3A_147, %dma_wait3A_148] : memref<8x2x125xi32, #tpu.memory_space<vmem>> -> memref<1x1x125xi32, #tpu.memory_space<vmem>>
      %dma_wait3A_150 = tpu.memref_squeeze %dma_wait3A_149 : memref<1x1x125xi32, #tpu.memory_space<vmem>> -> memref<125xi32, #tpu.memory_space<vmem>>
      %dma_wait3A_151 = arith.constant 0 : i32
      %dma_wait3A_152 = arith.constant 0 : i32
      %dma_wait3A_153 = tpu.memref_slice %arg2[%dma_wait3A_151, %dma_wait3A_152] : memref<10240x128xf32, #tpu.memory_space<hbm>> -> memref<10240x128xf32, #tpu.memory_space<hbm>>
      tpu.wait_indirect_dma semaphore(%arg10 : memref<!tpu.dma_semaphore, #tpu.memory_space<semaphore_mem>>) src(%dma_wait3A_153 : memref<10240x128xf32, #tpu.memory_space<hbm>>) dst(%arg7 : memref<125x128xf32, #tpu.memory_space<vmem>>)
      %run_scoped3A_154 = arith.constant 4 : i32
      %run_scoped3A_155 = arith.constant 1 : i32
      "tpu.region"() ({
        %run_scoped3A_369 = tpu.sem_alloc : memref<!tpu.dma_semaphore, #tpu.memory_space<semaphore_mem>>
        %dma_start3A_370 = arith.constant 0 : i32
        %dma_start3A_371 = tpu.memref_slice %arg5[%run_scoped3A_154, %run_scoped3A_155, %dma_start3A_370] : memref<8x2x125xi32, #tpu.memory_space<vmem>> -> memref<1x1x125xi32, #tpu.memory_space<vmem>>
        %dma_start3A_372 = tpu.memref_squeeze %dma_start3A_371 : memref<1x1x125xi32, #tpu.memory_space<vmem>> -> memref<125xi32, #tpu.memory_space<vmem>>
        %dma_start3A_373 = arith.constant 0 : i32
        %dma_start3A_374 = arith.constant 0 : i32
        %dma_start3A_375 = tpu.memref_slice %arg9[%dma_start3A_373, %dma_start3A_374] : memref<10240x128xf32, #tpu.memory_space<vmem_shared>> -> memref<10240x128xf32, #tpu.memory_space<vmem_shared>>
        tpu.enqueue_indirect_dma source(%arg7 : memref<125x128xf32, #tpu.memory_space<vmem>>) target(%dma_start3A_375 : memref<10240x128xf32, #tpu.memory_space<vmem_shared>>) offsets(%dma_start3A_372 : memref<125xi32, #tpu.memory_space<vmem>>) semaphore(%run_scoped3A_369 : memref<!tpu.dma_semaphore, #tpu.memory_space<semaphore_mem>>) {add = true}
        %dma_wait3A_376 = arith.constant 0 : i32
        %dma_wait3A_377 = tpu.memref_slice %arg5[%run_scoped3A_154, %run_scoped3A_155, %dma_wait3A_376] : memref<8x2x125xi32, #tpu.memory_space<vmem>> -> memref<1x1x125xi32, #tpu.memory_space<vmem>>
        %dma_wait3A_378 = tpu.memref_squeeze %dma_wait3A_377 : memref<1x1x125xi32, #tpu.memory_space<vmem>> -> memref<125xi32, #tpu.memory_space<vmem>>
        %dma_wait3A_379 = arith.constant 0 : i32
        %dma_wait3A_380 = arith.constant 0 : i32
        %dma_wait3A_381 = tpu.memref_slice %arg9[%dma_wait3A_379, %dma_wait3A_380] : memref<10240x128xf32, #tpu.memory_space<vmem_shared>> -> memref<10240x128xf32, #tpu.memory_space<vmem_shared>>
        tpu.wait_indirect_dma semaphore(%run_scoped3A_369 : memref<!tpu.dma_semaphore, #tpu.memory_space<semaphore_mem>>) src(%arg7 : memref<125x128xf32, #tpu.memory_space<vmem>>) dst(%dma_wait3A_381 : memref<10240x128xf32, #tpu.memory_space<vmem_shared>>)
        tpu.yield
      }) : () -> ()
      %dma_start3A_156 = arith.constant 6 : i32
      %dma_start3A_157 = arith.constant 0 : i32
      %dma_start3A_158 = arith.constant 0 : i32
      %dma_start3A_159 = tpu.memref_slice %arg5[%dma_start3A_156, %dma_start3A_157, %dma_start3A_158] : memref<8x2x125xi32, #tpu.memory_space<vmem>> -> memref<1x1x125xi32, #tpu.memory_space<vmem>>
      %dma_start3A_160 = tpu.memref_squeeze %dma_start3A_159 : memref<1x1x125xi32, #tpu.memory_space<vmem>> -> memref<125xi32, #tpu.memory_space<vmem>>
      %dma_start3A_161 = arith.constant 0 : i32
      %dma_start3A_162 = arith.constant 0 : i32
      %dma_start3A_163 = tpu.memref_slice %arg2[%dma_start3A_161, %dma_start3A_162] : memref<10240x128xf32, #tpu.memory_space<hbm>> -> memref<10240x128xf32, #tpu.memory_space<hbm>>
      tpu.enqueue_indirect_dma source(%dma_start3A_163 : memref<10240x128xf32, #tpu.memory_space<hbm>>) target(%arg7 : memref<125x128xf32, #tpu.memory_space<vmem>>) offsets(%dma_start3A_160 : memref<125xi32, #tpu.memory_space<vmem>>) semaphore(%arg10 : memref<!tpu.dma_semaphore, #tpu.memory_space<semaphore_mem>>)
      %dma_wait3A_164 = arith.constant 5 : i32
      %dma_wait3A_165 = arith.constant 0 : i32
      %dma_wait3A_166 = arith.constant 0 : i32
      %dma_wait3A_167 = tpu.memref_slice %arg5[%dma_wait3A_164, %dma_wait3A_165, %dma_wait3A_166] : memref<8x2x125xi32, #tpu.memory_space<vmem>> -> memref<1x1x125xi32, #tpu.memory_space<vmem>>
      %dma_wait3A_168 = tpu.memref_squeeze %dma_wait3A_167 : memref<1x1x125xi32, #tpu.memory_space<vmem>> -> memref<125xi32, #tpu.memory_space<vmem>>
      %dma_wait3A_169 = arith.constant 0 : i32
      %dma_wait3A_170 = arith.constant 0 : i32
      %dma_wait3A_171 = tpu.memref_slice %arg2[%dma_wait3A_169, %dma_wait3A_170] : memref<10240x128xf32, #tpu.memory_space<hbm>> -> memref<10240x128xf32, #tpu.memory_space<hbm>>
      tpu.wait_indirect_dma semaphore(%arg11 : memref<!tpu.dma_semaphore, #tpu.memory_space<semaphore_mem>>) src(%dma_wait3A_171 : memref<10240x128xf32, #tpu.memory_space<hbm>>) dst(%arg8 : memref<125x128xf32, #tpu.memory_space<vmem>>)
      %run_scoped3A_172 = arith.constant 5 : i32
      %run_scoped3A_173 = arith.constant 1 : i32
      "tpu.region"() ({
        %run_scoped3A_369 = tpu.sem_alloc : memref<!tpu.dma_semaphore, #tpu.memory_space<semaphore_mem>>
        %dma_start3A_370 = arith.constant 0 : i32
        %dma_start3A_371 = tpu.memref_slice %arg5[%run_scoped3A_172, %run_scoped3A_173, %dma_start3A_370] : memref<8x2x125xi32, #tpu.memory_space<vmem>> -> memref<1x1x125xi32, #tpu.memory_space<vmem>>
        %dma_start3A_372 = tpu.memref_squeeze %dma_start3A_371 : memref<1x1x125xi32, #tpu.memory_space<vmem>> -> memref<125xi32, #tpu.memory_space<vmem>>
        %dma_start3A_373 = arith.constant 0 : i32
        %dma_start3A_374 = arith.constant 0 : i32
        %dma_start3A_375 = tpu.memref_slice %arg9[%dma_start3A_373, %dma_start3A_374] : memref<10240x128xf32, #tpu.memory_space<vmem_shared>> -> memref<10240x128xf32, #tpu.memory_space<vmem_shared>>
        tpu.enqueue_indirect_dma source(%arg8 : memref<125x128xf32, #tpu.memory_space<vmem>>) target(%dma_start3A_375 : memref<10240x128xf32, #tpu.memory_space<vmem_shared>>) offsets(%dma_start3A_372 : memref<125xi32, #tpu.memory_space<vmem>>) semaphore(%run_scoped3A_369 : memref<!tpu.dma_semaphore, #tpu.memory_space<semaphore_mem>>) {add = true}
        %dma_wait3A_376 = arith.constant 0 : i32
        %dma_wait3A_377 = tpu.memref_slice %arg5[%run_scoped3A_172, %run_scoped3A_173, %dma_wait3A_376] : memref<8x2x125xi32, #tpu.memory_space<vmem>> -> memref<1x1x125xi32, #tpu.memory_space<vmem>>
        %dma_wait3A_378 = tpu.memref_squeeze %dma_wait3A_377 : memref<1x1x125xi32, #tpu.memory_space<vmem>> -> memref<125xi32, #tpu.memory_space<vmem>>
        %dma_wait3A_379 = arith.constant 0 : i32
        %dma_wait3A_380 = arith.constant 0 : i32
        %dma_wait3A_381 = tpu.memref_slice %arg9[%dma_wait3A_379, %dma_wait3A_380] : memref<10240x128xf32, #tpu.memory_space<vmem_shared>> -> memref<10240x128xf32, #tpu.memory_space<vmem_shared>>
        tpu.wait_indirect_dma semaphore(%run_scoped3A_369 : memref<!tpu.dma_semaphore, #tpu.memory_space<semaphore_mem>>) src(%arg8 : memref<125x128xf32, #tpu.memory_space<vmem>>) dst(%dma_wait3A_381 : memref<10240x128xf32, #tpu.memory_space<vmem_shared>>)
        tpu.yield
      }) : () -> ()
      %dma_start3A_174 = arith.constant 7 : i32
      %dma_start3A_175 = arith.constant 0 : i32
      %dma_start3A_176 = arith.constant 0 : i32
      %dma_start3A_177 = tpu.memref_slice %arg5[%dma_start3A_174, %dma_start3A_175, %dma_start3A_176] : memref<8x2x125xi32, #tpu.memory_space<vmem>> -> memref<1x1x125xi32, #tpu.memory_space<vmem>>
      %dma_start3A_178 = tpu.memref_squeeze %dma_start3A_177 : memref<1x1x125xi32, #tpu.memory_space<vmem>> -> memref<125xi32, #tpu.memory_space<vmem>>
      %dma_start3A_179 = arith.constant 0 : i32
      %dma_start3A_180 = arith.constant 0 : i32
      %dma_start3A_181 = tpu.memref_slice %arg2[%dma_start3A_179, %dma_start3A_180] : memref<10240x128xf32, #tpu.memory_space<hbm>> -> memref<10240x128xf32, #tpu.memory_space<hbm>>
      tpu.enqueue_indirect_dma source(%dma_start3A_181 : memref<10240x128xf32, #tpu.memory_space<hbm>>) target(%arg8 : memref<125x128xf32, #tpu.memory_space<vmem>>) offsets(%dma_start3A_178 : memref<125xi32, #tpu.memory_space<vmem>>) semaphore(%arg11 : memref<!tpu.dma_semaphore, #tpu.memory_space<semaphore_mem>>)
      %dma_wait3A_182 = arith.constant 6 : i32
      %dma_wait3A_183 = arith.constant 0 : i32
      %dma_wait3A_184 = arith.constant 0 : i32
      %dma_wait3A_185 = tpu.memref_slice %arg5[%dma_wait3A_182, %dma_wait3A_183, %dma_wait3A_184] : memref<8x2x125xi32, #tpu.memory_space<vmem>> -> memref<1x1x125xi32, #tpu.memory_space<vmem>>
      %dma_wait3A_186 = tpu.memref_squeeze %dma_wait3A_185 : memref<1x1x125xi32, #tpu.memory_space<vmem>> -> memref<125xi32, #tpu.memory_space<vmem>>
      %dma_wait3A_187 = arith.constant 0 : i32
      %dma_wait3A_188 = arith.constant 0 : i32
      %dma_wait3A_189 = tpu.memref_slice %arg2[%dma_wait3A_187, %dma_wait3A_188] : memref<10240x128xf32, #tpu.memory_space<hbm>> -> memref<10240x128xf32, #tpu.memory_space<hbm>>
      tpu.wait_indirect_dma semaphore(%arg10 : memref<!tpu.dma_semaphore, #tpu.memory_space<semaphore_mem>>) src(%dma_wait3A_189 : memref<10240x128xf32, #tpu.memory_space<hbm>>) dst(%arg7 : memref<125x128xf32, #tpu.memory_space<vmem>>)
      %run_scoped3A_190 = arith.constant 6 : i32
      %run_scoped3A_191 = arith.constant 1 : i32
      "tpu.region"() ({
        %run_scoped3A_369 = tpu.sem_alloc : memref<!tpu.dma_semaphore, #tpu.memory_space<semaphore_mem>>
        %dma_start3A_370 = arith.constant 0 : i32
        %dma_start3A_371 = tpu.memref_slice %arg5[%run_scoped3A_190, %run_scoped3A_191, %dma_start3A_370] : memref<8x2x125xi32, #tpu.memory_space<vmem>> -> memref<1x1x125xi32, #tpu.memory_space<vmem>>
        %dma_start3A_372 = tpu.memref_squeeze %dma_start3A_371 : memref<1x1x125xi32, #tpu.memory_space<vmem>> -> memref<125xi32, #tpu.memory_space<vmem>>
        %dma_start3A_373 = arith.constant 0 : i32
        %dma_start3A_374 = arith.constant 0 : i32
        %dma_start3A_375 = tpu.memref_slice %arg9[%dma_start3A_373, %dma_start3A_374] : memref<10240x128xf32, #tpu.memory_space<vmem_shared>> -> memref<10240x128xf32, #tpu.memory_space<vmem_shared>>
        tpu.enqueue_indirect_dma source(%arg7 : memref<125x128xf32, #tpu.memory_space<vmem>>) target(%dma_start3A_375 : memref<10240x128xf32, #tpu.memory_space<vmem_shared>>) offsets(%dma_start3A_372 : memref<125xi32, #tpu.memory_space<vmem>>) semaphore(%run_scoped3A_369 : memref<!tpu.dma_semaphore, #tpu.memory_space<semaphore_mem>>) {add = true}
        %dma_wait3A_376 = arith.constant 0 : i32
        %dma_wait3A_377 = tpu.memref_slice %arg5[%run_scoped3A_190, %run_scoped3A_191, %dma_wait3A_376] : memref<8x2x125xi32, #tpu.memory_space<vmem>> -> memref<1x1x125xi32, #tpu.memory_space<vmem>>
        %dma_wait3A_378 = tpu.memref_squeeze %dma_wait3A_377 : memref<1x1x125xi32, #tpu.memory_space<vmem>> -> memref<125xi32, #tpu.memory_space<vmem>>
        %dma_wait3A_379 = arith.constant 0 : i32
        %dma_wait3A_380 = arith.constant 0 : i32
        %dma_wait3A_381 = tpu.memref_slice %arg9[%dma_wait3A_379, %dma_wait3A_380] : memref<10240x128xf32, #tpu.memory_space<vmem_shared>> -> memref<10240x128xf32, #tpu.memory_space<vmem_shared>>
        tpu.wait_indirect_dma semaphore(%run_scoped3A_369 : memref<!tpu.dma_semaphore, #tpu.memory_space<semaphore_mem>>) src(%arg7 : memref<125x128xf32, #tpu.memory_space<vmem>>) dst(%dma_wait3A_381 : memref<10240x128xf32, #tpu.memory_space<vmem_shared>>)
        tpu.yield
      }) : () -> ()
      %dma_wait3A_192 = arith.constant 0 : i32
      %dma_wait3A_193 = arith.constant 0 : i32
      %dma_wait3A_194 = arith.constant 0 : i32
      %dma_wait3A_195 = arith.constant 0 : i32
      %dma_wait3A_196 = tpu.memref_slice %arg3[%add3A, %dma_wait3A_192, %dma_wait3A_193, %dma_wait3A_194, %dma_wait3A_195] : memref<32x10x8x2x125xi32, #tpu.memory_space<hbm>> -> memref<1x1x8x2x125xi32, #tpu.memory_space<hbm>>
      %dma_wait3A_197 = tpu.memref_squeeze %dma_wait3A_196 : memref<1x1x8x2x125xi32, #tpu.memory_space<hbm>> -> memref<8x2x125xi32, #tpu.memory_space<hbm>>
      %dma_wait3A_198 = arith.constant 0 : i32
      %dma_wait3A_199 = arith.constant 0 : i32
      %dma_wait3A_200 = arith.constant 0 : i32
      %dma_wait3A_201 = tpu.memref_slice %arg3[%add3A, %dma_wait3A_192, %dma_wait3A_198, %dma_wait3A_199, %dma_wait3A_200] : memref<32x10x8x2x125xi32, #tpu.memory_space<hbm>> -> memref<1x1x8x2x125xi32, #tpu.memory_space<hbm>>
      %dma_wait3A_202 = tpu.memref_squeeze %dma_wait3A_201 : memref<1x1x8x2x125xi32, #tpu.memory_space<hbm>> -> memref<8x2x125xi32, #tpu.memory_space<hbm>>
      tpu.wait_dma2 semaphore(%arg13 : memref<!tpu.dma_semaphore, #tpu.memory_space<semaphore_mem>>) src(%dma_wait3A_202 : memref<8x2x125xi32, #tpu.memory_space<hbm>>) dst(%arg6 : memref<8x2x125xi32, #tpu.memory_space<vmem>>)
      %dma_start3A_203 = arith.constant 0 : i32
      %dma_start3A_204 = arith.constant 0 : i32
      %dma_start3A_205 = arith.constant 0 : i32
      %dma_start3A_206 = tpu.memref_slice %arg6[%dma_start3A_203, %dma_start3A_204, %dma_start3A_205] : memref<8x2x125xi32, #tpu.memory_space<vmem>> -> memref<1x1x125xi32, #tpu.memory_space<vmem>>
      %dma_start3A_207 = tpu.memref_squeeze %dma_start3A_206 : memref<1x1x125xi32, #tpu.memory_space<vmem>> -> memref<125xi32, #tpu.memory_space<vmem>>
      %dma_start3A_208 = arith.constant 0 : i32
      %dma_start3A_209 = arith.constant 0 : i32
      %dma_start3A_210 = tpu.memref_slice %arg2[%dma_start3A_208, %dma_start3A_209] : memref<10240x128xf32, #tpu.memory_space<hbm>> -> memref<10240x128xf32, #tpu.memory_space<hbm>>
      tpu.enqueue_indirect_dma source(%dma_start3A_210 : memref<10240x128xf32, #tpu.memory_space<hbm>>) target(%arg7 : memref<125x128xf32, #tpu.memory_space<vmem>>) offsets(%dma_start3A_207 : memref<125xi32, #tpu.memory_space<vmem>>) semaphore(%arg10 : memref<!tpu.dma_semaphore, #tpu.memory_space<semaphore_mem>>)
      %dma_wait3A_211 = arith.constant 7 : i32
      %dma_wait3A_212 = arith.constant 0 : i32
      %dma_wait3A_213 = arith.constant 0 : i32
      %dma_wait3A_214 = tpu.memref_slice %arg5[%dma_wait3A_211, %dma_wait3A_212, %dma_wait3A_213] : memref<8x2x125xi32, #tpu.memory_space<vmem>> -> memref<1x1x125xi32, #tpu.memory_space<vmem>>
      %dma_wait3A_215 = tpu.memref_squeeze %dma_wait3A_214 : memref<1x1x125xi32, #tpu.memory_space<vmem>> -> memref<125xi32, #tpu.memory_space<vmem>>
      %dma_wait3A_216 = arith.constant 0 : i32
      %dma_wait3A_217 = arith.constant 0 : i32
      %dma_wait3A_218 = tpu.memref_slice %arg2[%dma_wait3A_216, %dma_wait3A_217] : memref<10240x128xf32, #tpu.memory_space<hbm>> -> memref<10240x128xf32, #tpu.memory_space<hbm>>
      tpu.wait_indirect_dma semaphore(%arg11 : memref<!tpu.dma_semaphore, #tpu.memory_space<semaphore_mem>>) src(%dma_wait3A_218 : memref<10240x128xf32, #tpu.memory_space<hbm>>) dst(%arg8 : memref<125x128xf32, #tpu.memory_space<vmem>>)
      %run_scoped3A_219 = arith.constant 7 : i32
      %run_scoped3A_220 = arith.constant 1 : i32
      "tpu.region"() ({
        %run_scoped3A_369 = tpu.sem_alloc : memref<!tpu.dma_semaphore, #tpu.memory_space<semaphore_mem>>
        %dma_start3A_370 = arith.constant 0 : i32
        %dma_start3A_371 = tpu.memref_slice %arg5[%run_scoped3A_219, %run_scoped3A_220, %dma_start3A_370] : memref<8x2x125xi32, #tpu.memory_space<vmem>> -> memref<1x1x125xi32, #tpu.memory_space<vmem>>
        %dma_start3A_372 = tpu.memref_squeeze %dma_start3A_371 : memref<1x1x125xi32, #tpu.memory_space<vmem>> -> memref<125xi32, #tpu.memory_space<vmem>>
        %dma_start3A_373 = arith.constant 0 : i32
        %dma_start3A_374 = arith.constant 0 : i32
        %dma_start3A_375 = tpu.memref_slice %arg9[%dma_start3A_373, %dma_start3A_374] : memref<10240x128xf32, #tpu.memory_space<vmem_shared>> -> memref<10240x128xf32, #tpu.memory_space<vmem_shared>>
        tpu.enqueue_indirect_dma source(%arg8 : memref<125x128xf32, #tpu.memory_space<vmem>>) target(%dma_start3A_375 : memref<10240x128xf32, #tpu.memory_space<vmem_shared>>) offsets(%dma_start3A_372 : memref<125xi32, #tpu.memory_space<vmem>>) semaphore(%run_scoped3A_369 : memref<!tpu.dma_semaphore, #tpu.memory_space<semaphore_mem>>) {add = true}
        %dma_wait3A_376 = arith.constant 0 : i32
        %dma_wait3A_377 = tpu.memref_slice %arg5[%run_scoped3A_219, %run_scoped3A_220, %dma_wait3A_376] : memref<8x2x125xi32, #tpu.memory_space<vmem>> -> memref<1x1x125xi32, #tpu.memory_space<vmem>>
        %dma_wait3A_378 = tpu.memref_squeeze %dma_wait3A_377 : memref<1x1x125xi32, #tpu.memory_space<vmem>> -> memref<125xi32, #tpu.memory_space<vmem>>
        %dma_wait3A_379 = arith.constant 0 : i32
        %dma_wait3A_380 = arith.constant 0 : i32
        %dma_wait3A_381 = tpu.memref_slice %arg9[%dma_wait3A_379, %dma_wait3A_380] : memref<10240x128xf32, #tpu.memory_space<vmem_shared>> -> memref<10240x128xf32, #tpu.memory_space<vmem_shared>>
        tpu.wait_indirect_dma semaphore(%run_scoped3A_369 : memref<!tpu.dma_semaphore, #tpu.memory_space<semaphore_mem>>) src(%arg8 : memref<125x128xf32, #tpu.memory_space<vmem>>) dst(%dma_wait3A_381 : memref<10240x128xf32, #tpu.memory_space<vmem_shared>>)
        tpu.yield
      }) : () -> ()
      %lt3A = arith.constant 4 : i32
      %lt3A_221 = arith.cmpi slt, %scan3A_66, %lt3A : i32
      %convert_element_type3A = arith.extui %lt3A_221 : i1 to i32
      %cond3A = arith.constant 0 : i32
      %cond3A_222 = arith.cmpi ne, %convert_element_type3A, %cond3A : i32
      scf.if %cond3A_222 {
        %mul3A_369 = arith.constant 2 : i32
        %mul3A_370 = arith.muli %mul3A_369, %scan3A_66 : i32
        %add3A_371 = arith.constant 2 : i32
        %add3A_372 = arith.addi %mul3A_370, %add3A_371 : i32
        %dma_start3A_373 = arith.constant 0 : i32
        %dma_start3A_374 = arith.constant 0 : i32
        %dma_start3A_375 = arith.constant 0 : i32
        %dma_start3A_376 = tpu.memref_slice %arg3[%add3A, %add3A_372, %dma_start3A_373, %dma_start3A_374, %dma_start3A_375] : memref<32x10x8x2x125xi32, #tpu.memory_space<hbm>> -> memref<1x1x8x2x125xi32, #tpu.memory_space<hbm>>
        %dma_start3A_377 = tpu.memref_squeeze %dma_start3A_376 : memref<1x1x8x2x125xi32, #tpu.memory_space<hbm>> -> memref<8x2x125xi32, #tpu.memory_space<hbm>>
        %dma_start3A_378 = arith.constant 0 : i32
        %dma_start3A_379 = arith.constant 0 : i32
        %dma_start3A_380 = arith.constant 0 : i32
        %dma_start3A_381 = tpu.memref_slice %arg3[%add3A, %add3A_372, %dma_start3A_378, %dma_start3A_379, %dma_start3A_380] : memref<32x10x8x2x125xi32, #tpu.memory_space<hbm>> -> memref<1x1x8x2x125xi32, #tpu.memory_space<hbm>>
        %dma_start3A_382 = tpu.memref_squeeze %dma_start3A_381 : memref<1x1x8x2x125xi32, #tpu.memory_space<hbm>> -> memref<8x2x125xi32, #tpu.memory_space<hbm>>
        tpu.enqueue_dma source(%dma_start3A_382 : memref<8x2x125xi32, #tpu.memory_space<hbm>>) target(%arg5 : memref<8x2x125xi32, #tpu.memory_space<vmem>>) target_semaphore(%arg12 : memref<!tpu.dma_semaphore, #tpu.memory_space<semaphore_mem>>)
      } else {
      }
      %dma_start3A_223 = arith.constant 1 : i32
      %dma_start3A_224 = arith.constant 0 : i32
      %dma_start3A_225 = arith.constant 0 : i32
      %dma_start3A_226 = tpu.memref_slice %arg6[%dma_start3A_223, %dma_start3A_224, %dma_start3A_225] : memref<8x2x125xi32, #tpu.memory_space<vmem>> -> memref<1x1x125xi32, #tpu.memory_space<vmem>>
      %dma_start3A_227 = tpu.memref_squeeze %dma_start3A_226 : memref<1x1x125xi32, #tpu.memory_space<vmem>> -> memref<125xi32, #tpu.memory_space<vmem>>
      %dma_start3A_228 = arith.constant 0 : i32
      %dma_start3A_229 = arith.constant 0 : i32
      %dma_start3A_230 = tpu.memref_slice %arg2[%dma_start3A_228, %dma_start3A_229] : memref<10240x128xf32, #tpu.memory_space<hbm>> -> memref<10240x128xf32, #tpu.memory_space<hbm>>
      tpu.enqueue_indirect_dma source(%dma_start3A_230 : memref<10240x128xf32, #tpu.memory_space<hbm>>) target(%arg8 : memref<125x128xf32, #tpu.memory_space<vmem>>) offsets(%dma_start3A_227 : memref<125xi32, #tpu.memory_space<vmem>>) semaphore(%arg11 : memref<!tpu.dma_semaphore, #tpu.memory_space<semaphore_mem>>)
      %dma_wait3A_231 = arith.constant 0 : i32
      %dma_wait3A_232 = arith.constant 0 : i32
      %dma_wait3A_233 = arith.constant 0 : i32
      %dma_wait3A_234 = tpu.memref_slice %arg6[%dma_wait3A_231, %dma_wait3A_232, %dma_wait3A_233] : memref<8x2x125xi32, #tpu.memory_space<vmem>> -> memref<1x1x125xi32, #tpu.memory_space<vmem>>
      %dma_wait3A_235 = tpu.memref_squeeze %dma_wait3A_234 : memref<1x1x125xi32, #tpu.memory_space<vmem>> -> memref<125xi32, #tpu.memory_space<vmem>>
      %dma_wait3A_236 = arith.constant 0 : i32
      %dma_wait3A_237 = arith.constant 0 : i32
      %dma_wait3A_238 = tpu.memref_slice %arg2[%dma_wait3A_236, %dma_wait3A_237] : memref<10240x128xf32, #tpu.memory_space<hbm>> -> memref<10240x128xf32, #tpu.memory_space<hbm>>
      tpu.wait_indirect_dma semaphore(%arg10 : memref<!tpu.dma_semaphore, #tpu.memory_space<semaphore_mem>>) src(%dma_wait3A_238 : memref<10240x128xf32, #tpu.memory_space<hbm>>) dst(%arg7 : memref<125x128xf32, #tpu.memory_space<vmem>>)
      %run_scoped3A_239 = arith.constant 0 : i32
      %run_scoped3A_240 = arith.constant 1 : i32
      "tpu.region"() ({
        %run_scoped3A_369 = tpu.sem_alloc : memref<!tpu.dma_semaphore, #tpu.memory_space<semaphore_mem>>
        %dma_start3A_370 = arith.constant 0 : i32
        %dma_start3A_371 = tpu.memref_slice %arg6[%run_scoped3A_239, %run_scoped3A_240, %dma_start3A_370] : memref<8x2x125xi32, #tpu.memory_space<vmem>> -> memref<1x1x125xi32, #tpu.memory_space<vmem>>
        %dma_start3A_372 = tpu.memref_squeeze %dma_start3A_371 : memref<1x1x125xi32, #tpu.memory_space<vmem>> -> memref<125xi32, #tpu.memory_space<vmem>>
        %dma_start3A_373 = arith.constant 0 : i32
        %dma_start3A_374 = arith.constant 0 : i32
        %dma_start3A_375 = tpu.memref_slice %arg9[%dma_start3A_373, %dma_start3A_374] : memref<10240x128xf32, #tpu.memory_space<vmem_shared>> -> memref<10240x128xf32, #tpu.memory_space<vmem_shared>>
        tpu.enqueue_indirect_dma source(%arg7 : memref<125x128xf32, #tpu.memory_space<vmem>>) target(%dma_start3A_375 : memref<10240x128xf32, #tpu.memory_space<vmem_shared>>) offsets(%dma_start3A_372 : memref<125xi32, #tpu.memory_space<vmem>>) semaphore(%run_scoped3A_369 : memref<!tpu.dma_semaphore, #tpu.memory_space<semaphore_mem>>) {add = true}
        %dma_wait3A_376 = arith.constant 0 : i32
        %dma_wait3A_377 = tpu.memref_slice %arg6[%run_scoped3A_239, %run_scoped3A_240, %dma_wait3A_376] : memref<8x2x125xi32, #tpu.memory_space<vmem>> -> memref<1x1x125xi32, #tpu.memory_space<vmem>>
        %dma_wait3A_378 = tpu.memref_squeeze %dma_wait3A_377 : memref<1x1x125xi32, #tpu.memory_space<vmem>> -> memref<125xi32, #tpu.memory_space<vmem>>
        %dma_wait3A_379 = arith.constant 0 : i32
        %dma_wait3A_380 = arith.constant 0 : i32
        %dma_wait3A_381 = tpu.memref_slice %arg9[%dma_wait3A_379, %dma_wait3A_380] : memref<10240x128xf32, #tpu.memory_space<vmem_shared>> -> memref<10240x128xf32, #tpu.memory_space<vmem_shared>>
        tpu.wait_indirect_dma semaphore(%run_scoped3A_369 : memref<!tpu.dma_semaphore, #tpu.memory_space<semaphore_mem>>) src(%arg7 : memref<125x128xf32, #tpu.memory_space<vmem>>) dst(%dma_wait3A_381 : memref<10240x128xf32, #tpu.memory_space<vmem_shared>>)
        tpu.yield
      }) : () -> ()
      %dma_start3A_241 = arith.constant 2 : i32
      %dma_start3A_242 = arith.constant 0 : i32
      %dma_start3A_243 = arith.constant 0 : i32
      %dma_start3A_244 = tpu.memref_slice %arg6[%dma_start3A_241, %dma_start3A_242, %dma_start3A_243] : memref<8x2x125xi32, #tpu.memory_space<vmem>> -> memref<1x1x125xi32, #tpu.memory_space<vmem>>
      %dma_start3A_245 = tpu.memref_squeeze %dma_start3A_244 : memref<1x1x125xi32, #tpu.memory_space<vmem>> -> memref<125xi32, #tpu.memory_space<vmem>>
      %dma_start3A_246 = arith.constant 0 : i32
      %dma_start3A_247 = arith.constant 0 : i32
      %dma_start3A_248 = tpu.memref_slice %arg2[%dma_start3A_246, %dma_start3A_247] : memref<10240x128xf32, #tpu.memory_space<hbm>> -> memref<10240x128xf32, #tpu.memory_space<hbm>>
      tpu.enqueue_indirect_dma source(%dma_start3A_248 : memref<10240x128xf32, #tpu.memory_space<hbm>>) target(%arg7 : memref<125x128xf32, #tpu.memory_space<vmem>>) offsets(%dma_start3A_245 : memref<125xi32, #tpu.memory_space<vmem>>) semaphore(%arg10 : memref<!tpu.dma_semaphore, #tpu.memory_space<semaphore_mem>>)
      %dma_wait3A_249 = arith.constant 1 : i32
      %dma_wait3A_250 = arith.constant 0 : i32
      %dma_wait3A_251 = arith.constant 0 : i32
      %dma_wait3A_252 = tpu.memref_slice %arg6[%dma_wait3A_249, %dma_wait3A_250, %dma_wait3A_251] : memref<8x2x125xi32, #tpu.memory_space<vmem>> -> memref<1x1x125xi32, #tpu.memory_space<vmem>>
      %dma_wait3A_253 = tpu.memref_squeeze %dma_wait3A_252 : memref<1x1x125xi32, #tpu.memory_space<vmem>> -> memref<125xi32, #tpu.memory_space<vmem>>
      %dma_wait3A_254 = arith.constant 0 : i32
      %dma_wait3A_255 = arith.constant 0 : i32
      %dma_wait3A_256 = tpu.memref_slice %arg2[%dma_wait3A_254, %dma_wait3A_255] : memref<10240x128xf32, #tpu.memory_space<hbm>> -> memref<10240x128xf32, #tpu.memory_space<hbm>>
      tpu.wait_indirect_dma semaphore(%arg11 : memref<!tpu.dma_semaphore, #tpu.memory_space<semaphore_mem>>) src(%dma_wait3A_256 : memref<10240x128xf32, #tpu.memory_space<hbm>>) dst(%arg8 : memref<125x128xf32, #tpu.memory_space<vmem>>)
      %run_scoped3A_257 = arith.constant 1 : i32
      %run_scoped3A_258 = arith.constant 1 : i32
      "tpu.region"() ({
        %run_scoped3A_369 = tpu.sem_alloc : memref<!tpu.dma_semaphore, #tpu.memory_space<semaphore_mem>>
        %dma_start3A_370 = arith.constant 0 : i32
        %dma_start3A_371 = tpu.memref_slice %arg6[%run_scoped3A_257, %run_scoped3A_258, %dma_start3A_370] : memref<8x2x125xi32, #tpu.memory_space<vmem>> -> memref<1x1x125xi32, #tpu.memory_space<vmem>>
        %dma_start3A_372 = tpu.memref_squeeze %dma_start3A_371 : memref<1x1x125xi32, #tpu.memory_space<vmem>> -> memref<125xi32, #tpu.memory_space<vmem>>
        %dma_start3A_373 = arith.constant 0 : i32
        %dma_start3A_374 = arith.constant 0 : i32
        %dma_start3A_375 = tpu.memref_slice %arg9[%dma_start3A_373, %dma_start3A_374] : memref<10240x128xf32, #tpu.memory_space<vmem_shared>> -> memref<10240x128xf32, #tpu.memory_space<vmem_shared>>
        tpu.enqueue_indirect_dma source(%arg8 : memref<125x128xf32, #tpu.memory_space<vmem>>) target(%dma_start3A_375 : memref<10240x128xf32, #tpu.memory_space<vmem_shared>>) offsets(%dma_start3A_372 : memref<125xi32, #tpu.memory_space<vmem>>) semaphore(%run_scoped3A_369 : memref<!tpu.dma_semaphore, #tpu.memory_space<semaphore_mem>>) {add = true}
        %dma_wait3A_376 = arith.constant 0 : i32
        %dma_wait3A_377 = tpu.memref_slice %arg6[%run_scoped3A_257, %run_scoped3A_258, %dma_wait3A_376] : memref<8x2x125xi32, #tpu.memory_space<vmem>> -> memref<1x1x125xi32, #tpu.memory_space<vmem>>
        %dma_wait3A_378 = tpu.memref_squeeze %dma_wait3A_377 : memref<1x1x125xi32, #tpu.memory_space<vmem>> -> memref<125xi32, #tpu.memory_space<vmem>>
        %dma_wait3A_379 = arith.constant 0 : i32
        %dma_wait3A_380 = arith.constant 0 : i32
        %dma_wait3A_381 = tpu.memref_slice %arg9[%dma_wait3A_379, %dma_wait3A_380] : memref<10240x128xf32, #tpu.memory_space<vmem_shared>> -> memref<10240x128xf32, #tpu.memory_space<vmem_shared>>
        tpu.wait_indirect_dma semaphore(%run_scoped3A_369 : memref<!tpu.dma_semaphore, #tpu.memory_space<semaphore_mem>>) src(%arg8 : memref<125x128xf32, #tpu.memory_space<vmem>>) dst(%dma_wait3A_381 : memref<10240x128xf32, #tpu.memory_space<vmem_shared>>)
        tpu.yield
      }) : () -> ()
      %dma_start3A_259 = arith.constant 3 : i32
      %dma_start3A_260 = arith.constant 0 : i32
      %dma_start3A_261 = arith.constant 0 : i32
      %dma_start3A_262 = tpu.memref_slice %arg6[%dma_start3A_259, %dma_start3A_260, %dma_start3A_261] : memref<8x2x125xi32, #tpu.memory_space<vmem>> -> memref<1x1x125xi32, #tpu.memory_space<vmem>>
      %dma_start3A_263 = tpu.memref_squeeze %dma_start3A_262 : memref<1x1x125xi32, #tpu.memory_space<vmem>> -> memref<125xi32, #tpu.memory_space<vmem>>
      %dma_start3A_264 = arith.constant 0 : i32
      %dma_start3A_265 = arith.constant 0 : i32
      %dma_start3A_266 = tpu.memref_slice %arg2[%dma_start3A_264, %dma_start3A_265] : memref<10240x128xf32, #tpu.memory_space<hbm>> -> memref<10240x128xf32, #tpu.memory_space<hbm>>
      tpu.enqueue_indirect_dma source(%dma_start3A_266 : memref<10240x128xf32, #tpu.memory_space<hbm>>) target(%arg8 : memref<125x128xf32, #tpu.memory_space<vmem>>) offsets(%dma_start3A_263 : memref<125xi32, #tpu.memory_space<vmem>>) semaphore(%arg11 : memref<!tpu.dma_semaphore, #tpu.memory_space<semaphore_mem>>)
      %dma_wait3A_267 = arith.constant 2 : i32
      %dma_wait3A_268 = arith.constant 0 : i32
      %dma_wait3A_269 = arith.constant 0 : i32
      %dma_wait3A_270 = tpu.memref_slice %arg6[%dma_wait3A_267, %dma_wait3A_268, %dma_wait3A_269] : memref<8x2x125xi32, #tpu.memory_space<vmem>> -> memref<1x1x125xi32, #tpu.memory_space<vmem>>
      %dma_wait3A_271 = tpu.memref_squeeze %dma_wait3A_270 : memref<1x1x125xi32, #tpu.memory_space<vmem>> -> memref<125xi32, #tpu.memory_space<vmem>>
      %dma_wait3A_272 = arith.constant 0 : i32
      %dma_wait3A_273 = arith.constant 0 : i32
      %dma_wait3A_274 = tpu.memref_slice %arg2[%dma_wait3A_272, %dma_wait3A_273] : memref<10240x128xf32, #tpu.memory_space<hbm>> -> memref<10240x128xf32, #tpu.memory_space<hbm>>
      tpu.wait_indirect_dma semaphore(%arg10 : memref<!tpu.dma_semaphore, #tpu.memory_space<semaphore_mem>>) src(%dma_wait3A_274 : memref<10240x128xf32, #tpu.memory_space<hbm>>) dst(%arg7 : memref<125x128xf32, #tpu.memory_space<vmem>>)
      %run_scoped3A_275 = arith.constant 2 : i32
      %run_scoped3A_276 = arith.constant 1 : i32
      "tpu.region"() ({
        %run_scoped3A_369 = tpu.sem_alloc : memref<!tpu.dma_semaphore, #tpu.memory_space<semaphore_mem>>
        %dma_start3A_370 = arith.constant 0 : i32
        %dma_start3A_371 = tpu.memref_slice %arg6[%run_scoped3A_275, %run_scoped3A_276, %dma_start3A_370] : memref<8x2x125xi32, #tpu.memory_space<vmem>> -> memref<1x1x125xi32, #tpu.memory_space<vmem>>
        %dma_start3A_372 = tpu.memref_squeeze %dma_start3A_371 : memref<1x1x125xi32, #tpu.memory_space<vmem>> -> memref<125xi32, #tpu.memory_space<vmem>>
        %dma_start3A_373 = arith.constant 0 : i32
        %dma_start3A_374 = arith.constant 0 : i32
        %dma_start3A_375 = tpu.memref_slice %arg9[%dma_start3A_373, %dma_start3A_374] : memref<10240x128xf32, #tpu.memory_space<vmem_shared>> -> memref<10240x128xf32, #tpu.memory_space<vmem_shared>>
        tpu.enqueue_indirect_dma source(%arg7 : memref<125x128xf32, #tpu.memory_space<vmem>>) target(%dma_start3A_375 : memref<10240x128xf32, #tpu.memory_space<vmem_shared>>) offsets(%dma_start3A_372 : memref<125xi32, #tpu.memory_space<vmem>>) semaphore(%run_scoped3A_369 : memref<!tpu.dma_semaphore, #tpu.memory_space<semaphore_mem>>) {add = true}
        %dma_wait3A_376 = arith.constant 0 : i32
        %dma_wait3A_377 = tpu.memref_slice %arg6[%run_scoped3A_275, %run_scoped3A_276, %dma_wait3A_376] : memref<8x2x125xi32, #tpu.memory_space<vmem>> -> memref<1x1x125xi32, #tpu.memory_space<vmem>>
        %dma_wait3A_378 = tpu.memref_squeeze %dma_wait3A_377 : memref<1x1x125xi32, #tpu.memory_space<vmem>> -> memref<125xi32, #tpu.memory_space<vmem>>
        %dma_wait3A_379 = arith.constant 0 : i32
        %dma_wait3A_380 = arith.constant 0 : i32
        %dma_wait3A_381 = tpu.memref_slice %arg9[%dma_wait3A_379, %dma_wait3A_380] : memref<10240x128xf32, #tpu.memory_space<vmem_shared>> -> memref<10240x128xf32, #tpu.memory_space<vmem_shared>>
        tpu.wait_indirect_dma semaphore(%run_scoped3A_369 : memref<!tpu.dma_semaphore, #tpu.memory_space<semaphore_mem>>) src(%arg7 : memref<125x128xf32, #tpu.memory_space<vmem>>) dst(%dma_wait3A_381 : memref<10240x128xf32, #tpu.memory_space<vmem_shared>>)
        tpu.yield
      }) : () -> ()
      %dma_start3A_277 = arith.constant 4 : i32
      %dma_start3A_278 = arith.constant 0 : i32
      %dma_start3A_279 = arith.constant 0 : i32
      %dma_start3A_280 = tpu.memref_slice %arg6[%dma_start3A_277, %dma_start3A_278, %dma_start3A_279] : memref<8x2x125xi32, #tpu.memory_space<vmem>> -> memref<1x1x125xi32, #tpu.memory_space<vmem>>
      %dma_start3A_281 = tpu.memref_squeeze %dma_start3A_280 : memref<1x1x125xi32, #tpu.memory_space<vmem>> -> memref<125xi32, #tpu.memory_space<vmem>>
      %dma_start3A_282 = arith.constant 0 : i32
      %dma_start3A_283 = arith.constant 0 : i32
      %dma_start3A_284 = tpu.memref_slice %arg2[%dma_start3A_282, %dma_start3A_283] : memref<10240x128xf32, #tpu.memory_space<hbm>> -> memref<10240x128xf32, #tpu.memory_space<hbm>>
      tpu.enqueue_indirect_dma source(%dma_start3A_284 : memref<10240x128xf32, #tpu.memory_space<hbm>>) target(%arg7 : memref<125x128xf32, #tpu.memory_space<vmem>>) offsets(%dma_start3A_281 : memref<125xi32, #tpu.memory_space<vmem>>) semaphore(%arg10 : memref<!tpu.dma_semaphore, #tpu.memory_space<semaphore_mem>>)
      %dma_wait3A_285 = arith.constant 3 : i32
      %dma_wait3A_286 = arith.constant 0 : i32
      %dma_wait3A_287 = arith.constant 0 : i32
      %dma_wait3A_288 = tpu.memref_slice %arg6[%dma_wait3A_285, %dma_wait3A_286, %dma_wait3A_287] : memref<8x2x125xi32, #tpu.memory_space<vmem>> -> memref<1x1x125xi32, #tpu.memory_space<vmem>>
      %dma_wait3A_289 = tpu.memref_squeeze %dma_wait3A_288 : memref<1x1x125xi32, #tpu.memory_space<vmem>> -> memref<125xi32, #tpu.memory_space<vmem>>
      %dma_wait3A_290 = arith.constant 0 : i32
      %dma_wait3A_291 = arith.constant 0 : i32
      %dma_wait3A_292 = tpu.memref_slice %arg2[%dma_wait3A_290, %dma_wait3A_291] : memref<10240x128xf32, #tpu.memory_space<hbm>> -> memref<10240x128xf32, #tpu.memory_space<hbm>>
      tpu.wait_indirect_dma semaphore(%arg11 : memref<!tpu.dma_semaphore, #tpu.memory_space<semaphore_mem>>) src(%dma_wait3A_292 : memref<10240x128xf32, #tpu.memory_space<hbm>>) dst(%arg8 : memref<125x128xf32, #tpu.memory_space<vmem>>)
      %run_scoped3A_293 = arith.constant 3 : i32
      %run_scoped3A_294 = arith.constant 1 : i32
      "tpu.region"() ({
        %run_scoped3A_369 = tpu.sem_alloc : memref<!tpu.dma_semaphore, #tpu.memory_space<semaphore_mem>>
        %dma_start3A_370 = arith.constant 0 : i32
        %dma_start3A_371 = tpu.memref_slice %arg6[%run_scoped3A_293, %run_scoped3A_294, %dma_start3A_370] : memref<8x2x125xi32, #tpu.memory_space<vmem>> -> memref<1x1x125xi32, #tpu.memory_space<vmem>>
        %dma_start3A_372 = tpu.memref_squeeze %dma_start3A_371 : memref<1x1x125xi32, #tpu.memory_space<vmem>> -> memref<125xi32, #tpu.memory_space<vmem>>
        %dma_start3A_373 = arith.constant 0 : i32
        %dma_start3A_374 = arith.constant 0 : i32
        %dma_start3A_375 = tpu.memref_slice %arg9[%dma_start3A_373, %dma_start3A_374] : memref<10240x128xf32, #tpu.memory_space<vmem_shared>> -> memref<10240x128xf32, #tpu.memory_space<vmem_shared>>
        tpu.enqueue_indirect_dma source(%arg8 : memref<125x128xf32, #tpu.memory_space<vmem>>) target(%dma_start3A_375 : memref<10240x128xf32, #tpu.memory_space<vmem_shared>>) offsets(%dma_start3A_372 : memref<125xi32, #tpu.memory_space<vmem>>) semaphore(%run_scoped3A_369 : memref<!tpu.dma_semaphore, #tpu.memory_space<semaphore_mem>>) {add = true}
        %dma_wait3A_376 = arith.constant 0 : i32
        %dma_wait3A_377 = tpu.memref_slice %arg6[%run_scoped3A_293, %run_scoped3A_294, %dma_wait3A_376] : memref<8x2x125xi32, #tpu.memory_space<vmem>> -> memref<1x1x125xi32, #tpu.memory_space<vmem>>
        %dma_wait3A_378 = tpu.memref_squeeze %dma_wait3A_377 : memref<1x1x125xi32, #tpu.memory_space<vmem>> -> memref<125xi32, #tpu.memory_space<vmem>>
        %dma_wait3A_379 = arith.constant 0 : i32
        %dma_wait3A_380 = arith.constant 0 : i32
        %dma_wait3A_381 = tpu.memref_slice %arg9[%dma_wait3A_379, %dma_wait3A_380] : memref<10240x128xf32, #tpu.memory_space<vmem_shared>> -> memref<10240x128xf32, #tpu.memory_space<vmem_shared>>
        tpu.wait_indirect_dma semaphore(%run_scoped3A_369 : memref<!tpu.dma_semaphore, #tpu.memory_space<semaphore_mem>>) src(%arg8 : memref<125x128xf32, #tpu.memory_space<vmem>>) dst(%dma_wait3A_381 : memref<10240x128xf32, #tpu.memory_space<vmem_shared>>)
        tpu.yield
      }) : () -> ()
      %dma_start3A_295 = arith.constant 5 : i32
      %dma_start3A_296 = arith.constant 0 : i32
      %dma_start3A_297 = arith.constant 0 : i32
      %dma_start3A_298 = tpu.memref_slice %arg6[%dma_start3A_295, %dma_start3A_296, %dma_start3A_297] : memref<8x2x125xi32, #tpu.memory_space<vmem>> -> memref<1x1x125xi32, #tpu.memory_space<vmem>>
      %dma_start3A_299 = tpu.memref_squeeze %dma_start3A_298 : memref<1x1x125xi32, #tpu.memory_space<vmem>> -> memref<125xi32, #tpu.memory_space<vmem>>
      %dma_start3A_300 = arith.constant 0 : i32
      %dma_start3A_301 = arith.constant 0 : i32
      %dma_start3A_302 = tpu.memref_slice %arg2[%dma_start3A_300, %dma_start3A_301] : memref<10240x128xf32, #tpu.memory_space<hbm>> -> memref<10240x128xf32, #tpu.memory_space<hbm>>
      tpu.enqueue_indirect_dma source(%dma_start3A_302 : memref<10240x128xf32, #tpu.memory_space<hbm>>) target(%arg8 : memref<125x128xf32, #tpu.memory_space<vmem>>) offsets(%dma_start3A_299 : memref<125xi32, #tpu.memory_space<vmem>>) semaphore(%arg11 : memref<!tpu.dma_semaphore, #tpu.memory_space<semaphore_mem>>)
      %dma_wait3A_303 = arith.constant 4 : i32
      %dma_wait3A_304 = arith.constant 0 : i32
      %dma_wait3A_305 = arith.constant 0 : i32
      %dma_wait3A_306 = tpu.memref_slice %arg6[%dma_wait3A_303, %dma_wait3A_304, %dma_wait3A_305] : memref<8x2x125xi32, #tpu.memory_space<vmem>> -> memref<1x1x125xi32, #tpu.memory_space<vmem>>
      %dma_wait3A_307 = tpu.memref_squeeze %dma_wait3A_306 : memref<1x1x125xi32, #tpu.memory_space<vmem>> -> memref<125xi32, #tpu.memory_space<vmem>>
      %dma_wait3A_308 = arith.constant 0 : i32
      %dma_wait3A_309 = arith.constant 0 : i32
      %dma_wait3A_310 = tpu.memref_slice %arg2[%dma_wait3A_308, %dma_wait3A_309] : memref<10240x128xf32, #tpu.memory_space<hbm>> -> memref<10240x128xf32, #tpu.memory_space<hbm>>
      tpu.wait_indirect_dma semaphore(%arg10 : memref<!tpu.dma_semaphore, #tpu.memory_space<semaphore_mem>>) src(%dma_wait3A_310 : memref<10240x128xf32, #tpu.memory_space<hbm>>) dst(%arg7 : memref<125x128xf32, #tpu.memory_space<vmem>>)
      %run_scoped3A_311 = arith.constant 4 : i32
      %run_scoped3A_312 = arith.constant 1 : i32
      "tpu.region"() ({
        %run_scoped3A_369 = tpu.sem_alloc : memref<!tpu.dma_semaphore, #tpu.memory_space<semaphore_mem>>
        %dma_start3A_370 = arith.constant 0 : i32
        %dma_start3A_371 = tpu.memref_slice %arg6[%run_scoped3A_311, %run_scoped3A_312, %dma_start3A_370] : memref<8x2x125xi32, #tpu.memory_space<vmem>> -> memref<1x1x125xi32, #tpu.memory_space<vmem>>
        %dma_start3A_372 = tpu.memref_squeeze %dma_start3A_371 : memref<1x1x125xi32, #tpu.memory_space<vmem>> -> memref<125xi32, #tpu.memory_space<vmem>>
        %dma_start3A_373 = arith.constant 0 : i32
        %dma_start3A_374 = arith.constant 0 : i32
        %dma_start3A_375 = tpu.memref_slice %arg9[%dma_start3A_373, %dma_start3A_374] : memref<10240x128xf32, #tpu.memory_space<vmem_shared>> -> memref<10240x128xf32, #tpu.memory_space<vmem_shared>>
        tpu.enqueue_indirect_dma source(%arg7 : memref<125x128xf32, #tpu.memory_space<vmem>>) target(%dma_start3A_375 : memref<10240x128xf32, #tpu.memory_space<vmem_shared>>) offsets(%dma_start3A_372 : memref<125xi32, #tpu.memory_space<vmem>>) semaphore(%run_scoped3A_369 : memref<!tpu.dma_semaphore, #tpu.memory_space<semaphore_mem>>) {add = true}
        %dma_wait3A_376 = arith.constant 0 : i32
        %dma_wait3A_377 = tpu.memref_slice %arg6[%run_scoped3A_311, %run_scoped3A_312, %dma_wait3A_376] : memref<8x2x125xi32, #tpu.memory_space<vmem>> -> memref<1x1x125xi32, #tpu.memory_space<vmem>>
        %dma_wait3A_378 = tpu.memref_squeeze %dma_wait3A_377 : memref<1x1x125xi32, #tpu.memory_space<vmem>> -> memref<125xi32, #tpu.memory_space<vmem>>
        %dma_wait3A_379 = arith.constant 0 : i32
        %dma_wait3A_380 = arith.constant 0 : i32
        %dma_wait3A_381 = tpu.memref_slice %arg9[%dma_wait3A_379, %dma_wait3A_380] : memref<10240x128xf32, #tpu.memory_space<vmem_shared>> -> memref<10240x128xf32, #tpu.memory_space<vmem_shared>>
        tpu.wait_indirect_dma semaphore(%run_scoped3A_369 : memref<!tpu.dma_semaphore, #tpu.memory_space<semaphore_mem>>) src(%arg7 : memref<125x128xf32, #tpu.memory_space<vmem>>) dst(%dma_wait3A_381 : memref<10240x128xf32, #tpu.memory_space<vmem_shared>>)
        tpu.yield
      }) : () -> ()
      %dma_start3A_313 = arith.constant 6 : i32
      %dma_start3A_314 = arith.constant 0 : i32
      %dma_start3A_315 = arith.constant 0 : i32
      %dma_start3A_316 = tpu.memref_slice %arg6[%dma_start3A_313, %dma_start3A_314, %dma_start3A_315] : memref<8x2x125xi32, #tpu.memory_space<vmem>> -> memref<1x1x125xi32, #tpu.memory_space<vmem>>
      %dma_start3A_317 = tpu.memref_squeeze %dma_start3A_316 : memref<1x1x125xi32, #tpu.memory_space<vmem>> -> memref<125xi32, #tpu.memory_space<vmem>>
      %dma_start3A_318 = arith.constant 0 : i32
      %dma_start3A_319 = arith.constant 0 : i32
      %dma_start3A_320 = tpu.memref_slice %arg2[%dma_start3A_318, %dma_start3A_319] : memref<10240x128xf32, #tpu.memory_space<hbm>> -> memref<10240x128xf32, #tpu.memory_space<hbm>>
      tpu.enqueue_indirect_dma source(%dma_start3A_320 : memref<10240x128xf32, #tpu.memory_space<hbm>>) target(%arg7 : memref<125x128xf32, #tpu.memory_space<vmem>>) offsets(%dma_start3A_317 : memref<125xi32, #tpu.memory_space<vmem>>) semaphore(%arg10 : memref<!tpu.dma_semaphore, #tpu.memory_space<semaphore_mem>>)
      %dma_wait3A_321 = arith.constant 5 : i32
      %dma_wait3A_322 = arith.constant 0 : i32
      %dma_wait3A_323 = arith.constant 0 : i32
      %dma_wait3A_324 = tpu.memref_slice %arg6[%dma_wait3A_321, %dma_wait3A_322, %dma_wait3A_323] : memref<8x2x125xi32, #tpu.memory_space<vmem>> -> memref<1x1x125xi32, #tpu.memory_space<vmem>>
      %dma_wait3A_325 = tpu.memref_squeeze %dma_wait3A_324 : memref<1x1x125xi32, #tpu.memory_space<vmem>> -> memref<125xi32, #tpu.memory_space<vmem>>
      %dma_wait3A_326 = arith.constant 0 : i32
      %dma_wait3A_327 = arith.constant 0 : i32
      %dma_wait3A_328 = tpu.memref_slice %arg2[%dma_wait3A_326, %dma_wait3A_327] : memref<10240x128xf32, #tpu.memory_space<hbm>> -> memref<10240x128xf32, #tpu.memory_space<hbm>>
      tpu.wait_indirect_dma semaphore(%arg11 : memref<!tpu.dma_semaphore, #tpu.memory_space<semaphore_mem>>) src(%dma_wait3A_328 : memref<10240x128xf32, #tpu.memory_space<hbm>>) dst(%arg8 : memref<125x128xf32, #tpu.memory_space<vmem>>)
      %run_scoped3A_329 = arith.constant 5 : i32
      %run_scoped3A_330 = arith.constant 1 : i32
      "tpu.region"() ({
        %run_scoped3A_369 = tpu.sem_alloc : memref<!tpu.dma_semaphore, #tpu.memory_space<semaphore_mem>>
        %dma_start3A_370 = arith.constant 0 : i32
        %dma_start3A_371 = tpu.memref_slice %arg6[%run_scoped3A_329, %run_scoped3A_330, %dma_start3A_370] : memref<8x2x125xi32, #tpu.memory_space<vmem>> -> memref<1x1x125xi32, #tpu.memory_space<vmem>>
        %dma_start3A_372 = tpu.memref_squeeze %dma_start3A_371 : memref<1x1x125xi32, #tpu.memory_space<vmem>> -> memref<125xi32, #tpu.memory_space<vmem>>
        %dma_start3A_373 = arith.constant 0 : i32
        %dma_start3A_374 = arith.constant 0 : i32
        %dma_start3A_375 = tpu.memref_slice %arg9[%dma_start3A_373, %dma_start3A_374] : memref<10240x128xf32, #tpu.memory_space<vmem_shared>> -> memref<10240x128xf32, #tpu.memory_space<vmem_shared>>
        tpu.enqueue_indirect_dma source(%arg8 : memref<125x128xf32, #tpu.memory_space<vmem>>) target(%dma_start3A_375 : memref<10240x128xf32, #tpu.memory_space<vmem_shared>>) offsets(%dma_start3A_372 : memref<125xi32, #tpu.memory_space<vmem>>) semaphore(%run_scoped3A_369 : memref<!tpu.dma_semaphore, #tpu.memory_space<semaphore_mem>>) {add = true}
        %dma_wait3A_376 = arith.constant 0 : i32
        %dma_wait3A_377 = tpu.memref_slice %arg6[%run_scoped3A_329, %run_scoped3A_330, %dma_wait3A_376] : memref<8x2x125xi32, #tpu.memory_space<vmem>> -> memref<1x1x125xi32, #tpu.memory_space<vmem>>
        %dma_wait3A_378 = tpu.memref_squeeze %dma_wait3A_377 : memref<1x1x125xi32, #tpu.memory_space<vmem>> -> memref<125xi32, #tpu.memory_space<vmem>>
        %dma_wait3A_379 = arith.constant 0 : i32
        %dma_wait3A_380 = arith.constant 0 : i32
        %dma_wait3A_381 = tpu.memref_slice %arg9[%dma_wait3A_379, %dma_wait3A_380] : memref<10240x128xf32, #tpu.memory_space<vmem_shared>> -> memref<10240x128xf32, #tpu.memory_space<vmem_shared>>
        tpu.wait_indirect_dma semaphore(%run_scoped3A_369 : memref<!tpu.dma_semaphore, #tpu.memory_space<semaphore_mem>>) src(%arg8 : memref<125x128xf32, #tpu.memory_space<vmem>>) dst(%dma_wait3A_381 : memref<10240x128xf32, #tpu.memory_space<vmem_shared>>)
        tpu.yield
      }) : () -> ()
      %dma_start3A_331 = arith.constant 7 : i32
      %dma_start3A_332 = arith.constant 0 : i32
      %dma_start3A_333 = arith.constant 0 : i32
      %dma_start3A_334 = tpu.memref_slice %arg6[%dma_start3A_331, %dma_start3A_332, %dma_start3A_333] : memref<8x2x125xi32, #tpu.memory_space<vmem>> -> memref<1x1x125xi32, #tpu.memory_space<vmem>>
      %dma_start3A_335 = tpu.memref_squeeze %dma_start3A_334 : memref<1x1x125xi32, #tpu.memory_space<vmem>> -> memref<125xi32, #tpu.memory_space<vmem>>
      %dma_start3A_336 = arith.constant 0 : i32
      %dma_start3A_337 = arith.constant 0 : i32
      %dma_start3A_338 = tpu.memref_slice %arg2[%dma_start3A_336, %dma_start3A_337] : memref<10240x128xf32, #tpu.memory_space<hbm>> -> memref<10240x128xf32, #tpu.memory_space<hbm>>
      tpu.enqueue_indirect_dma source(%dma_start3A_338 : memref<10240x128xf32, #tpu.memory_space<hbm>>) target(%arg8 : memref<125x128xf32, #tpu.memory_space<vmem>>) offsets(%dma_start3A_335 : memref<125xi32, #tpu.memory_space<vmem>>) semaphore(%arg11 : memref<!tpu.dma_semaphore, #tpu.memory_space<semaphore_mem>>)
      %dma_wait3A_339 = arith.constant 6 : i32
      %dma_wait3A_340 = arith.constant 0 : i32
      %dma_wait3A_341 = arith.constant 0 : i32
      %dma_wait3A_342 = tpu.memref_slice %arg6[%dma_wait3A_339, %dma_wait3A_340, %dma_wait3A_341] : memref<8x2x125xi32, #tpu.memory_space<vmem>> -> memref<1x1x125xi32, #tpu.memory_space<vmem>>
      %dma_wait3A_343 = tpu.memref_squeeze %dma_wait3A_342 : memref<1x1x125xi32, #tpu.memory_space<vmem>> -> memref<125xi32, #tpu.memory_space<vmem>>
      %dma_wait3A_344 = arith.constant 0 : i32
      %dma_wait3A_345 = arith.constant 0 : i32
      %dma_wait3A_346 = tpu.memref_slice %arg2[%dma_wait3A_344, %dma_wait3A_345] : memref<10240x128xf32, #tpu.memory_space<hbm>> -> memref<10240x128xf32, #tpu.memory_space<hbm>>
      tpu.wait_indirect_dma semaphore(%arg10 : memref<!tpu.dma_semaphore, #tpu.memory_space<semaphore_mem>>) src(%dma_wait3A_346 : memref<10240x128xf32, #tpu.memory_space<hbm>>) dst(%arg7 : memref<125x128xf32, #tpu.memory_space<vmem>>)
      %run_scoped3A_347 = arith.constant 6 : i32
      %run_scoped3A_348 = arith.constant 1 : i32
      "tpu.region"() ({
        %run_scoped3A_369 = tpu.sem_alloc : memref<!tpu.dma_semaphore, #tpu.memory_space<semaphore_mem>>
        %dma_start3A_370 = arith.constant 0 : i32
        %dma_start3A_371 = tpu.memref_slice %arg6[%run_scoped3A_347, %run_scoped3A_348, %dma_start3A_370] : memref<8x2x125xi32, #tpu.memory_space<vmem>> -> memref<1x1x125xi32, #tpu.memory_space<vmem>>
        %dma_start3A_372 = tpu.memref_squeeze %dma_start3A_371 : memref<1x1x125xi32, #tpu.memory_space<vmem>> -> memref<125xi32, #tpu.memory_space<vmem>>
        %dma_start3A_373 = arith.constant 0 : i32
        %dma_start3A_374 = arith.constant 0 : i32
        %dma_start3A_375 = tpu.memref_slice %arg9[%dma_start3A_373, %dma_start3A_374] : memref<10240x128xf32, #tpu.memory_space<vmem_shared>> -> memref<10240x128xf32, #tpu.memory_space<vmem_shared>>
        tpu.enqueue_indirect_dma source(%arg7 : memref<125x128xf32, #tpu.memory_space<vmem>>) target(%dma_start3A_375 : memref<10240x128xf32, #tpu.memory_space<vmem_shared>>) offsets(%dma_start3A_372 : memref<125xi32, #tpu.memory_space<vmem>>) semaphore(%run_scoped3A_369 : memref<!tpu.dma_semaphore, #tpu.memory_space<semaphore_mem>>) {add = true}
        %dma_wait3A_376 = arith.constant 0 : i32
        %dma_wait3A_377 = tpu.memref_slice %arg6[%run_scoped3A_347, %run_scoped3A_348, %dma_wait3A_376] : memref<8x2x125xi32, #tpu.memory_space<vmem>> -> memref<1x1x125xi32, #tpu.memory_space<vmem>>
        %dma_wait3A_378 = tpu.memref_squeeze %dma_wait3A_377 : memref<1x1x125xi32, #tpu.memory_space<vmem>> -> memref<125xi32, #tpu.memory_space<vmem>>
        %dma_wait3A_379 = arith.constant 0 : i32
        %dma_wait3A_380 = arith.constant 0 : i32
        %dma_wait3A_381 = tpu.memref_slice %arg9[%dma_wait3A_379, %dma_wait3A_380] : memref<10240x128xf32, #tpu.memory_space<vmem_shared>> -> memref<10240x128xf32, #tpu.memory_space<vmem_shared>>
        tpu.wait_indirect_dma semaphore(%run_scoped3A_369 : memref<!tpu.dma_semaphore, #tpu.memory_space<semaphore_mem>>) src(%arg7 : memref<125x128xf32, #tpu.memory_space<vmem>>) dst(%dma_wait3A_381 : memref<10240x128xf32, #tpu.memory_space<vmem_shared>>)
        tpu.yield
      }) : () -> ()
      %lt3A_349 = arith.constant 4 : i32
      %lt3A_350 = arith.cmpi slt, %scan3A_66, %lt3A_349 : i32
      %convert_element_type3A_351 = arith.extui %lt3A_350 : i1 to i32
      %cond3A_352 = arith.constant 0 : i32
      %cond3A_353 = arith.cmpi ne, %convert_element_type3A_351, %cond3A_352 : i32
      scf.if %cond3A_353 {
        %dma_wait3A_369 = arith.constant 0 : i32
        %dma_wait3A_370 = arith.constant 0 : i32
        %dma_wait3A_371 = arith.constant 0 : i32
        %dma_wait3A_372 = arith.constant 0 : i32
        %dma_wait3A_373 = tpu.memref_slice %arg3[%add3A, %dma_wait3A_369, %dma_wait3A_370, %dma_wait3A_371, %dma_wait3A_372] : memref<32x10x8x2x125xi32, #tpu.memory_space<hbm>> -> memref<1x1x8x2x125xi32, #tpu.memory_space<hbm>>
        %dma_wait3A_374 = tpu.memref_squeeze %dma_wait3A_373 : memref<1x1x8x2x125xi32, #tpu.memory_space<hbm>> -> memref<8x2x125xi32, #tpu.memory_space<hbm>>
        %dma_wait3A_375 = arith.constant 0 : i32
        %dma_wait3A_376 = arith.constant 0 : i32
        %dma_wait3A_377 = arith.constant 0 : i32
        %dma_wait3A_378 = tpu.memref_slice %arg3[%add3A, %dma_wait3A_369, %dma_wait3A_375, %dma_wait3A_376, %dma_wait3A_377] : memref<32x10x8x2x125xi32, #tpu.memory_space<hbm>> -> memref<1x1x8x2x125xi32, #tpu.memory_space<hbm>>
        %dma_wait3A_379 = tpu.memref_squeeze %dma_wait3A_378 : memref<1x1x8x2x125xi32, #tpu.memory_space<hbm>> -> memref<8x2x125xi32, #tpu.memory_space<hbm>>
        tpu.wait_dma2 semaphore(%arg12 : memref<!tpu.dma_semaphore, #tpu.memory_space<semaphore_mem>>) src(%dma_wait3A_379 : memref<8x2x125xi32, #tpu.memory_space<hbm>>) dst(%arg5 : memref<8x2x125xi32, #tpu.memory_space<vmem>>)
        %dma_start3A_380 = arith.constant 0 : i32
        %dma_start3A_381 = arith.constant 0 : i32
        %dma_start3A_382 = arith.constant 0 : i32
        %dma_start3A_383 = tpu.memref_slice %arg5[%dma_start3A_380, %dma_start3A_381, %dma_start3A_382] : memref<8x2x125xi32, #tpu.memory_space<vmem>> -> memref<1x1x125xi32, #tpu.memory_space<vmem>>
        %dma_start3A_384 = tpu.memref_squeeze %dma_start3A_383 : memref<1x1x125xi32, #tpu.memory_space<vmem>> -> memref<125xi32, #tpu.memory_space<vmem>>
        %dma_start3A_385 = arith.constant 0 : i32
        %dma_start3A_386 = arith.constant 0 : i32
        %dma_start3A_387 = tpu.memref_slice %arg2[%dma_start3A_385, %dma_start3A_386] : memref<10240x128xf32, #tpu.memory_space<hbm>> -> memref<10240x128xf32, #tpu.memory_space<hbm>>
        tpu.enqueue_indirect_dma source(%dma_start3A_387 : memref<10240x128xf32, #tpu.memory_space<hbm>>) target(%arg7 : memref<125x128xf32, #tpu.memory_space<vmem>>) offsets(%dma_start3A_384 : memref<125xi32, #tpu.memory_space<vmem>>) semaphore(%arg10 : memref<!tpu.dma_semaphore, #tpu.memory_space<semaphore_mem>>)
      } else {
      }
      %dma_wait3A_354 = arith.constant 7 : i32
      %dma_wait3A_355 = arith.constant 0 : i32
      %dma_wait3A_356 = arith.constant 0 : i32
      %dma_wait3A_357 = tpu.memref_slice %arg6[%dma_wait3A_354, %dma_wait3A_355, %dma_wait3A_356] : memref<8x2x125xi32, #tpu.memory_space<vmem>> -> memref<1x1x125xi32, #tpu.memory_space<vmem>>
      %dma_wait3A_358 = tpu.memref_squeeze %dma_wait3A_357 : memref<1x1x125xi32, #tpu.memory_space<vmem>> -> memref<125xi32, #tpu.memory_space<vmem>>
      %dma_wait3A_359 = arith.constant 0 : i32
      %dma_wait3A_360 = arith.constant 0 : i32
      %dma_wait3A_361 = tpu.memref_slice %arg2[%dma_wait3A_359, %dma_wait3A_360] : memref<10240x128xf32, #tpu.memory_space<hbm>> -> memref<10240x128xf32, #tpu.memory_space<hbm>>
      tpu.wait_indirect_dma semaphore(%arg11 : memref<!tpu.dma_semaphore, #tpu.memory_space<semaphore_mem>>) src(%dma_wait3A_361 : memref<10240x128xf32, #tpu.memory_space<hbm>>) dst(%arg8 : memref<125x128xf32, #tpu.memory_space<vmem>>)
      %run_scoped3A_362 = arith.constant 7 : i32
      %run_scoped3A_363 = arith.constant 1 : i32
      "tpu.region"() ({
        %run_scoped3A_369 = tpu.sem_alloc : memref<!tpu.dma_semaphore, #tpu.memory_space<semaphore_mem>>
        %dma_start3A_370 = arith.constant 0 : i32
        %dma_start3A_371 = tpu.memref_slice %arg6[%run_scoped3A_362, %run_scoped3A_363, %dma_start3A_370] : memref<8x2x125xi32, #tpu.memory_space<vmem>> -> memref<1x1x125xi32, #tpu.memory_space<vmem>>
        %dma_start3A_372 = tpu.memref_squeeze %dma_start3A_371 : memref<1x1x125xi32, #tpu.memory_space<vmem>> -> memref<125xi32, #tpu.memory_space<vmem>>
        %dma_start3A_373 = arith.constant 0 : i32
        %dma_start3A_374 = arith.constant 0 : i32
        %dma_start3A_375 = tpu.memref_slice %arg9[%dma_start3A_373, %dma_start3A_374] : memref<10240x128xf32, #tpu.memory_space<vmem_shared>> -> memref<10240x128xf32, #tpu.memory_space<vmem_shared>>
        tpu.enqueue_indirect_dma source(%arg8 : memref<125x128xf32, #tpu.memory_space<vmem>>) target(%dma_start3A_375 : memref<10240x128xf32, #tpu.memory_space<vmem_shared>>) offsets(%dma_start3A_372 : memref<125xi32, #tpu.memory_space<vmem>>) semaphore(%run_scoped3A_369 : memref<!tpu.dma_semaphore, #tpu.memory_space<semaphore_mem>>) {add = true}
        %dma_wait3A_376 = arith.constant 0 : i32
        %dma_wait3A_377 = tpu.memref_slice %arg6[%run_scoped3A_362, %run_scoped3A_363, %dma_wait3A_376] : memref<8x2x125xi32, #tpu.memory_space<vmem>> -> memref<1x1x125xi32, #tpu.memory_space<vmem>>
        %dma_wait3A_378 = tpu.memref_squeeze %dma_wait3A_377 : memref<1x1x125xi32, #tpu.memory_space<vmem>> -> memref<125xi32, #tpu.memory_space<vmem>>
        %dma_wait3A_379 = arith.constant 0 : i32
        %dma_wait3A_380 = arith.constant 0 : i32
        %dma_wait3A_381 = tpu.memref_slice %arg9[%dma_wait3A_379, %dma_wait3A_380] : memref<10240x128xf32, #tpu.memory_space<vmem_shared>> -> memref<10240x128xf32, #tpu.memory_space<vmem_shared>>
        tpu.wait_indirect_dma semaphore(%run_scoped3A_369 : memref<!tpu.dma_semaphore, #tpu.memory_space<semaphore_mem>>) src(%arg8 : memref<125x128xf32, #tpu.memory_space<vmem>>) dst(%dma_wait3A_381 : memref<10240x128xf32, #tpu.memory_space<vmem_shared>>)
        tpu.yield
      }) : () -> ()
      %lt3A_364 = arith.constant 4 : i32
      %lt3A_365 = arith.cmpi slt, %scan3A_66, %lt3A_364 : i32
      %convert_element_type3A_366 = arith.extui %lt3A_365 : i1 to i32
      %cond3A_367 = arith.constant 0 : i32
      %cond3A_368 = arith.cmpi ne, %convert_element_type3A_366, %cond3A_367 : i32
      scf.if %cond3A_368 {
        %mul3A_369 = arith.constant 2 : i32
        %mul3A_370 = arith.muli %mul3A_369, %scan3A_66 : i32
        %add3A_371 = arith.constant 3 : i32
        %add3A_372 = arith.addi %mul3A_370, %add3A_371 : i32
        %dma_start3A_373 = arith.constant 0 : i32
        %dma_start3A_374 = arith.constant 0 : i32
        %dma_start3A_375 = arith.constant 0 : i32
        %dma_start3A_376 = tpu.memref_slice %arg3[%add3A, %add3A_372, %dma_start3A_373, %dma_start3A_374, %dma_start3A_375] : memref<32x10x8x2x125xi32, #tpu.memory_space<hbm>> -> memref<1x1x8x2x125xi32, #tpu.memory_space<hbm>>
        %dma_start3A_377 = tpu.memref_squeeze %dma_start3A_376 : memref<1x1x8x2x125xi32, #tpu.memory_space<hbm>> -> memref<8x2x125xi32, #tpu.memory_space<hbm>>
        %dma_start3A_378 = arith.constant 0 : i32
        %dma_start3A_379 = arith.constant 0 : i32
        %dma_start3A_380 = arith.constant 0 : i32
        %dma_start3A_381 = tpu.memref_slice %arg3[%add3A, %add3A_372, %dma_start3A_378, %dma_start3A_379, %dma_start3A_380] : memref<32x10x8x2x125xi32, #tpu.memory_space<hbm>> -> memref<1x1x8x2x125xi32, #tpu.memory_space<hbm>>
        %dma_start3A_382 = tpu.memref_squeeze %dma_start3A_381 : memref<1x1x8x2x125xi32, #tpu.memory_space<hbm>> -> memref<8x2x125xi32, #tpu.memory_space<hbm>>
        tpu.enqueue_dma source(%dma_start3A_382 : memref<8x2x125xi32, #tpu.memory_space<hbm>>) target(%arg6 : memref<8x2x125xi32, #tpu.memory_space<vmem>>) target_semaphore(%arg13 : memref<!tpu.dma_semaphore, #tpu.memory_space<semaphore_mem>>)
      } else {
      }
    }
    %scan3A_64 = arith.constant 5 : i32
    %barrier3A_65 = arith.constant 0 : index
    tpu.barrier barrier_id(%barrier3A_65)
    "tpu.region"() ({
      %run_scoped3A = tpu.sem_alloc : memref<!tpu.dma_semaphore, #tpu.memory_space<semaphore_mem>>
      %dma_start3A_66 = arith.constant 0 : i32
      %dma_start3A_67 = tpu.memref_slice %arg4[%arg0, %mul3A_46, %dma_start3A_66] : memref<2x10240x128xf32, #tpu.memory_space<hbm>> -> memref<1x640x128xf32, #tpu.memory_space<hbm>>
      %dma_start3A_68 = tpu.memref_squeeze %dma_start3A_67 : memref<1x640x128xf32, #tpu.memory_space<hbm>> -> memref<640x128xf32, #tpu.memory_space<hbm>>
      %dma_start3A_69 = arith.constant 0 : i32
      %dma_start3A_70 = tpu.memref_slice %arg9[%mul3A_46, %dma_start3A_69] : memref<10240x128xf32, #tpu.memory_space<vmem_shared>> -> memref<640x128xf32, #tpu.memory_space<vmem_shared>>
      tpu.enqueue_dma source(%dma_start3A_70 : memref<640x128xf32, #tpu.memory_space<vmem_shared>>) target(%dma_start3A_68 : memref<640x128xf32, #tpu.memory_space<hbm>>) target_semaphore(%run_scoped3A : memref<!tpu.dma_semaphore, #tpu.memory_space<semaphore_mem>>)
      %dma_wait3A_71 = arith.constant 0 : i32
      %dma_wait3A_72 = tpu.memref_slice %arg4[%arg0, %mul3A_46, %dma_wait3A_71] : memref<2x10240x128xf32, #tpu.memory_space<hbm>> -> memref<1x640x128xf32, #tpu.memory_space<hbm>>
      %dma_wait3A_73 = tpu.memref_squeeze %dma_wait3A_72 : memref<1x640x128xf32, #tpu.memory_space<hbm>> -> memref<640x128xf32, #tpu.memory_space<hbm>>
      %dma_wait3A_74 = arith.constant 0 : i32
      %dma_wait3A_75 = tpu.memref_slice %arg9[%mul3A_46, %dma_wait3A_74] : memref<10240x128xf32, #tpu.memory_space<vmem_shared>> -> memref<640x128xf32, #tpu.memory_space<vmem_shared>>
      tpu.wait_dma2 semaphore(%run_scoped3A : memref<!tpu.dma_semaphore, #tpu.memory_space<semaphore_mem>>) src(%dma_wait3A_75 : memref<640x128xf32, #tpu.memory_space<vmem_shared>>) dst(%dma_wait3A_73 : memref<640x128xf32, #tpu.memory_space<hbm>>)
      tpu.yield
    }) : () -> ()
    return
  }
}

#map = affine_map<(d0, d1) -> (0, 0)>
#map1 = affine_map<(d0, d1) -> (0, 0, 0, 0, 0)>
#map2 = affine_map<(d0, d1) -> (0, 0, 0)>
module attributes {stable_mosaic.version = 14 : i64} {
  func.func @_sc_aggregate(%arg0: i32, %arg1: i32, %arg2: memref<10240x128xf32, #tpu.memory_space<hbm>>, %arg3: memref<32x10x8x2x125xi32, #tpu.memory_space<hbm>>, %arg4: memref<2x10240x128xf32, #tpu.memory_space<hbm>>, %arg5: memref<8x2x125xi32, #tpu.memory_space<vmem>>, %arg6: memref<8x2x125xi32, #tpu.memory_space<vmem>>, %arg7: memref<125x128xf32, #tpu.memory_space<vmem>>, %arg8: memref<125x128xf32, #tpu.memory_space<vmem>>, %arg9: memref<10240x128xf32, #tpu.memory_space<vmem_shared>>, %arg10: memref<!tpu.dma_semaphore, #tpu.memory_space<semaphore_mem>>, %arg11: memref<!tpu.dma_semaphore, #tpu.memory_space<semaphore_mem>>, %arg12: memref<!tpu.dma_semaphore, #tpu.memory_space<semaphore_mem>>, %arg13: memref<!tpu.dma_semaphore, #tpu.memory_space<semaphore_mem>>) attributes {dimension_semantics = [#tpu.dimension_semantics<core_parallel>, #tpu.dimension_semantics<subcore_parallel>], iteration_bounds = array<i64: 2, 16>, scalar_prefetch = 0 : i64, scratch_operands = 9 : i64, tpu.core_type = #tpu.core_type<sc_vector_subcore>, window_params = [{transform_indices = #map}, {transform_indices = #map1}, {transform_indices = #map2}]} {
    %mul3A = arith.constant 16 : i32
    %mul3A_0 = arith.muli %arg0, %mul3A : i32
    %add3A = arith.addi %mul3A_0, %arg1 : i32
    %dma_start3A = arith.constant 0 : i32
    %dma_start3A_1 = arith.constant 0 : i32
    %dma_start3A_2 = arith.constant 0 : i32
    %dma_start3A_3 = arith.constant 0 : i32
    %dma_start3A_4 = tpu.memref_slice %arg3[%add3A, %dma_start3A, %dma_start3A_1, %dma_start3A_2, %dma_start3A_3] : memref<32x10x8x2x125xi32, #tpu.memory_space<hbm>> -> memref<1x1x8x2x125xi32, #tpu.memory_space<hbm>>
    %dma_start3A_5 = tpu.memref_squeeze %dma_start3A_4 : memref<1x1x8x2x125xi32, #tpu.memory_space<hbm>> -> memref<8x2x125xi32, #tpu.memory_space<hbm>>
    %dma_start3A_6 = arith.constant 0 : i32
    %dma_start3A_7 = arith.constant 0 : i32
    %dma_start3A_8 = arith.constant 0 : i32
    %dma_start3A_9 = tpu.memref_slice %arg3[%add3A, %dma_start3A, %dma_start3A_6, %dma_start3A_7, %dma_start3A_8] : memref<32x10x8x2x125xi32, #tpu.memory_space<hbm>> -> memref<1x1x8x2x125xi32, #tpu.memory_space<hbm>>
    %dma_start3A_10 = tpu.memref_squeeze %dma_start3A_9 : memref<1x1x8x2x125xi32, #tpu.memory_space<hbm>> -> memref<8x2x125xi32, #tpu.memory_space<hbm>>
    tpu.enqueue_dma source(%dma_start3A_10 : memref<8x2x125xi32, #tpu.memory_space<hbm>>) target(%arg5 : memref<8x2x125xi32, #tpu.memory_space<vmem>>) target_semaphore(%arg12 : memref<!tpu.dma_semaphore, #tpu.memory_space<semaphore_mem>>)
    %scan3A = arith.constant 0 : i32
    %scan3A_11 = arith.constant 0 : i32
    %scan3A_12 = arith.constant 125 : i32
    %scan3A_13 = arith.addi %scan3A_11, %scan3A_12 : i32
    %scan3A_14 = arith.constant 1 : i32
    scf.for %scan3A_66 = %scan3A_11 to %scan3A_13 step %scan3A_14  : i32 {
      %broadcast_in_dim3A = arith.constant 0.000000e+00 : f32
      %broadcast_in_dim3A_67 = vector.broadcast %broadcast_in_dim3A : f32 to vector<16xf32>
      %swap3A = arith.index_cast %scan3A_66 : i32 to index
      %swap3A_68 = arith.constant 0 : index
      %swap3A_69 = tpu.vector_load %arg8[%swap3A, %swap3A_68] {strides = array<i32>} : memref<125x128xf32, #tpu.memory_space<vmem>>, vector<1x16xf32>,
      %swap3A_70 = vector.shape_cast %swap3A_69 : vector<1x16xf32> to vector<16xf32>
      %swap3A_71 = vector.shape_cast %broadcast_in_dim3A_67 : vector<16xf32> to vector<1x16xf32>
      tpu.vector_store %arg8[%swap3A, %swap3A_68], %swap3A_71 {strides = array<i32>} : memref<125x128xf32, #tpu.memory_space<vmem>>, vector<1x16xf32>,
      %broadcast_in_dim3A_72 = arith.constant 0.000000e+00 : f32
      %broadcast_in_dim3A_73 = vector.broadcast %broadcast_in_dim3A_72 : f32 to vector<16xf32>
      %swap3A_74 = arith.index_cast %scan3A_66 : i32 to index
      %swap3A_75 = arith.constant 16 : index
      %swap3A_76 = tpu.vector_load %arg8[%swap3A_74, %swap3A_75] {strides = array<i32>} : memref<125x128xf32, #tpu.memory_space<vmem>>, vector<1x16xf32>,
      %swap3A_77 = vector.shape_cast %swap3A_76 : vector<1x16xf32> to vector<16xf32>
      %swap3A_78 = vector.shape_cast %broadcast_in_dim3A_73 : vector<16xf32> to vector<1x16xf32>
      tpu.vector_store %arg8[%swap3A_74, %swap3A_75], %swap3A_78 {strides = array<i32>} : memref<125x128xf32, #tpu.memory_space<vmem>>, vector<1x16xf32>,
      %broadcast_in_dim3A_79 = arith.constant 0.000000e+00 : f32
      %broadcast_in_dim3A_80 = vector.broadcast %broadcast_in_dim3A_79 : f32 to vector<16xf32>
      %swap3A_81 = arith.index_cast %scan3A_66 : i32 to index
      %swap3A_82 = arith.constant 32 : index
      %swap3A_83 = tpu.vector_load %arg8[%swap3A_81, %swap3A_82] {strides = array<i32>} : memref<125x128xf32, #tpu.memory_space<vmem>>, vector<1x16xf32>,
      %swap3A_84 = vector.shape_cast %swap3A_83 : vector<1x16xf32> to vector<16xf32>
      %swap3A_85 = vector.shape_cast %broadcast_in_dim3A_80 : vector<16xf32> to vector<1x16xf32>
      tpu.vector_store %arg8[%swap3A_81, %swap3A_82], %swap3A_85 {strides = array<i32>} : memref<125x128xf32, #tpu.memory_space<vmem>>, vector<1x16xf32>,
      %broadcast_in_dim3A_86 = arith.constant 0.000000e+00 : f32
      %broadcast_in_dim3A_87 = vector.broadcast %broadcast_in_dim3A_86 : f32 to vector<16xf32>
      %swap3A_88 = arith.index_cast %scan3A_66 : i32 to index
      %swap3A_89 = arith.constant 48 : index
      %swap3A_90 = tpu.vector_load %arg8[%swap3A_88, %swap3A_89] {strides = array<i32>} : memref<125x128xf32, #tpu.memory_space<vmem>>, vector<1x16xf32>,
      %swap3A_91 = vector.shape_cast %swap3A_90 : vector<1x16xf32> to vector<16xf32>
      %swap3A_92 = vector.shape_cast %broadcast_in_dim3A_87 : vector<16xf32> to vector<1x16xf32>
      tpu.vector_store %arg8[%swap3A_88, %swap3A_89], %swap3A_92 {strides = array<i32>} : memref<125x128xf32, #tpu.memory_space<vmem>>, vector<1x16xf32>,
      %broadcast_in_dim3A_93 = arith.constant 0.000000e+00 : f32
      %broadcast_in_dim3A_94 = vector.broadcast %broadcast_in_dim3A_93 : f32 to vector<16xf32>
      %swap3A_95 = arith.index_cast %scan3A_66 : i32 to index
      %swap3A_96 = arith.constant 64 : index
      %swap3A_97 = tpu.vector_load %arg8[%swap3A_95, %swap3A_96] {strides = array<i32>} : memref<125x128xf32, #tpu.memory_space<vmem>>, vector<1x16xf32>,
      %swap3A_98 = vector.shape_cast %swap3A_97 : vector<1x16xf32> to vector<16xf32>
      %swap3A_99 = vector.shape_cast %broadcast_in_dim3A_94 : vector<16xf32> to vector<1x16xf32>
      tpu.vector_store %arg8[%swap3A_95, %swap3A_96], %swap3A_99 {strides = array<i32>} : memref<125x128xf32, #tpu.memory_space<vmem>>, vector<1x16xf32>,
      %broadcast_in_dim3A_100 = arith.constant 0.000000e+00 : f32
      %broadcast_in_dim3A_101 = vector.broadcast %broadcast_in_dim3A_100 : f32 to vector<16xf32>
      %swap3A_102 = arith.index_cast %scan3A_66 : i32 to index
      %swap3A_103 = arith.constant 80 : index
      %swap3A_104 = tpu.vector_load %arg8[%swap3A_102, %swap3A_103] {strides = array<i32>} : memref<125x128xf32, #tpu.memory_space<vmem>>, vector<1x16xf32>,
      %swap3A_105 = vector.shape_cast %swap3A_104 : vector<1x16xf32> to vector<16xf32>
      %swap3A_106 = vector.shape_cast %broadcast_in_dim3A_101 : vector<16xf32> to vector<1x16xf32>
      tpu.vector_store %arg8[%swap3A_102, %swap3A_103], %swap3A_106 {strides = array<i32>} : memref<125x128xf32, #tpu.memory_space<vmem>>, vector<1x16xf32>,
      %broadcast_in_dim3A_107 = arith.constant 0.000000e+00 : f32
      %broadcast_in_dim3A_108 = vector.broadcast %broadcast_in_dim3A_107 : f32 to vector<16xf32>
      %swap3A_109 = arith.index_cast %scan3A_66 : i32 to index
      %swap3A_110 = arith.constant 96 : index
      %swap3A_111 = tpu.vector_load %arg8[%swap3A_109, %swap3A_110] {strides = array<i32>} : memref<125x128xf32, #tpu.memory_space<vmem>>, vector<1x16xf32>,
      %swap3A_112 = vector.shape_cast %swap3A_111 : vector<1x16xf32> to vector<16xf32>
      %swap3A_113 = vector.shape_cast %broadcast_in_dim3A_108 : vector<16xf32> to vector<1x16xf32>
      tpu.vector_store %arg8[%swap3A_109, %swap3A_110], %swap3A_113 {strides = array<i32>} : memref<125x128xf32, #tpu.memory_space<vmem>>, vector<1x16xf32>,
      %broadcast_in_dim3A_114 = arith.constant 0.000000e+00 : f32
      %broadcast_in_dim3A_115 = vector.broadcast %broadcast_in_dim3A_114 : f32 to vector<16xf32>
      %swap3A_116 = arith.index_cast %scan3A_66 : i32 to index
      %swap3A_117 = arith.constant 112 : index
      %swap3A_118 = tpu.vector_load %arg8[%swap3A_116, %swap3A_117] {strides = array<i32>} : memref<125x128xf32, #tpu.memory_space<vmem>>, vector<1x16xf32>,
      %swap3A_119 = vector.shape_cast %swap3A_118 : vector<1x16xf32> to vector<16xf32>
      %swap3A_120 = vector.shape_cast %broadcast_in_dim3A_115 : vector<16xf32> to vector<1x16xf32>
      tpu.vector_store %arg8[%swap3A_116, %swap3A_117], %swap3A_120 {strides = array<i32>} : memref<125x128xf32, #tpu.memory_space<vmem>>, vector<1x16xf32>,
    }
    %scan3A_15 = arith.constant 125 : i32
    %dma_wait3A = arith.constant 0 : i32
    %dma_wait3A_16 = arith.constant 0 : i32
    %dma_wait3A_17 = arith.constant 0 : i32
    %dma_wait3A_18 = arith.constant 0 : i32
    %dma_wait3A_19 = tpu.memref_slice %arg3[%add3A, %dma_wait3A, %dma_wait3A_16, %dma_wait3A_17, %dma_wait3A_18] : memref<32x10x8x2x125xi32, #tpu.memory_space<hbm>> -> memref<1x1x8x2x125xi32, #tpu.memory_space<hbm>>
    %dma_wait3A_20 = tpu.memref_squeeze %dma_wait3A_19 : memref<1x1x8x2x125xi32, #tpu.memory_space<hbm>> -> memref<8x2x125xi32, #tpu.memory_space<hbm>>
    %dma_wait3A_21 = arith.constant 0 : i32
    %dma_wait3A_22 = arith.constant 0 : i32
    %dma_wait3A_23 = arith.constant 0 : i32
    %dma_wait3A_24 = tpu.memref_slice %arg3[%add3A, %dma_wait3A, %dma_wait3A_21, %dma_wait3A_22, %dma_wait3A_23] : memref<32x10x8x2x125xi32, #tpu.memory_space<hbm>> -> memref<1x1x8x2x125xi32, #tpu.memory_space<hbm>>
    %dma_wait3A_25 = tpu.memref_squeeze %dma_wait3A_24 : memref<1x1x8x2x125xi32, #tpu.memory_space<hbm>> -> memref<8x2x125xi32, #tpu.memory_space<hbm>>
    tpu.wait_dma2 semaphore(%arg12 : memref<!tpu.dma_semaphore, #tpu.memory_space<semaphore_mem>>) src(%dma_wait3A_25 : memref<8x2x125xi32, #tpu.memory_space<hbm>>) dst(%arg5 : memref<8x2x125xi32, #tpu.memory_space<vmem>>)
    %dma_start3A_26 = arith.constant 1 : i32
    %dma_start3A_27 = arith.constant 0 : i32
    %dma_start3A_28 = arith.constant 0 : i32
    %dma_start3A_29 = arith.constant 0 : i32
    %dma_start3A_30 = tpu.memref_slice %arg3[%add3A, %dma_start3A_26, %dma_start3A_27, %dma_start3A_28, %dma_start3A_29] : memref<32x10x8x2x125xi32, #tpu.memory_space<hbm>> -> memref<1x1x8x2x125xi32, #tpu.memory_space<hbm>>
    %dma_start3A_31 = tpu.memref_squeeze %dma_start3A_30 : memref<1x1x8x2x125xi32, #tpu.memory_space<hbm>> -> memref<8x2x125xi32, #tpu.memory_space<hbm>>
    %dma_start3A_32 = arith.constant 0 : i32
    %dma_start3A_33 = arith.constant 0 : i32
    %dma_start3A_34 = arith.constant 0 : i32
    %dma_start3A_35 = tpu.memref_slice %arg3[%add3A, %dma_start3A_26, %dma_start3A_32, %dma_start3A_33, %dma_start3A_34] : memref<32x10x8x2x125xi32, #tpu.memory_space<hbm>> -> memref<1x1x8x2x125xi32, #tpu.memory_space<hbm>>
    %dma_start3A_36 = tpu.memref_squeeze %dma_start3A_35 : memref<1x1x8x2x125xi32, #tpu.memory_space<hbm>> -> memref<8x2x125xi32, #tpu.memory_space<hbm>>
    tpu.enqueue_dma source(%dma_start3A_36 : memref<8x2x125xi32, #tpu.memory_space<hbm>>) target(%arg6 : memref<8x2x125xi32, #tpu.memory_space<vmem>>) target_semaphore(%arg13 : memref<!tpu.dma_semaphore, #tpu.memory_space<semaphore_mem>>)
    %dma_start3A_37 = arith.constant 0 : i32
    %dma_start3A_38 = arith.constant 0 : i32
    %dma_start3A_39 = arith.constant 0 : i32
    %dma_start3A_40 = tpu.memref_slice %arg5[%dma_start3A_37, %dma_start3A_38, %dma_start3A_39] : memref<8x2x125xi32, #tpu.memory_space<vmem>> -> memref<1x1x125xi32, #tpu.memory_space<vmem>>
    %dma_start3A_41 = tpu.memref_squeeze %dma_start3A_40 : memref<1x1x125xi32, #tpu.memory_space<vmem>> -> memref<125xi32, #tpu.memory_space<vmem>>
    %dma_start3A_42 = arith.constant 0 : i32
    %dma_start3A_43 = arith.constant 0 : i32
    %dma_start3A_44 = tpu.memref_slice %arg2[%dma_start3A_42, %dma_start3A_43] : memref<10240x128xf32, #tpu.memory_space<hbm>> -> memref<10240x128xf32, #tpu.memory_space<hbm>>
    tpu.enqueue_indirect_dma source(%dma_start3A_44 : memref<10240x128xf32, #tpu.memory_space<hbm>>) target(%arg7 : memref<125x128xf32, #tpu.memory_space<vmem>>) offsets(%dma_start3A_41 : memref<125xi32, #tpu.memory_space<vmem>>) semaphore(%arg10 : memref<!tpu.dma_semaphore, #tpu.memory_space<semaphore_mem>>)
    %mul3A_45 = arith.constant 640 : i32
    %mul3A_46 = arith.muli %arg1, %mul3A_45 : i32
    %add3A_47 = arith.constant 0 : i32
    %add3A_48 = arith.addi %mul3A_46, %add3A_47 : i32
    "tpu.region"() ({
      %run_scoped3A = tpu.sem_alloc : memref<!tpu.dma_semaphore, #tpu.memory_space<semaphore_mem>>
      %dma_start3A_66 = arith.constant 0 : i32
      %dma_start3A_67 = tpu.memref_slice %arg9[%add3A_48, %dma_start3A_66] : memref<10240x128xf32, #tpu.memory_space<vmem_shared>> -> memref<125x128xf32, #tpu.memory_space<vmem_shared>>
      %dma_start3A_68 = arith.constant 0 : i32
      %dma_start3A_69 = tpu.memref_slice %arg9[%add3A_48, %dma_start3A_68] : memref<10240x128xf32, #tpu.memory_space<vmem_shared>> -> memref<125x128xf32, #tpu.memory_space<vmem_shared>>
      tpu.enqueue_dma source(%arg8 : memref<125x128xf32, #tpu.memory_space<vmem>>) target(%dma_start3A_69 : memref<125x128xf32, #tpu.memory_space<vmem_shared>>) target_semaphore(%run_scoped3A : memref<!tpu.dma_semaphore, #tpu.memory_space<semaphore_mem>>)
      %dma_wait3A_70 = arith.constant 0 : i32
      %dma_wait3A_71 = tpu.memref_slice %arg9[%add3A_48, %dma_wait3A_70] : memref<10240x128xf32, #tpu.memory_space<vmem_shared>> -> memref<125x128xf32, #tpu.memory_space<vmem_shared>>
      %dma_wait3A_72 = arith.constant 0 : i32
      %dma_wait3A_73 = tpu.memref_slice %arg9[%add3A_48, %dma_wait3A_72] : memref<10240x128xf32, #tpu.memory_space<vmem_shared>> -> memref<125x128xf32, #tpu.memory_space<vmem_shared>>
      tpu.wait_dma2 semaphore(%run_scoped3A : memref<!tpu.dma_semaphore, #tpu.memory_space<semaphore_mem>>) src(%arg8 : memref<125x128xf32, #tpu.memory_space<vmem>>) dst(%dma_wait3A_73 : memref<125x128xf32, #tpu.memory_space<vmem_shared>>)
      tpu.yield
    }) : () -> ()
    %add3A_49 = arith.constant 125 : i32
    %add3A_50 = arith.addi %mul3A_46, %add3A_49 : i32
    "tpu.region"() ({
      %run_scoped3A = tpu.sem_alloc : memref<!tpu.dma_semaphore, #tpu.memory_space<semaphore_mem>>
      %dma_start3A_66 = arith.constant 0 : i32
      %dma_start3A_67 = tpu.memref_slice %arg9[%add3A_50, %dma_start3A_66] : memref<10240x128xf32, #tpu.memory_space<vmem_shared>> -> memref<125x128xf32, #tpu.memory_space<vmem_shared>>
      %dma_start3A_68 = arith.constant 0 : i32
      %dma_start3A_69 = tpu.memref_slice %arg9[%add3A_50, %dma_start3A_68] : memref<10240x128xf32, #tpu.memory_space<vmem_shared>> -> memref<125x128xf32, #tpu.memory_space<vmem_shared>>
      tpu.enqueue_dma source(%arg8 : memref<125x128xf32, #tpu.memory_space<vmem>>) target(%dma_start3A_69 : memref<125x128xf32, #tpu.memory_space<vmem_shared>>) target_semaphore(%run_scoped3A : memref<!tpu.dma_semaphore, #tpu.memory_space<semaphore_mem>>)
      %dma_wait3A_70 = arith.constant 0 : i32
      %dma_wait3A_71 = tpu.memref_slice %arg9[%add3A_50, %dma_wait3A_70] : memref<10240x128xf32, #tpu.memory_space<vmem_shared>> -> memref<125x128xf32, #tpu.memory_space<vmem_shared>>
      %dma_wait3A_72 = arith.constant 0 : i32
      %dma_wait3A_73 = tpu.memref_slice %arg9[%add3A_50, %dma_wait3A_72] : memref<10240x128xf32, #tpu.memory_space<vmem_shared>> -> memref<125x128xf32, #tpu.memory_space<vmem_shared>>
      tpu.wait_dma2 semaphore(%run_scoped3A : memref<!tpu.dma_semaphore, #tpu.memory_space<semaphore_mem>>) src(%arg8 : memref<125x128xf32, #tpu.memory_space<vmem>>) dst(%dma_wait3A_73 : memref<125x128xf32, #tpu.memory_space<vmem_shared>>)
      tpu.yield
    }) : () -> ()
    %add3A_51 = arith.constant 250 : i32
    %add3A_52 = arith.addi %mul3A_46, %add3A_51 : i32
    "tpu.region"() ({
      %run_scoped3A = tpu.sem_alloc : memref<!tpu.dma_semaphore, #tpu.memory_space<semaphore_mem>>
      %dma_start3A_66 = arith.constant 0 : i32
      %dma_start3A_67 = tpu.memref_slice %arg9[%add3A_52, %dma_start3A_66] : memref<10240x128xf32, #tpu.memory_space<vmem_shared>> -> memref<125x128xf32, #tpu.memory_space<vmem_shared>>
      %dma_start3A_68 = arith.constant 0 : i32
      %dma_start3A_69 = tpu.memref_slice %arg9[%add3A_52, %dma_start3A_68] : memref<10240x128xf32, #tpu.memory_space<vmem_shared>> -> memref<125x128xf32, #tpu.memory_space<vmem_shared>>
      tpu.enqueue_dma source(%arg8 : memref<125x128xf32, #tpu.memory_space<vmem>>) target(%dma_start3A_69 : memref<125x128xf32, #tpu.memory_space<vmem_shared>>) target_semaphore(%run_scoped3A : memref<!tpu.dma_semaphore, #tpu.memory_space<semaphore_mem>>)
      %dma_wait3A_70 = arith.constant 0 : i32
      %dma_wait3A_71 = tpu.memref_slice %arg9[%add3A_52, %dma_wait3A_70] : memref<10240x128xf32, #tpu.memory_space<vmem_shared>> -> memref<125x128xf32, #tpu.memory_space<vmem_shared>>
      %dma_wait3A_72 = arith.constant 0 : i32
      %dma_wait3A_73 = tpu.memref_slice %arg9[%add3A_52, %dma_wait3A_72] : memref<10240x128xf32, #tpu.memory_space<vmem_shared>> -> memref<125x128xf32, #tpu.memory_space<vmem_shared>>
      tpu.wait_dma2 semaphore(%run_scoped3A : memref<!tpu.dma_semaphore, #tpu.memory_space<semaphore_mem>>) src(%arg8 : memref<125x128xf32, #tpu.memory_space<vmem>>) dst(%dma_wait3A_73 : memref<125x128xf32, #tpu.memory_space<vmem_shared>>)
      tpu.yield
    }) : () -> ()
    %add3A_53 = arith.constant 375 : i32
    %add3A_54 = arith.addi %mul3A_46, %add3A_53 : i32
    "tpu.region"() ({
      %run_scoped3A = tpu.sem_alloc : memref<!tpu.dma_semaphore, #tpu.memory_space<semaphore_mem>>
      %dma_start3A_66 = arith.constant 0 : i32
      %dma_start3A_67 = tpu.memref_slice %arg9[%add3A_54, %dma_start3A_66] : memref<10240x128xf32, #tpu.memory_space<vmem_shared>> -> memref<125x128xf32, #tpu.memory_space<vmem_shared>>
      %dma_start3A_68 = arith.constant 0 : i32
      %dma_start3A_69 = tpu.memref_slice %arg9[%add3A_54, %dma_start3A_68] : memref<10240x128xf32, #tpu.memory_space<vmem_shared>> -> memref<125x128xf32, #tpu.memory_space<vmem_shared>>
      tpu.enqueue_dma source(%arg8 : memref<125x128xf32, #tpu.memory_space<vmem>>) target(%dma_start3A_69 : memref<125x128xf32, #tpu.memory_space<vmem_shared>>) target_semaphore(%run_scoped3A : memref<!tpu.dma_semaphore, #tpu.memory_space<semaphore_mem>>)
      %dma_wait3A_70 = arith.constant 0 : i32
      %dma_wait3A_71 = tpu.memref_slice %arg9[%add3A_54, %dma_wait3A_70] : memref<10240x128xf32, #tpu.memory_space<vmem_shared>> -> memref<125x128xf32, #tpu.memory_space<vmem_shared>>
      %dma_wait3A_72 = arith.constant 0 : i32
      %dma_wait3A_73 = tpu.memref_slice %arg9[%add3A_54, %dma_wait3A_72] : memref<10240x128xf32, #tpu.memory_space<vmem_shared>> -> memref<125x128xf32, #tpu.memory_space<vmem_shared>>
      tpu.wait_dma2 semaphore(%run_scoped3A : memref<!tpu.dma_semaphore, #tpu.memory_space<semaphore_mem>>) src(%arg8 : memref<125x128xf32, #tpu.memory_space<vmem>>) dst(%dma_wait3A_73 : memref<125x128xf32, #tpu.memory_space<vmem_shared>>)
      tpu.yield
    }) : () -> ()
    %add3A_55 = arith.constant 500 : i32
    %add3A_56 = arith.addi %mul3A_46, %add3A_55 : i32
    "tpu.region"() ({
      %run_scoped3A = tpu.sem_alloc : memref<!tpu.dma_semaphore, #tpu.memory_space<semaphore_mem>>
      %dma_start3A_66 = arith.constant 0 : i32
      %dma_start3A_67 = tpu.memref_slice %arg9[%add3A_56, %dma_start3A_66] : memref<10240x128xf32, #tpu.memory_space<vmem_shared>> -> memref<125x128xf32, #tpu.memory_space<vmem_shared>>
      %dma_start3A_68 = arith.constant 0 : i32
      %dma_start3A_69 = tpu.memref_slice %arg9[%add3A_56, %dma_start3A_68] : memref<10240x128xf32, #tpu.memory_space<vmem_shared>> -> memref<125x128xf32, #tpu.memory_space<vmem_shared>>
      tpu.enqueue_dma source(%arg8 : memref<125x128xf32, #tpu.memory_space<vmem>>) target(%dma_start3A_69 : memref<125x128xf32, #tpu.memory_space<vmem_shared>>) target_semaphore(%run_scoped3A : memref<!tpu.dma_semaphore, #tpu.memory_space<semaphore_mem>>)
      %dma_wait3A_70 = arith.constant 0 : i32
      %dma_wait3A_71 = tpu.memref_slice %arg9[%add3A_56, %dma_wait3A_70] : memref<10240x128xf32, #tpu.memory_space<vmem_shared>> -> memref<125x128xf32, #tpu.memory_space<vmem_shared>>
      %dma_wait3A_72 = arith.constant 0 : i32
      %dma_wait3A_73 = tpu.memref_slice %arg9[%add3A_56, %dma_wait3A_72] : memref<10240x128xf32, #tpu.memory_space<vmem_shared>> -> memref<125x128xf32, #tpu.memory_space<vmem_shared>>
      tpu.wait_dma2 semaphore(%run_scoped3A : memref<!tpu.dma_semaphore, #tpu.memory_space<semaphore_mem>>) src(%arg8 : memref<125x128xf32, #tpu.memory_space<vmem>>) dst(%dma_wait3A_73 : memref<125x128xf32, #tpu.memory_space<vmem_shared>>)
      tpu.yield
    }) : () -> ()
    %add3A_57 = arith.constant 625 : i32
    %add3A_58 = arith.addi %mul3A_46, %add3A_57 : i32
    "tpu.region"() ({
      %run_scoped3A = tpu.sem_alloc : memref<!tpu.dma_semaphore, #tpu.memory_space<semaphore_mem>>
      %dma_start3A_66 = arith.constant 0 : i32
      %dma_start3A_67 = arith.constant 0 : i32
      %dma_start3A_68 = tpu.memref_slice %arg8[%dma_start3A_66, %dma_start3A_67] : memref<125x128xf32, #tpu.memory_space<vmem>> -> memref<15x128xf32, #tpu.memory_space<vmem>>
      %dma_start3A_69 = arith.constant 0 : i32
      %dma_start3A_70 = tpu.memref_slice %arg9[%add3A_58, %dma_start3A_69] : memref<10240x128xf32, #tpu.memory_space<vmem_shared>> -> memref<15x128xf32, #tpu.memory_space<vmem_shared>>
      %dma_start3A_71 = arith.constant 0 : i32
      %dma_start3A_72 = tpu.memref_slice %arg9[%add3A_58, %dma_start3A_71] : memref<10240x128xf32, #tpu.memory_space<vmem_shared>> -> memref<15x128xf32, #tpu.memory_space<vmem_shared>>
      %dma_start3A_73 = arith.constant 0 : i32
      %dma_start3A_74 = arith.constant 0 : i32
      %dma_start3A_75 = tpu.memref_slice %arg8[%dma_start3A_73, %dma_start3A_74] : memref<125x128xf32, #tpu.memory_space<vmem>> -> memref<15x128xf32, #tpu.memory_space<vmem>>
      tpu.enqueue_dma source(%dma_start3A_75 : memref<15x128xf32, #tpu.memory_space<vmem>>) target(%dma_start3A_72 : memref<15x128xf32, #tpu.memory_space<vmem_shared>>) target_semaphore(%run_scoped3A : memref<!tpu.dma_semaphore, #tpu.memory_space<semaphore_mem>>)
      %dma_wait3A_76 = arith.constant 0 : i32
      %dma_wait3A_77 = arith.constant 0 : i32
      %dma_wait3A_78 = tpu.memref_slice %arg8[%dma_wait3A_76, %dma_wait3A_77] : memref<125x128xf32, #tpu.memory_space<vmem>> -> memref<15x128xf32, #tpu.memory_space<vmem>>
      %dma_wait3A_79 = arith.constant 0 : i32
      %dma_wait3A_80 = tpu.memref_slice %arg9[%add3A_58, %dma_wait3A_79] : memref<10240x128xf32, #tpu.memory_space<vmem_shared>> -> memref<15x128xf32, #tpu.memory_space<vmem_shared>>
      %dma_wait3A_81 = arith.constant 0 : i32
      %dma_wait3A_82 = tpu.memref_slice %arg9[%add3A_58, %dma_wait3A_81] : memref<10240x128xf32, #tpu.memory_space<vmem_shared>> -> memref<15x128xf32, #tpu.memory_space<vmem_shared>>
      %dma_wait3A_83 = arith.constant 0 : i32
      %dma_wait3A_84 = arith.constant 0 : i32
      %dma_wait3A_85 = tpu.memref_slice %arg8[%dma_wait3A_83, %dma_wait3A_84] : memref<125x128xf32, #tpu.memory_space<vmem>> -> memref<15x128xf32, #tpu.memory_space<vmem>>
      tpu.wait_dma2 semaphore(%run_scoped3A : memref<!tpu.dma_semaphore, #tpu.memory_space<semaphore_mem>>) src(%dma_wait3A_85 : memref<15x128xf32, #tpu.memory_space<vmem>>) dst(%dma_wait3A_82 : memref<15x128xf32, #tpu.memory_space<vmem_shared>>)
      tpu.yield
    }) : () -> ()
    %barrier3A = arith.constant 0 : index
    tpu.barrier barrier_id(%barrier3A)
    %scan3A_59 = arith.constant 0 : i32
    %scan3A_60 = arith.constant 0 : i32
    %scan3A_61 = arith.constant 5 : i32
    %scan3A_62 = arith.addi %scan3A_60, %scan3A_61 : i32
    %scan3A_63 = arith.constant 1 : i32
    scf.for %scan3A_66 = %scan3A_60 to %scan3A_62 step %scan3A_63  : i32 {
      %dma_start3A_67 = arith.constant 1 : i32
      %dma_start3A_68 = arith.constant 0 : i32
      %dma_start3A_69 = arith.constant 0 : i32
      %dma_start3A_70 = tpu.memref_slice %arg5[%dma_start3A_67, %dma_start3A_68, %dma_start3A_69] : memref<8x2x125xi32, #tpu.memory_space<vmem>> -> memref<1x1x125xi32, #tpu.memory_space<vmem>>
      %dma_start3A_71 = tpu.memref_squeeze %dma_start3A_70 : memref<1x1x125xi32, #tpu.memory_space<vmem>> -> memref<125xi32, #tpu.memory_space<vmem>>
      %dma_start3A_72 = arith.constant 0 : i32
      %dma_start3A_73 = arith.constant 0 : i32
      %dma_start3A_74 = tpu.memref_slice %arg2[%dma_start3A_72, %dma_start3A_73] : memref<10240x128xf32, #tpu.memory_space<hbm>> -> memref<10240x128xf32, #tpu.memory_space<hbm>>
      tpu.enqueue_indirect_dma source(%dma_start3A_74 : memref<10240x128xf32, #tpu.memory_space<hbm>>) target(%arg8 : memref<125x128xf32, #tpu.memory_space<vmem>>) offsets(%dma_start3A_71 : memref<125xi32, #tpu.memory_space<vmem>>) semaphore(%arg11 : memref<!tpu.dma_semaphore, #tpu.memory_space<semaphore_mem>>)
      %dma_wait3A_75 = arith.constant 0 : i32
      %dma_wait3A_76 = arith.constant 0 : i32
      %dma_wait3A_77 = arith.constant 0 : i32
      %dma_wait3A_78 = tpu.memref_slice %arg5[%dma_wait3A_75, %dma_wait3A_76, %dma_wait3A_77] : memref<8x2x125xi32, #tpu.memory_space<vmem>> -> memref<1x1x125xi32, #tpu.memory_space<vmem>>
      %dma_wait3A_79 = tpu.memref_squeeze %dma_wait3A_78 : memref<1x1x125xi32, #tpu.memory_space<vmem>> -> memref<125xi32, #tpu.memory_space<vmem>>
      %dma_wait3A_80 = arith.constant 0 : i32
      %dma_wait3A_81 = arith.constant 0 : i32
      %dma_wait3A_82 = tpu.memref_slice %arg2[%dma_wait3A_80, %dma_wait3A_81] : memref<10240x128xf32, #tpu.memory_space<hbm>> -> memref<10240x128xf32, #tpu.memory_space<hbm>>
      tpu.wait_indirect_dma semaphore(%arg10 : memref<!tpu.dma_semaphore, #tpu.memory_space<semaphore_mem>>) src(%dma_wait3A_82 : memref<10240x128xf32, #tpu.memory_space<hbm>>) dst(%arg7 : memref<125x128xf32, #tpu.memory_space<vmem>>)
      %run_scoped3A = arith.constant 0 : i32
      %run_scoped3A_83 = arith.constant 1 : i32
      "tpu.region"() ({
        %run_scoped3A_369 = tpu.sem_alloc : memref<!tpu.dma_semaphore, #tpu.memory_space<semaphore_mem>>
        %dma_start3A_370 = arith.constant 0 : i32
        %dma_start3A_371 = tpu.memref_slice %arg5[%run_scoped3A, %run_scoped3A_83, %dma_start3A_370] : memref<8x2x125xi32, #tpu.memory_space<vmem>> -> memref<1x1x125xi32, #tpu.memory_space<vmem>>
        %dma_start3A_372 = tpu.memref_squeeze %dma_start3A_371 : memref<1x1x125xi32, #tpu.memory_space<vmem>> -> memref<125xi32, #tpu.memory_space<vmem>>
        %dma_start3A_373 = arith.constant 0 : i32
        %dma_start3A_374 = arith.constant 0 : i32
        %dma_start3A_375 = tpu.memref_slice %arg9[%dma_start3A_373, %dma_start3A_374] : memref<10240x128xf32, #tpu.memory_space<vmem_shared>> -> memref<10240x128xf32, #tpu.memory_space<vmem_shared>>
        tpu.enqueue_indirect_dma source(%arg7 : memref<125x128xf32, #tpu.memory_space<vmem>>) target(%dma_start3A_375 : memref<10240x128xf32, #tpu.memory_space<vmem_shared>>) offsets(%dma_start3A_372 : memref<125xi32, #tpu.memory_space<vmem>>) semaphore(%run_scoped3A_369 : memref<!tpu.dma_semaphore, #tpu.memory_space<semaphore_mem>>) {add = true}
        %dma_wait3A_376 = arith.constant 0 : i32
        %dma_wait3A_377 = tpu.memref_slice %arg5[%run_scoped3A, %run_scoped3A_83, %dma_wait3A_376] : memref<8x2x125xi32, #tpu.memory_space<vmem>> -> memref<1x1x125xi32, #tpu.memory_space<vmem>>
        %dma_wait3A_378 = tpu.memref_squeeze %dma_wait3A_377 : memref<1x1x125xi32, #tpu.memory_space<vmem>> -> memref<125xi32, #tpu.memory_space<vmem>>
        %dma_wait3A_379 = arith.constant 0 : i32
        %dma_wait3A_380 = arith.constant 0 : i32
        %dma_wait3A_381 = tpu.memref_slice %arg9[%dma_wait3A_379, %dma_wait3A_380] : memref<10240x128xf32, #tpu.memory_space<vmem_shared>> -> memref<10240x128xf32, #tpu.memory_space<vmem_shared>>
        tpu.wait_indirect_dma semaphore(%run_scoped3A_369 : memref<!tpu.dma_semaphore, #tpu.memory_space<semaphore_mem>>) src(%arg7 : memref<125x128xf32, #tpu.memory_space<vmem>>) dst(%dma_wait3A_381 : memref<10240x128xf32, #tpu.memory_space<vmem_shared>>)
        tpu.yield
      }) : () -> ()
      %dma_start3A_84 = arith.constant 2 : i32
      %dma_start3A_85 = arith.constant 0 : i32
      %dma_start3A_86 = arith.constant 0 : i32
      %dma_start3A_87 = tpu.memref_slice %arg5[%dma_start3A_84, %dma_start3A_85, %dma_start3A_86] : memref<8x2x125xi32, #tpu.memory_space<vmem>> -> memref<1x1x125xi32, #tpu.memory_space<vmem>>
      %dma_start3A_88 = tpu.memref_squeeze %dma_start3A_87 : memref<1x1x125xi32, #tpu.memory_space<vmem>> -> memref<125xi32, #tpu.memory_space<vmem>>
      %dma_start3A_89 = arith.constant 0 : i32
      %dma_start3A_90 = arith.constant 0 : i32
      %dma_start3A_91 = tpu.memref_slice %arg2[%dma_start3A_89, %dma_start3A_90] : memref<10240x128xf32, #tpu.memory_space<hbm>> -> memref<10240x128xf32, #tpu.memory_space<hbm>>
      tpu.enqueue_indirect_dma source(%dma_start3A_91 : memref<10240x128xf32, #tpu.memory_space<hbm>>) target(%arg7 : memref<125x128xf32, #tpu.memory_space<vmem>>) offsets(%dma_start3A_88 : memref<125xi32, #tpu.memory_space<vmem>>) semaphore(%arg10 : memref<!tpu.dma_semaphore, #tpu.memory_space<semaphore_mem>>)
      %dma_wait3A_92 = arith.constant 1 : i32
      %dma_wait3A_93 = arith.constant 0 : i32
      %dma_wait3A_94 = arith.constant 0 : i32
      %dma_wait3A_95 = tpu.memref_slice %arg5[%dma_wait3A_92, %dma_wait3A_93, %dma_wait3A_94] : memref<8x2x125xi32, #tpu.memory_space<vmem>> -> memref<1x1x125xi32, #tpu.memory_space<vmem>>
      %dma_wait3A_96 = tpu.memref_squeeze %dma_wait3A_95 : memref<1x1x125xi32, #tpu.memory_space<vmem>> -> memref<125xi32, #tpu.memory_space<vmem>>
      %dma_wait3A_97 = arith.constant 0 : i32
      %dma_wait3A_98 = arith.constant 0 : i32
      %dma_wait3A_99 = tpu.memref_slice %arg2[%dma_wait3A_97, %dma_wait3A_98] : memref<10240x128xf32, #tpu.memory_space<hbm>> -> memref<10240x128xf32, #tpu.memory_space<hbm>>
      tpu.wait_indirect_dma semaphore(%arg11 : memref<!tpu.dma_semaphore, #tpu.memory_space<semaphore_mem>>) src(%dma_wait3A_99 : memref<10240x128xf32, #tpu.memory_space<hbm>>) dst(%arg8 : memref<125x128xf32, #tpu.memory_space<vmem>>)
      %run_scoped3A_100 = arith.constant 1 : i32
      %run_scoped3A_101 = arith.constant 1 : i32
      "tpu.region"() ({
        %run_scoped3A_369 = tpu.sem_alloc : memref<!tpu.dma_semaphore, #tpu.memory_space<semaphore_mem>>
        %dma_start3A_370 = arith.constant 0 : i32
        %dma_start3A_371 = tpu.memref_slice %arg5[%run_scoped3A_100, %run_scoped3A_101, %dma_start3A_370] : memref<8x2x125xi32, #tpu.memory_space<vmem>> -> memref<1x1x125xi32, #tpu.memory_space<vmem>>
        %dma_start3A_372 = tpu.memref_squeeze %dma_start3A_371 : memref<1x1x125xi32, #tpu.memory_space<vmem>> -> memref<125xi32, #tpu.memory_space<vmem>>
        %dma_start3A_373 = arith.constant 0 : i32
        %dma_start3A_374 = arith.constant 0 : i32
        %dma_start3A_375 = tpu.memref_slice %arg9[%dma_start3A_373, %dma_start3A_374] : memref<10240x128xf32, #tpu.memory_space<vmem_shared>> -> memref<10240x128xf32, #tpu.memory_space<vmem_shared>>
        tpu.enqueue_indirect_dma source(%arg8 : memref<125x128xf32, #tpu.memory_space<vmem>>) target(%dma_start3A_375 : memref<10240x128xf32, #tpu.memory_space<vmem_shared>>) offsets(%dma_start3A_372 : memref<125xi32, #tpu.memory_space<vmem>>) semaphore(%run_scoped3A_369 : memref<!tpu.dma_semaphore, #tpu.memory_space<semaphore_mem>>) {add = true}
        %dma_wait3A_376 = arith.constant 0 : i32
        %dma_wait3A_377 = tpu.memref_slice %arg5[%run_scoped3A_100, %run_scoped3A_101, %dma_wait3A_376] : memref<8x2x125xi32, #tpu.memory_space<vmem>> -> memref<1x1x125xi32, #tpu.memory_space<vmem>>
        %dma_wait3A_378 = tpu.memref_squeeze %dma_wait3A_377 : memref<1x1x125xi32, #tpu.memory_space<vmem>> -> memref<125xi32, #tpu.memory_space<vmem>>
        %dma_wait3A_379 = arith.constant 0 : i32
        %dma_wait3A_380 = arith.constant 0 : i32
        %dma_wait3A_381 = tpu.memref_slice %arg9[%dma_wait3A_379, %dma_wait3A_380] : memref<10240x128xf32, #tpu.memory_space<vmem_shared>> -> memref<10240x128xf32, #tpu.memory_space<vmem_shared>>
        tpu.wait_indirect_dma semaphore(%run_scoped3A_369 : memref<!tpu.dma_semaphore, #tpu.memory_space<semaphore_mem>>) src(%arg8 : memref<125x128xf32, #tpu.memory_space<vmem>>) dst(%dma_wait3A_381 : memref<10240x128xf32, #tpu.memory_space<vmem_shared>>)
        tpu.yield
      }) : () -> ()
      %dma_start3A_102 = arith.constant 3 : i32
      %dma_start3A_103 = arith.constant 0 : i32
      %dma_start3A_104 = arith.constant 0 : i32
      %dma_start3A_105 = tpu.memref_slice %arg5[%dma_start3A_102, %dma_start3A_103, %dma_start3A_104] : memref<8x2x125xi32, #tpu.memory_space<vmem>> -> memref<1x1x125xi32, #tpu.memory_space<vmem>>
      %dma_start3A_106 = tpu.memref_squeeze %dma_start3A_105 : memref<1x1x125xi32, #tpu.memory_space<vmem>> -> memref<125xi32, #tpu.memory_space<vmem>>
      %dma_start3A_107 = arith.constant 0 : i32
      %dma_start3A_108 = arith.constant 0 : i32
      %dma_start3A_109 = tpu.memref_slice %arg2[%dma_start3A_107, %dma_start3A_108] : memref<10240x128xf32, #tpu.memory_space<hbm>> -> memref<10240x128xf32, #tpu.memory_space<hbm>>
      tpu.enqueue_indirect_dma source(%dma_start3A_109 : memref<10240x128xf32, #tpu.memory_space<hbm>>) target(%arg8 : memref<125x128xf32, #tpu.memory_space<vmem>>) offsets(%dma_start3A_106 : memref<125xi32, #tpu.memory_space<vmem>>) semaphore(%arg11 : memref<!tpu.dma_semaphore, #tpu.memory_space<semaphore_mem>>)
      %dma_wait3A_110 = arith.constant 2 : i32
      %dma_wait3A_111 = arith.constant 0 : i32
      %dma_wait3A_112 = arith.constant 0 : i32
      %dma_wait3A_113 = tpu.memref_slice %arg5[%dma_wait3A_110, %dma_wait3A_111, %dma_wait3A_112] : memref<8x2x125xi32, #tpu.memory_space<vmem>> -> memref<1x1x125xi32, #tpu.memory_space<vmem>>
      %dma_wait3A_114 = tpu.memref_squeeze %dma_wait3A_113 : memref<1x1x125xi32, #tpu.memory_space<vmem>> -> memref<125xi32, #tpu.memory_space<vmem>>
      %dma_wait3A_115 = arith.constant 0 : i32
      %dma_wait3A_116 = arith.constant 0 : i32
      %dma_wait3A_117 = tpu.memref_slice %arg2[%dma_wait3A_115, %dma_wait3A_116] : memref<10240x128xf32, #tpu.memory_space<hbm>> -> memref<10240x128xf32, #tpu.memory_space<hbm>>
      tpu.wait_indirect_dma semaphore(%arg10 : memref<!tpu.dma_semaphore, #tpu.memory_space<semaphore_mem>>) src(%dma_wait3A_117 : memref<10240x128xf32, #tpu.memory_space<hbm>>) dst(%arg7 : memref<125x128xf32, #tpu.memory_space<vmem>>)
      %run_scoped3A_118 = arith.constant 2 : i32
      %run_scoped3A_119 = arith.constant 1 : i32
      "tpu.region"() ({
        %run_scoped3A_369 = tpu.sem_alloc : memref<!tpu.dma_semaphore, #tpu.memory_space<semaphore_mem>>
        %dma_start3A_370 = arith.constant 0 : i32
        %dma_start3A_371 = tpu.memref_slice %arg5[%run_scoped3A_118, %run_scoped3A_119, %dma_start3A_370] : memref<8x2x125xi32, #tpu.memory_space<vmem>> -> memref<1x1x125xi32, #tpu.memory_space<vmem>>
        %dma_start3A_372 = tpu.memref_squeeze %dma_start3A_371 : memref<1x1x125xi32, #tpu.memory_space<vmem>> -> memref<125xi32, #tpu.memory_space<vmem>>
        %dma_start3A_373 = arith.constant 0 : i32
        %dma_start3A_374 = arith.constant 0 : i32
        %dma_start3A_375 = tpu.memref_slice %arg9[%dma_start3A_373, %dma_start3A_374] : memref<10240x128xf32, #tpu.memory_space<vmem_shared>> -> memref<10240x128xf32, #tpu.memory_space<vmem_shared>>
        tpu.enqueue_indirect_dma source(%arg7 : memref<125x128xf32, #tpu.memory_space<vmem>>) target(%dma_start3A_375 : memref<10240x128xf32, #tpu.memory_space<vmem_shared>>) offsets(%dma_start3A_372 : memref<125xi32, #tpu.memory_space<vmem>>) semaphore(%run_scoped3A_369 : memref<!tpu.dma_semaphore, #tpu.memory_space<semaphore_mem>>) {add = true}
        %dma_wait3A_376 = arith.constant 0 : i32
        %dma_wait3A_377 = tpu.memref_slice %arg5[%run_scoped3A_118, %run_scoped3A_119, %dma_wait3A_376] : memref<8x2x125xi32, #tpu.memory_space<vmem>> -> memref<1x1x125xi32, #tpu.memory_space<vmem>>
        %dma_wait3A_378 = tpu.memref_squeeze %dma_wait3A_377 : memref<1x1x125xi32, #tpu.memory_space<vmem>> -> memref<125xi32, #tpu.memory_space<vmem>>
        %dma_wait3A_379 = arith.constant 0 : i32
        %dma_wait3A_380 = arith.constant 0 : i32
        %dma_wait3A_381 = tpu.memref_slice %arg9[%dma_wait3A_379, %dma_wait3A_380] : memref<10240x128xf32, #tpu.memory_space<vmem_shared>> -> memref<10240x128xf32, #tpu.memory_space<vmem_shared>>
        tpu.wait_indirect_dma semaphore(%run_scoped3A_369 : memref<!tpu.dma_semaphore, #tpu.memory_space<semaphore_mem>>) src(%arg7 : memref<125x128xf32, #tpu.memory_space<vmem>>) dst(%dma_wait3A_381 : memref<10240x128xf32, #tpu.memory_space<vmem_shared>>)
        tpu.yield
      }) : () -> ()
      %dma_start3A_120 = arith.constant 4 : i32
      %dma_start3A_121 = arith.constant 0 : i32
      %dma_start3A_122 = arith.constant 0 : i32
      %dma_start3A_123 = tpu.memref_slice %arg5[%dma_start3A_120, %dma_start3A_121, %dma_start3A_122] : memref<8x2x125xi32, #tpu.memory_space<vmem>> -> memref<1x1x125xi32, #tpu.memory_space<vmem>>
      %dma_start3A_124 = tpu.memref_squeeze %dma_start3A_123 : memref<1x1x125xi32, #tpu.memory_space<vmem>> -> memref<125xi32, #tpu.memory_space<vmem>>
      %dma_start3A_125 = arith.constant 0 : i32
      %dma_start3A_126 = arith.constant 0 : i32
      %dma_start3A_127 = tpu.memref_slice %arg2[%dma_start3A_125, %dma_start3A_126] : memref<10240x128xf32, #tpu.memory_space<hbm>> -> memref<10240x128xf32, #tpu.memory_space<hbm>>
      tpu.enqueue_indirect_dma source(%dma_start3A_127 : memref<10240x128xf32, #tpu.memory_space<hbm>>) target(%arg7 : memref<125x128xf32, #tpu.memory_space<vmem>>) offsets(%dma_start3A_124 : memref<125xi32, #tpu.memory_space<vmem>>) semaphore(%arg10 : memref<!tpu.dma_semaphore, #tpu.memory_space<semaphore_mem>>)
      %dma_wait3A_128 = arith.constant 3 : i32
      %dma_wait3A_129 = arith.constant 0 : i32
      %dma_wait3A_130 = arith.constant 0 : i32
      %dma_wait3A_131 = tpu.memref_slice %arg5[%dma_wait3A_128, %dma_wait3A_129, %dma_wait3A_130] : memref<8x2x125xi32, #tpu.memory_space<vmem>> -> memref<1x1x125xi32, #tpu.memory_space<vmem>>
      %dma_wait3A_132 = tpu.memref_squeeze %dma_wait3A_131 : memref<1x1x125xi32, #tpu.memory_space<vmem>> -> memref<125xi32, #tpu.memory_space<vmem>>
      %dma_wait3A_133 = arith.constant 0 : i32
      %dma_wait3A_134 = arith.constant 0 : i32
      %dma_wait3A_135 = tpu.memref_slice %arg2[%dma_wait3A_133, %dma_wait3A_134] : memref<10240x128xf32, #tpu.memory_space<hbm>> -> memref<10240x128xf32, #tpu.memory_space<hbm>>
      tpu.wait_indirect_dma semaphore(%arg11 : memref<!tpu.dma_semaphore, #tpu.memory_space<semaphore_mem>>) src(%dma_wait3A_135 : memref<10240x128xf32, #tpu.memory_space<hbm>>) dst(%arg8 : memref<125x128xf32, #tpu.memory_space<vmem>>)
      %run_scoped3A_136 = arith.constant 3 : i32
      %run_scoped3A_137 = arith.constant 1 : i32
      "tpu.region"() ({
        %run_scoped3A_369 = tpu.sem_alloc : memref<!tpu.dma_semaphore, #tpu.memory_space<semaphore_mem>>
        %dma_start3A_370 = arith.constant 0 : i32
        %dma_start3A_371 = tpu.memref_slice %arg5[%run_scoped3A_136, %run_scoped3A_137, %dma_start3A_370] : memref<8x2x125xi32, #tpu.memory_space<vmem>> -> memref<1x1x125xi32, #tpu.memory_space<vmem>>
        %dma_start3A_372 = tpu.memref_squeeze %dma_start3A_371 : memref<1x1x125xi32, #tpu.memory_space<vmem>> -> memref<125xi32, #tpu.memory_space<vmem>>
        %dma_start3A_373 = arith.constant 0 : i32
        %dma_start3A_374 = arith.constant 0 : i32
        %dma_start3A_375 = tpu.memref_slice %arg9[%dma_start3A_373, %dma_start3A_374] : memref<10240x128xf32, #tpu.memory_space<vmem_shared>> -> memref<10240x128xf32, #tpu.memory_space<vmem_shared>>
        tpu.enqueue_indirect_dma source(%arg8 : memref<125x128xf32, #tpu.memory_space<vmem>>) target(%dma_start3A_375 : memref<10240x128xf32, #tpu.memory_space<vmem_shared>>) offsets(%dma_start3A_372 : memref<125xi32, #tpu.memory_space<vmem>>) semaphore(%run_scoped3A_369 : memref<!tpu.dma_semaphore, #tpu.memory_space<semaphore_mem>>) {add = true}
        %dma_wait3A_376 = arith.constant 0 : i32
        %dma_wait3A_377 = tpu.memref_slice %arg5[%run_scoped3A_136, %run_scoped3A_137, %dma_wait3A_376] : memref<8x2x125xi32, #tpu.memory_space<vmem>> -> memref<1x1x125xi32, #tpu.memory_space<vmem>>
        %dma_wait3A_378 = tpu.memref_squeeze %dma_wait3A_377 : memref<1x1x125xi32, #tpu.memory_space<vmem>> -> memref<125xi32, #tpu.memory_space<vmem>>
        %dma_wait3A_379 = arith.constant 0 : i32
        %dma_wait3A_380 = arith.constant 0 : i32
        %dma_wait3A_381 = tpu.memref_slice %arg9[%dma_wait3A_379, %dma_wait3A_380] : memref<10240x128xf32, #tpu.memory_space<vmem_shared>> -> memref<10240x128xf32, #tpu.memory_space<vmem_shared>>
        tpu.wait_indirect_dma semaphore(%run_scoped3A_369 : memref<!tpu.dma_semaphore, #tpu.memory_space<semaphore_mem>>) src(%arg8 : memref<125x128xf32, #tpu.memory_space<vmem>>) dst(%dma_wait3A_381 : memref<10240x128xf32, #tpu.memory_space<vmem_shared>>)
        tpu.yield
      }) : () -> ()
      %dma_start3A_138 = arith.constant 5 : i32
      %dma_start3A_139 = arith.constant 0 : i32
      %dma_start3A_140 = arith.constant 0 : i32
      %dma_start3A_141 = tpu.memref_slice %arg5[%dma_start3A_138, %dma_start3A_139, %dma_start3A_140] : memref<8x2x125xi32, #tpu.memory_space<vmem>> -> memref<1x1x125xi32, #tpu.memory_space<vmem>>
      %dma_start3A_142 = tpu.memref_squeeze %dma_start3A_141 : memref<1x1x125xi32, #tpu.memory_space<vmem>> -> memref<125xi32, #tpu.memory_space<vmem>>
      %dma_start3A_143 = arith.constant 0 : i32
      %dma_start3A_144 = arith.constant 0 : i32
      %dma_start3A_145 = tpu.memref_slice %arg2[%dma_start3A_143, %dma_start3A_144] : memref<10240x128xf32, #tpu.memory_space<hbm>> -> memref<10240x128xf32, #tpu.memory_space<hbm>>
      tpu.enqueue_indirect_dma source(%dma_start3A_145 : memref<10240x128xf32, #tpu.memory_space<hbm>>) target(%arg8 : memref<125x128xf32, #tpu.memory_space<vmem>>) offsets(%dma_start3A_142 : memref<125xi32, #tpu.memory_space<vmem>>) semaphore(%arg11 : memref<!tpu.dma_semaphore, #tpu.memory_space<semaphore_mem>>)
      %dma_wait3A_146 = arith.constant 4 : i32
      %dma_wait3A_147 = arith.constant 0 : i32
      %dma_wait3A_148 = arith.constant 0 : i32
      %dma_wait3A_149 = tpu.memref_slice %arg5[%dma_wait3A_146, %dma_wait3A_147, %dma_wait3A_148] : memref<8x2x125xi32, #tpu.memory_space<vmem>> -> memref<1x1x125xi32, #tpu.memory_space<vmem>>
      %dma_wait3A_150 = tpu.memref_squeeze %dma_wait3A_149 : memref<1x1x125xi32, #tpu.memory_space<vmem>> -> memref<125xi32, #tpu.memory_space<vmem>>
      %dma_wait3A_151 = arith.constant 0 : i32
      %dma_wait3A_152 = arith.constant 0 : i32
      %dma_wait3A_153 = tpu.memref_slice %arg2[%dma_wait3A_151, %dma_wait3A_152] : memref<10240x128xf32, #tpu.memory_space<hbm>> -> memref<10240x128xf32, #tpu.memory_space<hbm>>
      tpu.wait_indirect_dma semaphore(%arg10 : memref<!tpu.dma_semaphore, #tpu.memory_space<semaphore_mem>>) src(%dma_wait3A_153 : memref<10240x128xf32, #tpu.memory_space<hbm>>) dst(%arg7 : memref<125x128xf32, #tpu.memory_space<vmem>>)
      %run_scoped3A_154 = arith.constant 4 : i32
      %run_scoped3A_155 = arith.constant 1 : i32
      "tpu.region"() ({
        %run_scoped3A_369 = tpu.sem_alloc : memref<!tpu.dma_semaphore, #tpu.memory_space<semaphore_mem>>
        %dma_start3A_370 = arith.constant 0 : i32
        %dma_start3A_371 = tpu.memref_slice %arg5[%run_scoped3A_154, %run_scoped3A_155, %dma_start3A_370] : memref<8x2x125xi32, #tpu.memory_space<vmem>> -> memref<1x1x125xi32, #tpu.memory_space<vmem>>
        %dma_start3A_372 = tpu.memref_squeeze %dma_start3A_371 : memref<1x1x125xi32, #tpu.memory_space<vmem>> -> memref<125xi32, #tpu.memory_space<vmem>>
        %dma_start3A_373 = arith.constant 0 : i32
        %dma_start3A_374 = arith.constant 0 : i32
        %dma_start3A_375 = tpu.memref_slice %arg9[%dma_start3A_373, %dma_start3A_374] : memref<10240x128xf32, #tpu.memory_space<vmem_shared>> -> memref<10240x128xf32, #tpu.memory_space<vmem_shared>>
        tpu.enqueue_indirect_dma source(%arg7 : memref<125x128xf32, #tpu.memory_space<vmem>>) target(%dma_start3A_375 : memref<10240x128xf32, #tpu.memory_space<vmem_shared>>) offsets(%dma_start3A_372 : memref<125xi32, #tpu.memory_space<vmem>>) semaphore(%run_scoped3A_369 : memref<!tpu.dma_semaphore, #tpu.memory_space<semaphore_mem>>) {add = true}
        %dma_wait3A_376 = arith.constant 0 : i32
        %dma_wait3A_377 = tpu.memref_slice %arg5[%run_scoped3A_154, %run_scoped3A_155, %dma_wait3A_376] : memref<8x2x125xi32, #tpu.memory_space<vmem>> -> memref<1x1x125xi32, #tpu.memory_space<vmem>>
        %dma_wait3A_378 = tpu.memref_squeeze %dma_wait3A_377 : memref<1x1x125xi32, #tpu.memory_space<vmem>> -> memref<125xi32, #tpu.memory_space<vmem>>
        %dma_wait3A_379 = arith.constant 0 : i32
        %dma_wait3A_380 = arith.constant 0 : i32
        %dma_wait3A_381 = tpu.memref_slice %arg9[%dma_wait3A_379, %dma_wait3A_380] : memref<10240x128xf32, #tpu.memory_space<vmem_shared>> -> memref<10240x128xf32, #tpu.memory_space<vmem_shared>>
        tpu.wait_indirect_dma semaphore(%run_scoped3A_369 : memref<!tpu.dma_semaphore, #tpu.memory_space<semaphore_mem>>) src(%arg7 : memref<125x128xf32, #tpu.memory_space<vmem>>) dst(%dma_wait3A_381 : memref<10240x128xf32, #tpu.memory_space<vmem_shared>>)
        tpu.yield
      }) : () -> ()
      %dma_start3A_156 = arith.constant 6 : i32
      %dma_start3A_157 = arith.constant 0 : i32
      %dma_start3A_158 = arith.constant 0 : i32
      %dma_start3A_159 = tpu.memref_slice %arg5[%dma_start3A_156, %dma_start3A_157, %dma_start3A_158] : memref<8x2x125xi32, #tpu.memory_space<vmem>> -> memref<1x1x125xi32, #tpu.memory_space<vmem>>
      %dma_start3A_160 = tpu.memref_squeeze %dma_start3A_159 : memref<1x1x125xi32, #tpu.memory_space<vmem>> -> memref<125xi32, #tpu.memory_space<vmem>>
      %dma_start3A_161 = arith.constant 0 : i32
      %dma_start3A_162 = arith.constant 0 : i32
      %dma_start3A_163 = tpu.memref_slice %arg2[%dma_start3A_161, %dma_start3A_162] : memref<10240x128xf32, #tpu.memory_space<hbm>> -> memref<10240x128xf32, #tpu.memory_space<hbm>>
      tpu.enqueue_indirect_dma source(%dma_start3A_163 : memref<10240x128xf32, #tpu.memory_space<hbm>>) target(%arg7 : memref<125x128xf32, #tpu.memory_space<vmem>>) offsets(%dma_start3A_160 : memref<125xi32, #tpu.memory_space<vmem>>) semaphore(%arg10 : memref<!tpu.dma_semaphore, #tpu.memory_space<semaphore_mem>>)
      %dma_wait3A_164 = arith.constant 5 : i32
      %dma_wait3A_165 = arith.constant 0 : i32
      %dma_wait3A_166 = arith.constant 0 : i32
      %dma_wait3A_167 = tpu.memref_slice %arg5[%dma_wait3A_164, %dma_wait3A_165, %dma_wait3A_166] : memref<8x2x125xi32, #tpu.memory_space<vmem>> -> memref<1x1x125xi32, #tpu.memory_space<vmem>>
      %dma_wait3A_168 = tpu.memref_squeeze %dma_wait3A_167 : memref<1x1x125xi32, #tpu.memory_space<vmem>> -> memref<125xi32, #tpu.memory_space<vmem>>
      %dma_wait3A_169 = arith.constant 0 : i32
      %dma_wait3A_170 = arith.constant 0 : i32
      %dma_wait3A_171 = tpu.memref_slice %arg2[%dma_wait3A_169, %dma_wait3A_170] : memref<10240x128xf32, #tpu.memory_space<hbm>> -> memref<10240x128xf32, #tpu.memory_space<hbm>>
      tpu.wait_indirect_dma semaphore(%arg11 : memref<!tpu.dma_semaphore, #tpu.memory_space<semaphore_mem>>) src(%dma_wait3A_171 : memref<10240x128xf32, #tpu.memory_space<hbm>>) dst(%arg8 : memref<125x128xf32, #tpu.memory_space<vmem>>)
      %run_scoped3A_172 = arith.constant 5 : i32
      %run_scoped3A_173 = arith.constant 1 : i32
      "tpu.region"() ({
        %run_scoped3A_369 = tpu.sem_alloc : memref<!tpu.dma_semaphore, #tpu.memory_space<semaphore_mem>>
        %dma_start3A_370 = arith.constant 0 : i32
        %dma_start3A_371 = tpu.memref_slice %arg5[%run_scoped3A_172, %run_scoped3A_173, %dma_start3A_370] : memref<8x2x125xi32, #tpu.memory_space<vmem>> -> memref<1x1x125xi32, #tpu.memory_space<vmem>>
        %dma_start3A_372 = tpu.memref_squeeze %dma_start3A_371 : memref<1x1x125xi32, #tpu.memory_space<vmem>> -> memref<125xi32, #tpu.memory_space<vmem>>
        %dma_start3A_373 = arith.constant 0 : i32
        %dma_start3A_374 = arith.constant 0 : i32
        %dma_start3A_375 = tpu.memref_slice %arg9[%dma_start3A_373, %dma_start3A_374] : memref<10240x128xf32, #tpu.memory_space<vmem_shared>> -> memref<10240x128xf32, #tpu.memory_space<vmem_shared>>
        tpu.enqueue_indirect_dma source(%arg8 : memref<125x128xf32, #tpu.memory_space<vmem>>) target(%dma_start3A_375 : memref<10240x128xf32, #tpu.memory_space<vmem_shared>>) offsets(%dma_start3A_372 : memref<125xi32, #tpu.memory_space<vmem>>) semaphore(%run_scoped3A_369 : memref<!tpu.dma_semaphore, #tpu.memory_space<semaphore_mem>>) {add = true}
        %dma_wait3A_376 = arith.constant 0 : i32
        %dma_wait3A_377 = tpu.memref_slice %arg5[%run_scoped3A_172, %run_scoped3A_173, %dma_wait3A_376] : memref<8x2x125xi32, #tpu.memory_space<vmem>> -> memref<1x1x125xi32, #tpu.memory_space<vmem>>
        %dma_wait3A_378 = tpu.memref_squeeze %dma_wait3A_377 : memref<1x1x125xi32, #tpu.memory_space<vmem>> -> memref<125xi32, #tpu.memory_space<vmem>>
        %dma_wait3A_379 = arith.constant 0 : i32
        %dma_wait3A_380 = arith.constant 0 : i32
        %dma_wait3A_381 = tpu.memref_slice %arg9[%dma_wait3A_379, %dma_wait3A_380] : memref<10240x128xf32, #tpu.memory_space<vmem_shared>> -> memref<10240x128xf32, #tpu.memory_space<vmem_shared>>
        tpu.wait_indirect_dma semaphore(%run_scoped3A_369 : memref<!tpu.dma_semaphore, #tpu.memory_space<semaphore_mem>>) src(%arg8 : memref<125x128xf32, #tpu.memory_space<vmem>>) dst(%dma_wait3A_381 : memref<10240x128xf32, #tpu.memory_space<vmem_shared>>)
        tpu.yield
      }) : () -> ()
      %dma_start3A_174 = arith.constant 7 : i32
      %dma_start3A_175 = arith.constant 0 : i32
      %dma_start3A_176 = arith.constant 0 : i32
      %dma_start3A_177 = tpu.memref_slice %arg5[%dma_start3A_174, %dma_start3A_175, %dma_start3A_176] : memref<8x2x125xi32, #tpu.memory_space<vmem>> -> memref<1x1x125xi32, #tpu.memory_space<vmem>>
      %dma_start3A_178 = tpu.memref_squeeze %dma_start3A_177 : memref<1x1x125xi32, #tpu.memory_space<vmem>> -> memref<125xi32, #tpu.memory_space<vmem>>
      %dma_start3A_179 = arith.constant 0 : i32
      %dma_start3A_180 = arith.constant 0 : i32
      %dma_start3A_181 = tpu.memref_slice %arg2[%dma_start3A_179, %dma_start3A_180] : memref<10240x128xf32, #tpu.memory_space<hbm>> -> memref<10240x128xf32, #tpu.memory_space<hbm>>
      tpu.enqueue_indirect_dma source(%dma_start3A_181 : memref<10240x128xf32, #tpu.memory_space<hbm>>) target(%arg8 : memref<125x128xf32, #tpu.memory_space<vmem>>) offsets(%dma_start3A_178 : memref<125xi32, #tpu.memory_space<vmem>>) semaphore(%arg11 : memref<!tpu.dma_semaphore, #tpu.memory_space<semaphore_mem>>)
      %dma_wait3A_182 = arith.constant 6 : i32
      %dma_wait3A_183 = arith.constant 0 : i32
      %dma_wait3A_184 = arith.constant 0 : i32
      %dma_wait3A_185 = tpu.memref_slice %arg5[%dma_wait3A_182, %dma_wait3A_183, %dma_wait3A_184] : memref<8x2x125xi32, #tpu.memory_space<vmem>> -> memref<1x1x125xi32, #tpu.memory_space<vmem>>
      %dma_wait3A_186 = tpu.memref_squeeze %dma_wait3A_185 : memref<1x1x125xi32, #tpu.memory_space<vmem>> -> memref<125xi32, #tpu.memory_space<vmem>>
      %dma_wait3A_187 = arith.constant 0 : i32
      %dma_wait3A_188 = arith.constant 0 : i32
      %dma_wait3A_189 = tpu.memref_slice %arg2[%dma_wait3A_187, %dma_wait3A_188] : memref<10240x128xf32, #tpu.memory_space<hbm>> -> memref<10240x128xf32, #tpu.memory_space<hbm>>
      tpu.wait_indirect_dma semaphore(%arg10 : memref<!tpu.dma_semaphore, #tpu.memory_space<semaphore_mem>>) src(%dma_wait3A_189 : memref<10240x128xf32, #tpu.memory_space<hbm>>) dst(%arg7 : memref<125x128xf32, #tpu.memory_space<vmem>>)
      %run_scoped3A_190 = arith.constant 6 : i32
      %run_scoped3A_191 = arith.constant 1 : i32
      "tpu.region"() ({
        %run_scoped3A_369 = tpu.sem_alloc : memref<!tpu.dma_semaphore, #tpu.memory_space<semaphore_mem>>
        %dma_start3A_370 = arith.constant 0 : i32
        %dma_start3A_371 = tpu.memref_slice %arg5[%run_scoped3A_190, %run_scoped3A_191, %dma_start3A_370] : memref<8x2x125xi32, #tpu.memory_space<vmem>> -> memref<1x1x125xi32, #tpu.memory_space<vmem>>
        %dma_start3A_372 = tpu.memref_squeeze %dma_start3A_371 : memref<1x1x125xi32, #tpu.memory_space<vmem>> -> memref<125xi32, #tpu.memory_space<vmem>>
        %dma_start3A_373 = arith.constant 0 : i32
        %dma_start3A_374 = arith.constant 0 : i32
        %dma_start3A_375 = tpu.memref_slice %arg9[%dma_start3A_373, %dma_start3A_374] : memref<10240x128xf32, #tpu.memory_space<vmem_shared>> -> memref<10240x128xf32, #tpu.memory_space<vmem_shared>>
        tpu.enqueue_indirect_dma source(%arg7 : memref<125x128xf32, #tpu.memory_space<vmem>>) target(%dma_start3A_375 : memref<10240x128xf32, #tpu.memory_space<vmem_shared>>) offsets(%dma_start3A_372 : memref<125xi32, #tpu.memory_space<vmem>>) semaphore(%run_scoped3A_369 : memref<!tpu.dma_semaphore, #tpu.memory_space<semaphore_mem>>) {add = true}
        %dma_wait3A_376 = arith.constant 0 : i32
        %dma_wait3A_377 = tpu.memref_slice %arg5[%run_scoped3A_190, %run_scoped3A_191, %dma_wait3A_376] : memref<8x2x125xi32, #tpu.memory_space<vmem>> -> memref<1x1x125xi32, #tpu.memory_space<vmem>>
        %dma_wait3A_378 = tpu.memref_squeeze %dma_wait3A_377 : memref<1x1x125xi32, #tpu.memory_space<vmem>> -> memref<125xi32, #tpu.memory_space<vmem>>
        %dma_wait3A_379 = arith.constant 0 : i32
        %dma_wait3A_380 = arith.constant 0 : i32
        %dma_wait3A_381 = tpu.memref_slice %arg9[%dma_wait3A_379, %dma_wait3A_380] : memref<10240x128xf32, #tpu.memory_space<vmem_shared>> -> memref<10240x128xf32, #tpu.memory_space<vmem_shared>>
        tpu.wait_indirect_dma semaphore(%run_scoped3A_369 : memref<!tpu.dma_semaphore, #tpu.memory_space<semaphore_mem>>) src(%arg7 : memref<125x128xf32, #tpu.memory_space<vmem>>) dst(%dma_wait3A_381 : memref<10240x128xf32, #tpu.memory_space<vmem_shared>>)
        tpu.yield
      }) : () -> ()
      %dma_wait3A_192 = arith.constant 0 : i32
      %dma_wait3A_193 = arith.constant 0 : i32
      %dma_wait3A_194 = arith.constant 0 : i32
      %dma_wait3A_195 = arith.constant 0 : i32
      %dma_wait3A_196 = tpu.memref_slice %arg3[%add3A, %dma_wait3A_192, %dma_wait3A_193, %dma_wait3A_194, %dma_wait3A_195] : memref<32x10x8x2x125xi32, #tpu.memory_space<hbm>> -> memref<1x1x8x2x125xi32, #tpu.memory_space<hbm>>
      %dma_wait3A_197 = tpu.memref_squeeze %dma_wait3A_196 : memref<1x1x8x2x125xi32, #tpu.memory_space<hbm>> -> memref<8x2x125xi32, #tpu.memory_space<hbm>>
      %dma_wait3A_198 = arith.constant 0 : i32
      %dma_wait3A_199 = arith.constant 0 : i32
      %dma_wait3A_200 = arith.constant 0 : i32
      %dma_wait3A_201 = tpu.memref_slice %arg3[%add3A, %dma_wait3A_192, %dma_wait3A_198, %dma_wait3A_199, %dma_wait3A_200] : memref<32x10x8x2x125xi32, #tpu.memory_space<hbm>> -> memref<1x1x8x2x125xi32, #tpu.memory_space<hbm>>
      %dma_wait3A_202 = tpu.memref_squeeze %dma_wait3A_201 : memref<1x1x8x2x125xi32, #tpu.memory_space<hbm>> -> memref<8x2x125xi32, #tpu.memory_space<hbm>>
      tpu.wait_dma2 semaphore(%arg13 : memref<!tpu.dma_semaphore, #tpu.memory_space<semaphore_mem>>) src(%dma_wait3A_202 : memref<8x2x125xi32, #tpu.memory_space<hbm>>) dst(%arg6 : memref<8x2x125xi32, #tpu.memory_space<vmem>>)
      %dma_start3A_203 = arith.constant 0 : i32
      %dma_start3A_204 = arith.constant 0 : i32
      %dma_start3A_205 = arith.constant 0 : i32
      %dma_start3A_206 = tpu.memref_slice %arg6[%dma_start3A_203, %dma_start3A_204, %dma_start3A_205] : memref<8x2x125xi32, #tpu.memory_space<vmem>> -> memref<1x1x125xi32, #tpu.memory_space<vmem>>
      %dma_start3A_207 = tpu.memref_squeeze %dma_start3A_206 : memref<1x1x125xi32, #tpu.memory_space<vmem>> -> memref<125xi32, #tpu.memory_space<vmem>>
      %dma_start3A_208 = arith.constant 0 : i32
      %dma_start3A_209 = arith.constant 0 : i32
      %dma_start3A_210 = tpu.memref_slice %arg2[%dma_start3A_208, %dma_start3A_209] : memref<10240x128xf32, #tpu.memory_space<hbm>> -> memref<10240x128xf32, #tpu.memory_space<hbm>>
      tpu.enqueue_indirect_dma source(%dma_start3A_210 : memref<10240x128xf32, #tpu.memory_space<hbm>>) target(%arg7 : memref<125x128xf32, #tpu.memory_space<vmem>>) offsets(%dma_start3A_207 : memref<125xi32, #tpu.memory_space<vmem>>) semaphore(%arg10 : memref<!tpu.dma_semaphore, #tpu.memory_space<semaphore_mem>>)
      %dma_wait3A_211 = arith.constant 7 : i32
      %dma_wait3A_212 = arith.constant 0 : i32
      %dma_wait3A_213 = arith.constant 0 : i32
      %dma_wait3A_214 = tpu.memref_slice %arg5[%dma_wait3A_211, %dma_wait3A_212, %dma_wait3A_213] : memref<8x2x125xi32, #tpu.memory_space<vmem>> -> memref<1x1x125xi32, #tpu.memory_space<vmem>>
      %dma_wait3A_215 = tpu.memref_squeeze %dma_wait3A_214 : memref<1x1x125xi32, #tpu.memory_space<vmem>> -> memref<125xi32, #tpu.memory_space<vmem>>
      %dma_wait3A_216 = arith.constant 0 : i32
      %dma_wait3A_217 = arith.constant 0 : i32
      %dma_wait3A_218 = tpu.memref_slice %arg2[%dma_wait3A_216, %dma_wait3A_217] : memref<10240x128xf32, #tpu.memory_space<hbm>> -> memref<10240x128xf32, #tpu.memory_space<hbm>>
      tpu.wait_indirect_dma semaphore(%arg11 : memref<!tpu.dma_semaphore, #tpu.memory_space<semaphore_mem>>) src(%dma_wait3A_218 : memref<10240x128xf32, #tpu.memory_space<hbm>>) dst(%arg8 : memref<125x128xf32, #tpu.memory_space<vmem>>)
      %run_scoped3A_219 = arith.constant 7 : i32
      %run_scoped3A_220 = arith.constant 1 : i32
      "tpu.region"() ({
        %run_scoped3A_369 = tpu.sem_alloc : memref<!tpu.dma_semaphore, #tpu.memory_space<semaphore_mem>>
        %dma_start3A_370 = arith.constant 0 : i32
        %dma_start3A_371 = tpu.memref_slice %arg5[%run_scoped3A_219, %run_scoped3A_220, %dma_start3A_370] : memref<8x2x125xi32, #tpu.memory_space<vmem>> -> memref<1x1x125xi32, #tpu.memory_space<vmem>>
        %dma_start3A_372 = tpu.memref_squeeze %dma_start3A_371 : memref<1x1x125xi32, #tpu.memory_space<vmem>> -> memref<125xi32, #tpu.memory_space<vmem>>
        %dma_start3A_373 = arith.constant 0 : i32
        %dma_start3A_374 = arith.constant 0 : i32
        %dma_start3A_375 = tpu.memref_slice %arg9[%dma_start3A_373, %dma_start3A_374] : memref<10240x128xf32, #tpu.memory_space<vmem_shared>> -> memref<10240x128xf32, #tpu.memory_space<vmem_shared>>
        tpu.enqueue_indirect_dma source(%arg8 : memref<125x128xf32, #tpu.memory_space<vmem>>) target(%dma_start3A_375 : memref<10240x128xf32, #tpu.memory_space<vmem_shared>>) offsets(%dma_start3A_372 : memref<125xi32, #tpu.memory_space<vmem>>) semaphore(%run_scoped3A_369 : memref<!tpu.dma_semaphore, #tpu.memory_space<semaphore_mem>>) {add = true}
        %dma_wait3A_376 = arith.constant 0 : i32
        %dma_wait3A_377 = tpu.memref_slice %arg5[%run_scoped3A_219, %run_scoped3A_220, %dma_wait3A_376] : memref<8x2x125xi32, #tpu.memory_space<vmem>> -> memref<1x1x125xi32, #tpu.memory_space<vmem>>
        %dma_wait3A_378 = tpu.memref_squeeze %dma_wait3A_377 : memref<1x1x125xi32, #tpu.memory_space<vmem>> -> memref<125xi32, #tpu.memory_space<vmem>>
        %dma_wait3A_379 = arith.constant 0 : i32
        %dma_wait3A_380 = arith.constant 0 : i32
        %dma_wait3A_381 = tpu.memref_slice %arg9[%dma_wait3A_379, %dma_wait3A_380] : memref<10240x128xf32, #tpu.memory_space<vmem_shared>> -> memref<10240x128xf32, #tpu.memory_space<vmem_shared>>
        tpu.wait_indirect_dma semaphore(%run_scoped3A_369 : memref<!tpu.dma_semaphore, #tpu.memory_space<semaphore_mem>>) src(%arg8 : memref<125x128xf32, #tpu.memory_space<vmem>>) dst(%dma_wait3A_381 : memref<10240x128xf32, #tpu.memory_space<vmem_shared>>)
        tpu.yield
      }) : () -> ()
      %lt3A = arith.constant 4 : i32
      %lt3A_221 = arith.cmpi slt, %scan3A_66, %lt3A : i32
      %convert_element_type3A = arith.extui %lt3A_221 : i1 to i32
      %cond3A = arith.constant 0 : i32
      %cond3A_222 = arith.cmpi ne, %convert_element_type3A, %cond3A : i32
      scf.if %cond3A_222 {
        %mul3A_369 = arith.constant 2 : i32
        %mul3A_370 = arith.muli %mul3A_369, %scan3A_66 : i32
        %add3A_371 = arith.constant 2 : i32
        %add3A_372 = arith.addi %mul3A_370, %add3A_371 : i32
        %dma_start3A_373 = arith.constant 0 : i32
        %dma_start3A_374 = arith.constant 0 : i32
        %dma_start3A_375 = arith.constant 0 : i32
        %dma_start3A_376 = tpu.memref_slice %arg3[%add3A, %add3A_372, %dma_start3A_373, %dma_start3A_374, %dma_start3A_375] : memref<32x10x8x2x125xi32, #tpu.memory_space<hbm>> -> memref<1x1x8x2x125xi32, #tpu.memory_space<hbm>>
        %dma_start3A_377 = tpu.memref_squeeze %dma_start3A_376 : memref<1x1x8x2x125xi32, #tpu.memory_space<hbm>> -> memref<8x2x125xi32, #tpu.memory_space<hbm>>
        %dma_start3A_378 = arith.constant 0 : i32
        %dma_start3A_379 = arith.constant 0 : i32
        %dma_start3A_380 = arith.constant 0 : i32
        %dma_start3A_381 = tpu.memref_slice %arg3[%add3A, %add3A_372, %dma_start3A_378, %dma_start3A_379, %dma_start3A_380] : memref<32x10x8x2x125xi32, #tpu.memory_space<hbm>> -> memref<1x1x8x2x125xi32, #tpu.memory_space<hbm>>
        %dma_start3A_382 = tpu.memref_squeeze %dma_start3A_381 : memref<1x1x8x2x125xi32, #tpu.memory_space<hbm>> -> memref<8x2x125xi32, #tpu.memory_space<hbm>>
        tpu.enqueue_dma source(%dma_start3A_382 : memref<8x2x125xi32, #tpu.memory_space<hbm>>) target(%arg5 : memref<8x2x125xi32, #tpu.memory_space<vmem>>) target_semaphore(%arg12 : memref<!tpu.dma_semaphore, #tpu.memory_space<semaphore_mem>>)
      } else {
      }
      %dma_start3A_223 = arith.constant 1 : i32
      %dma_start3A_224 = arith.constant 0 : i32
      %dma_start3A_225 = arith.constant 0 : i32
      %dma_start3A_226 = tpu.memref_slice %arg6[%dma_start3A_223, %dma_start3A_224, %dma_start3A_225] : memref<8x2x125xi32, #tpu.memory_space<vmem>> -> memref<1x1x125xi32, #tpu.memory_space<vmem>>
      %dma_start3A_227 = tpu.memref_squeeze %dma_start3A_226 : memref<1x1x125xi32, #tpu.memory_space<vmem>> -> memref<125xi32, #tpu.memory_space<vmem>>
      %dma_start3A_228 = arith.constant 0 : i32
      %dma_start3A_229 = arith.constant 0 : i32
      %dma_start3A_230 = tpu.memref_slice %arg2[%dma_start3A_228, %dma_start3A_229] : memref<10240x128xf32, #tpu.memory_space<hbm>> -> memref<10240x128xf32, #tpu.memory_space<hbm>>
      tpu.enqueue_indirect_dma source(%dma_start3A_230 : memref<10240x128xf32, #tpu.memory_space<hbm>>) target(%arg8 : memref<125x128xf32, #tpu.memory_space<vmem>>) offsets(%dma_start3A_227 : memref<125xi32, #tpu.memory_space<vmem>>) semaphore(%arg11 : memref<!tpu.dma_semaphore, #tpu.memory_space<semaphore_mem>>)
      %dma_wait3A_231 = arith.constant 0 : i32
      %dma_wait3A_232 = arith.constant 0 : i32
      %dma_wait3A_233 = arith.constant 0 : i32
      %dma_wait3A_234 = tpu.memref_slice %arg6[%dma_wait3A_231, %dma_wait3A_232, %dma_wait3A_233] : memref<8x2x125xi32, #tpu.memory_space<vmem>> -> memref<1x1x125xi32, #tpu.memory_space<vmem>>
      %dma_wait3A_235 = tpu.memref_squeeze %dma_wait3A_234 : memref<1x1x125xi32, #tpu.memory_space<vmem>> -> memref<125xi32, #tpu.memory_space<vmem>>
      %dma_wait3A_236 = arith.constant 0 : i32
      %dma_wait3A_237 = arith.constant 0 : i32
      %dma_wait3A_238 = tpu.memref_slice %arg2[%dma_wait3A_236, %dma_wait3A_237] : memref<10240x128xf32, #tpu.memory_space<hbm>> -> memref<10240x128xf32, #tpu.memory_space<hbm>>
      tpu.wait_indirect_dma semaphore(%arg10 : memref<!tpu.dma_semaphore, #tpu.memory_space<semaphore_mem>>) src(%dma_wait3A_238 : memref<10240x128xf32, #tpu.memory_space<hbm>>) dst(%arg7 : memref<125x128xf32, #tpu.memory_space<vmem>>)
      %run_scoped3A_239 = arith.constant 0 : i32
      %run_scoped3A_240 = arith.constant 1 : i32
      "tpu.region"() ({
        %run_scoped3A_369 = tpu.sem_alloc : memref<!tpu.dma_semaphore, #tpu.memory_space<semaphore_mem>>
        %dma_start3A_370 = arith.constant 0 : i32
        %dma_start3A_371 = tpu.memref_slice %arg6[%run_scoped3A_239, %run_scoped3A_240, %dma_start3A_370] : memref<8x2x125xi32, #tpu.memory_space<vmem>> -> memref<1x1x125xi32, #tpu.memory_space<vmem>>
        %dma_start3A_372 = tpu.memref_squeeze %dma_start3A_371 : memref<1x1x125xi32, #tpu.memory_space<vmem>> -> memref<125xi32, #tpu.memory_space<vmem>>
        %dma_start3A_373 = arith.constant 0 : i32
        %dma_start3A_374 = arith.constant 0 : i32
        %dma_start3A_375 = tpu.memref_slice %arg9[%dma_start3A_373, %dma_start3A_374] : memref<10240x128xf32, #tpu.memory_space<vmem_shared>> -> memref<10240x128xf32, #tpu.memory_space<vmem_shared>>
        tpu.enqueue_indirect_dma source(%arg7 : memref<125x128xf32, #tpu.memory_space<vmem>>) target(%dma_start3A_375 : memref<10240x128xf32, #tpu.memory_space<vmem_shared>>) offsets(%dma_start3A_372 : memref<125xi32, #tpu.memory_space<vmem>>) semaphore(%run_scoped3A_369 : memref<!tpu.dma_semaphore, #tpu.memory_space<semaphore_mem>>) {add = true}
        %dma_wait3A_376 = arith.constant 0 : i32
        %dma_wait3A_377 = tpu.memref_slice %arg6[%run_scoped3A_239, %run_scoped3A_240, %dma_wait3A_376] : memref<8x2x125xi32, #tpu.memory_space<vmem>> -> memref<1x1x125xi32, #tpu.memory_space<vmem>>
        %dma_wait3A_378 = tpu.memref_squeeze %dma_wait3A_377 : memref<1x1x125xi32, #tpu.memory_space<vmem>> -> memref<125xi32, #tpu.memory_space<vmem>>
        %dma_wait3A_379 = arith.constant 0 : i32
        %dma_wait3A_380 = arith.constant 0 : i32
        %dma_wait3A_381 = tpu.memref_slice %arg9[%dma_wait3A_379, %dma_wait3A_380] : memref<10240x128xf32, #tpu.memory_space<vmem_shared>> -> memref<10240x128xf32, #tpu.memory_space<vmem_shared>>
        tpu.wait_indirect_dma semaphore(%run_scoped3A_369 : memref<!tpu.dma_semaphore, #tpu.memory_space<semaphore_mem>>) src(%arg7 : memref<125x128xf32, #tpu.memory_space<vmem>>) dst(%dma_wait3A_381 : memref<10240x128xf32, #tpu.memory_space<vmem_shared>>)
        tpu.yield
      }) : () -> ()
      %dma_start3A_241 = arith.constant 2 : i32
      %dma_start3A_242 = arith.constant 0 : i32
      %dma_start3A_243 = arith.constant 0 : i32
      %dma_start3A_244 = tpu.memref_slice %arg6[%dma_start3A_241, %dma_start3A_242, %dma_start3A_243] : memref<8x2x125xi32, #tpu.memory_space<vmem>> -> memref<1x1x125xi32, #tpu.memory_space<vmem>>
      %dma_start3A_245 = tpu.memref_squeeze %dma_start3A_244 : memref<1x1x125xi32, #tpu.memory_space<vmem>> -> memref<125xi32, #tpu.memory_space<vmem>>
      %dma_start3A_246 = arith.constant 0 : i32
      %dma_start3A_247 = arith.constant 0 : i32
      %dma_start3A_248 = tpu.memref_slice %arg2[%dma_start3A_246, %dma_start3A_247] : memref<10240x128xf32, #tpu.memory_space<hbm>> -> memref<10240x128xf32, #tpu.memory_space<hbm>>
      tpu.enqueue_indirect_dma source(%dma_start3A_248 : memref<10240x128xf32, #tpu.memory_space<hbm>>) target(%arg7 : memref<125x128xf32, #tpu.memory_space<vmem>>) offsets(%dma_start3A_245 : memref<125xi32, #tpu.memory_space<vmem>>) semaphore(%arg10 : memref<!tpu.dma_semaphore, #tpu.memory_space<semaphore_mem>>)
      %dma_wait3A_249 = arith.constant 1 : i32
      %dma_wait3A_250 = arith.constant 0 : i32
      %dma_wait3A_251 = arith.constant 0 : i32
      %dma_wait3A_252 = tpu.memref_slice %arg6[%dma_wait3A_249, %dma_wait3A_250, %dma_wait3A_251] : memref<8x2x125xi32, #tpu.memory_space<vmem>> -> memref<1x1x125xi32, #tpu.memory_space<vmem>>
      %dma_wait3A_253 = tpu.memref_squeeze %dma_wait3A_252 : memref<1x1x125xi32, #tpu.memory_space<vmem>> -> memref<125xi32, #tpu.memory_space<vmem>>
      %dma_wait3A_254 = arith.constant 0 : i32
      %dma_wait3A_255 = arith.constant 0 : i32
      %dma_wait3A_256 = tpu.memref_slice %arg2[%dma_wait3A_254, %dma_wait3A_255] : memref<10240x128xf32, #tpu.memory_space<hbm>> -> memref<10240x128xf32, #tpu.memory_space<hbm>>
      tpu.wait_indirect_dma semaphore(%arg11 : memref<!tpu.dma_semaphore, #tpu.memory_space<semaphore_mem>>) src(%dma_wait3A_256 : memref<10240x128xf32, #tpu.memory_space<hbm>>) dst(%arg8 : memref<125x128xf32, #tpu.memory_space<vmem>>)
      %run_scoped3A_257 = arith.constant 1 : i32
      %run_scoped3A_258 = arith.constant 1 : i32
      "tpu.region"() ({
        %run_scoped3A_369 = tpu.sem_alloc : memref<!tpu.dma_semaphore, #tpu.memory_space<semaphore_mem>>
        %dma_start3A_370 = arith.constant 0 : i32
        %dma_start3A_371 = tpu.memref_slice %arg6[%run_scoped3A_257, %run_scoped3A_258, %dma_start3A_370] : memref<8x2x125xi32, #tpu.memory_space<vmem>> -> memref<1x1x125xi32, #tpu.memory_space<vmem>>
        %dma_start3A_372 = tpu.memref_squeeze %dma_start3A_371 : memref<1x1x125xi32, #tpu.memory_space<vmem>> -> memref<125xi32, #tpu.memory_space<vmem>>
        %dma_start3A_373 = arith.constant 0 : i32
        %dma_start3A_374 = arith.constant 0 : i32
        %dma_start3A_375 = tpu.memref_slice %arg9[%dma_start3A_373, %dma_start3A_374] : memref<10240x128xf32, #tpu.memory_space<vmem_shared>> -> memref<10240x128xf32, #tpu.memory_space<vmem_shared>>
        tpu.enqueue_indirect_dma source(%arg8 : memref<125x128xf32, #tpu.memory_space<vmem>>) target(%dma_start3A_375 : memref<10240x128xf32, #tpu.memory_space<vmem_shared>>) offsets(%dma_start3A_372 : memref<125xi32, #tpu.memory_space<vmem>>) semaphore(%run_scoped3A_369 : memref<!tpu.dma_semaphore, #tpu.memory_space<semaphore_mem>>) {add = true}
        %dma_wait3A_376 = arith.constant 0 : i32
        %dma_wait3A_377 = tpu.memref_slice %arg6[%run_scoped3A_257, %run_scoped3A_258, %dma_wait3A_376] : memref<8x2x125xi32, #tpu.memory_space<vmem>> -> memref<1x1x125xi32, #tpu.memory_space<vmem>>
        %dma_wait3A_378 = tpu.memref_squeeze %dma_wait3A_377 : memref<1x1x125xi32, #tpu.memory_space<vmem>> -> memref<125xi32, #tpu.memory_space<vmem>>
        %dma_wait3A_379 = arith.constant 0 : i32
        %dma_wait3A_380 = arith.constant 0 : i32
        %dma_wait3A_381 = tpu.memref_slice %arg9[%dma_wait3A_379, %dma_wait3A_380] : memref<10240x128xf32, #tpu.memory_space<vmem_shared>> -> memref<10240x128xf32, #tpu.memory_space<vmem_shared>>
        tpu.wait_indirect_dma semaphore(%run_scoped3A_369 : memref<!tpu.dma_semaphore, #tpu.memory_space<semaphore_mem>>) src(%arg8 : memref<125x128xf32, #tpu.memory_space<vmem>>) dst(%dma_wait3A_381 : memref<10240x128xf32, #tpu.memory_space<vmem_shared>>)
        tpu.yield
      }) : () -> ()
      %dma_start3A_259 = arith.constant 3 : i32
      %dma_start3A_260 = arith.constant 0 : i32
      %dma_start3A_261 = arith.constant 0 : i32
      %dma_start3A_262 = tpu.memref_slice %arg6[%dma_start3A_259, %dma_start3A_260, %dma_start3A_261] : memref<8x2x125xi32, #tpu.memory_space<vmem>> -> memref<1x1x125xi32, #tpu.memory_space<vmem>>
      %dma_start3A_263 = tpu.memref_squeeze %dma_start3A_262 : memref<1x1x125xi32, #tpu.memory_space<vmem>> -> memref<125xi32, #tpu.memory_space<vmem>>
      %dma_start3A_264 = arith.constant 0 : i32
      %dma_start3A_265 = arith.constant 0 : i32
      %dma_start3A_266 = tpu.memref_slice %arg2[%dma_start3A_264, %dma_start3A_265] : memref<10240x128xf32, #tpu.memory_space<hbm>> -> memref<10240x128xf32, #tpu.memory_space<hbm>>
      tpu.enqueue_indirect_dma source(%dma_start3A_266 : memref<10240x128xf32, #tpu.memory_space<hbm>>) target(%arg8 : memref<125x128xf32, #tpu.memory_space<vmem>>) offsets(%dma_start3A_263 : memref<125xi32, #tpu.memory_space<vmem>>) semaphore(%arg11 : memref<!tpu.dma_semaphore, #tpu.memory_space<semaphore_mem>>)
      %dma_wait3A_267 = arith.constant 2 : i32
      %dma_wait3A_268 = arith.constant 0 : i32
      %dma_wait3A_269 = arith.constant 0 : i32
      %dma_wait3A_270 = tpu.memref_slice %arg6[%dma_wait3A_267, %dma_wait3A_268, %dma_wait3A_269] : memref<8x2x125xi32, #tpu.memory_space<vmem>> -> memref<1x1x125xi32, #tpu.memory_space<vmem>>
      %dma_wait3A_271 = tpu.memref_squeeze %dma_wait3A_270 : memref<1x1x125xi32, #tpu.memory_space<vmem>> -> memref<125xi32, #tpu.memory_space<vmem>>
      %dma_wait3A_272 = arith.constant 0 : i32
      %dma_wait3A_273 = arith.constant 0 : i32
      %dma_wait3A_274 = tpu.memref_slice %arg2[%dma_wait3A_272, %dma_wait3A_273] : memref<10240x128xf32, #tpu.memory_space<hbm>> -> memref<10240x128xf32, #tpu.memory_space<hbm>>
      tpu.wait_indirect_dma semaphore(%arg10 : memref<!tpu.dma_semaphore, #tpu.memory_space<semaphore_mem>>) src(%dma_wait3A_274 : memref<10240x128xf32, #tpu.memory_space<hbm>>) dst(%arg7 : memref<125x128xf32, #tpu.memory_space<vmem>>)
      %run_scoped3A_275 = arith.constant 2 : i32
      %run_scoped3A_276 = arith.constant 1 : i32
      "tpu.region"() ({
        %run_scoped3A_369 = tpu.sem_alloc : memref<!tpu.dma_semaphore, #tpu.memory_space<semaphore_mem>>
        %dma_start3A_370 = arith.constant 0 : i32
        %dma_start3A_371 = tpu.memref_slice %arg6[%run_scoped3A_275, %run_scoped3A_276, %dma_start3A_370] : memref<8x2x125xi32, #tpu.memory_space<vmem>> -> memref<1x1x125xi32, #tpu.memory_space<vmem>>
        %dma_start3A_372 = tpu.memref_squeeze %dma_start3A_371 : memref<1x1x125xi32, #tpu.memory_space<vmem>> -> memref<125xi32, #tpu.memory_space<vmem>>
        %dma_start3A_373 = arith.constant 0 : i32
        %dma_start3A_374 = arith.constant 0 : i32
        %dma_start3A_375 = tpu.memref_slice %arg9[%dma_start3A_373, %dma_start3A_374] : memref<10240x128xf32, #tpu.memory_space<vmem_shared>> -> memref<10240x128xf32, #tpu.memory_space<vmem_shared>>
        tpu.enqueue_indirect_dma source(%arg7 : memref<125x128xf32, #tpu.memory_space<vmem>>) target(%dma_start3A_375 : memref<10240x128xf32, #tpu.memory_space<vmem_shared>>) offsets(%dma_start3A_372 : memref<125xi32, #tpu.memory_space<vmem>>) semaphore(%run_scoped3A_369 : memref<!tpu.dma_semaphore, #tpu.memory_space<semaphore_mem>>) {add = true}
        %dma_wait3A_376 = arith.constant 0 : i32
        %dma_wait3A_377 = tpu.memref_slice %arg6[%run_scoped3A_275, %run_scoped3A_276, %dma_wait3A_376] : memref<8x2x125xi32, #tpu.memory_space<vmem>> -> memref<1x1x125xi32, #tpu.memory_space<vmem>>
        %dma_wait3A_378 = tpu.memref_squeeze %dma_wait3A_377 : memref<1x1x125xi32, #tpu.memory_space<vmem>> -> memref<125xi32, #tpu.memory_space<vmem>>
        %dma_wait3A_379 = arith.constant 0 : i32
        %dma_wait3A_380 = arith.constant 0 : i32
        %dma_wait3A_381 = tpu.memref_slice %arg9[%dma_wait3A_379, %dma_wait3A_380] : memref<10240x128xf32, #tpu.memory_space<vmem_shared>> -> memref<10240x128xf32, #tpu.memory_space<vmem_shared>>
        tpu.wait_indirect_dma semaphore(%run_scoped3A_369 : memref<!tpu.dma_semaphore, #tpu.memory_space<semaphore_mem>>) src(%arg7 : memref<125x128xf32, #tpu.memory_space<vmem>>) dst(%dma_wait3A_381 : memref<10240x128xf32, #tpu.memory_space<vmem_shared>>)
        tpu.yield
      }) : () -> ()
      %dma_start3A_277 = arith.constant 4 : i32
      %dma_start3A_278 = arith.constant 0 : i32
      %dma_start3A_279 = arith.constant 0 : i32
      %dma_start3A_280 = tpu.memref_slice %arg6[%dma_start3A_277, %dma_start3A_278, %dma_start3A_279] : memref<8x2x125xi32, #tpu.memory_space<vmem>> -> memref<1x1x125xi32, #tpu.memory_space<vmem>>
      %dma_start3A_281 = tpu.memref_squeeze %dma_start3A_280 : memref<1x1x125xi32, #tpu.memory_space<vmem>> -> memref<125xi32, #tpu.memory_space<vmem>>
      %dma_start3A_282 = arith.constant 0 : i32
      %dma_start3A_283 = arith.constant 0 : i32
      %dma_start3A_284 = tpu.memref_slice %arg2[%dma_start3A_282, %dma_start3A_283] : memref<10240x128xf32, #tpu.memory_space<hbm>> -> memref<10240x128xf32, #tpu.memory_space<hbm>>
      tpu.enqueue_indirect_dma source(%dma_start3A_284 : memref<10240x128xf32, #tpu.memory_space<hbm>>) target(%arg7 : memref<125x128xf32, #tpu.memory_space<vmem>>) offsets(%dma_start3A_281 : memref<125xi32, #tpu.memory_space<vmem>>) semaphore(%arg10 : memref<!tpu.dma_semaphore, #tpu.memory_space<semaphore_mem>>)
      %dma_wait3A_285 = arith.constant 3 : i32
      %dma_wait3A_286 = arith.constant 0 : i32
      %dma_wait3A_287 = arith.constant 0 : i32
      %dma_wait3A_288 = tpu.memref_slice %arg6[%dma_wait3A_285, %dma_wait3A_286, %dma_wait3A_287] : memref<8x2x125xi32, #tpu.memory_space<vmem>> -> memref<1x1x125xi32, #tpu.memory_space<vmem>>
      %dma_wait3A_289 = tpu.memref_squeeze %dma_wait3A_288 : memref<1x1x125xi32, #tpu.memory_space<vmem>> -> memref<125xi32, #tpu.memory_space<vmem>>
      %dma_wait3A_290 = arith.constant 0 : i32
      %dma_wait3A_291 = arith.constant 0 : i32
      %dma_wait3A_292 = tpu.memref_slice %arg2[%dma_wait3A_290, %dma_wait3A_291] : memref<10240x128xf32, #tpu.memory_space<hbm>> -> memref<10240x128xf32, #tpu.memory_space<hbm>>
      tpu.wait_indirect_dma semaphore(%arg11 : memref<!tpu.dma_semaphore, #tpu.memory_space<semaphore_mem>>) src(%dma_wait3A_292 : memref<10240x128xf32, #tpu.memory_space<hbm>>) dst(%arg8 : memref<125x128xf32, #tpu.memory_space<vmem>>)
      %run_scoped3A_293 = arith.constant 3 : i32
      %run_scoped3A_294 = arith.constant 1 : i32
      "tpu.region"() ({
        %run_scoped3A_369 = tpu.sem_alloc : memref<!tpu.dma_semaphore, #tpu.memory_space<semaphore_mem>>
        %dma_start3A_370 = arith.constant 0 : i32
        %dma_start3A_371 = tpu.memref_slice %arg6[%run_scoped3A_293, %run_scoped3A_294, %dma_start3A_370] : memref<8x2x125xi32, #tpu.memory_space<vmem>> -> memref<1x1x125xi32, #tpu.memory_space<vmem>>
        %dma_start3A_372 = tpu.memref_squeeze %dma_start3A_371 : memref<1x1x125xi32, #tpu.memory_space<vmem>> -> memref<125xi32, #tpu.memory_space<vmem>>
        %dma_start3A_373 = arith.constant 0 : i32
        %dma_start3A_374 = arith.constant 0 : i32
        %dma_start3A_375 = tpu.memref_slice %arg9[%dma_start3A_373, %dma_start3A_374] : memref<10240x128xf32, #tpu.memory_space<vmem_shared>> -> memref<10240x128xf32, #tpu.memory_space<vmem_shared>>
        tpu.enqueue_indirect_dma source(%arg8 : memref<125x128xf32, #tpu.memory_space<vmem>>) target(%dma_start3A_375 : memref<10240x128xf32, #tpu.memory_space<vmem_shared>>) offsets(%dma_start3A_372 : memref<125xi32, #tpu.memory_space<vmem>>) semaphore(%run_scoped3A_369 : memref<!tpu.dma_semaphore, #tpu.memory_space<semaphore_mem>>) {add = true}
        %dma_wait3A_376 = arith.constant 0 : i32
        %dma_wait3A_377 = tpu.memref_slice %arg6[%run_scoped3A_293, %run_scoped3A_294, %dma_wait3A_376] : memref<8x2x125xi32, #tpu.memory_space<vmem>> -> memref<1x1x125xi32, #tpu.memory_space<vmem>>
        %dma_wait3A_378 = tpu.memref_squeeze %dma_wait3A_377 : memref<1x1x125xi32, #tpu.memory_space<vmem>> -> memref<125xi32, #tpu.memory_space<vmem>>
        %dma_wait3A_379 = arith.constant 0 : i32
        %dma_wait3A_380 = arith.constant 0 : i32
        %dma_wait3A_381 = tpu.memref_slice %arg9[%dma_wait3A_379, %dma_wait3A_380] : memref<10240x128xf32, #tpu.memory_space<vmem_shared>> -> memref<10240x128xf32, #tpu.memory_space<vmem_shared>>
        tpu.wait_indirect_dma semaphore(%run_scoped3A_369 : memref<!tpu.dma_semaphore, #tpu.memory_space<semaphore_mem>>) src(%arg8 : memref<125x128xf32, #tpu.memory_space<vmem>>) dst(%dma_wait3A_381 : memref<10240x128xf32, #tpu.memory_space<vmem_shared>>)
        tpu.yield
      }) : () -> ()
      %dma_start3A_295 = arith.constant 5 : i32
      %dma_start3A_296 = arith.constant 0 : i32
      %dma_start3A_297 = arith.constant 0 : i32
      %dma_start3A_298 = tpu.memref_slice %arg6[%dma_start3A_295, %dma_start3A_296, %dma_start3A_297] : memref<8x2x125xi32, #tpu.memory_space<vmem>> -> memref<1x1x125xi32, #tpu.memory_space<vmem>>
      %dma_start3A_299 = tpu.memref_squeeze %dma_start3A_298 : memref<1x1x125xi32, #tpu.memory_space<vmem>> -> memref<125xi32, #tpu.memory_space<vmem>>
      %dma_start3A_300 = arith.constant 0 : i32
      %dma_start3A_301 = arith.constant 0 : i32
      %dma_start3A_302 = tpu.memref_slice %arg2[%dma_start3A_300, %dma_start3A_301] : memref<10240x128xf32, #tpu.memory_space<hbm>> -> memref<10240x128xf32, #tpu.memory_space<hbm>>
      tpu.enqueue_indirect_dma source(%dma_start3A_302 : memref<10240x128xf32, #tpu.memory_space<hbm>>) target(%arg8 : memref<125x128xf32, #tpu.memory_space<vmem>>) offsets(%dma_start3A_299 : memref<125xi32, #tpu.memory_space<vmem>>) semaphore(%arg11 : memref<!tpu.dma_semaphore, #tpu.memory_space<semaphore_mem>>)
      %dma_wait3A_303 = arith.constant 4 : i32
      %dma_wait3A_304 = arith.constant 0 : i32
      %dma_wait3A_305 = arith.constant 0 : i32
      %dma_wait3A_306 = tpu.memref_slice %arg6[%dma_wait3A_303, %dma_wait3A_304, %dma_wait3A_305] : memref<8x2x125xi32, #tpu.memory_space<vmem>> -> memref<1x1x125xi32, #tpu.memory_space<vmem>>
      %dma_wait3A_307 = tpu.memref_squeeze %dma_wait3A_306 : memref<1x1x125xi32, #tpu.memory_space<vmem>> -> memref<125xi32, #tpu.memory_space<vmem>>
      %dma_wait3A_308 = arith.constant 0 : i32
      %dma_wait3A_309 = arith.constant 0 : i32
      %dma_wait3A_310 = tpu.memref_slice %arg2[%dma_wait3A_308, %dma_wait3A_309] : memref<10240x128xf32, #tpu.memory_space<hbm>> -> memref<10240x128xf32, #tpu.memory_space<hbm>>
      tpu.wait_indirect_dma semaphore(%arg10 : memref<!tpu.dma_semaphore, #tpu.memory_space<semaphore_mem>>) src(%dma_wait3A_310 : memref<10240x128xf32, #tpu.memory_space<hbm>>) dst(%arg7 : memref<125x128xf32, #tpu.memory_space<vmem>>)
      %run_scoped3A_311 = arith.constant 4 : i32
      %run_scoped3A_312 = arith.constant 1 : i32
      "tpu.region"() ({
        %run_scoped3A_369 = tpu.sem_alloc : memref<!tpu.dma_semaphore, #tpu.memory_space<semaphore_mem>>
        %dma_start3A_370 = arith.constant 0 : i32
        %dma_start3A_371 = tpu.memref_slice %arg6[%run_scoped3A_311, %run_scoped3A_312, %dma_start3A_370] : memref<8x2x125xi32, #tpu.memory_space<vmem>> -> memref<1x1x125xi32, #tpu.memory_space<vmem>>
        %dma_start3A_372 = tpu.memref_squeeze %dma_start3A_371 : memref<1x1x125xi32, #tpu.memory_space<vmem>> -> memref<125xi32, #tpu.memory_space<vmem>>
        %dma_start3A_373 = arith.constant 0 : i32
        %dma_start3A_374 = arith.constant 0 : i32
        %dma_start3A_375 = tpu.memref_slice %arg9[%dma_start3A_373, %dma_start3A_374] : memref<10240x128xf32, #tpu.memory_space<vmem_shared>> -> memref<10240x128xf32, #tpu.memory_space<vmem_shared>>
        tpu.enqueue_indirect_dma source(%arg7 : memref<125x128xf32, #tpu.memory_space<vmem>>) target(%dma_start3A_375 : memref<10240x128xf32, #tpu.memory_space<vmem_shared>>) offsets(%dma_start3A_372 : memref<125xi32, #tpu.memory_space<vmem>>) semaphore(%run_scoped3A_369 : memref<!tpu.dma_semaphore, #tpu.memory_space<semaphore_mem>>) {add = true}
        %dma_wait3A_376 = arith.constant 0 : i32
        %dma_wait3A_377 = tpu.memref_slice %arg6[%run_scoped3A_311, %run_scoped3A_312, %dma_wait3A_376] : memref<8x2x125xi32, #tpu.memory_space<vmem>> -> memref<1x1x125xi32, #tpu.memory_space<vmem>>
        %dma_wait3A_378 = tpu.memref_squeeze %dma_wait3A_377 : memref<1x1x125xi32, #tpu.memory_space<vmem>> -> memref<125xi32, #tpu.memory_space<vmem>>
        %dma_wait3A_379 = arith.constant 0 : i32
        %dma_wait3A_380 = arith.constant 0 : i32
        %dma_wait3A_381 = tpu.memref_slice %arg9[%dma_wait3A_379, %dma_wait3A_380] : memref<10240x128xf32, #tpu.memory_space<vmem_shared>> -> memref<10240x128xf32, #tpu.memory_space<vmem_shared>>
        tpu.wait_indirect_dma semaphore(%run_scoped3A_369 : memref<!tpu.dma_semaphore, #tpu.memory_space<semaphore_mem>>) src(%arg7 : memref<125x128xf32, #tpu.memory_space<vmem>>) dst(%dma_wait3A_381 : memref<10240x128xf32, #tpu.memory_space<vmem_shared>>)
        tpu.yield
      }) : () -> ()
      %dma_start3A_313 = arith.constant 6 : i32
      %dma_start3A_314 = arith.constant 0 : i32
      %dma_start3A_315 = arith.constant 0 : i32
      %dma_start3A_316 = tpu.memref_slice %arg6[%dma_start3A_313, %dma_start3A_314, %dma_start3A_315] : memref<8x2x125xi32, #tpu.memory_space<vmem>> -> memref<1x1x125xi32, #tpu.memory_space<vmem>>
      %dma_start3A_317 = tpu.memref_squeeze %dma_start3A_316 : memref<1x1x125xi32, #tpu.memory_space<vmem>> -> memref<125xi32, #tpu.memory_space<vmem>>
      %dma_start3A_318 = arith.constant 0 : i32
      %dma_start3A_319 = arith.constant 0 : i32
      %dma_start3A_320 = tpu.memref_slice %arg2[%dma_start3A_318, %dma_start3A_319] : memref<10240x128xf32, #tpu.memory_space<hbm>> -> memref<10240x128xf32, #tpu.memory_space<hbm>>
      tpu.enqueue_indirect_dma source(%dma_start3A_320 : memref<10240x128xf32, #tpu.memory_space<hbm>>) target(%arg7 : memref<125x128xf32, #tpu.memory_space<vmem>>) offsets(%dma_start3A_317 : memref<125xi32, #tpu.memory_space<vmem>>) semaphore(%arg10 : memref<!tpu.dma_semaphore, #tpu.memory_space<semaphore_mem>>)
      %dma_wait3A_321 = arith.constant 5 : i32
      %dma_wait3A_322 = arith.constant 0 : i32
      %dma_wait3A_323 = arith.constant 0 : i32
      %dma_wait3A_324 = tpu.memref_slice %arg6[%dma_wait3A_321, %dma_wait3A_322, %dma_wait3A_323] : memref<8x2x125xi32, #tpu.memory_space<vmem>> -> memref<1x1x125xi32, #tpu.memory_space<vmem>>
      %dma_wait3A_325 = tpu.memref_squeeze %dma_wait3A_324 : memref<1x1x125xi32, #tpu.memory_space<vmem>> -> memref<125xi32, #tpu.memory_space<vmem>>
      %dma_wait3A_326 = arith.constant 0 : i32
      %dma_wait3A_327 = arith.constant 0 : i32
      %dma_wait3A_328 = tpu.memref_slice %arg2[%dma_wait3A_326, %dma_wait3A_327] : memref<10240x128xf32, #tpu.memory_space<hbm>> -> memref<10240x128xf32, #tpu.memory_space<hbm>>
      tpu.wait_indirect_dma semaphore(%arg11 : memref<!tpu.dma_semaphore, #tpu.memory_space<semaphore_mem>>) src(%dma_wait3A_328 : memref<10240x128xf32, #tpu.memory_space<hbm>>) dst(%arg8 : memref<125x128xf32, #tpu.memory_space<vmem>>)
      %run_scoped3A_329 = arith.constant 5 : i32
      %run_scoped3A_330 = arith.constant 1 : i32
      "tpu.region"() ({
        %run_scoped3A_369 = tpu.sem_alloc : memref<!tpu.dma_semaphore, #tpu.memory_space<semaphore_mem>>
        %dma_start3A_370 = arith.constant 0 : i32
        %dma_start3A_371 = tpu.memref_slice %arg6[%run_scoped3A_329, %run_scoped3A_330, %dma_start3A_370] : memref<8x2x125xi32, #tpu.memory_space<vmem>> -> memref<1x1x125xi32, #tpu.memory_space<vmem>>
        %dma_start3A_372 = tpu.memref_squeeze %dma_start3A_371 : memref<1x1x125xi32, #tpu.memory_space<vmem>> -> memref<125xi32, #tpu.memory_space<vmem>>
        %dma_start3A_373 = arith.constant 0 : i32
        %dma_start3A_374 = arith.constant 0 : i32
        %dma_start3A_375 = tpu.memref_slice %arg9[%dma_start3A_373, %dma_start3A_374] : memref<10240x128xf32, #tpu.memory_space<vmem_shared>> -> memref<10240x128xf32, #tpu.memory_space<vmem_shared>>
        tpu.enqueue_indirect_dma source(%arg8 : memref<125x128xf32, #tpu.memory_space<vmem>>) target(%dma_start3A_375 : memref<10240x128xf32, #tpu.memory_space<vmem_shared>>) offsets(%dma_start3A_372 : memref<125xi32, #tpu.memory_space<vmem>>) semaphore(%run_scoped3A_369 : memref<!tpu.dma_semaphore, #tpu.memory_space<semaphore_mem>>) {add = true}
        %dma_wait3A_376 = arith.constant 0 : i32
        %dma_wait3A_377 = tpu.memref_slice %arg6[%run_scoped3A_329, %run_scoped3A_330, %dma_wait3A_376] : memref<8x2x125xi32, #tpu.memory_space<vmem>> -> memref<1x1x125xi32, #tpu.memory_space<vmem>>
        %dma_wait3A_378 = tpu.memref_squeeze %dma_wait3A_377 : memref<1x1x125xi32, #tpu.memory_space<vmem>> -> memref<125xi32, #tpu.memory_space<vmem>>
        %dma_wait3A_379 = arith.constant 0 : i32
        %dma_wait3A_380 = arith.constant 0 : i32
        %dma_wait3A_381 = tpu.memref_slice %arg9[%dma_wait3A_379, %dma_wait3A_380] : memref<10240x128xf32, #tpu.memory_space<vmem_shared>> -> memref<10240x128xf32, #tpu.memory_space<vmem_shared>>
        tpu.wait_indirect_dma semaphore(%run_scoped3A_369 : memref<!tpu.dma_semaphore, #tpu.memory_space<semaphore_mem>>) src(%arg8 : memref<125x128xf32, #tpu.memory_space<vmem>>) dst(%dma_wait3A_381 : memref<10240x128xf32, #tpu.memory_space<vmem_shared>>)
        tpu.yield
      }) : () -> ()
      %dma_start3A_331 = arith.constant 7 : i32
      %dma_start3A_332 = arith.constant 0 : i32
      %dma_start3A_333 = arith.constant 0 : i32
      %dma_start3A_334 = tpu.memref_slice %arg6[%dma_start3A_331, %dma_start3A_332, %dma_start3A_333] : memref<8x2x125xi32, #tpu.memory_space<vmem>> -> memref<1x1x125xi32, #tpu.memory_space<vmem>>
      %dma_start3A_335 = tpu.memref_squeeze %dma_start3A_334 : memref<1x1x125xi32, #tpu.memory_space<vmem>> -> memref<125xi32, #tpu.memory_space<vmem>>
      %dma_start3A_336 = arith.constant 0 : i32
      %dma_start3A_337 = arith.constant 0 : i32
      %dma_start3A_338 = tpu.memref_slice %arg2[%dma_start3A_336, %dma_start3A_337] : memref<10240x128xf32, #tpu.memory_space<hbm>> -> memref<10240x128xf32, #tpu.memory_space<hbm>>
      tpu.enqueue_indirect_dma source(%dma_start3A_338 : memref<10240x128xf32, #tpu.memory_space<hbm>>) target(%arg8 : memref<125x128xf32, #tpu.memory_space<vmem>>) offsets(%dma_start3A_335 : memref<125xi32, #tpu.memory_space<vmem>>) semaphore(%arg11 : memref<!tpu.dma_semaphore, #tpu.memory_space<semaphore_mem>>)
      %dma_wait3A_339 = arith.constant 6 : i32
      %dma_wait3A_340 = arith.constant 0 : i32
      %dma_wait3A_341 = arith.constant 0 : i32
      %dma_wait3A_342 = tpu.memref_slice %arg6[%dma_wait3A_339, %dma_wait3A_340, %dma_wait3A_341] : memref<8x2x125xi32, #tpu.memory_space<vmem>> -> memref<1x1x125xi32, #tpu.memory_space<vmem>>
      %dma_wait3A_343 = tpu.memref_squeeze %dma_wait3A_342 : memref<1x1x125xi32, #tpu.memory_space<vmem>> -> memref<125xi32, #tpu.memory_space<vmem>>
      %dma_wait3A_344 = arith.constant 0 : i32
      %dma_wait3A_345 = arith.constant 0 : i32
      %dma_wait3A_346 = tpu.memref_slice %arg2[%dma_wait3A_344, %dma_wait3A_345] : memref<10240x128xf32, #tpu.memory_space<hbm>> -> memref<10240x128xf32, #tpu.memory_space<hbm>>
      tpu.wait_indirect_dma semaphore(%arg10 : memref<!tpu.dma_semaphore, #tpu.memory_space<semaphore_mem>>) src(%dma_wait3A_346 : memref<10240x128xf32, #tpu.memory_space<hbm>>) dst(%arg7 : memref<125x128xf32, #tpu.memory_space<vmem>>)
      %run_scoped3A_347 = arith.constant 6 : i32
      %run_scoped3A_348 = arith.constant 1 : i32
      "tpu.region"() ({
        %run_scoped3A_369 = tpu.sem_alloc : memref<!tpu.dma_semaphore, #tpu.memory_space<semaphore_mem>>
        %dma_start3A_370 = arith.constant 0 : i32
        %dma_start3A_371 = tpu.memref_slice %arg6[%run_scoped3A_347, %run_scoped3A_348, %dma_start3A_370] : memref<8x2x125xi32, #tpu.memory_space<vmem>> -> memref<1x1x125xi32, #tpu.memory_space<vmem>>
        %dma_start3A_372 = tpu.memref_squeeze %dma_start3A_371 : memref<1x1x125xi32, #tpu.memory_space<vmem>> -> memref<125xi32, #tpu.memory_space<vmem>>
        %dma_start3A_373 = arith.constant 0 : i32
        %dma_start3A_374 = arith.constant 0 : i32
        %dma_start3A_375 = tpu.memref_slice %arg9[%dma_start3A_373, %dma_start3A_374] : memref<10240x128xf32, #tpu.memory_space<vmem_shared>> -> memref<10240x128xf32, #tpu.memory_space<vmem_shared>>
        tpu.enqueue_indirect_dma source(%arg7 : memref<125x128xf32, #tpu.memory_space<vmem>>) target(%dma_start3A_375 : memref<10240x128xf32, #tpu.memory_space<vmem_shared>>) offsets(%dma_start3A_372 : memref<125xi32, #tpu.memory_space<vmem>>) semaphore(%run_scoped3A_369 : memref<!tpu.dma_semaphore, #tpu.memory_space<semaphore_mem>>) {add = true}
        %dma_wait3A_376 = arith.constant 0 : i32
        %dma_wait3A_377 = tpu.memref_slice %arg6[%run_scoped3A_347, %run_scoped3A_348, %dma_wait3A_376] : memref<8x2x125xi32, #tpu.memory_space<vmem>> -> memref<1x1x125xi32, #tpu.memory_space<vmem>>
        %dma_wait3A_378 = tpu.memref_squeeze %dma_wait3A_377 : memref<1x1x125xi32, #tpu.memory_space<vmem>> -> memref<125xi32, #tpu.memory_space<vmem>>
        %dma_wait3A_379 = arith.constant 0 : i32
        %dma_wait3A_380 = arith.constant 0 : i32
        %dma_wait3A_381 = tpu.memref_slice %arg9[%dma_wait3A_379, %dma_wait3A_380] : memref<10240x128xf32, #tpu.memory_space<vmem_shared>> -> memref<10240x128xf32, #tpu.memory_space<vmem_shared>>
        tpu.wait_indirect_dma semaphore(%run_scoped3A_369 : memref<!tpu.dma_semaphore, #tpu.memory_space<semaphore_mem>>) src(%arg7 : memref<125x128xf32, #tpu.memory_space<vmem>>) dst(%dma_wait3A_381 : memref<10240x128xf32, #tpu.memory_space<vmem_shared>>)
        tpu.yield
      }) : () -> ()
      %lt3A_349 = arith.constant 4 : i32
      %lt3A_350 = arith.cmpi slt, %scan3A_66, %lt3A_349 : i32
      %convert_element_type3A_351 = arith.extui %lt3A_350 : i1 to i32
      %cond3A_352 = arith.constant 0 : i32
      %cond3A_353 = arith.cmpi ne, %convert_element_type3A_351, %cond3A_352 : i32
      scf.if %cond3A_353 {
        %dma_wait3A_369 = arith.constant 0 : i32
        %dma_wait3A_370 = arith.constant 0 : i32
        %dma_wait3A_371 = arith.constant 0 : i32
        %dma_wait3A_372 = arith.constant 0 : i32
        %dma_wait3A_373 = tpu.memref_slice %arg3[%add3A, %dma_wait3A_369, %dma_wait3A_370, %dma_wait3A_371, %dma_wait3A_372] : memref<32x10x8x2x125xi32, #tpu.memory_space<hbm>> -> memref<1x1x8x2x125xi32, #tpu.memory_space<hbm>>
        %dma_wait3A_374 = tpu.memref_squeeze %dma_wait3A_373 : memref<1x1x8x2x125xi32, #tpu.memory_space<hbm>> -> memref<8x2x125xi32, #tpu.memory_space<hbm>>
        %dma_wait3A_375 = arith.constant 0 : i32
        %dma_wait3A_376 = arith.constant 0 : i32
        %dma_wait3A_377 = arith.constant 0 : i32
        %dma_wait3A_378 = tpu.memref_slice %arg3[%add3A, %dma_wait3A_369, %dma_wait3A_375, %dma_wait3A_376, %dma_wait3A_377] : memref<32x10x8x2x125xi32, #tpu.memory_space<hbm>> -> memref<1x1x8x2x125xi32, #tpu.memory_space<hbm>>
        %dma_wait3A_379 = tpu.memref_squeeze %dma_wait3A_378 : memref<1x1x8x2x125xi32, #tpu.memory_space<hbm>> -> memref<8x2x125xi32, #tpu.memory_space<hbm>>
        tpu.wait_dma2 semaphore(%arg12 : memref<!tpu.dma_semaphore, #tpu.memory_space<semaphore_mem>>) src(%dma_wait3A_379 : memref<8x2x125xi32, #tpu.memory_space<hbm>>) dst(%arg5 : memref<8x2x125xi32, #tpu.memory_space<vmem>>)
        %dma_start3A_380 = arith.constant 0 : i32
        %dma_start3A_381 = arith.constant 0 : i32
        %dma_start3A_382 = arith.constant 0 : i32
        %dma_start3A_383 = tpu.memref_slice %arg5[%dma_start3A_380, %dma_start3A_381, %dma_start3A_382] : memref<8x2x125xi32, #tpu.memory_space<vmem>> -> memref<1x1x125xi32, #tpu.memory_space<vmem>>
        %dma_start3A_384 = tpu.memref_squeeze %dma_start3A_383 : memref<1x1x125xi32, #tpu.memory_space<vmem>> -> memref<125xi32, #tpu.memory_space<vmem>>
        %dma_start3A_385 = arith.constant 0 : i32
        %dma_start3A_386 = arith.constant 0 : i32
        %dma_start3A_387 = tpu.memref_slice %arg2[%dma_start3A_385, %dma_start3A_386] : memref<10240x128xf32, #tpu.memory_space<hbm>> -> memref<10240x128xf32, #tpu.memory_space<hbm>>
        tpu.enqueue_indirect_dma source(%dma_start3A_387 : memref<10240x128xf32, #tpu.memory_space<hbm>>) target(%arg7 : memref<125x128xf32, #tpu.memory_space<vmem>>) offsets(%dma_start3A_384 : memref<125xi32, #tpu.memory_space<vmem>>) semaphore(%arg10 : memref<!tpu.dma_semaphore, #tpu.memory_space<semaphore_mem>>)
      } else {
      }
      %dma_wait3A_354 = arith.constant 7 : i32
      %dma_wait3A_355 = arith.constant 0 : i32
      %dma_wait3A_356 = arith.constant 0 : i32
      %dma_wait3A_357 = tpu.memref_slice %arg6[%dma_wait3A_354, %dma_wait3A_355, %dma_wait3A_356] : memref<8x2x125xi32, #tpu.memory_space<vmem>> -> memref<1x1x125xi32, #tpu.memory_space<vmem>>
      %dma_wait3A_358 = tpu.memref_squeeze %dma_wait3A_357 : memref<1x1x125xi32, #tpu.memory_space<vmem>> -> memref<125xi32, #tpu.memory_space<vmem>>
      %dma_wait3A_359 = arith.constant 0 : i32
      %dma_wait3A_360 = arith.constant 0 : i32
      %dma_wait3A_361 = tpu.memref_slice %arg2[%dma_wait3A_359, %dma_wait3A_360] : memref<10240x128xf32, #tpu.memory_space<hbm>> -> memref<10240x128xf32, #tpu.memory_space<hbm>>
      tpu.wait_indirect_dma semaphore(%arg11 : memref<!tpu.dma_semaphore, #tpu.memory_space<semaphore_mem>>) src(%dma_wait3A_361 : memref<10240x128xf32, #tpu.memory_space<hbm>>) dst(%arg8 : memref<125x128xf32, #tpu.memory_space<vmem>>)
      %run_scoped3A_362 = arith.constant 7 : i32
      %run_scoped3A_363 = arith.constant 1 : i32
      "tpu.region"() ({
        %run_scoped3A_369 = tpu.sem_alloc : memref<!tpu.dma_semaphore, #tpu.memory_space<semaphore_mem>>
        %dma_start3A_370 = arith.constant 0 : i32
        %dma_start3A_371 = tpu.memref_slice %arg6[%run_scoped3A_362, %run_scoped3A_363, %dma_start3A_370] : memref<8x2x125xi32, #tpu.memory_space<vmem>> -> memref<1x1x125xi32, #tpu.memory_space<vmem>>
        %dma_start3A_372 = tpu.memref_squeeze %dma_start3A_371 : memref<1x1x125xi32, #tpu.memory_space<vmem>> -> memref<125xi32, #tpu.memory_space<vmem>>
        %dma_start3A_373 = arith.constant 0 : i32
        %dma_start3A_374 = arith.constant 0 : i32
        %dma_start3A_375 = tpu.memref_slice %arg9[%dma_start3A_373, %dma_start3A_374] : memref<10240x128xf32, #tpu.memory_space<vmem_shared>> -> memref<10240x128xf32, #tpu.memory_space<vmem_shared>>
        tpu.enqueue_indirect_dma source(%arg8 : memref<125x128xf32, #tpu.memory_space<vmem>>) target(%dma_start3A_375 : memref<10240x128xf32, #tpu.memory_space<vmem_shared>>) offsets(%dma_start3A_372 : memref<125xi32, #tpu.memory_space<vmem>>) semaphore(%run_scoped3A_369 : memref<!tpu.dma_semaphore, #tpu.memory_space<semaphore_mem>>) {add = true}
        %dma_wait3A_376 = arith.constant 0 : i32
        %dma_wait3A_377 = tpu.memref_slice %arg6[%run_scoped3A_362, %run_scoped3A_363, %dma_wait3A_376] : memref<8x2x125xi32, #tpu.memory_space<vmem>> -> memref<1x1x125xi32, #tpu.memory_space<vmem>>
        %dma_wait3A_378 = tpu.memref_squeeze %dma_wait3A_377 : memref<1x1x125xi32, #tpu.memory_space<vmem>> -> memref<125xi32, #tpu.memory_space<vmem>>
        %dma_wait3A_379 = arith.constant 0 : i32
        %dma_wait3A_380 = arith.constant 0 : i32
        %dma_wait3A_381 = tpu.memref_slice %arg9[%dma_wait3A_379, %dma_wait3A_380] : memref<10240x128xf32, #tpu.memory_space<vmem_shared>> -> memref<10240x128xf32, #tpu.memory_space<vmem_shared>>
        tpu.wait_indirect_dma semaphore(%run_scoped3A_369 : memref<!tpu.dma_semaphore, #tpu.memory_space<semaphore_mem>>) src(%arg8 : memref<125x128xf32, #tpu.memory_space<vmem>>) dst(%dma_wait3A_381 : memref<10240x128xf32, #tpu.memory_space<vmem_shared>>)
        tpu.yield
      }) : () -> ()
      %lt3A_364 = arith.constant 4 : i32
      %lt3A_365 = arith.cmpi slt, %scan3A_66, %lt3A_364 : i32
      %convert_element_type3A_366 = arith.extui %lt3A_365 : i1 to i32
      %cond3A_367 = arith.constant 0 : i32
      %cond3A_368 = arith.cmpi ne, %convert_element_type3A_366, %cond3A_367 : i32
      scf.if %cond3A_368 {
        %mul3A_369 = arith.constant 2 : i32
        %mul3A_370 = arith.muli %mul3A_369, %scan3A_66 : i32
        %add3A_371 = arith.constant 3 : i32
        %add3A_372 = arith.addi %mul3A_370, %add3A_371 : i32
        %dma_start3A_373 = arith.constant 0 : i32
        %dma_start3A_374 = arith.constant 0 : i32
        %dma_start3A_375 = arith.constant 0 : i32
        %dma_start3A_376 = tpu.memref_slice %arg3[%add3A, %add3A_372, %dma_start3A_373, %dma_start3A_374, %dma_start3A_375] : memref<32x10x8x2x125xi32, #tpu.memory_space<hbm>> -> memref<1x1x8x2x125xi32, #tpu.memory_space<hbm>>
        %dma_start3A_377 = tpu.memref_squeeze %dma_start3A_376 : memref<1x1x8x2x125xi32, #tpu.memory_space<hbm>> -> memref<8x2x125xi32, #tpu.memory_space<hbm>>
        %dma_start3A_378 = arith.constant 0 : i32
        %dma_start3A_379 = arith.constant 0 : i32
        %dma_start3A_380 = arith.constant 0 : i32
        %dma_start3A_381 = tpu.memref_slice %arg3[%add3A, %add3A_372, %dma_start3A_378, %dma_start3A_379, %dma_start3A_380] : memref<32x10x8x2x125xi32, #tpu.memory_space<hbm>> -> memref<1x1x8x2x125xi32, #tpu.memory_space<hbm>>
        %dma_start3A_382 = tpu.memref_squeeze %dma_start3A_381 : memref<1x1x8x2x125xi32, #tpu.memory_space<hbm>> -> memref<8x2x125xi32, #tpu.memory_space<hbm>>
        tpu.enqueue_dma source(%dma_start3A_382 : memref<8x2x125xi32, #tpu.memory_space<hbm>>) target(%arg6 : memref<8x2x125xi32, #tpu.memory_space<vmem>>) target_semaphore(%arg13 : memref<!tpu.dma_semaphore, #tpu.memory_space<semaphore_mem>>)
      } else {
      }
    }
    %scan3A_64 = arith.constant 5 : i32
    %barrier3A_65 = arith.constant 0 : index
    tpu.barrier barrier_id(%barrier3A_65)
    "tpu.region"() ({
      %run_scoped3A = tpu.sem_alloc : memref<!tpu.dma_semaphore, #tpu.memory_space<semaphore_mem>>
      %dma_start3A_66 = arith.constant 0 : i32
      %dma_start3A_67 = tpu.memref_slice %arg4[%arg0, %mul3A_46, %dma_start3A_66] : memref<2x10240x128xf32, #tpu.memory_space<hbm>> -> memref<1x640x128xf32, #tpu.memory_space<hbm>>
      %dma_start3A_68 = tpu.memref_squeeze %dma_start3A_67 : memref<1x640x128xf32, #tpu.memory_space<hbm>> -> memref<640x128xf32, #tpu.memory_space<hbm>>
      %dma_start3A_69 = arith.constant 0 : i32
      %dma_start3A_70 = tpu.memref_slice %arg9[%mul3A_46, %dma_start3A_69] : memref<10240x128xf32, #tpu.memory_space<vmem_shared>> -> memref<640x128xf32, #tpu.memory_space<vmem_shared>>
      tpu.enqueue_dma source(%dma_start3A_70 : memref<640x128xf32, #tpu.memory_space<vmem_shared>>) target(%dma_start3A_68 : memref<640x128xf32, #tpu.memory_space<hbm>>) target_semaphore(%run_scoped3A : memref<!tpu.dma_semaphore, #tpu.memory_space<semaphore_mem>>)
      %dma_wait3A_71 = arith.constant 0 : i32
      %dma_wait3A_72 = tpu.memref_slice %arg4[%arg0, %mul3A_46, %dma_wait3A_71] : memref<2x10240x128xf32, #tpu.memory_space<hbm>> -> memref<1x640x128xf32, #tpu.memory_space<hbm>>
      %dma_wait3A_73 = tpu.memref_squeeze %dma_wait3A_72 : memref<1x640x128xf32, #tpu.memory_space<hbm>> -> memref<640x128xf32, #tpu.memory_space<hbm>>
      %dma_wait3A_74 = arith.constant 0 : i32
      %dma_wait3A_75 = tpu.memref_slice %arg9[%mul3A_46, %dma_wait3A_74] : memref<10240x128xf32, #tpu.memory_space<vmem_shared>> -> memref<640x128xf32, #tpu.memory_space<vmem_shared>>
      tpu.wait_dma2 semaphore(%run_scoped3A : memref<!tpu.dma_semaphore, #tpu.memory_space<semaphore_mem>>) src(%dma_wait3A_75 : memref<640x128xf32, #tpu.memory_space<vmem_shared>>) dst(%dma_wait3A_73 : memref<640x128xf32, #tpu.memory_space<hbm>>)
      tpu.yield
    }) : () -> ()
    return
  }
}

module attributes {stable_mosaic.version = 14 : i64} {
  func.func @_tc_prep_body(%arg0: i32, %arg1: memref<512x128xf32, #tpu.memory_space<vmem>>, %arg2: memref<128x128xf32, #tpu.memory_space<vmem>>, %arg3: memref<2x512xf32, #tpu.memory_space<vmem>>, %arg4: memref<512xf32, #tpu.memory_space<vmem>>, %arg5: memref<512x128xf32, #tpu.memory_space<vmem>>) attributes {dimension_semantics = [#tpu.dimension_semantics<arbitrary>], iteration_bounds = array<i64: 20>, scalar_prefetch = 0 : i64, scratch_operands = 0 : i64, tpu.core_type = #tpu.core_type<tc>, window_params = [{transform_indices = @transform_0, window_bounds = array<i64: 512, 128>}, {pipeline_mode = #tpu.pipeline_mode<synchronous>, transform_indices = @transform_1, window_bounds = array<i64: 128, 128>}, {transform_indices = @transform_2, window_bounds = array<i64: 2, 512>}, {transform_indices = @transform_3, window_bounds = array<i64: 512>}, {transform_indices = @transform_4, window_bounds = array<i64: 512, 128>}]} {
    %get3A = arith.constant 0 : index
    %get3A_0 = arith.constant 0 : index
    %get3A_1 = vector.load %arg3[%get3A, %get3A_0] : memref<2x512xf32, #tpu.memory_space<vmem>>, vector<1x512xf32>
    %get3A_2 = vector.shape_cast %get3A_1 : vector<1x512xf32> to vector<512xf32>
    %get3A_3 = arith.constant 1 : index
    %get3A_4 = arith.constant 0 : index
    %get3A_5 = vector.load %arg3[%get3A_3, %get3A_4] : memref<2x512xf32, #tpu.memory_space<vmem>>, vector<1x512xf32>
    %get3A_6 = vector.shape_cast %get3A_5 : vector<1x512xf32> to vector<512xf32>
    %add3A = arith.addf %get3A_2, %get3A_6 : vector<512xf32>
    %add3A_7 = arith.constant 1.000000e+00 : f32
    %add3A_8 = vector.broadcast %add3A_7 : f32 to vector<512xf32>
    %add3A_9 = arith.addf %add3A, %add3A_8 : vector<512xf32>
    %rsqrt3A = math.rsqrt %add3A_9 : vector<512xf32>
    %swap3A = arith.constant 0 : index
    %swap3A_10 = vector.load %arg4[%swap3A] : memref<512xf32, #tpu.memory_space<vmem>>, vector<512xf32>
    tpu.vector_store %arg4[%swap3A], %rsqrt3A {strides = array<i32>} : memref<512xf32, #tpu.memory_space<vmem>>, vector<512xf32>,
    %get3A_11 = arith.constant 0 : index
    %get3A_12 = arith.constant 0 : index
    %get3A_13 = vector.load %arg1[%get3A_11, %get3A_12] : memref<512x128xf32, #tpu.memory_space<vmem>>, vector<512x128xf32>
    %get3A_14 = arith.constant 0 : index
    %get3A_15 = arith.constant 0 : index
    %get3A_16 = vector.load %arg2[%get3A_14, %get3A_15] : memref<128x128xf32, #tpu.memory_space<vmem>>, vector<128x128xf32>
    %dot_general3A = arith.constant dense<0.000000e+00> : vector<512x128xf32>
    %dot_general3A_17 = tpu.matmul %get3A_13, %get3A_16, %dot_general3A {dimension_numbers = #tpu.dot_dimension_numbers<[1], [0], [0], [1], [0, 0, 1, 1], [], []>, transpose_lhs_hint = false} : vector<512x128xf32>, vector<128x128xf32>, vector<512x128xf32> -> vector<512x128xf32>
    %broadcast_in_dim3A = vector.shape_cast %rsqrt3A : vector<512xf32> to vector<512x1xf32>
    %mul3A = vector.broadcast %broadcast_in_dim3A : vector<512x1xf32> to vector<512x128xf32>
    %mul3A_18 = arith.mulf %dot_general3A_17, %mul3A : vector<512x128xf32>
    %swap3A_19 = arith.constant 0 : index
    %swap3A_20 = arith.constant 0 : index
    %swap3A_21 = vector.load %arg5[%swap3A_19, %swap3A_20] : memref<512x128xf32, #tpu.memory_space<vmem>>, vector<512x128xf32>
    tpu.vector_store %arg5[%swap3A_19, %swap3A_20], %mul3A_18 {strides = array<i32>} : memref<512x128xf32, #tpu.memory_space<vmem>>, vector<512x128xf32>,
    return
  }
  func.func @transform_0(%arg0: i32) -> (i32, i32) {
    %c0_i32 = arith.constant 0 : i32
    %c0_i32_0 = arith.constant 0 : i32
    return %arg0, %c0_i32 : i32, i32
  }
  func.func @transform_1(%arg0: i32) -> (i32, i32) {
    %c0_i32 = arith.constant 0 : i32
    %c0_i32_0 = arith.constant 0 : i32
    %c0_i32_1 = arith.constant 0 : i32
    return %c0_i32, %c0_i32_0 : i32, i32
  }
  func.func @transform_2(%arg0: i32) -> (i32, i32) {
    %c0_i32 = arith.constant 0 : i32
    %c0_i32_0 = arith.constant 0 : i32
    return %c0_i32, %arg0 : i32, i32
  }
  func.func @transform_3(%arg0: i32) -> i32 {
    %c0_i32 = arith.constant 0 : i32
    return %arg0 : i32
  }
  func.func @transform_4(%arg0: i32) -> (i32, i32) {
    %c0_i32 = arith.constant 0 : i32
    %c0_i32_0 = arith.constant 0 : i32
    return %arg0, %c0_i32 : i32, i32
  }
}

module attributes {stable_mosaic.version = 14 : i64} {
  func.func @_tc_mid_body(%arg0: i32, %arg1: memref<2x512x128xf32, #tpu.memory_space<vmem>>, %arg2: memref<512x128xf32, #tpu.memory_space<vmem>>, %arg3: memref<512xf32, #tpu.memory_space<vmem>>, %arg4: memref<1x128xf32, #tpu.memory_space<vmem>>, %arg5: memref<128x128xf32, #tpu.memory_space<vmem>>, %arg6: memref<512xi32, #tpu.memory_space<vmem>>, %arg7: memref<512x128xf32, #tpu.memory_space<vmem>>, %arg8: memref<128x128xf32, #tpu.memory_space<vmem>>) attributes {dimension_semantics = [#tpu.dimension_semantics<arbitrary>], iteration_bounds = array<i64: 20>, scalar_prefetch = 0 : i64, scratch_operands = 0 : i64, tpu.core_type = #tpu.core_type<tc>, window_params = [{transform_indices = @transform_0, window_bounds = array<i64: 2, 512, 128>}, {transform_indices = @transform_1, window_bounds = array<i64: 512, 128>}, {transform_indices = @transform_2, window_bounds = array<i64: 512>}, {pipeline_mode = #tpu.pipeline_mode<synchronous>, transform_indices = @transform_3, window_bounds = array<i64: 1, 128>}, {pipeline_mode = #tpu.pipeline_mode<synchronous>, transform_indices = @transform_4, window_bounds = array<i64: 128, 128>}, {transform_indices = @transform_5, window_bounds = array<i64: 512>}, {transform_indices = @transform_6, window_bounds = array<i64: 512, 128>}, {pipeline_mode = #tpu.pipeline_mode<synchronous>, transform_indices = @transform_7, window_bounds = array<i64: 128, 128>}]} {
    %get3A = arith.constant 0 : index
    %get3A_0 = arith.constant 0 : index
    %get3A_1 = arith.constant 0 : index
    %get3A_2 = vector.load %arg1[%get3A, %get3A_0, %get3A_1] : memref<2x512x128xf32, #tpu.memory_space<vmem>>, vector<1x512x128xf32>
    %get3A_3 = vector.shape_cast %get3A_2 : vector<1x512x128xf32> to vector<512x128xf32>
    %get3A_4 = arith.constant 1 : index
    %get3A_5 = arith.constant 0 : index
    %get3A_6 = arith.constant 0 : index
    %get3A_7 = vector.load %arg1[%get3A_4, %get3A_5, %get3A_6] : memref<2x512x128xf32, #tpu.memory_space<vmem>>, vector<1x512x128xf32>
    %get3A_8 = vector.shape_cast %get3A_7 : vector<1x512x128xf32> to vector<512x128xf32>
    %add3A = arith.addf %get3A_3, %get3A_8 : vector<512x128xf32>
    %get3A_9 = arith.constant 0 : index
    %get3A_10 = arith.constant 0 : index
    %get3A_11 = vector.load %arg2[%get3A_9, %get3A_10] : memref<512x128xf32, #tpu.memory_space<vmem>>, vector<512x128xf32>
    %add3A_12 = arith.addf %add3A, %get3A_11 : vector<512x128xf32>
    %get3A_13 = arith.constant 0 : index
    %get3A_14 = vector.load %arg3[%get3A_13] : memref<512xf32, #tpu.memory_space<vmem>>, vector<512xf32>
    %broadcast_in_dim3A = vector.shape_cast %get3A_14 : vector<512xf32> to vector<512x1xf32>
    %mul3A = vector.broadcast %broadcast_in_dim3A : vector<512x1xf32> to vector<512x128xf32>
    %mul3A_15 = arith.mulf %add3A_12, %mul3A : vector<512x128xf32>
    %get3A_16 = arith.constant 0 : index
    %get3A_17 = arith.constant 0 : index
    %get3A_18 = vector.load %arg4[%get3A_16, %get3A_17] : memref<1x128xf32, #tpu.memory_space<vmem>>, vector<1x128xf32>
    %add3A_19 = vector.broadcast %get3A_18 : vector<1x128xf32> to vector<512x128xf32>
    %add3A_20 = arith.addf %mul3A_15, %add3A_19 : vector<512x128xf32>
    %max3A = arith.constant 0.000000e+00 : f32
    %max3A_21 = vector.broadcast %max3A : f32 to vector<512x128xf32>
    %max3A_22 = arith.maximumf %add3A_20, %max3A_21 : vector<512x128xf32>
    %get3A_23 = arith.constant 0 : index
    %get3A_24 = vector.load %arg6[%get3A_23] : memref<512xi32, #tpu.memory_space<vmem>>, vector<512xi32>
    %broadcast_in_dim3A_25 = vector.shape_cast %get3A_24 : vector<512xi32> to vector<512x1xi32>
    %iota3A = tpu.iota {dimensions = array<i32: 1>} : vector<512x128xi32>
    %eq3A = vector.broadcast %broadcast_in_dim3A_25 : vector<512x1xi32> to vector<512x128xi32>
    %eq3A_26 = arith.cmpi eq, %eq3A, %iota3A : vector<512x128xi32>
    %convert_element_type3A = arith.extui %eq3A_26 : vector<512x128xi1> to vector<512x128xi32>
    %convert_element_type3A_27 = arith.sitofp %convert_element_type3A : vector<512x128xi32> to vector<512x128xf32>
    %dot_general3A = arith.constant dense<0.000000e+00> : vector<128x128xf32>
    %dot_general3A_28 = tpu.matmul %convert_element_type3A_27, %max3A_22, %dot_general3A {dimension_numbers = #tpu.dot_dimension_numbers<[0], [0], [1], [1], [0, 1, 1, 1], [], []>, transpose_lhs_hint = false} : vector<512x128xf32>, vector<512x128xf32>, vector<128x128xf32> -> vector<128x128xf32>
    %get3A_29 = arith.constant 0 : index
    %get3A_30 = arith.constant 0 : index
    %get3A_31 = vector.load %arg5[%get3A_29, %get3A_30] : memref<128x128xf32, #tpu.memory_space<vmem>>, vector<128x128xf32>
    %dot_general3A_32 = arith.constant dense<0.000000e+00> : vector<512x128xf32>
    %dot_general3A_33 = tpu.matmul %max3A_22, %get3A_31, %dot_general3A_32 {dimension_numbers = #tpu.dot_dimension_numbers<[1], [0], [0], [1], [0, 0, 1, 1], [], []>, transpose_lhs_hint = false} : vector<512x128xf32>, vector<128x128xf32>, vector<512x128xf32> -> vector<512x128xf32>
    %mul3A_34 = vector.broadcast %broadcast_in_dim3A : vector<512x1xf32> to vector<512x128xf32>
    %mul3A_35 = arith.mulf %dot_general3A_33, %mul3A_34 : vector<512x128xf32>
    %swap3A = arith.constant 0 : index
    %swap3A_36 = arith.constant 0 : index
    %swap3A_37 = vector.load %arg7[%swap3A, %swap3A_36] : memref<512x128xf32, #tpu.memory_space<vmem>>, vector<512x128xf32>
    tpu.vector_store %arg7[%swap3A, %swap3A_36], %mul3A_35 {strides = array<i32>} : memref<512x128xf32, #tpu.memory_space<vmem>>, vector<512x128xf32>,
    %eq3A_38 = arith.constant 0 : i32
    %eq3A_39 = arith.cmpi eq, %arg0, %eq3A_38 : i32
    %convert_element_type3A_40 = arith.extui %eq3A_39 : i1 to i32
    %cond3A = arith.constant 0 : i32
    %cond3A_41 = arith.cmpi ne, %convert_element_type3A_40, %cond3A : i32
    scf.if %cond3A_41 {
      %swap3A_46 = arith.constant 0 : index
      %swap3A_47 = arith.constant 0 : index
      %swap3A_48 = vector.load %arg8[%swap3A_46, %swap3A_47] : memref<128x128xf32, #tpu.memory_space<vmem>>, vector<128x128xf32>
      tpu.vector_store %arg8[%swap3A_46, %swap3A_47], %dot_general3A_28 {strides = array<i32>} : memref<128x128xf32, #tpu.memory_space<vmem>>, vector<128x128xf32>,
    } else {
    }
    %gt3A = arith.constant 0 : i32
    %gt3A_42 = arith.cmpi sgt, %arg0, %gt3A : i32
    %convert_element_type3A_43 = arith.extui %gt3A_42 : i1 to i32
    %cond3A_44 = arith.constant 0 : i32
    %cond3A_45 = arith.cmpi ne, %convert_element_type3A_43, %cond3A_44 : i32
    scf.if %cond3A_45 {
      %get3A_46 = arith.constant 0 : index
      %get3A_47 = arith.constant 0 : index
      %get3A_48 = vector.load %arg8[%get3A_46, %get3A_47] : memref<128x128xf32, #tpu.memory_space<vmem>>, vector<128x128xf32>
      %add3A_49 = arith.addf %get3A_48, %dot_general3A_28 : vector<128x128xf32>
      %swap3A_50 = arith.constant 0 : index
      %swap3A_51 = arith.constant 0 : index
      %swap3A_52 = vector.load %arg8[%swap3A_50, %swap3A_51] : memref<128x128xf32, #tpu.memory_space<vmem>>, vector<128x128xf32>
      tpu.vector_store %arg8[%swap3A_50, %swap3A_51], %add3A_49 {strides = array<i32>} : memref<128x128xf32, #tpu.memory_space<vmem>>, vector<128x128xf32>,
    } else {
    }
    return
  }
  func.func @transform_0(%arg0: i32) -> (i32, i32, i32) {
    %c0_i32 = arith.constant 0 : i32
    %c0_i32_0 = arith.constant 0 : i32
    %c0_i32_1 = arith.constant 0 : i32
    return %c0_i32, %arg0, %c0_i32_0 : i32, i32, i32
  }
  func.func @transform_1(%arg0: i32) -> (i32, i32) {
    %c0_i32 = arith.constant 0 : i32
    %c0_i32_0 = arith.constant 0 : i32
    return %arg0, %c0_i32 : i32, i32
  }
  func.func @transform_2(%arg0: i32) -> i32 {
    %c0_i32 = arith.constant 0 : i32
    return %arg0 : i32
  }
  func.func @transform_3(%arg0: i32) -> (i32, i32) {
    %c0_i32 = arith.constant 0 : i32
    %c0_i32_0 = arith.constant 0 : i32
    %c0_i32_1 = arith.constant 0 : i32
    return %c0_i32, %c0_i32_0 : i32, i32
  }
  func.func @transform_4(%arg0: i32) -> (i32, i32) {
    %c0_i32 = arith.constant 0 : i32
    %c0_i32_0 = arith.constant 0 : i32
    %c0_i32_1 = arith.constant 0 : i32
    return %c0_i32, %c0_i32_0 : i32, i32
  }
  func.func @transform_5(%arg0: i32) -> i32 {
    %c0_i32 = arith.constant 0 : i32
    return %arg0 : i32
  }
  func.func @transform_6(%arg0: i32) -> (i32, i32) {
    %c0_i32 = arith.constant 0 : i32
    %c0_i32_0 = arith.constant 0 : i32
    return %arg0, %c0_i32 : i32, i32
  }
  func.func @transform_7(%arg0: i32) -> (i32, i32) {
    %c0_i32 = arith.constant 0 : i32
    %c0_i32_0 = arith.constant 0 : i32
    %c0_i32_1 = arith.constant 0 : i32
    return %c0_i32, %c0_i32_0 : i32, i32
  }
}

module attributes {stable_mosaic.version = 14 : i64} {
  func.func @_tc_last_body(%arg0: i32, %arg1: memref<2x512x128xf32, #tpu.memory_space<vmem>>, %arg2: memref<512x128xf32, #tpu.memory_space<vmem>>, %arg3: memref<512xf32, #tpu.memory_space<vmem>>, %arg4: memref<1x128xf32, #tpu.memory_space<vmem>>, %arg5: memref<512xi32, #tpu.memory_space<vmem>>, %arg6: memref<128x128xf32, #tpu.memory_space<vmem>>) attributes {dimension_semantics = [#tpu.dimension_semantics<arbitrary>], iteration_bounds = array<i64: 20>, scalar_prefetch = 0 : i64, scratch_operands = 0 : i64, tpu.core_type = #tpu.core_type<tc>, window_params = [{transform_indices = @transform_0, window_bounds = array<i64: 2, 512, 128>}, {transform_indices = @transform_1, window_bounds = array<i64: 512, 128>}, {transform_indices = @transform_2, window_bounds = array<i64: 512>}, {pipeline_mode = #tpu.pipeline_mode<synchronous>, transform_indices = @transform_3, window_bounds = array<i64: 1, 128>}, {transform_indices = @transform_4, window_bounds = array<i64: 512>}, {pipeline_mode = #tpu.pipeline_mode<synchronous>, transform_indices = @transform_5, window_bounds = array<i64: 128, 128>}]} {
    %get3A = arith.constant 0 : index
    %get3A_0 = arith.constant 0 : index
    %get3A_1 = arith.constant 0 : index
    %get3A_2 = vector.load %arg1[%get3A, %get3A_0, %get3A_1] : memref<2x512x128xf32, #tpu.memory_space<vmem>>, vector<1x512x128xf32>
    %get3A_3 = vector.shape_cast %get3A_2 : vector<1x512x128xf32> to vector<512x128xf32>
    %get3A_4 = arith.constant 1 : index
    %get3A_5 = arith.constant 0 : index
    %get3A_6 = arith.constant 0 : index
    %get3A_7 = vector.load %arg1[%get3A_4, %get3A_5, %get3A_6] : memref<2x512x128xf32, #tpu.memory_space<vmem>>, vector<1x512x128xf32>
    %get3A_8 = vector.shape_cast %get3A_7 : vector<1x512x128xf32> to vector<512x128xf32>
    %add3A = arith.addf %get3A_3, %get3A_8 : vector<512x128xf32>
    %get3A_9 = arith.constant 0 : index
    %get3A_10 = arith.constant 0 : index
    %get3A_11 = vector.load %arg2[%get3A_9, %get3A_10] : memref<512x128xf32, #tpu.memory_space<vmem>>, vector<512x128xf32>
    %add3A_12 = arith.addf %add3A, %get3A_11 : vector<512x128xf32>
    %get3A_13 = arith.constant 0 : index
    %get3A_14 = vector.load %arg3[%get3A_13] : memref<512xf32, #tpu.memory_space<vmem>>, vector<512xf32>
    %broadcast_in_dim3A = vector.shape_cast %get3A_14 : vector<512xf32> to vector<512x1xf32>
    %mul3A = vector.broadcast %broadcast_in_dim3A : vector<512x1xf32> to vector<512x128xf32>
    %mul3A_15 = arith.mulf %add3A_12, %mul3A : vector<512x128xf32>
    %get3A_16 = arith.constant 0 : index
    %get3A_17 = arith.constant 0 : index
    %get3A_18 = vector.load %arg4[%get3A_16, %get3A_17] : memref<1x128xf32, #tpu.memory_space<vmem>>, vector<1x128xf32>
    %add3A_19 = vector.broadcast %get3A_18 : vector<1x128xf32> to vector<512x128xf32>
    %add3A_20 = arith.addf %mul3A_15, %add3A_19 : vector<512x128xf32>
    %max3A = arith.constant 0.000000e+00 : f32
    %max3A_21 = vector.broadcast %max3A : f32 to vector<512x128xf32>
    %max3A_22 = arith.maximumf %add3A_20, %max3A_21 : vector<512x128xf32>
    %get3A_23 = arith.constant 0 : index
    %get3A_24 = vector.load %arg5[%get3A_23] : memref<512xi32, #tpu.memory_space<vmem>>, vector<512xi32>
    %broadcast_in_dim3A_25 = vector.shape_cast %get3A_24 : vector<512xi32> to vector<512x1xi32>
    %iota3A = tpu.iota {dimensions = array<i32: 1>} : vector<512x128xi32>
    %eq3A = vector.broadcast %broadcast_in_dim3A_25 : vector<512x1xi32> to vector<512x128xi32>
    %eq3A_26 = arith.cmpi eq, %eq3A, %iota3A : vector<512x128xi32>
    %convert_element_type3A = arith.extui %eq3A_26 : vector<512x128xi1> to vector<512x128xi32>
    %convert_element_type3A_27 = arith.sitofp %convert_element_type3A : vector<512x128xi32> to vector<512x128xf32>
    %dot_general3A = arith.constant dense<0.000000e+00> : vector<128x128xf32>
    %dot_general3A_28 = tpu.matmul %convert_element_type3A_27, %max3A_22, %dot_general3A {dimension_numbers = #tpu.dot_dimension_numbers<[0], [0], [1], [1], [0, 1, 1, 1], [], []>, transpose_lhs_hint = false} : vector<512x128xf32>, vector<512x128xf32>, vector<128x128xf32> -> vector<128x128xf32>
    %eq3A_29 = arith.constant 0 : i32
    %eq3A_30 = arith.cmpi eq, %arg0, %eq3A_29 : i32
    %convert_element_type3A_31 = arith.extui %eq3A_30 : i1 to i32
    %cond3A = arith.constant 0 : i32
    %cond3A_32 = arith.cmpi ne, %convert_element_type3A_31, %cond3A : i32
    scf.if %cond3A_32 {
      %swap3A = arith.constant 0 : index
      %swap3A_37 = arith.constant 0 : index
      %swap3A_38 = vector.load %arg6[%swap3A, %swap3A_37] : memref<128x128xf32, #tpu.memory_space<vmem>>, vector<128x128xf32>
      tpu.vector_store %arg6[%swap3A, %swap3A_37], %dot_general3A_28 {strides = array<i32>} : memref<128x128xf32, #tpu.memory_space<vmem>>, vector<128x128xf32>,
    } else {
    }
    %gt3A = arith.constant 0 : i32
    %gt3A_33 = arith.cmpi sgt, %arg0, %gt3A : i32
    %convert_element_type3A_34 = arith.extui %gt3A_33 : i1 to i32
    %cond3A_35 = arith.constant 0 : i32
    %cond3A_36 = arith.cmpi ne, %convert_element_type3A_34, %cond3A_35 : i32
    scf.if %cond3A_36 {
      %get3A_37 = arith.constant 0 : index
      %get3A_38 = arith.constant 0 : index
      %get3A_39 = vector.load %arg6[%get3A_37, %get3A_38] : memref<128x128xf32, #tpu.memory_space<vmem>>, vector<128x128xf32>
      %add3A_40 = arith.addf %get3A_39, %dot_general3A_28 : vector<128x128xf32>
      %swap3A = arith.constant 0 : index
      %swap3A_41 = arith.constant 0 : index
      %swap3A_42 = vector.load %arg6[%swap3A, %swap3A_41] : memref<128x128xf32, #tpu.memory_space<vmem>>, vector<128x128xf32>
      tpu.vector_store %arg6[%swap3A, %swap3A_41], %add3A_40 {strides = array<i32>} : memref<128x128xf32, #tpu.memory_space<vmem>>, vector<128x128xf32>,
    } else {
    }
    return
  }
  func.func @transform_0(%arg0: i32) -> (i32, i32, i32) {
    %c0_i32 = arith.constant 0 : i32
    %c0_i32_0 = arith.constant 0 : i32
    %c0_i32_1 = arith.constant 0 : i32
    return %c0_i32, %arg0, %c0_i32_0 : i32, i32, i32
  }
  func.func @transform_1(%arg0: i32) -> (i32, i32) {
    %c0_i32 = arith.constant 0 : i32
    %c0_i32_0 = arith.constant 0 : i32
    return %arg0, %c0_i32 : i32, i32
  }
  func.func @transform_2(%arg0: i32) -> i32 {
    %c0_i32 = arith.constant 0 : i32
    return %arg0 : i32
  }
  func.func @transform_3(%arg0: i32) -> (i32, i32) {
    %c0_i32 = arith.constant 0 : i32
    %c0_i32_0 = arith.constant 0 : i32
    %c0_i32_1 = arith.constant 0 : i32
    return %c0_i32, %c0_i32_0 : i32, i32
  }
  func.func @transform_4(%arg0: i32) -> i32 {
    %c0_i32 = arith.constant 0 : i32
    return %arg0 : i32
  }
  func.func @transform_5(%arg0: i32) -> (i32, i32) {
    %c0_i32 = arith.constant 0 : i32
    %c0_i32_0 = arith.constant 0 : i32
    %c0_i32_1 = arith.constant 0 : i32
    return %c0_i32, %c0_i32_0 : i32, i32
  }
}

</mosaic_0001>

<sc_bundles>
// kernel: kernel.10.cloned.1.call-start
scs
__scs_entry_jumppad:
0x0: {  	(pc) =	sbr.rel $0x88, $3  }
0x1: {  	(tag) =	ssettag $0x0;
	lr =	simm.s32 $0x1  }
0x2: {  	[smem:$0x3F98] =	sst lr;
	_ =	strace $0xD0000000  }
0x3: {  	_ = 	snop  }
0x4: {  	_ = 	snop  }
0x5: {  	_ = 	snop  }
0x6: {  	_ = 	snop  }
0x7: {  	_ = 	snop  }
__scs_overlays_trampoline_lowered:
0x8: {  	[smem:$0x3FA7] =	sst s0  }
0x9: {  	[smem:$0x3FA8] =	sst s1  }
0xa: {  	[smem:$0x3FA9] =	sst s2  }
0xb: {  	[smem:$0x3FAA] =	sst s3  }
0xc: {  	[smem:$0x3FAB] =	sst s4  }
0xd: {  	[smem:$0x3FAC] =	sst s5  }
0xe: {  	[smem:$0x3FAD] =	sst s6  }
0xf: {  	[smem:$0x3FAE] =	sst s7  }
0x10: {  	[smem:$0x3FAF] =	sst s8  }
0x11: {  	[smem:$0x3FB0] =	sst s9;
	s0 =	simm.s32 @!p0 $0x0  }
0x12: {  	s1 =	sld [smem:$0x3F96];
	s0 =	simm.s32 @p0 $0x1  }
0x13: {  	[smem:$0x3FB1] =	sst s0;
	s0 =	simm.s32 @!p1 $0x0  }
0x14: {  	s2 =	sld [smem:$0x3F95];
	s0 =	simm.s32 @p1 $0x1  }
0x15: {  	[smem:$0x3FB2] =	sst s0;
	s0 =	simm.s32 @!p2 $0x0  }
0x16: {  	s3 =	sld [smem:$0x3FDB];
	s0 =	simm.s32 @p2 $0x1  }
0x17: {  	s4 =	simm.s32 $0x1BF5;
	[smem:$0x3FB4] =	sst s0  }
0x18: {  	s0 =	sld [smem:$0x3F97];
	_ =	swait.ge [sflag:s4], $0x0  }
0x19: {  	s7 =	sld [smem:$0x3F98]  }
0x1a: {  	s8 =	sadd.s32 $0xFFFFE003, lr  }
0x1b: {  	s9 =	sadd.s32 $0xFFFFFEF7, lr;
	s5 =	simm.s32 $0xFFFFFFFF;
	p2 =	slt.u32 s8, $0xFFFFF086  }
0x1c: {  	p1 =	slt.u32 s9, $0xF7A;
	s5 =	simm.s32 @!p2 $0x0  }
0x1d: {  	s5 =	simm.s32 @p1 $0x1;
	p0 =	seq.s32 s7, s2  }
0x1e: {  	s7 =	smul.u32 @!p0 $0xF7A, s2;
	p2 =	seq.s32 @!p0 s5, $0x0  }
0x1f: {  	s9 =	smul.u32 $0xF7A, s1;
	s8 =	simm.s32 @!p0 $0x1BF5;
	p2 =	por !p2, p0  }
0x20: {  	[sflag:s8] =	ssyncset.s32 @!p0 $0xFFFFF086;
	s6 =	sadd.s32 @!p0 s3, s7;
	s7 =	simm.s32 @!p0 $0x108  }
0x21: {  	s3 =	sadd.s32 s3, s9;
	s6 =	sadd.s32 @!p0 $0x88, s6;
	s7 =	simm.s32 @p2 $0x1082  }
0x22: {  	[simem:s7], [sflag:s8] =	dma.local @!p0 [hbm:s6], $0xF7A  }
0x23: {  	s9 =	sor.u32 $0xD0000000, s2;
	s6 =	simm.s32 $0x108;
	_ =	swait.ge @!p0 [sflag:s8], $0x0  }
0x24: {  	s3 =	sadd.s32 $0x88, s3;
	s6 =	simm.s32 @!p1 $0x1082;
	[sflag:s4] =	ssyncset.s32 $0xFFFFF086  }
0x25: {  	[simem:s6], [sflag:s4] =	dma.local [hbm:s3], $0xF7A  }
0x26: {  	[smem:$0x3F98] =	sst s1;
	(tag) =	ssettag s2;
	_ =	strace s9  }
0x27: {  	s1 =	sld [smem:$0x3FA8]  }
0x28: {  	s2 =	sld [smem:$0x3FA9]  }
0x29: {  	s4 =	sld [smem:$0x3FAB]  }
0x2a: {  	p0 =	seq.s32 s5, $0x0;
	s5 =	sld [smem:$0x3FAC]  }
0x2b: {  	s6 =	sld [smem:$0x3FAD]  }
0x2c: {  	s7 =	sld [smem:$0x3FAE]  }
0x2d: {  	s3 =	simm.s32 $0x108;
	s8 =	sld [smem:$0x3FAF]  }
0x2e: {  	s3 =	simm.s32 @!p0 $0x1082;
	s9 =	sld [smem:$0x3FB0]  }
0x2f: {  	lr =	sadd.s32 s0, s3;
	s0 =	sld [smem:$0x3FA7]  }
0x30: {  	s3 =	sld [smem:$0x3FAA]  }
0x31: {  	[smem:$0x3FB3] =	sst s10  }
0x32: {  	s10 =	sld [smem:$0x3FB1];
	_ =	sdelay $0x3  }
0x33: {  	p0 =	seq.s32 s10, $0x1;
	s10 =	sld [smem:$0x3FB3];
	_ =	sdelay $0x3  }
0x34: {  	[smem:$0x3FB3] =	sst s10  }
0x35: {  	s10 =	sld [smem:$0x3FB2];
	_ =	sdelay $0x3  }
0x36: {  	p1 =	seq.s32 s10, $0x1;
	s10 =	sld [smem:$0x3FB3];
	_ =	sdelay $0x3  }
0x37: {  	[smem:$0x3FB3] =	sst s10  }
0x38: {  	s10 =	sld [smem:$0x3FB4]  }
0x39: {  	_ = 	snop;
	(pc) =	sbr.ind lr, $3  }
0x3a: {  	_ = 	snop  }
0x3b: {  	_ = 	snop  }
0x3c: {  	p2 =	seq.s32 s10, $0x1;
	s10 =	sld [smem:$0x3FB3]  }
0x3d: {  	_ =	shalt  }
0x3e: {  	_ =	shalt  }
0x3f: {  	_ =	shalt  }
0x40: {  	_ =	shalt  }
0x41: {  	_ =	shalt  }
0x42: {  	_ =	shalt  }
0x43: {  	_ =	shalt  }
0x44: {  	_ =	shalt  }
0x45: {  	_ =	shalt  }
0x46: {  	_ =	shalt  }
0x47: {  	_ =	shalt  }
0x48: {  	_ =	shalt  }
0x49: {  	_ =	shalt  }
0x4a: {  	_ =	shalt  }
0x4b: {  	_ =	shalt  }
0x4c: {  	_ =	shalt  }
0x4d: {  	_ =	shalt  }
0x4e: {  	_ =	shalt  }
0x4f: {  	_ =	shalt  }
0x50: {  	_ =	shalt  }
0x51: {  	_ =	shalt  }
0x52: {  	_ =	shalt  }
0x53: {  	_ =	shalt  }
0x54: {  	_ =	shalt  }
0x55: {  	_ =	shalt  }
0x56: {  	_ =	shalt  }
0x57: {  	_ =	shalt  }
0x58: {  	_ =	shalt  }
0x59: {  	_ =	shalt  }
0x5a: {  	_ =	shalt  }
0x5b: {  	_ =	shalt  }
0x5c: {  	_ =	shalt  }
0x5d: {  	_ =	shalt  }
0x5e: {  	_ =	shalt  }
0x5f: {  	_ =	shalt  }
0x60: {  	_ =	shalt  }
0x61: {  	_ =	shalt  }
0x62: {  	_ =	shalt  }
0x63: {  	_ =	shalt  }
0x64: {  	_ =	shalt  }
0x65: {  	_ =	shalt  }
0x66: {  	_ =	shalt  }
0x67: {  	_ =	shalt  }
0x68: {  	_ =	shalt  }
0x69: {  	_ =	shalt  }
0x6a: {  	_ =	shalt  }
0x6b: {  	_ =	shalt  }
0x6c: {  	_ =	shalt  }
0x6d: {  	_ =	shalt  }
0x6e: {  	_ =	shalt  }
0x6f: {  	_ =	shalt  }
0x70: {  	_ =	shalt  }
0x71: {  	_ =	shalt  }
0x72: {  	_ =	shalt  }
0x73: {  	_ =	shalt  }
0x74: {  	_ =	shalt  }
0x75: {  	_ =	shalt  }
0x76: {  	_ =	shalt  }
0x77: {  	_ =	shalt  }
0x78: {  	_ =	shalt  }
0x79: {  	_ =	shalt  }
0x7a: {  	_ =	shalt  }
0x7b: {  	_ =	shalt  }
0x7c: {  	_ =	shalt  }
0x7d: {  	_ =	shalt  }
0x7e: {  	_ =	shalt  }
0x7f: {  	_ =	shalt  }
0x80: {  	_ =	shalt  }
0x81: {  	_ =	shalt  }
0x82: {  	_ =	shalt  }
0x83: {  	_ =	shalt  }
0x84: {  	_ =	shalt  }
0x85: {  	_ =	shalt  }
0x86: {  	_ =	shalt  }
0x87: {  	_ =	shalt  }
.Lfunc_end0:
.L_simem_size_0:
called_computation_lowered:
.L_overlay_start_0:
0x88: {  	s2 =	sld [smem:$0x3FD9]  }
0x89: {  	s3 =	sld [smem:$0x3FFE];
	_ =	sdelay $0x1  }
0x8a: {  	s1 =	srdreg.scid  }
0x8b: {  	s0 =	sand.u32 $0x1, s1  }
0x8c: {  	s17 =	sshll.u32 s0, $0xA;
	s2 =	sadd.s32 s3, s2  }
0x8d: {  	s2 =	sadd.s32 s2, s17  }
0x8e: {  	[smem:$0x3FBF] =	sst s2  }
0x8f: {  	_ = 	snop  }
0x90: {  	s2 =	sld [smem:$0x3FD0];
	(tm) =	ssettm $0x1  }
0x91: {  	s18 =	sld [smem:$0x3FFB];
	_ =	sdelay $0x3  }
0x92: {  	_ =	strace s18  }
0x93: {  	s3 =	sld [smem:$0x3FFC];
	_ =	sdelay $0x3  }
0x94: {  	_ =	strace s3  }
0x95: {  	s3 =	sld [smem:$0x3FFD];
	_ =	sdelay $0x3  }
0x96: {  	_ =	strace s3  }
0x97: {  	_ =	strace $0x8FFFFFFF  }
0x98: {  	s19 =	sld [smem:$0x3FDB];
	_ =	sdelay $0x1  }
0x99: {  	s4 =	simm.s32 $_scs_section_size  }
0x9a: {  	s5 =	simm.s32 $_size__tile_overlayer_lowered;
	s6 =	simm.s32 $_tile_overlayer_lowered  }
0x9b: {  	s22 =	simm.s32 $0x1BFF;
	s21 =	sshll.u32 s6, $0x1;
	s3 =	sadd.s32 s4, s19  }
0x9c: {  	s7 =	simm.s32 $0x0;
	s20 =	sshll.u32 s5, $0x1;
	s5 =	sadd.s32 s21, s3  }
0x9d: {  	[timem:s7], [sflag:s22] =	dma.local [hbm:s5], s20  }
0x9e: {  	_ =	swait.ge [sflag:s22], s20  }
0x9f: {  	s4 =	ssub.s32 $0x0, s20;
	[sflag:s22] =	ssyncset.done $0x0  }
0xa0: {  	[sflag:s22] =	ssyncadd.s32 s4;
	_ =	sdelay $0x1  }
0xa1: {  	s23 =	simm.s32 $0x1B8B  }
0xa2: {  	_ =	swait.ge [sflag:s23], $0x1  }
0xa3: {  	[sflag:s23] =	ssyncset.done $0x0  }
0xa4: {  	s25 =	simm.s32 $0x1B8E;
	s24 =	sld [smem:$0x3FFE];
	[sflag:s23] =	ssyncadd.s32 $0xFFFFFFFF  }
0xa5: {  	s26 =	simm.s32 $execute0_lowered;
	[smem:$0x3FD2] =	sst s25  }
0xa6: {  	s5 =	sshll.u32 s26, $0x1;
	_ =	strace $0x80000046;
	[dreg:$0x1] =	wrdreg $0xFFFFFFFF  }
0xa7: {  	s28 =	simm.s32 $_size_execute0_lowered;
	s3 =	sadd.s32 s3, s5;
	[dreg:$0x0] =	wrdreg $0x0  }
0xa8: {  	s5 =	sshll.u32 s28, $0x1;
	[dreg:$0x2] =	wrdreg s3  }
0xa9: {  	[dreg:$0x3] =	wrdreg s5  }
0xaa: {  	[dreg:$0x4] =	wrdreg $0xC0  }
0xab: {  	_ =	task [dreg:s7], $0x5FFFF  }
0xac: {  	[dreg:$0x1] =	wrdreg $0xFFFFFFFF  }
0xad: {  	[dreg:$0x0] =	wrdreg $0x60  }
0xae: {  	[dreg:$0x2] =	wrdreg s24  }
0xaf: {  	[dreg:$0x3] =	wrdreg s2  }
0xb0: {  	[dreg:$0x4] =	wrdreg $0x2B000  }
0xb1: {  	[dreg:$0x5] =	wrdreg $0x9  }
0xb2: {  	_ =	task.clear_ibuf [dreg:s7], $0x6FFFF;
	_ =	strace $0x90000046  }
0xb3: {  	s29 =	simm.s32 $0x9;
	_ =	strace $0x80000048  }
0xb4: {  	_ =	swait.ge [sflag:s29], $0x1  }
0xb5: {  	[sflag:s29] =	ssyncadd.s32 $0xFFFFFFFF  }
0xb6: {  	_ =	strace $0x90000048  }
0xb7: {  	_ =	sfence  }
0xb8: {  	s30 =	sld [smem:$0x0];
	_ =	sdelay $0x2  }
0xb9: {  	s31 =	sshll.u32 s1, $0xD;
	s1 =	sshrl.u32 s1, $0x2  }
0xba: {  	s3 =	sand.u32 $0x4000, s31;
	s1 =	sadd.s32 s1, s30  }
0xbb: {  	s0 =	sor.u32 s3, s0;
	s1 =	sshll.u32 s1, $0x11  }
0xbc: {  	s0 =	sor.u32 s1, s0  }
0xbd: {  	s0 =	sadd.s32 $0x8F2B, s0  }
0xbe: {  	[sflag:s0] =	ssyncadd.remote.s32 $0x1  }
0xbf: {  	_ =	sfence.sel $0xFFFF  }
0xc0: {  	[dreg:$0x0] =	wrdreg $0xFFFFFFFF;
	(pc) =	sbr.abs _section_cstart, $3  }
0xc1: {  	[dreg:$0x1] =	wrdreg $0xFFFFFFFF  }
0xc2: {  	_ =	task.clear_ibuf [dreg:s7], $0x2FFFF;
	_ =	strace $0x9FFFFFFF  }
0xc3: {  	(tm) =	ssettm $0x7FFFFFFF  }
tec
execute0_lowered:
.L_overlay_start_1:
0x0: {  	(tag) =	ssettag $0x1  }
0x1: {  	s4 =	rddreg [dreg:$0x0]  }
0x2: {  	s0 =	srdreg.scid;
	s6 =	rddreg [dreg:$0x1]  }
0x3: {  	s2 =	rddreg [dreg:$0x2];
	s1 =	stileid.u32;
	s3 =	simm.s32 $0x0  }
0x4: {  	s12 =	simm.s32 $0x2800;
	s13 =	simm.s32 $0x2;
	s16 =	simm.s32 $0x20  }
0x5: {  	s17 =	simm.s32 $0x10;
	s5 =	sand.u32 $0x1, s0;
	s0 =	rddreg [dreg:$0x3]  }
0x6: {  	s18 =	simm.s32 $0x0;
	[smem:$0x7FF] =	sst s3;
	s9 =	smul.u32 $0x500, s1  }
0x7: {  	s11 =	smul.u32 $0xA00, s1;
	s14 =	sshll.u32 s1, $0x6;
	s7 =	sshll.u32 s5, $0x4  }
0x8: {  	_ =	strace $0x80000047;
	s8 =	ssub.s32 $0x2, s5;
	s5 =	sshll.u32 s5, $0x7  }
0x9: {  	s14 =	sor.u32 $0x1C03, s14;
	s7 =	sor.u32 s1, s7;
	s10 =	sshrl.u32 s8, $0x1  }
0xa: {  	s5 =	sor.u32 s5, s9;
	s31 =	sshrl.u32 s11, $0x2;
	s11 =	simm.s32 $0x7D  }
0xb: {  	s7 =	smul.u32 $0x500, s7;
	s30 =	ssub.s32 s8, s10;
	s9 =	sshrl.u32 s5, $0x3  }
0xc: {  	s5 =	sadd.s32 s31, s2;
	s8 =	simm.s32 $0x2880;
	s10 =	simm.s32 $0x1  }
0xd: {  	s6 =	sadd.s32 s6, s9;
	s9 =	simm.s32 $0x3;
	s4 =	sadd.s32 s7, s4  }
0xe: {  	v0 =	vimm.f32 $1.000000000e+00;
	v1 =	vimm.f32 $0.0e+00;
	s15 =	sshrl.u32 s5, $0x3;
	s7 =	smax.u32 s30, $0x1;
	s4 =	sadd.s32 $0x4A00, s4  }
.LBB2_1:
0xf: {  	[tilespmem:s3], [sflag:$0x1] =	stream.linear.gather [hbm4b:s4+s3], $0x2800, $0x38;
	[tilespmem:$0x2D80] =	vst v63  }
0x10: {  	[tilespmem:$0x2800] =	vst v0  }
0x11: {  	[tilespmem:$0x2810] =	vst v0  }
0x12: {  	[tilespmem:$0x2820] =	vst v0  }
0x13: {  	[tilespmem:$0x2830] =	vst v0  }
0x14: {  	[tilespmem:$0x2840] =	vst v0  }
0x15: {  	[tilespmem:$0x2850] =	vst v0  }
0x16: {  	[tilespmem:$0x2860] =	vst v0  }
0x17: {  	[tilespmem:$0x2870] =	vst v0  }
0x18: {  	[tilespmem:$0x2880] =	vst v1  }
0x19: {  	[tilespmem:$0x2890] =	vst v1  }
0x1a: {  	[tilespmem:$0x28A0] =	vst v1  }
0x1b: {  	[tilespmem:$0x28B0] =	vst v1  }
0x1c: {  	[tilespmem:$0x28C0] =	vst v1  }
0x1d: {  	[tilespmem:$0x28D0] =	vst v1  }
0x1e: {  	[tilespmem:$0x28E0] =	vst v1  }
0x1f: {  	[tilespmem:$0x28F0] =	vst v1  }
0x20: {  	[tilespmem:$0x2900] =	vst v1  }
0x21: {  	[tilespmem:$0x2910] =	vst v1  }
0x22: {  	[tilespmem:$0x2920] =	vst v1  }
0x23: {  	[tilespmem:$0x2930] =	vst v1  }
0x24: {  	[tilespmem:$0x2940] =	vst v1  }
0x25: {  	[tilespmem:$0x2950] =	vst v1  }
0x26: {  	[tilespmem:$0x2960] =	vst v1  }
0x27: {  	[tilespmem:$0x2970] =	vst v1  }
0x28: {  	[tilespmem:$0x2980] =	vst v1  }
0x29: {  	[tilespmem:$0x2990] =	vst v1  }
0x2a: {  	[tilespmem:$0x29A0] =	vst v1  }
0x2b: {  	[tilespmem:$0x29B0] =	vst v1  }
0x2c: {  	[tilespmem:$0x29C0] =	vst v1  }
0x2d: {  	[tilespmem:$0x29D0] =	vst v1  }
0x2e: {  	[tilespmem:$0x29E0] =	vst v1  }
0x2f: {  	[tilespmem:$0x29F0] =	vst v1  }
0x30: {  	[tilespmem:$0x2A00] =	vst v1  }
0x31: {  	[tilespmem:$0x2A10] =	vst v1  }
0x32: {  	[tilespmem:$0x2A20] =	vst v1  }
0x33: {  	[tilespmem:$0x2A30] =	vst v1  }
0x34: {  	[tilespmem:$0x2A40] =	vst v1  }
0x35: {  	[tilespmem:$0x2A50] =	vst v1  }
0x36: {  	[tilespmem:$0x2A60] =	vst v1  }
0x37: {  	[tilespmem:$0x2A70] =	vst v1  }
0x38: {  	[tilespmem:$0x2A80] =	vst v1  }
0x39: {  	[tilespmem:$0x2A90] =	vst v1  }
0x3a: {  	[tilespmem:$0x2AA0] =	vst v1  }
0x3b: {  	[tilespmem:$0x2AB0] =	vst v1  }
0x3c: {  	[tilespmem:$0x2AC0] =	vst v1  }
0x3d: {  	[tilespmem:$0x2AD0] =	vst v1  }
0x3e: {  	[tilespmem:$0x2AE0] =	vst v1  }
0x3f: {  	[tilespmem:$0x2AF0] =	vst v1  }
0x40: {  	[spmem:s5] =	stream.linear.scatter [tilespmem:s8], [sflag:$0x3], $0x280, $0x38;
	[tilespmem:$0x2D80] =	vst v63  }
0x41: {  	_ =	swait.ge [sflag:s9], $0x280  }
0x42: {  	[sflag:s9] =	ssyncset.done $0x0  }
0x43: {  	[sflag:s9] =	ssyncadd.s32 $0xFFFFFD80  }
0x44: {  	[bflag:$0x0] =	sbarrier.arrive $0xFFFF  }
0x45: {  	_ =	swait.ge [sflag:s10], $0x2800  }
0x46: {  	[sflag:s10] =	ssyncset.done $0x0  }
0x47: {  	s19 =	simm.s32 $0x0;
	[sflag:s10] =	ssyncadd.s32 $0xFFFFD800  }
0x48: {  	[spmem:s2] =	stream.indirect.scatter.add.f32 [tilespmem:s12], [sflag:$0x2], $0x1, s19, s11, $0xb8;
	[tilespmem:$0x2D80] =	vst v63  }
0x49: {  	s24 =	simm.s32 $0x80  }
0x4a: {  	[spmem:s2] =	stream.indirect.scatter.add.f32 [tilespmem:s12], [sflag:$0x2], $0x1, s24, s11, $0xb8;
	[tilespmem:$0x2D80] =	vst v63  }
0x4b: {  	s25 =	simm.s32 $0x100  }
0x4c: {  	[spmem:s2] =	stream.indirect.scatter.add.f32 [tilespmem:s12], [sflag:$0x2], $0x1, s25, s11, $0xb8;
	[tilespmem:$0x2D80] =	vst v63  }
0x4d: {  	s26 =	simm.s32 $0x180  }
0x4e: {  	[spmem:s2] =	stream.indirect.scatter.add.f32 [tilespmem:s12], [sflag:$0x2], $0x1, s26, s11, $0xb8;
	[tilespmem:$0x2D80] =	vst v63  }
0x4f: {  	s28 =	simm.s32 $0x200  }
0x50: {  	[spmem:s2] =	stream.indirect.scatter.add.f32 [tilespmem:s12], [sflag:$0x2], $0x1, s28, s11, $0xb8;
	[tilespmem:$0x2D80] =	vst v63  }
0x51: {  	s29 =	simm.s32 $0x280  }
0x52: {  	[spmem:s2] =	stream.indirect.scatter.add.f32 [tilespmem:s12], [sflag:$0x2], $0x1, s29, s11, $0xb8;
	[tilespmem:$0x2D80] =	vst v63  }
0x53: {  	s30 =	simm.s32 $0x300  }
0x54: {  	[spmem:s2] =	stream.indirect.scatter.add.f32 [tilespmem:s12], [sflag:$0x2], $0x1, s30, s11, $0xb8;
	[tilespmem:$0x2D80] =	vst v63  }
0x55: {  	s31 =	simm.s32 $0x380  }
0x56: {  	[spmem:s2] =	stream.indirect.scatter.add.f32 [tilespmem:s12], [sflag:$0x2], $0x1, s31, s11, $0xb8;
	[tilespmem:$0x2D80] =	vst v63  }
0x57: {  	_ =	swait.ge [sflag:s13], $0x7D  }
0x58: {  	[sflag:s13] =	ssyncset.done $0x0  }
0x59: {  	[sflag:s13] =	ssyncadd.s32 $0xFFFFFF83  }
0x5a: {  	_ =	swait.ge [sflag:s13], $0x7D  }
0x5b: {  	[sflag:s13] =	ssyncset.done $0x0  }
0x5c: {  	[sflag:s13] =	ssyncadd.s32 $0xFFFFFF83  }
0x5d: {  	_ =	swait.ge [sflag:s13], $0x7D  }
0x5e: {  	[sflag:s13] =	ssyncset.done $0x0  }
0x5f: {  	[sflag:s13] =	ssyncadd.s32 $0xFFFFFF83  }
0x60: {  	_ =	swait.ge [sflag:s13], $0x7D  }
0x61: {  	[sflag:s13] =	ssyncset.done $0x0  }
0x62: {  	[sflag:s13] =	ssyncadd.s32 $0xFFFFFF83  }
0x63: {  	_ =	swait.ge [sflag:s13], $0x7D  }
0x64: {  	[sflag:s13] =	ssyncset.done $0x0  }
0x65: {  	[sflag:s13] =	ssyncadd.s32 $0xFFFFFF83  }
0x66: {  	_ =	swait.ge [sflag:s13], $0x7D  }
0x67: {  	[sflag:s13] =	ssyncset.done $0x0  }
0x68: {  	[sflag:s13] =	ssyncadd.s32 $0xFFFFFF83  }
0x69: {  	_ =	swait.ge [sflag:s13], $0x7D  }
0x6a: {  	[sflag:s13] =	ssyncset.done $0x0  }
0x6b: {  	[sflag:s13] =	ssyncadd.s32 $0xFFFFFF83  }
0x6c: {  	_ =	swait.ge [sflag:s13], $0x7D  }
0x6d: {  	s21 =	simm.s32 $0x2000;
	s19 =	simm.s32 $0x1000;
	[sflag:s13] =	ssyncset.done $0x0  }
.LBB2_2:
0x6e: {  	s22 =	sshra.s32 s19, $0x2  }
0x6f: {  	[sflag:s13] =	ssyncadd.s32 $0xFFFFFF83;
	s19 =	smov.u32 s21;
	s20 =	sadd.s32 $0x1000, s21  }
0x70: {  	[spmem:s2] =	stream.indirect.scatter.add.f32 [tilespmem:s12], [sflag:$0x2], $0x1, s22, s11, $0xb8;
	[tilespmem:$0x2D80] =	vst v63  }
0x71: {  	p0 =	sne.s32 s21, $0x9000;
	s21 =	sadd.s32 $0x80, s22  }
0x72: {  	[spmem:s2] =	stream.indirect.scatter.add.f32 [tilespmem:s12], [sflag:$0x2], $0x1, s21, s11, $0xb8;
	[tilespmem:$0x2D80] =	vst v63  }
0x73: {  	s21 =	sadd.s32 $0x100, s22  }
0x74: {  	[spmem:s2] =	stream.indirect.scatter.add.f32 [tilespmem:s12], [sflag:$0x2], $0x1, s21, s11, $0xb8;
	[tilespmem:$0x2D80] =	vst v63  }
0x75: {  	s21 =	sadd.s32 $0x180, s22  }
0x76: {  	[spmem:s2] =	stream.indirect.scatter.add.f32 [tilespmem:s12], [sflag:$0x2], $0x1, s21, s11, $0xb8;
	[tilespmem:$0x2D80] =	vst v63  }
0x77: {  	s21 =	sadd.s32 $0x200, s22  }
0x78: {  	[spmem:s2] =	stream.indirect.scatter.add.f32 [tilespmem:s12], [sflag:$0x2], $0x1, s21, s11, $0xb8;
	[tilespmem:$0x2D80] =	vst v63  }
0x79: {  	s21 =	sadd.s32 $0x280, s22  }
0x7a: {  	[spmem:s2] =	stream.indirect.scatter.add.f32 [tilespmem:s12], [sflag:$0x2], $0x1, s21, s11, $0xb8;
	[tilespmem:$0x2D80] =	vst v63  }
0x7b: {  	s21 =	sadd.s32 $0x300, s22  }
0x7c: {  	[spmem:s2] =	stream.indirect.scatter.add.f32 [tilespmem:s12], [sflag:$0x2], $0x1, s21, s11, $0xb8;
	[tilespmem:$0x2D80] =	vst v63  }
0x7d: {  	s21 =	sadd.s32 $0x380, s22  }
0x7e: {  	[spmem:s2] =	stream.indirect.scatter.add.f32 [tilespmem:s12], [sflag:$0x2], $0x1, s21, s11, $0xb8;
	[tilespmem:$0x2D80] =	vst v63  }
0x7f: {  	_ =	swait.ge [sflag:s13], $0x7D  }
0x80: {  	[sflag:s13] =	ssyncset.done $0x0  }
0x81: {  	[sflag:s13] =	ssyncadd.s32 $0xFFFFFF83  }
0x82: {  	_ =	swait.ge [sflag:s13], $0x7D  }
0x83: {  	[sflag:s13] =	ssyncset.done $0x0  }
0x84: {  	[sflag:s13] =	ssyncadd.s32 $0xFFFFFF83  }
0x85: {  	_ =	swait.ge [sflag:s13], $0x7D  }
0x86: {  	[sflag:s13] =	ssyncset.done $0x0  }
0x87: {  	[sflag:s13] =	ssyncadd.s32 $0xFFFFFF83  }
0x88: {  	_ =	swait.ge [sflag:s13], $0x7D  }
0x89: {  	[sflag:s13] =	ssyncset.done $0x0  }
0x8a: {  	[sflag:s13] =	ssyncadd.s32 $0xFFFFFF83  }
0x8b: {  	_ =	swait.ge [sflag:s13], $0x7D  }
0x8c: {  	[sflag:s13] =	ssyncset.done $0x0  }
0x8d: {  	[sflag:s13] =	ssyncadd.s32 $0xFFFFFF83  }
0x8e: {  	_ =	swait.ge [sflag:s13], $0x7D  }
0x8f: {  	[sflag:s13] =	ssyncset.done $0x0  }
0x90: {  	[sflag:s13] =	ssyncadd.s32 $0xFFFFFF83  }
.Ltmp0:
0x91: {  	_ =	swait.ge [sflag:s13], $0x7D;
	(pc) =	sbr.rel @p0 .LBB2_2-.Ltmp0, $4  }
0x92: {  	[sflag:s13] =	ssyncset.done $0x0  }
0x93: {  	[sflag:s13] =	ssyncadd.s32 $0xFFFFFF83  }
0x94: {  	_ =	swait.ge [sflag:s13], $0x7D  }
0x95: {  	s21 =	smov.u32 s20;
	[sflag:s13] =	ssyncset.done $0x0  }
0x96: {  	s19 =	sshra.s32 s19, $0x2;
	[sflag:s13] =	ssyncadd.s32 $0xFFFFFF83  }
0x97: {  	[spmem:s2] =	stream.indirect.scatter.add.f32 [tilespmem:s12], [sflag:$0x2], $0x1, s19, s11, $0xb8;
	[tilespmem:$0x2D80] =	vst v63  }
0x98: {  	s20 =	sadd.s32 $0x80, s19  }
0x99: {  	[spmem:s2] =	stream.indirect.scatter.add.f32 [tilespmem:s12], [sflag:$0x2], $0x1, s20, s11, $0xb8;
	[tilespmem:$0x2D80] =	vst v63  }
0x9a: {  	s26 =	sadd.s32 $0x100, s19  }
0x9b: {  	[spmem:s2] =	stream.indirect.scatter.add.f32 [tilespmem:s12], [sflag:$0x2], $0x1, s26, s11, $0xb8;
	[tilespmem:$0x2D80] =	vst v63  }
0x9c: {  	s28 =	sadd.s32 $0x180, s19  }
0x9d: {  	[spmem:s2] =	stream.indirect.scatter.add.f32 [tilespmem:s12], [sflag:$0x2], $0x1, s28, s11, $0xb8;
	[tilespmem:$0x2D80] =	vst v63  }
0x9e: {  	s29 =	sadd.s32 $0x200, s19  }
0x9f: {  	[spmem:s2] =	stream.indirect.scatter.add.f32 [tilespmem:s12], [sflag:$0x2], $0x1, s29, s11, $0xb8;
	[tilespmem:$0x2D80] =	vst v63  }
0xa0: {  	s30 =	sadd.s32 $0x280, s19  }
0xa1: {  	[spmem:s2] =	stream.indirect.scatter.add.f32 [tilespmem:s12], [sflag:$0x2], $0x1, s30, s11, $0xb8;
	[tilespmem:$0x2D80] =	vst v63  }
0xa2: {  	s31 =	sadd.s32 $0x300, s19  }
0xa3: {  	[spmem:s2] =	stream.indirect.scatter.add.f32 [tilespmem:s12], [sflag:$0x2], $0x1, s31, s11, $0xb8;
	[tilespmem:$0x2D80] =	vst v63  }
0xa4: {  	s19 =	sadd.s32 $0x380, s19  }
0xa5: {  	[spmem:s2] =	stream.indirect.scatter.add.f32 [tilespmem:s12], [sflag:$0x2], $0x1, s19, s11, $0xb8;
	[tilespmem:$0x2D80] =	vst v63  }
0xa6: {  	_ =	swait.ge [sflag:s13], $0x7D  }
0xa7: {  	[sflag:s13] =	ssyncset.done $0x0  }
0xa8: {  	[sflag:s13] =	ssyncadd.s32 $0xFFFFFF83  }
0xa9: {  	_ =	swait.ge [sflag:s13], $0x7D  }
0xaa: {  	[sflag:s13] =	ssyncset.done $0x0  }
0xab: {  	[sflag:s13] =	ssyncadd.s32 $0xFFFFFF83  }
0xac: {  	_ =	swait.ge [sflag:s13], $0x7D  }
0xad: {  	[sflag:s13] =	ssyncset.done $0x0  }
0xae: {  	[sflag:s13] =	ssyncadd.s32 $0xFFFFFF83  }
0xaf: {  	_ =	swait.ge [sflag:s13], $0x7D  }
0xb0: {  	[sflag:s13] =	ssyncset.done $0x0  }
0xb1: {  	[sflag:s13] =	ssyncadd.s32 $0xFFFFFF83  }
0xb2: {  	_ =	swait.ge [sflag:s13], $0x7D  }
0xb3: {  	[sflag:s13] =	ssyncset.done $0x0  }
0xb4: {  	[sflag:s13] =	ssyncadd.s32 $0xFFFFFF83  }
0xb5: {  	_ =	swait.ge [sflag:s13], $0x7D  }
0xb6: {  	[sflag:s13] =	ssyncset.done $0x0  }
0xb7: {  	[sflag:s13] =	ssyncadd.s32 $0xFFFFFF83  }
0xb8: {  	_ =	swait.ge [sflag:s13], $0x7D  }
0xb9: {  	[sflag:s13] =	ssyncset.done $0x0  }
0xba: {  	[sflag:s13] =	ssyncadd.s32 $0xFFFFFF83  }
0xbb: {  	_ =	swait.ge [sflag:s13], $0x7D  }
0xbc: {  	s18 =	sadd.s32 $0x1, s18;
	[sflag:s13] =	ssyncset.done $0x0  }
0xbd: {  	p0 =	sne.s32 s18, s7;
	[sflag:s13] =	ssyncadd.s32 $0xFFFFFF83  }
.Ltmp1:
0xbe: {  	[bflag:$0x0] =	sbarrier.arrive $0xFFFF;
	(pc) =	sbr.rel @p0 .LBB2_1-.Ltmp1, $4  }
0xbf: {  	[hbm:s6@s16], [sflag:s14] =	dma.strided [spmem:s15@s17], $0x50, s10, $0x10   }
0xc0: {  	_ =	swait.ge [sflag:s9], $0x50  }
0xc1: {  	[sflag:s9] =	ssyncset.done $0x0  }
0xc2: {  	[sflag:s9] =	ssyncadd.s32 $0xFFFFFFB0  }
0xc3: {  	_ =	sfence.sel $0x180000  }
0xc4: {  	[bflag:$0x0] =	sbarrier.arrive $0xFFFF  }
0xc5: {  	p0 =	sne.s32 s1, $0x0;
	_ =	strace $0x90000047  }
0xc6: {  	s0 =	sadd.s32 @!p0 $0x100000, s0;
	[bflag:$0x2] =	sbarrier.arrive $0xFFFF  }
0xc7: {  	[sflag:s0] =	ssyncadd.tile.s32 @!p0 $0x1;
	_ =	shalt  }
.Lfunc_end2:
_tile_overlayer_lowered:
.L_overlay_start_2:
0xc8: {  	(tag) =	ssettag $0x2  }
0xc9: {  	s0 =	rddreg [dreg:$0x0];
	s2 =	stileid.u32  }
0xca: {  	s1 =	rddreg [dreg:$0x1];
	p0 =	sne.s32 s2, $0x0  }
0xcb: {  	s3 =	rddreg [dreg:$0x2];
	[bflag:$0x3] =	sbarrier.arrive $0xFFFF;
	s2 =	simm.s32 @!p0 $0x1C03  }
0xcc: {  	[timem:s3], [sflag:s2] =	dma.local @!p0 [hbm:s0], s1  }
0xcd: {  	s0 =	simm.s32 @!p0 $0x3  }
0xce: {  	_ =	swait.ge @!p0 [sflag:s0], s1  }
0xcf: {  	s1 =	ssub.s32 @!p0 $0x0, s1;
	[sflag:s0] =	ssyncset.done @!p0 $0x0  }
0xd0: {  	[sflag:s0] =	ssyncadd.s32 @!p0 s1  }
0xd1: {  	[bflag:$0x3] =	sbarrier.arrive $0xFFFF  }
0xd2: {  	_ =	shalt  }

// kernel: kernel.13.cloned.1.call-start
scs
__scs_entry_jumppad:
0x0: {  	(pc) =	sbr.rel $0x88, $3  }
0x1: {  	(tag) =	ssettag $0x0;
	lr =	simm.s32 $0x1  }
0x2: {  	[smem:$0x3F98] =	sst lr;
	_ =	strace $0xD0000000  }
0x3: {  	_ = 	snop  }
0x4: {  	_ = 	snop  }
0x5: {  	_ = 	snop  }
0x6: {  	_ = 	snop  }
0x7: {  	_ = 	snop  }
__scs_overlays_trampoline_lowered:
0x8: {  	[smem:$0x3FA7] =	sst s0  }
0x9: {  	[smem:$0x3FA8] =	sst s1  }
0xa: {  	[smem:$0x3FA9] =	sst s2  }
0xb: {  	[smem:$0x3FAA] =	sst s3  }
0xc: {  	[smem:$0x3FAB] =	sst s4  }
0xd: {  	[smem:$0x3FAC] =	sst s5  }
0xe: {  	[smem:$0x3FAD] =	sst s6  }
0xf: {  	[smem:$0x3FAE] =	sst s7  }
0x10: {  	[smem:$0x3FAF] =	sst s8  }
0x11: {  	[smem:$0x3FB0] =	sst s9;
	s0 =	simm.s32 @!p0 $0x0  }
0x12: {  	s1 =	sld [smem:$0x3F96];
	s0 =	simm.s32 @p0 $0x1  }
0x13: {  	[smem:$0x3FB1] =	sst s0;
	s0 =	simm.s32 @!p1 $0x0  }
0x14: {  	s2 =	sld [smem:$0x3F95];
	s0 =	simm.s32 @p1 $0x1  }
0x15: {  	[smem:$0x3FB2] =	sst s0;
	s0 =	simm.s32 @!p2 $0x0  }
0x16: {  	s3 =	sld [smem:$0x3FDB];
	s0 =	simm.s32 @p2 $0x1  }
0x17: {  	s4 =	simm.s32 $0x1BF5;
	[smem:$0x3FB4] =	sst s0  }
0x18: {  	s0 =	sld [smem:$0x3F97];
	_ =	swait.ge [sflag:s4], $0x0  }
0x19: {  	s7 =	sld [smem:$0x3F98]  }
0x1a: {  	s8 =	sadd.s32 $0xFFFFE003, lr  }
0x1b: {  	s9 =	sadd.s32 $0xFFFFFEF7, lr;
	s5 =	simm.s32 $0xFFFFFFFF;
	p2 =	slt.u32 s8, $0xFFFFF086  }
0x1c: {  	p1 =	slt.u32 s9, $0xF7A;
	s5 =	simm.s32 @!p2 $0x0  }
0x1d: {  	s5 =	simm.s32 @p1 $0x1;
	p0 =	seq.s32 s7, s2  }
0x1e: {  	s7 =	smul.u32 @!p0 $0xF7A, s2;
	p2 =	seq.s32 @!p0 s5, $0x0  }
0x1f: {  	s9 =	smul.u32 $0xF7A, s1;
	s8 =	simm.s32 @!p0 $0x1BF5;
	p2 =	por !p2, p0  }
0x20: {  	[sflag:s8] =	ssyncset.s32 @!p0 $0xFFFFF086;
	s6 =	sadd.s32 @!p0 s3, s7;
	s7 =	simm.s32 @!p0 $0x108  }
0x21: {  	s3 =	sadd.s32 s3, s9;
	s6 =	sadd.s32 @!p0 $0x88, s6;
	s7 =	simm.s32 @p2 $0x1082  }
0x22: {  	[simem:s7], [sflag:s8] =	dma.local @!p0 [hbm:s6], $0xF7A  }
0x23: {  	s9 =	sor.u32 $0xD0000000, s2;
	s6 =	simm.s32 $0x108;
	_ =	swait.ge @!p0 [sflag:s8], $0x0  }
0x24: {  	s3 =	sadd.s32 $0x88, s3;
	s6 =	simm.s32 @!p1 $0x1082;
	[sflag:s4] =	ssyncset.s32 $0xFFFFF086  }
0x25: {  	[simem:s6], [sflag:s4] =	dma.local [hbm:s3], $0xF7A  }
0x26: {  	[smem:$0x3F98] =	sst s1;
	(tag) =	ssettag s2;
	_ =	strace s9  }
0x27: {  	s1 =	sld [smem:$0x3FA8]  }
0x28: {  	s2 =	sld [smem:$0x3FA9]  }
0x29: {  	s4 =	sld [smem:$0x3FAB]  }
0x2a: {  	p0 =	seq.s32 s5, $0x0;
	s5 =	sld [smem:$0x3FAC]  }
0x2b: {  	s6 =	sld [smem:$0x3FAD]  }
0x2c: {  	s7 =	sld [smem:$0x3FAE]  }
0x2d: {  	s3 =	simm.s32 $0x108;
	s8 =	sld [smem:$0x3FAF]  }
0x2e: {  	s3 =	simm.s32 @!p0 $0x1082;
	s9 =	sld [smem:$0x3FB0]  }
0x2f: {  	lr =	sadd.s32 s0, s3;
	s0 =	sld [smem:$0x3FA7]  }
0x30: {  	s3 =	sld [smem:$0x3FAA]  }
0x31: {  	[smem:$0x3FB3] =	sst s10  }
0x32: {  	s10 =	sld [smem:$0x3FB1];
	_ =	sdelay $0x3  }
0x33: {  	p0 =	seq.s32 s10, $0x1;
	s10 =	sld [smem:$0x3FB3];
	_ =	sdelay $0x3  }
0x34: {  	[smem:$0x3FB3] =	sst s10  }
0x35: {  	s10 =	sld [smem:$0x3FB2];
	_ =	sdelay $0x3  }
0x36: {  	p1 =	seq.s32 s10, $0x1;
	s10 =	sld [smem:$0x3FB3];
	_ =	sdelay $0x3  }
0x37: {  	[smem:$0x3FB3] =	sst s10  }
0x38: {  	s10 =	sld [smem:$0x3FB4]  }
0x39: {  	_ = 	snop;
	(pc) =	sbr.ind lr, $3  }
0x3a: {  	_ = 	snop  }
0x3b: {  	_ = 	snop  }
0x3c: {  	p2 =	seq.s32 s10, $0x1;
	s10 =	sld [smem:$0x3FB3]  }
0x3d: {  	_ =	shalt  }
0x3e: {  	_ =	shalt  }
0x3f: {  	_ =	shalt  }
0x40: {  	_ =	shalt  }
0x41: {  	_ =	shalt  }
0x42: {  	_ =	shalt  }
0x43: {  	_ =	shalt  }
0x44: {  	_ =	shalt  }
0x45: {  	_ =	shalt  }
0x46: {  	_ =	shalt  }
0x47: {  	_ =	shalt  }
0x48: {  	_ =	shalt  }
0x49: {  	_ =	shalt  }
0x4a: {  	_ =	shalt  }
0x4b: {  	_ =	shalt  }
0x4c: {  	_ =	shalt  }
0x4d: {  	_ =	shalt  }
0x4e: {  	_ =	shalt  }
0x4f: {  	_ =	shalt  }
0x50: {  	_ =	shalt  }
0x51: {  	_ =	shalt  }
0x52: {  	_ =	shalt  }
0x53: {  	_ =	shalt  }
0x54: {  	_ =	shalt  }
0x55: {  	_ =	shalt  }
0x56: {  	_ =	shalt  }
0x57: {  	_ =	shalt  }
0x58: {  	_ =	shalt  }
0x59: {  	_ =	shalt  }
0x5a: {  	_ =	shalt  }
0x5b: {  	_ =	shalt  }
0x5c: {  	_ =	shalt  }
0x5d: {  	_ =	shalt  }
0x5e: {  	_ =	shalt  }
0x5f: {  	_ =	shalt  }
0x60: {  	_ =	shalt  }
0x61: {  	_ =	shalt  }
0x62: {  	_ =	shalt  }
0x63: {  	_ =	shalt  }
0x64: {  	_ =	shalt  }
0x65: {  	_ =	shalt  }
0x66: {  	_ =	shalt  }
0x67: {  	_ =	shalt  }
0x68: {  	_ =	shalt  }
0x69: {  	_ =	shalt  }
0x6a: {  	_ =	shalt  }
0x6b: {  	_ =	shalt  }
0x6c: {  	_ =	shalt  }
0x6d: {  	_ =	shalt  }
0x6e: {  	_ =	shalt  }
0x6f: {  	_ =	shalt  }
0x70: {  	_ =	shalt  }
0x71: {  	_ =	shalt  }
0x72: {  	_ =	shalt  }
0x73: {  	_ =	shalt  }
0x74: {  	_ =	shalt  }
0x75: {  	_ =	shalt  }
0x76: {  	_ =	shalt  }
0x77: {  	_ =	shalt  }
0x78: {  	_ =	shalt  }
0x79: {  	_ =	shalt  }
0x7a: {  	_ =	shalt  }
0x7b: {  	_ =	shalt  }
0x7c: {  	_ =	shalt  }
0x7d: {  	_ =	shalt  }
0x7e: {  	_ =	shalt  }
0x7f: {  	_ =	shalt  }
0x80: {  	_ =	shalt  }
0x81: {  	_ =	shalt  }
0x82: {  	_ =	shalt  }
0x83: {  	_ =	shalt  }
0x84: {  	_ =	shalt  }
0x85: {  	_ =	shalt  }
0x86: {  	_ =	shalt  }
0x87: {  	_ =	shalt  }
.Lfunc_end0:
.L_simem_size_0:
called_computation.1_lowered:
.L_overlay_start_0:
0x88: {  	s2 =	sld [smem:$0x3FD9]  }
0x89: {  	s3 =	sld [smem:$0x3FFE];
	_ =	sdelay $0x1  }
0x8a: {  	s1 =	srdreg.scid  }
0x8b: {  	s0 =	sand.u32 $0x1, s1  }
0x8c: {  	s16 =	sshll.u32 s0, $0xA;
	s2 =	sadd.s32 s3, s2  }
0x8d: {  	s2 =	sadd.s32 s2, s16  }
0x8e: {  	[smem:$0x3FBF] =	sst s2  }
0x8f: {  	_ = 	snop  }
0x90: {  	(tm) =	ssettm $0x1  }
0x91: {  	s17 =	sld [smem:$0x3FFB];
	_ =	sdelay $0x3  }
0x92: {  	_ =	strace s17  }
0x93: {  	s2 =	sld [smem:$0x3FFC];
	_ =	sdelay $0x3  }
0x94: {  	_ =	strace s2  }
0x95: {  	s2 =	sld [smem:$0x3FFD];
	_ =	sdelay $0x3  }
0x96: {  	_ =	strace s2  }
0x97: {  	_ =	strace $0x8FFFFFFF  }
0x98: {  	s18 =	sld [smem:$0x3FDB];
	_ =	sdelay $0x1  }
0x99: {  	s19 =	simm.s32 $_scs_section_size  }
0x9a: {  	s4 =	simm.s32 $_size__tile_overlayer_lowered;
	s5 =	simm.s32 $_tile_overlayer_lowered  }
0x9b: {  	s22 =	simm.s32 $0x1BFF;
	s21 =	sshll.u32 s5, $0x1;
	s2 =	sadd.s32 s19, s18  }
0x9c: {  	s6 =	simm.s32 $0x0;
	s20 =	sshll.u32 s4, $0x1;
	s4 =	sadd.s32 s21, s2  }
0x9d: {  	[timem:s6], [sflag:s22] =	dma.local [hbm:s4], s20  }
0x9e: {  	_ =	swait.ge [sflag:s22], s20  }
0x9f: {  	s3 =	ssub.s32 $0x0, s20;
	[sflag:s22] =	ssyncset.done $0x0  }
0xa0: {  	[sflag:s22] =	ssyncadd.s32 s3;
	_ =	sdelay $0x1  }
0xa1: {  	s23 =	simm.s32 $0x1B8B  }
0xa2: {  	_ =	swait.ge [sflag:s23], $0x1  }
0xa3: {  	[sflag:s23] =	ssyncset.done $0x0  }
0xa4: {  	s25 =	simm.s32 $0x1B8E;
	s24 =	sld [smem:$0x3FFE];
	[sflag:s23] =	ssyncadd.s32 $0xFFFFFFFF  }
0xa5: {  	s26 =	simm.s32 $execute0_lowered;
	[smem:$0x3FD2] =	sst s25  }
0xa6: {  	s4 =	sshll.u32 s26, $0x1;
	_ =	strace $0x80000049;
	[dreg:$0x1] =	wrdreg $0xFFFFFFFF  }
0xa7: {  	s28 =	simm.s32 $_size_execute0_lowered;
	s2 =	sadd.s32 s2, s4;
	[dreg:$0x0] =	wrdreg $0x0  }
0xa8: {  	s4 =	sshll.u32 s28, $0x1;
	[dreg:$0x2] =	wrdreg s2  }
0xa9: {  	[dreg:$0x3] =	wrdreg s4  }
0xaa: {  	[dreg:$0x4] =	wrdreg $0xC0  }
0xab: {  	_ =	task [dreg:s6], $0x5FFFF  }
0xac: {  	[dreg:$0x1] =	wrdreg $0xFFFFFFFF  }
0xad: {  	[dreg:$0x0] =	wrdreg $0x60  }
0xae: {  	[dreg:$0x2] =	wrdreg s24  }
0xaf: {  	[dreg:$0x3] =	wrdreg $0x90000  }
0xb0: {  	[dreg:$0x4] =	wrdreg $0x9  }
0xb1: {  	_ =	task.clear_ibuf [dreg:s6], $0x5FFFF;
	_ =	strace $0x90000049  }
0xb2: {  	s29 =	simm.s32 $0x9;
	_ =	strace $0x8000004B  }
0xb3: {  	_ =	swait.ge [sflag:s29], $0x1  }
0xb4: {  	[sflag:s29] =	ssyncadd.s32 $0xFFFFFFFF  }
0xb5: {  	_ =	strace $0x9000004B  }
0xb6: {  	_ =	sfence  }
0xb7: {  	s30 =	sld [smem:$0x0];
	_ =	sdelay $0x2  }
0xb8: {  	s31 =	sshll.u32 s1, $0xD;
	s1 =	sshrl.u32 s1, $0x2  }
0xb9: {  	s3 =	sand.u32 $0x4000, s31;
	s1 =	sadd.s32 s1, s30  }
0xba: {  	s0 =	sor.u32 s3, s0;
	s1 =	sshll.u32 s1, $0x11  }
0xbb: {  	s0 =	sor.u32 s1, s0  }
0xbc: {  	s0 =	sadd.s32 $0x8F2B, s0  }
0xbd: {  	[sflag:s0] =	ssyncadd.remote.s32 $0x1  }
0xbe: {  	_ =	sfence.sel $0xFFFF  }
0xbf: {  	[dreg:$0x0] =	wrdreg $0xFFFFFFFF;
	(pc) =	sbr.abs _section_cstart, $3  }
0xc0: {  	[dreg:$0x1] =	wrdreg $0xFFFFFFFF  }
0xc1: {  	_ =	task.clear_ibuf [dreg:s6], $0x2FFFF;
	_ =	strace $0x9FFFFFFF  }
0xc2: {  	(tm) =	ssettm $0x7FFFFFFF  }
0xc3: {  	_ =	shalt  }
tec
execute0_lowered:
.L_overlay_start_1:
0x0: {  	(tag) =	ssettag $0x1  }
0x1: {  	s0 =	rddreg [dreg:$0x0]  }
0x2: {  	s1 =	rddreg [dreg:$0x1]  }
0x3: {  	s2 =	srdreg.scid;
	s10 =	stileid.u32  }
0x4: {  	s3 =	simm.s32 $0x0;
	s29 =	simm.s32 $0x2;
	s6 =	smul.u32 $0x14000, s10  }
0x5: {  	s28 =	simm.s32 $0xB00;
	s30 =	simm.s32 $0xA80;
	s9 =	smul.u32 $0x50000, s10  }
0x6: {  	s31 =	simm.s32 $0xC00;
	s2 =	sand.u32 $0x1, s2;
	s15 =	smul.u32 $0x5000, s10  }
0x7: {  	[smem:$0x7FF] =	sst s3;
	s5 =	smul.u32 $0x140000, s2;
	s4 =	sshll.u32 s2, $0x4  }
0x8: {  	_ =	strace $0x8000004A;
	s8 =	ssub.s32 $0x2, s2;
	s2 =	smul.u32 $0x50000, s2  }
0x9: {  	s7 =	sor.u32 s10, s4;
	s4 =	sadd.s32 $0x22A00, s0;
	s14 =	sshrl.u32 s8, $0x1  }
0xa: {  	s9 =	sshrl.u32 s9, $0x2;
	s10 =	simm.s32 $0xD80;
	s5 =	sadd.s32 s6, s5  }
0xb: {  	s12 =	smul.u32 $0x5000, s7;
	s17 =	sadd.s32 s9, s1;
	s7 =	ssub.s32 s8, s14  }
0xc: {  	s2 =	sadd.s32 s15, s2;
	s14 =	simm.s32 $0x4;
	s8 =	simm.s32 $0xC80  }
0xd: {  	s9 =	simm.s32 $0xE00;
	s18 =	sadd.s32 $0x3E80, s17;
	[dreg:$0x4] =	wrdreg s17  }
0xe: {  	s13 =	sshrl.u32 s5, $0x3;
	s19 =	sadd.s32 $0x7D00, s17;
	[dreg:$0x6] =	wrdreg s18  }
0xf: {  	s5 =	sadd.s32 $0xEA00, s0;
	s20 =	sadd.s32 $0xBB80, s17;
	[dreg:$0x7] =	wrdreg s19  }
0x10: {  	s21 =	sadd.s32 $0xFA00, s17;
	s22 =	sadd.s32 $0x13880, s17;
	[dreg:$0x8] =	wrdreg s20  }
0x11: {  	s23 =	sadd.s32 $0x1800, s2;
	s24 =	smax.u32 s7, $0x1;
	[dreg:$0x9] =	wrdreg s21  }
0x12: {  	s26 =	sadd.s32 $0x1000, s2;
	s2 =	simm.s32 $0xD00;
	[dreg:$0xa] =	wrdreg s22  }
0x13: {  	s0 =	sadd.s32 s13, s0;
	s6 =	sshrl.u32 s12, $0x3;
	[dreg:$0xc] =	wrdreg s24  }
0x14: {  	s25 =	sshrl.u32 s23, $0x3;
	[dreg:$0xd] =	wrdreg s26;
	s18 =	simm.s32 $0x3  }
0x15: {  	s19 =	simm.s32 $0x800;
	s20 =	simm.s32 $0x7D;
	s21 =	simm.s32 $0x1000  }
0x16: {  	s22 =	simm.s32 $0x5000;
	s23 =	simm.s32 $0x5;
	s24 =	simm.s32 $0xA00  }
.Ltmp0:
0x17: {  	s26 =	simm.s32 $0x980;
	s12 =	simm.s32 $0xE80;
	(pc) =	sbr.rel .LBB2_1-.Ltmp0, $4  }
0x18: {  	s13 =	simm.s32 $0x0;
	s11 =	sadd.s32 s5, s6;
	s0 =	sadd.s32 $0x4AA00, s0  }
0x19: {  	s6 =	simm.s32 $0xF80;
	[dreg:$0x3] =	wrdreg s11;
	s16 =	sadd.s32 $0x100, s11  }
0x1a: {  	[dreg:$0xb] =	wrdreg s0;
	s0 =	simm.s32 $0xB80;
	s11 =	simm.s32 $0xF00  }
0x1b: {  	v0 =	vimm.f32 $0.0e+00;
	[dreg:$0x5] =	wrdreg s16;
	s16 =	sadd.s32 s25, s5;
	s25 =	simm.s32 $0x1  }
.LBB2_6:
0x1c: {  	_ =	swait.ge [sflag:s29], $0x3E80  }
0x1d: {  	[sflag:s29] =	ssyncset.done $0x0  }
0x1e: {  	[sflag:s29] =	ssyncadd.s32 $0xFFFFC180  }
0x1f: {  	[spmem:s1] =	stream.indirect.scatter.add.f32 [tilespmem:s22], [sflag:$0x5], $0x80, s6, s20, $0xb8;
	[tilespmem:$0x1D000] =	vst v63  }
0x20: {  	_ =	swait.ge [sflag:s23], $0x3E80  }
0x21: {  	[sflag:s23] =	ssyncset.done $0x0  }
0x22: {  	[sflag:s23] =	ssyncadd.s32 $0xFFFFC180  }
0x23: {  	s7 =	stileid.u32;
	[bflag:$0x0] =	sbarrier.arrive $0xFFFF  }
0x24: {  	s7 =	sshll.u32 s7, $0x6;
	s17 =	rddreg [dreg:$0x4]  }
0x25: {  	s7 =	sor.u32 $0x1C05, s7;
	s15 =	rddreg [dreg:$0xb];
	s13 =	sshrl.u32 s17, $0x3  }
0x26: {  	[hbm:s15], [sflag:s7] =	dma.local [spmem:s13], $0x2800  }
0x27: {  	_ =	swait.ge [sflag:s23], $0x2800  }
0x28: {  	s7 =	rddreg [dreg:$0xe]  }
0x29: {  	s15 =	rddreg [dreg:$0xc];
	s13 =	sadd.s32 $0x1, s7  }
0x2a: {  	p0 =	sne.s32 s13, s15  }
.Ltmp1:
0x2b: {  	_ = 	snop;
	(pc) =	sbr.rel @!p0 .LBB2_7-.Ltmp1, $3  }
0x2c: {  	_ =	sdelay $0x1  }
0x2d: {  	[sflag:s23] =	ssyncset.done $0x0  }
0x2e: {  	[sflag:s23] =	ssyncadd.s32 $0xFFFFD800  }
.LBB2_1:
0x2f: {  	[dreg:$0xe] =	wrdreg s13  }
0x30: {  	s7 =	rddreg [dreg:$0x3];
	s13 =	simm.s32 $0x0;
	s15 =	simm.s32 $0x200  }
0x31: {  	[tilespmem:s3], [sflag:$0x3] =	stream.linear.gather [hbm4b:s7+s3], $0x800, $0x38;
	[tilespmem:$0x1D000] =	vst v63  }
.LBB2_2:
0x32: {  	p0 =	sne.s32 s15, $0xF800;
	[tilespmem:s13+$0x5070] =	vst v0  }
0x33: {  	[tilespmem:s13+$0x5000] =	vst v0  }
0x34: {  	[tilespmem:s13+$0x5010] =	vst v0  }
.Ltmp2:
0x35: {  	[tilespmem:s13+$0x5020] =	vst v0;
	(pc) =	sbr.rel @p0 .LBB2_2-.Ltmp2, $4  }
0x36: {  	[tilespmem:s13+$0x5030] =	vst v0  }
0x37: {  	[tilespmem:s13+$0x5040] =	vst v0  }
0x38: {  	[tilespmem:s13+$0x5050] =	vst v0  }
0x39: {  	[tilespmem:s13+$0x5060] =	vst v0;
	s13 =	sshra.s32 s15, $0x2;
	s15 =	sadd.s32 $0x200, s15  }
0x3a: {  	[tilespmem:s13+$0x5070] =	vst v0  }
0x3b: {  	[tilespmem:s13+$0x5000] =	vst v0  }
0x3c: {  	[tilespmem:s13+$0x5010] =	vst v0  }
0x3d: {  	[tilespmem:s13+$0x5020] =	vst v0  }
0x3e: {  	[tilespmem:s13+$0x5030] =	vst v0  }
0x3f: {  	[tilespmem:s13+$0x5040] =	vst v0  }
0x40: {  	[tilespmem:s13+$0x5050] =	vst v0  }
0x41: {  	[tilespmem:s13+$0x5060] =	vst v0  }
0x42: {  	_ =	swait.ge [sflag:s18], $0x800  }
0x43: {  	[sflag:s18] =	ssyncset.done $0x0  }
0x44: {  	s13 =	simm.s32 $0x0;
	s7 =	rddreg [dreg:$0x5];
	[sflag:s18] =	ssyncadd.s32 $0xFFFFF800  }
0x45: {  	[tilespmem:s19], [sflag:$0x4] =	stream.linear.gather [hbm4b:s7+s13], $0x800, $0x38;
	[tilespmem:$0x1D000] =	vst v63  }
0x46: {  	_ = 	snop  }
0x47: {  	[tilespmem:s21], [sflag:$0x1] =	stream.indirect.gather [hbm4b:s4+s20], $0x80, s13, s20, $0xb8;
	[tilespmem:$0x1D000] =	vst v63  }
0x48: {  	_ = 	snop  }
0x49: {  	[spmem:s17] =	stream.linear.scatter [tilespmem:s22], [sflag:$0x5], $0x3E80, $0x38;
	[tilespmem:$0x1D000] =	vst v63  }
0x4a: {  	_ =	swait.ge [sflag:s23], $0x3E80  }
0x4b: {  	[sflag:s23] =	ssyncset.done $0x0  }
0x4c: {  	s17 =	rddreg [dreg:$0x6];
	[sflag:s23] =	ssyncadd.s32 $0xFFFFC180  }
0x4d: {  	[spmem:s17] =	stream.linear.scatter [tilespmem:s22], [sflag:$0x5], $0x3E80, $0x38;
	[tilespmem:$0x1D000] =	vst v63  }
0x4e: {  	_ =	swait.ge [sflag:s23], $0x3E80  }
0x4f: {  	[sflag:s23] =	ssyncset.done $0x0  }
0x50: {  	s15 =	rddreg [dreg:$0x7];
	[sflag:s23] =	ssyncadd.s32 $0xFFFFC180  }
0x51: {  	[spmem:s15] =	stream.linear.scatter [tilespmem:s22], [sflag:$0x5], $0x3E80, $0x38;
	[tilespmem:$0x1D000] =	vst v63  }
0x52: {  	_ =	swait.ge [sflag:s23], $0x3E80  }
0x53: {  	[sflag:s23] =	ssyncset.done $0x0  }
0x54: {  	s17 =	rddreg [dreg:$0x8];
	[sflag:s23] =	ssyncadd.s32 $0xFFFFC180  }
0x55: {  	[spmem:s17] =	stream.linear.scatter [tilespmem:s22], [sflag:$0x5], $0x3E80, $0x38;
	[tilespmem:$0x1D000] =	vst v63  }
0x56: {  	_ =	swait.ge [sflag:s23], $0x3E80  }
0x57: {  	[sflag:s23] =	ssyncset.done $0x0  }
0x58: {  	s15 =	rddreg [dreg:$0x9];
	[sflag:s23] =	ssyncadd.s32 $0xFFFFC180  }
0x59: {  	[spmem:s15] =	stream.linear.scatter [tilespmem:s22], [sflag:$0x5], $0x3E80, $0x38;
	[tilespmem:$0x1D000] =	vst v63  }
0x5a: {  	_ =	swait.ge [sflag:s23], $0x3E80  }
0x5b: {  	[sflag:s23] =	ssyncset.done $0x0  }
0x5c: {  	s17 =	rddreg [dreg:$0xa];
	[sflag:s23] =	ssyncadd.s32 $0xFFFFC180  }
0x5d: {  	[spmem:s17] =	stream.linear.scatter [tilespmem:s22], [sflag:$0x5], $0x780, $0x38;
	[tilespmem:$0x1D000] =	vst v63  }
0x5e: {  	_ =	swait.ge [sflag:s23], $0x780  }
0x5f: {  	[sflag:s23] =	ssyncset.done $0x0  }
0x60: {  	[sflag:s23] =	ssyncadd.s32 $0xFFFFF880  }
0x61: {  	[bflag:$0x0] =	sbarrier.arrive $0xFFFF  }
0x62: {  	s15 =	rddreg [dreg:$0xd]  }
.LBB2_4:
0x63: {  	s7 =	simm.s32 $0x100  }
0x64: {  	[tilespmem:s22], [sflag:$0x2] =	stream.indirect.gather [hbm4b:s4+s20], $0x80, s7, s20, $0xb8;
	[tilespmem:$0x1D000] =	vst v63  }
0x65: {  	_ =	swait.ge [sflag:s25], $0x3E80  }
0x66: {  	[sflag:s25] =	ssyncset.done $0x0  }
0x67: {  	s17 =	simm.s32 $0x80;
	[sflag:s25] =	ssyncadd.s32 $0xFFFFC180  }
0x68: {  	[spmem:s1] =	stream.indirect.scatter.add.f32 [tilespmem:s21], [sflag:$0x5], $0x80, s17, s20, $0xb8;
	[tilespmem:$0x1D000] =	vst v63  }
0x69: {  	_ =	swait.ge [sflag:s23], $0x3E80  }
0x6a: {  	[sflag:s23] =	ssyncset.done $0x0  }
0x6b: {  	s17 =	simm.s32 $0x200;
	[sflag:s23] =	ssyncadd.s32 $0xFFFFC180  }
0x6c: {  	[tilespmem:s21], [sflag:$0x1] =	stream.indirect.gather [hbm4b:s4+s20], $0x80, s17, s20, $0xb8;
	[tilespmem:$0x1D000] =	vst v63  }
0x6d: {  	_ =	swait.ge [sflag:s29], $0x3E80  }
0x6e: {  	[sflag:s29] =	ssyncset.done $0x0  }
0x6f: {  	s17 =	simm.s32 $0x180;
	[sflag:s29] =	ssyncadd.s32 $0xFFFFC180  }
0x70: {  	[spmem:s1] =	stream.indirect.scatter.add.f32 [tilespmem:s22], [sflag:$0x5], $0x80, s17, s20, $0xb8;
	[tilespmem:$0x1D000] =	vst v63  }
0x71: {  	_ =	swait.ge [sflag:s23], $0x3E80  }
0x72: {  	[sflag:s23] =	ssyncset.done $0x0  }
0x73: {  	s17 =	simm.s32 $0x300;
	[sflag:s23] =	ssyncadd.s32 $0xFFFFC180  }
0x74: {  	[tilespmem:s22], [sflag:$0x2] =	stream.indirect.gather [hbm4b:s4+s20], $0x80, s17, s20, $0xb8;
	[tilespmem:$0x1D000] =	vst v63  }
0x75: {  	_ =	swait.ge [sflag:s25], $0x3E80  }
0x76: {  	[sflag:s25] =	ssyncset.done $0x0  }
0x77: {  	s17 =	simm.s32 $0x280;
	[sflag:s25] =	ssyncadd.s32 $0xFFFFC180  }
0x78: {  	[spmem:s1] =	stream.indirect.scatter.add.f32 [tilespmem:s21], [sflag:$0x5], $0x80, s17, s20, $0xb8;
	[tilespmem:$0x1D000] =	vst v63  }
0x79: {  	_ =	swait.ge [sflag:s23], $0x3E80  }
0x7a: {  	[sflag:s23] =	ssyncset.done $0x0  }
0x7b: {  	s17 =	simm.s32 $0x400;
	[sflag:s23] =	ssyncadd.s32 $0xFFFFC180  }
0x7c: {  	[tilespmem:s21], [sflag:$0x1] =	stream.indirect.gather [hbm4b:s4+s20], $0x80, s17, s20, $0xb8;
	[tilespmem:$0x1D000] =	vst v63  }
0x7d: {  	_ =	swait.ge [sflag:s29], $0x3E80  }
0x7e: {  	[sflag:s29] =	ssyncset.done $0x0  }
0x7f: {  	s17 =	simm.s32 $0x380;
	[sflag:s29] =	ssyncadd.s32 $0xFFFFC180  }
0x80: {  	[spmem:s1] =	stream.indirect.scatter.add.f32 [tilespmem:s22], [sflag:$0x5], $0x80, s17, s20, $0xb8;
	[tilespmem:$0x1D000] =	vst v63  }
0x81: {  	_ =	swait.ge [sflag:s23], $0x3E80  }
0x82: {  	[sflag:s23] =	ssyncset.done $0x0  }
0x83: {  	s17 =	simm.s32 $0x500;
	[sflag:s23] =	ssyncadd.s32 $0xFFFFC180  }
0x84: {  	[tilespmem:s22], [sflag:$0x2] =	stream.indirect.gather [hbm4b:s4+s20], $0x80, s17, s20, $0xb8;
	[tilespmem:$0x1D000] =	vst v63  }
0x85: {  	_ =	swait.ge [sflag:s25], $0x3E80  }
0x86: {  	[sflag:s25] =	ssyncset.done $0x0  }
0x87: {  	s17 =	simm.s32 $0x480;
	[sflag:s25] =	ssyncadd.s32 $0xFFFFC180  }
0x88: {  	[spmem:s1] =	stream.indirect.scatter.add.f32 [tilespmem:s21], [sflag:$0x5], $0x80, s17, s20, $0xb8;
	[tilespmem:$0x1D000] =	vst v63  }
0x89: {  	_ =	swait.ge [sflag:s23], $0x3E80  }
0x8a: {  	[sflag:s23] =	ssyncset.done $0x0  }
0x8b: {  	s17 =	simm.s32 $0x600;
	[sflag:s23] =	ssyncadd.s32 $0xFFFFC180  }
0x8c: {  	[tilespmem:s21], [sflag:$0x1] =	stream.indirect.gather [hbm4b:s4+s20], $0x80, s17, s20, $0xb8;
	[tilespmem:$0x1D000] =	vst v63  }
0x8d: {  	_ =	swait.ge [sflag:s29], $0x3E80  }
0x8e: {  	[sflag:s29] =	ssyncset.done $0x0  }
0x8f: {  	s17 =	simm.s32 $0x580;
	[sflag:s29] =	ssyncadd.s32 $0xFFFFC180  }
0x90: {  	[spmem:s1] =	stream.indirect.scatter.add.f32 [tilespmem:s22], [sflag:$0x5], $0x80, s17, s20, $0xb8;
	[tilespmem:$0x1D000] =	vst v63  }
0x91: {  	_ =	swait.ge [sflag:s23], $0x3E80  }
0x92: {  	[sflag:s23] =	ssyncset.done $0x0  }
0x93: {  	s17 =	simm.s32 $0x700;
	[sflag:s23] =	ssyncadd.s32 $0xFFFFC180  }
0x94: {  	[tilespmem:s22], [sflag:$0x2] =	stream.indirect.gather [hbm4b:s4+s20], $0x80, s17, s20, $0xb8;
	[tilespmem:$0x1D000] =	vst v63  }
0x95: {  	_ =	swait.ge [sflag:s25], $0x3E80  }
0x96: {  	[sflag:s25] =	ssyncset.done $0x0  }
0x97: {  	s17 =	simm.s32 $0x680;
	[sflag:s25] =	ssyncadd.s32 $0xFFFFC180  }
0x98: {  	[spmem:s1] =	stream.indirect.scatter.add.f32 [tilespmem:s21], [sflag:$0x5], $0x80, s17, s20, $0xb8;
	[tilespmem:$0x1D000] =	vst v63  }
0x99: {  	_ =	swait.ge [sflag:s23], $0x3E80  }
0x9a: {  	[sflag:s23] =	ssyncset.done $0x0  }
0x9b: {  	[sflag:s23] =	ssyncadd.s32 $0xFFFFC180  }
0x9c: {  	_ =	swait.ge [sflag:s14], $0x800  }
0x9d: {  	[sflag:s14] =	ssyncset.done $0x0  }
0x9e: {  	[sflag:s14] =	ssyncadd.s32 $0xFFFFF800  }
0x9f: {  	[tilespmem:s21], [sflag:$0x1] =	stream.indirect.gather [hbm4b:s4+s20], $0x80, s19, s20, $0xb8;
	[tilespmem:$0x1D000] =	vst v63  }
0xa0: {  	_ =	swait.ge [sflag:s29], $0x3E80  }
0xa1: {  	[sflag:s29] =	ssyncset.done $0x0  }
0xa2: {  	s17 =	simm.s32 $0x780;
	[sflag:s29] =	ssyncadd.s32 $0xFFFFC180  }
0xa3: {  	[spmem:s1] =	stream.indirect.scatter.add.f32 [tilespmem:s22], [sflag:$0x5], $0x80, s17, s20, $0xb8;
	[tilespmem:$0x1D000] =	vst v63  }
0xa4: {  	p0 =	seq.s32 s13, $0x800;
	_ =	swait.ge [sflag:s23], $0x3E80  }
0xa5: {  	s17 =	sshrl.u32 @!p0 s15, $0x3;
	[sflag:s23] =	ssyncset.done $0x0  }
0xa6: {  	s7 =	simm.s32 @!p0 $0x0;
	s17 =	sadd.s32 @!p0 s5, s17;
	[sflag:s23] =	ssyncadd.s32 $0xFFFFC180  }
0xa7: {  	[tilespmem:s7], [sflag:$0x3] =	stream.linear.gather @!p0 [hbm4b:s17+s7], $0x800, $0x38;
	[tilespmem:$0x1D000] =	vst v63  }
0xa8: {  	s17 =	simm.s32 $0x900  }
0xa9: {  	[tilespmem:s22], [sflag:$0x2] =	stream.indirect.gather [hbm4b:s4+s20], $0x80, s17, s20, $0xb8;
	[tilespmem:$0x1D000] =	vst v63  }
0xaa: {  	_ =	swait.ge [sflag:s25], $0x3E80  }
0xab: {  	[sflag:s25] =	ssyncset.done $0x0  }
0xac: {  	s17 =	simm.s32 $0x880;
	[sflag:s25] =	ssyncadd.s32 $0xFFFFC180  }
0xad: {  	[spmem:s1] =	stream.indirect.scatter.add.f32 [tilespmem:s21], [sflag:$0x5], $0x80, s17, s20, $0xb8;
	[tilespmem:$0x1D000] =	vst v63  }
0xae: {  	_ =	swait.ge [sflag:s23], $0x3E80  }
0xaf: {  	[sflag:s23] =	ssyncset.done $0x0  }
0xb0: {  	[sflag:s23] =	ssyncadd.s32 $0xFFFFC180  }
0xb1: {  	[tilespmem:s21], [sflag:$0x1] =	stream.indirect.gather [hbm4b:s4+s20], $0x80, s24, s20, $0xb8;
	[tilespmem:$0x1D000] =	vst v63  }
0xb2: {  	_ =	swait.ge [sflag:s29], $0x3E80  }
0xb3: {  	[sflag:s29] =	ssyncset.done $0x0  }
0xb4: {  	[sflag:s29] =	ssyncadd.s32 $0xFFFFC180  }
0xb5: {  	[spmem:s1] =	stream.indirect.scatter.add.f32 [tilespmem:s22], [sflag:$0x5], $0x80, s26, s20, $0xb8;
	[tilespmem:$0x1D000] =	vst v63  }
0xb6: {  	_ =	swait.ge [sflag:s23], $0x3E80  }
0xb7: {  	[sflag:s23] =	ssyncset.done $0x0  }
0xb8: {  	[sflag:s23] =	ssyncadd.s32 $0xFFFFC180  }
0xb9: {  	[tilespmem:s22], [sflag:$0x2] =	stream.indirect.gather [hbm4b:s4+s20], $0x80, s28, s20, $0xb8;
	[tilespmem:$0x1D000] =	vst v63  }
0xba: {  	_ =	swait.ge [sflag:s25], $0x3E80  }
0xbb: {  	[sflag:s25] =	ssyncset.done $0x0  }
0xbc: {  	[sflag:s25] =	ssyncadd.s32 $0xFFFFC180  }
0xbd: {  	[spmem:s1] =	stream.indirect.scatter.add.f32 [tilespmem:s21], [sflag:$0x5], $0x80, s30, s20, $0xb8;
	[tilespmem:$0x1D000] =	vst v63  }
0xbe: {  	_ =	swait.ge [sflag:s23], $0x3E80  }
0xbf: {  	[sflag:s23] =	ssyncset.done $0x0  }
0xc0: {  	[sflag:s23] =	ssyncadd.s32 $0xFFFFC180  }
0xc1: {  	[tilespmem:s21], [sflag:$0x1] =	stream.indirect.gather [hbm4b:s4+s20], $0x80, s31, s20, $0xb8;
	[tilespmem:$0x1D000] =	vst v63  }
0xc2: {  	_ =	swait.ge [sflag:s29], $0x3E80  }
0xc3: {  	[sflag:s29] =	ssyncset.done $0x0  }
0xc4: {  	[sflag:s29] =	ssyncadd.s32 $0xFFFFC180  }
0xc5: {  	[spmem:s1] =	stream.indirect.scatter.add.f32 [tilespmem:s22], [sflag:$0x5], $0x80, s0, s20, $0xb8;
	[tilespmem:$0x1D000] =	vst v63  }
0xc6: {  	_ =	swait.ge [sflag:s23], $0x3E80  }
0xc7: {  	[sflag:s23] =	ssyncset.done $0x0  }
0xc8: {  	[sflag:s23] =	ssyncadd.s32 $0xFFFFC180  }
0xc9: {  	[tilespmem:s22], [sflag:$0x2] =	stream.indirect.gather [hbm4b:s4+s20], $0x80, s2, s20, $0xb8;
	[tilespmem:$0x1D000] =	vst v63  }
0xca: {  	_ =	swait.ge [sflag:s25], $0x3E80  }
0xcb: {  	[sflag:s25] =	ssyncset.done $0x0  }
0xcc: {  	[sflag:s25] =	ssyncadd.s32 $0xFFFFC180  }
0xcd: {  	[spmem:s1] =	stream.indirect.scatter.add.f32 [tilespmem:s21], [sflag:$0x5], $0x80, s8, s20, $0xb8;
	[tilespmem:$0x1D000] =	vst v63  }
0xce: {  	_ =	swait.ge [sflag:s23], $0x3E80  }
0xcf: {  	[sflag:s23] =	ssyncset.done $0x0  }
0xd0: {  	[sflag:s23] =	ssyncadd.s32 $0xFFFFC180  }
0xd1: {  	[tilespmem:s21], [sflag:$0x1] =	stream.indirect.gather [hbm4b:s4+s20], $0x80, s9, s20, $0xb8;
	[tilespmem:$0x1D000] =	vst v63  }
0xd2: {  	_ =	swait.ge [sflag:s29], $0x3E80  }
0xd3: {  	[sflag:s29] =	ssyncset.done $0x0  }
0xd4: {  	[sflag:s29] =	ssyncadd.s32 $0xFFFFC180  }
0xd5: {  	[spmem:s1] =	stream.indirect.scatter.add.f32 [tilespmem:s22], [sflag:$0x5], $0x80, s10, s20, $0xb8;
	[tilespmem:$0x1D000] =	vst v63  }
0xd6: {  	_ =	swait.ge [sflag:s23], $0x3E80  }
0xd7: {  	[sflag:s23] =	ssyncset.done $0x0  }
0xd8: {  	[sflag:s23] =	ssyncadd.s32 $0xFFFFC180  }
0xd9: {  	[tilespmem:s22], [sflag:$0x2] =	stream.indirect.gather [hbm4b:s4+s20], $0x80, s11, s20, $0xb8;
	[tilespmem:$0x1D000] =	vst v63  }
0xda: {  	_ =	swait.ge [sflag:s25], $0x3E80  }
0xdb: {  	[sflag:s25] =	ssyncset.done $0x0  }
.Ltmp3:
0xdc: {  	[sflag:s25] =	ssyncadd.s32 $0xFFFFC180;
	(pc) =	sbr.rel @p0 .LBB2_6-.Ltmp3, $4  }
0xdd: {  	[spmem:s1] =	stream.indirect.scatter.add.f32 [tilespmem:s21], [sflag:$0x5], $0x80, s12, s20, $0xb8;
	[tilespmem:$0x1D000] =	vst v63  }
0xde: {  	_ =	swait.ge [sflag:s23], $0x3E80  }
0xdf: {  	[sflag:s23] =	ssyncset.done $0x0  }
0xe0: {  	[sflag:s23] =	ssyncadd.s32 $0xFFFFC180  }
0xe1: {  	_ =	swait.ge [sflag:s18], $0x800  }
0xe2: {  	[sflag:s18] =	ssyncset.done $0x0  }
0xe3: {  	[sflag:s18] =	ssyncadd.s32 $0xFFFFF800  }
0xe4: {  	[tilespmem:s21], [sflag:$0x1] =	stream.indirect.gather [hbm4b:s4+s20], $0x80, s3, s20, $0xb8;
	[tilespmem:$0x1D000] =	vst v63  }
0xe5: {  	_ =	swait.ge [sflag:s29], $0x3E80  }
0xe6: {  	[sflag:s29] =	ssyncset.done $0x0  }
0xe7: {  	[sflag:s29] =	ssyncadd.s32 $0xFFFFC180  }
0xe8: {  	[spmem:s1] =	stream.indirect.scatter.add.f32 [tilespmem:s22], [sflag:$0x5], $0x80, s6, s20, $0xb8;
	[tilespmem:$0x1D000] =	vst v63  }
.Ltmp4:
0xe9: {  	_ = 	snop;
	(pc) =	sbr.rel .LBB2_4-.Ltmp4, $4  }
0xea: {  	_ =	swait.ge [sflag:s23], $0x3E80  }
0xeb: {  	s7 =	sadd.s32 s13, s16;
	[sflag:s23] =	ssyncset.done $0x0  }
0xec: {  	s13 =	sadd.s32 $0x200, s13;
	s15 =	sadd.s32 $0x1000, s15;
	[sflag:s23] =	ssyncadd.s32 $0xFFFFC180  }
0xed: {  	[tilespmem:s19], [sflag:$0x4] =	stream.linear.gather [hbm4b:s7+s3], $0x800, $0x38;
	[tilespmem:$0x1D000] =	vst v63  }
.LBB2_7:
0xee: {  	_ =	sfence.sel $0x180000  }
0xef: {  	[bflag:$0x0] =	sbarrier.arrive $0xFFFF  }
0xf0: {  	_ =	strace $0x9000004A  }
0xf1: {  	s0 =	stileid.u32;
	[bflag:$0x2] =	sbarrier.arrive $0xFFFF  }
0xf2: {  	p0 =	sne.s32 s0, $0x0;
	s0 =	rddreg [dreg:$0x2]  }
0xf3: {  	s0 =	sadd.s32 @!p0 $0x100000, s0  }
0xf4: {  	[sflag:s0] =	ssyncadd.tile.s32 @!p0 $0x1;
	_ =	shalt  }
.Lfunc_end2:
_tile_overlayer_lowered:
.L_overlay_start_2:
0xf5: {  	(tag) =	ssettag $0x2  }
0xf6: {  	s0 =	rddreg [dreg:$0x0];
	s2 =	stileid.u32  }
0xf7: {  	s1 =	rddreg [dreg:$0x1];
	p0 =	sne.s32 s2, $0x0  }
0xf8: {  	s3 =	rddreg [dreg:$0x2];
	[bflag:$0x3] =	sbarrier.arrive $0xFFFF;
	s2 =	simm.s32 @!p0 $0x1C05  }
0xf9: {  	[timem:s3], [sflag:s2] =	dma.local @!p0 [hbm:s0], s1  }
0xfa: {  	s0 =	simm.s32 @!p0 $0x5  }
0xfb: {  	_ =	swait.ge @!p0 [sflag:s0], s1  }
0xfc: {  	s1 =	ssub.s32 @!p0 $0x0, s1;
	[sflag:s0] =	ssyncset.done @!p0 $0x0  }
0xfd: {  	[sflag:s0] =	ssyncadd.s32 @!p0 s1  }
0xfe: {  	[bflag:$0x3] =	sbarrier.arrive $0xFFFF  }
0xff: {  	_ =	shalt  }

// kernel: kernel.16.cloned.1.call-start
scs
__scs_entry_jumppad:
0x0: {  	(pc) =	sbr.rel $0x88, $3  }
0x1: {  	(tag) =	ssettag $0x0;
	lr =	simm.s32 $0x1  }
0x2: {  	[smem:$0x3F98] =	sst lr;
	_ =	strace $0xD0000000  }
0x3: {  	_ = 	snop  }
0x4: {  	_ = 	snop  }
0x5: {  	_ = 	snop  }
0x6: {  	_ = 	snop  }
0x7: {  	_ = 	snop  }
__scs_overlays_trampoline_lowered:
0x8: {  	[smem:$0x3FA7] =	sst s0  }
0x9: {  	[smem:$0x3FA8] =	sst s1  }
0xa: {  	[smem:$0x3FA9] =	sst s2  }
0xb: {  	[smem:$0x3FAA] =	sst s3  }
0xc: {  	[smem:$0x3FAB] =	sst s4  }
0xd: {  	[smem:$0x3FAC] =	sst s5  }
0xe: {  	[smem:$0x3FAD] =	sst s6  }
0xf: {  	[smem:$0x3FAE] =	sst s7  }
0x10: {  	[smem:$0x3FAF] =	sst s8  }
0x11: {  	[smem:$0x3FB0] =	sst s9;
	s0 =	simm.s32 @!p0 $0x0  }
0x12: {  	s1 =	sld [smem:$0x3F96];
	s0 =	simm.s32 @p0 $0x1  }
0x13: {  	[smem:$0x3FB1] =	sst s0;
	s0 =	simm.s32 @!p1 $0x0  }
0x14: {  	s2 =	sld [smem:$0x3F95];
	s0 =	simm.s32 @p1 $0x1  }
0x15: {  	[smem:$0x3FB2] =	sst s0;
	s0 =	simm.s32 @!p2 $0x0  }
0x16: {  	s3 =	sld [smem:$0x3FDB];
	s0 =	simm.s32 @p2 $0x1  }
0x17: {  	s4 =	simm.s32 $0x1BF5;
	[smem:$0x3FB4] =	sst s0  }
0x18: {  	s0 =	sld [smem:$0x3F97];
	_ =	swait.ge [sflag:s4], $0x0  }
0x19: {  	s7 =	sld [smem:$0x3F98]  }
0x1a: {  	s8 =	sadd.s32 $0xFFFFE003, lr  }
0x1b: {  	s9 =	sadd.s32 $0xFFFFFEF7, lr;
	s5 =	simm.s32 $0xFFFFFFFF;
	p2 =	slt.u32 s8, $0xFFFFF086  }
0x1c: {  	p1 =	slt.u32 s9, $0xF7A;
	s5 =	simm.s32 @!p2 $0x0  }
0x1d: {  	s5 =	simm.s32 @p1 $0x1;
	p0 =	seq.s32 s7, s2  }
0x1e: {  	s7 =	smul.u32 @!p0 $0xF7A, s2;
	p2 =	seq.s32 @!p0 s5, $0x0  }
0x1f: {  	s9 =	smul.u32 $0xF7A, s1;
	s8 =	simm.s32 @!p0 $0x1BF5;
	p2 =	por !p2, p0  }
0x20: {  	[sflag:s8] =	ssyncset.s32 @!p0 $0xFFFFF086;
	s6 =	sadd.s32 @!p0 s3, s7;
	s7 =	simm.s32 @!p0 $0x108  }
0x21: {  	s3 =	sadd.s32 s3, s9;
	s6 =	sadd.s32 @!p0 $0x88, s6;
	s7 =	simm.s32 @p2 $0x1082  }
0x22: {  	[simem:s7], [sflag:s8] =	dma.local @!p0 [hbm:s6], $0xF7A  }
0x23: {  	s9 =	sor.u32 $0xD0000000, s2;
	s6 =	simm.s32 $0x108;
	_ =	swait.ge @!p0 [sflag:s8], $0x0  }
0x24: {  	s3 =	sadd.s32 $0x88, s3;
	s6 =	simm.s32 @!p1 $0x1082;
	[sflag:s4] =	ssyncset.s32 $0xFFFFF086  }
0x25: {  	[simem:s6], [sflag:s4] =	dma.local [hbm:s3], $0xF7A  }
0x26: {  	[smem:$0x3F98] =	sst s1;
	(tag) =	ssettag s2;
	_ =	strace s9  }
0x27: {  	s1 =	sld [smem:$0x3FA8]  }
0x28: {  	s2 =	sld [smem:$0x3FA9]  }
0x29: {  	s4 =	sld [smem:$0x3FAB]  }
0x2a: {  	p0 =	seq.s32 s5, $0x0;
	s5 =	sld [smem:$0x3FAC]  }
0x2b: {  	s6 =	sld [smem:$0x3FAD]  }
0x2c: {  	s7 =	sld [smem:$0x3FAE]  }
0x2d: {  	s3 =	simm.s32 $0x108;
	s8 =	sld [smem:$0x3FAF]  }
0x2e: {  	s3 =	simm.s32 @!p0 $0x1082;
	s9 =	sld [smem:$0x3FB0]  }
0x2f: {  	lr =	sadd.s32 s0, s3;
	s0 =	sld [smem:$0x3FA7]  }
0x30: {  	s3 =	sld [smem:$0x3FAA]  }
0x31: {  	[smem:$0x3FB3] =	sst s10  }
0x32: {  	s10 =	sld [smem:$0x3FB1];
	_ =	sdelay $0x3  }
0x33: {  	p0 =	seq.s32 s10, $0x1;
	s10 =	sld [smem:$0x3FB3];
	_ =	sdelay $0x3  }
0x34: {  	[smem:$0x3FB3] =	sst s10  }
0x35: {  	s10 =	sld [smem:$0x3FB2];
	_ =	sdelay $0x3  }
0x36: {  	p1 =	seq.s32 s10, $0x1;
	s10 =	sld [smem:$0x3FB3];
	_ =	sdelay $0x3  }
0x37: {  	[smem:$0x3FB3] =	sst s10  }
0x38: {  	s10 =	sld [smem:$0x3FB4]  }
0x39: {  	_ = 	snop;
	(pc) =	sbr.ind lr, $3  }
0x3a: {  	_ = 	snop  }
0x3b: {  	_ = 	snop  }
0x3c: {  	p2 =	seq.s32 s10, $0x1;
	s10 =	sld [smem:$0x3FB3]  }
0x3d: {  	_ =	shalt  }
0x3e: {  	_ =	shalt  }
0x3f: {  	_ =	shalt  }
0x40: {  	_ =	shalt  }
0x41: {  	_ =	shalt  }
0x42: {  	_ =	shalt  }
0x43: {  	_ =	shalt  }
0x44: {  	_ =	shalt  }
0x45: {  	_ =	shalt  }
0x46: {  	_ =	shalt  }
0x47: {  	_ =	shalt  }
0x48: {  	_ =	shalt  }
0x49: {  	_ =	shalt  }
0x4a: {  	_ =	shalt  }
0x4b: {  	_ =	shalt  }
0x4c: {  	_ =	shalt  }
0x4d: {  	_ =	shalt  }
0x4e: {  	_ =	shalt  }
0x4f: {  	_ =	shalt  }
0x50: {  	_ =	shalt  }
0x51: {  	_ =	shalt  }
0x52: {  	_ =	shalt  }
0x53: {  	_ =	shalt  }
0x54: {  	_ =	shalt  }
0x55: {  	_ =	shalt  }
0x56: {  	_ =	shalt  }
0x57: {  	_ =	shalt  }
0x58: {  	_ =	shalt  }
0x59: {  	_ =	shalt  }
0x5a: {  	_ =	shalt  }
0x5b: {  	_ =	shalt  }
0x5c: {  	_ =	shalt  }
0x5d: {  	_ =	shalt  }
0x5e: {  	_ =	shalt  }
0x5f: {  	_ =	shalt  }
0x60: {  	_ =	shalt  }
0x61: {  	_ =	shalt  }
0x62: {  	_ =	shalt  }
0x63: {  	_ =	shalt  }
0x64: {  	_ =	shalt  }
0x65: {  	_ =	shalt  }
0x66: {  	_ =	shalt  }
0x67: {  	_ =	shalt  }
0x68: {  	_ =	shalt  }
0x69: {  	_ =	shalt  }
0x6a: {  	_ =	shalt  }
0x6b: {  	_ =	shalt  }
0x6c: {  	_ =	shalt  }
0x6d: {  	_ =	shalt  }
0x6e: {  	_ =	shalt  }
0x6f: {  	_ =	shalt  }
0x70: {  	_ =	shalt  }
0x71: {  	_ =	shalt  }
0x72: {  	_ =	shalt  }
0x73: {  	_ =	shalt  }
0x74: {  	_ =	shalt  }
0x75: {  	_ =	shalt  }
0x76: {  	_ =	shalt  }
0x77: {  	_ =	shalt  }
0x78: {  	_ =	shalt  }
0x79: {  	_ =	shalt  }
0x7a: {  	_ =	shalt  }
0x7b: {  	_ =	shalt  }
0x7c: {  	_ =	shalt  }
0x7d: {  	_ =	shalt  }
0x7e: {  	_ =	shalt  }
0x7f: {  	_ =	shalt  }
0x80: {  	_ =	shalt  }
0x81: {  	_ =	shalt  }
0x82: {  	_ =	shalt  }
0x83: {  	_ =	shalt  }
0x84: {  	_ =	shalt  }
0x85: {  	_ =	shalt  }
0x86: {  	_ =	shalt  }
0x87: {  	_ =	shalt  }
.Lfunc_end0:
.L_simem_size_0:
called_computation.2_lowered:
.L_overlay_start_0:
0x88: {  	s2 =	sld [smem:$0x3FD9]  }
0x89: {  	s3 =	sld [smem:$0x3FFE];
	_ =	sdelay $0x1  }
0x8a: {  	s1 =	srdreg.scid  }
0x8b: {  	s0 =	sand.u32 $0x1, s1  }
0x8c: {  	s16 =	sshll.u32 s0, $0xA;
	s2 =	sadd.s32 s3, s2  }
0x8d: {  	s2 =	sadd.s32 s2, s16  }
0x8e: {  	[smem:$0x3FBF] =	sst s2  }
0x8f: {  	_ = 	snop  }
0x90: {  	(tm) =	ssettm $0x1  }
0x91: {  	s17 =	sld [smem:$0x3FFB];
	_ =	sdelay $0x3  }
0x92: {  	_ =	strace s17  }
0x93: {  	s2 =	sld [smem:$0x3FFC];
	_ =	sdelay $0x3  }
0x94: {  	_ =	strace s2  }
0x95: {  	s2 =	sld [smem:$0x3FFD];
	_ =	sdelay $0x3  }
0x96: {  	_ =	strace s2  }
0x97: {  	_ =	strace $0x8FFFFFFF  }
0x98: {  	s18 =	sld [smem:$0x3FDB];
	_ =	sdelay $0x1  }
0x99: {  	s19 =	simm.s32 $_scs_section_size  }
0x9a: {  	s4 =	simm.s32 $_size__tile_overlayer_lowered;
	s5 =	simm.s32 $_tile_overlayer_lowered  }
0x9b: {  	s22 =	simm.s32 $0x1BFF;
	s21 =	sshll.u32 s5, $0x1;
	s2 =	sadd.s32 s19, s18  }
0x9c: {  	s6 =	simm.s32 $0x0;
	s20 =	sshll.u32 s4, $0x1;
	s4 =	sadd.s32 s21, s2  }
0x9d: {  	[timem:s6], [sflag:s22] =	dma.local [hbm:s4], s20  }
0x9e: {  	_ =	swait.ge [sflag:s22], s20  }
0x9f: {  	s3 =	ssub.s32 $0x0, s20;
	[sflag:s22] =	ssyncset.done $0x0  }
0xa0: {  	[sflag:s22] =	ssyncadd.s32 s3;
	_ =	sdelay $0x1  }
0xa1: {  	s23 =	simm.s32 $0x1B8B  }
0xa2: {  	_ =	swait.ge [sflag:s23], $0x1  }
0xa3: {  	[sflag:s23] =	ssyncset.done $0x0  }
0xa4: {  	s25 =	simm.s32 $0x1B8E;
	s24 =	sld [smem:$0x3FFE];
	[sflag:s23] =	ssyncadd.s32 $0xFFFFFFFF  }
0xa5: {  	s26 =	simm.s32 $execute0_lowered;
	[smem:$0x3FD2] =	sst s25  }
0xa6: {  	s4 =	sshll.u32 s26, $0x1;
	_ =	strace $0x8000004C;
	[dreg:$0x1] =	wrdreg $0xFFFFFFFF  }
0xa7: {  	s28 =	simm.s32 $_size_execute0_lowered;
	s2 =	sadd.s32 s2, s4;
	[dreg:$0x0] =	wrdreg $0x0  }
0xa8: {  	s4 =	sshll.u32 s28, $0x1;
	[dreg:$0x2] =	wrdreg s2  }
0xa9: {  	[dreg:$0x3] =	wrdreg s4  }
0xaa: {  	[dreg:$0x4] =	wrdreg $0xC0  }
0xab: {  	_ =	task [dreg:s6], $0x5FFFF  }
0xac: {  	[dreg:$0x1] =	wrdreg $0xFFFFFFFF  }
0xad: {  	[dreg:$0x0] =	wrdreg $0x60  }
0xae: {  	[dreg:$0x2] =	wrdreg s24  }
0xaf: {  	[dreg:$0x3] =	wrdreg $0x90000  }
0xb0: {  	[dreg:$0x4] =	wrdreg $0x9  }
0xb1: {  	_ =	task.clear_ibuf [dreg:s6], $0x5FFFF;
	_ =	strace $0x9000004C  }
0xb2: {  	s29 =	simm.s32 $0x9;
	_ =	strace $0x8000004E  }
0xb3: {  	_ =	swait.ge [sflag:s29], $0x1  }
0xb4: {  	[sflag:s29] =	ssyncadd.s32 $0xFFFFFFFF  }
0xb5: {  	_ =	strace $0x9000004E  }
0xb6: {  	_ =	sfence  }
0xb7: {  	s30 =	sld [smem:$0x0];
	_ =	sdelay $0x2  }
0xb8: {  	s31 =	sshll.u32 s1, $0xD;
	s1 =	sshrl.u32 s1, $0x2  }
0xb9: {  	s3 =	sand.u32 $0x4000, s31;
	s1 =	sadd.s32 s1, s30  }
0xba: {  	s0 =	sor.u32 s3, s0;
	s1 =	sshll.u32 s1, $0x11  }
0xbb: {  	s0 =	sor.u32 s1, s0  }
0xbc: {  	s0 =	sadd.s32 $0x8F2B, s0  }
0xbd: {  	[sflag:s0] =	ssyncadd.remote.s32 $0x1  }
0xbe: {  	_ =	sfence.sel $0xFFFF  }
0xbf: {  	[dreg:$0x0] =	wrdreg $0xFFFFFFFF;
	(pc) =	sbr.abs _section_cstart, $3  }
0xc0: {  	[dreg:$0x1] =	wrdreg $0xFFFFFFFF  }
0xc1: {  	_ =	task.clear_ibuf [dreg:s6], $0x2FFFF;
	_ =	strace $0x9FFFFFFF  }
0xc2: {  	(tm) =	ssettm $0x7FFFFFFF  }
0xc3: {  	_ =	shalt  }
tec
execute0_lowered:
.L_overlay_start_1:
0x0: {  	(tag) =	ssettag $0x1  }
0x1: {  	s0 =	rddreg [dreg:$0x0]  }
0x2: {  	s1 =	rddreg [dreg:$0x1]  }
0x3: {  	s2 =	srdreg.scid;
	s10 =	stileid.u32  }
0x4: {  	s3 =	simm.s32 $0x0;
	s29 =	simm.s32 $0x2;
	s6 =	smul.u32 $0x14000, s10  }
0x5: {  	s28 =	simm.s32 $0xB00;
	s30 =	simm.s32 $0xA80;
	s9 =	smul.u32 $0x50000, s10  }
0x6: {  	s31 =	simm.s32 $0xC00;
	s2 =	sand.u32 $0x1, s2;
	s15 =	smul.u32 $0x5000, s10  }
0x7: {  	[smem:$0x7FF] =	sst s3;
	s5 =	smul.u32 $0x140000, s2;
	s4 =	sshll.u32 s2, $0x4  }
0x8: {  	_ =	strace $0x8000004D;
	s8 =	ssub.s32 $0x2, s2;
	s2 =	smul.u32 $0x50000, s2  }
0x9: {  	s7 =	sor.u32 s10, s4;
	s4 =	sadd.s32 $0x22A00, s0;
	s14 =	sshrl.u32 s8, $0x1  }
0xa: {  	s9 =	sshrl.u32 s9, $0x2;
	s10 =	simm.s32 $0xD80;
	s5 =	sadd.s32 s6, s5  }
0xb: {  	s12 =	smul.u32 $0x5000, s7;
	s17 =	sadd.s32 s9, s1;
	s7 =	ssub.s32 s8, s14  }
0xc: {  	s2 =	sadd.s32 s15, s2;
	s14 =	simm.s32 $0x4;
	s8 =	simm.s32 $0xC80  }
0xd: {  	s9 =	simm.s32 $0xE00;
	s18 =	sadd.s32 $0x3E80, s17;
	[dreg:$0x4] =	wrdreg s17  }
0xe: {  	s13 =	sshrl.u32 s5, $0x3;
	s19 =	sadd.s32 $0x7D00, s17;
	[dreg:$0x6] =	wrdreg s18  }
0xf: {  	s5 =	sadd.s32 $0xEA00, s0;
	s20 =	sadd.s32 $0xBB80, s17;
	[dreg:$0x7] =	wrdreg s19  }
0x10: {  	s21 =	sadd.s32 $0xFA00, s17;
	s22 =	sadd.s32 $0x13880, s17;
	[dreg:$0x8] =	wrdreg s20  }
0x11: {  	s23 =	sadd.s32 $0x1800, s2;
	s24 =	smax.u32 s7, $0x1;
	[dreg:$0x9] =	wrdreg s21  }
0x12: {  	s26 =	sadd.s32 $0x1000, s2;
	s2 =	simm.s32 $0xD00;
	[dreg:$0xa] =	wrdreg s22  }
0x13: {  	s0 =	sadd.s32 s13, s0;
	s6 =	sshrl.u32 s12, $0x3;
	[dreg:$0xc] =	wrdreg s24  }
0x14: {  	s25 =	sshrl.u32 s23, $0x3;
	[dreg:$0xd] =	wrdreg s26;
	s18 =	simm.s32 $0x3  }
0x15: {  	s19 =	simm.s32 $0x800;
	s20 =	simm.s32 $0x7D;
	s21 =	simm.s32 $0x1000  }
0x16: {  	s22 =	simm.s32 $0x5000;
	s23 =	simm.s32 $0x5;
	s24 =	simm.s32 $0xA00  }
.Ltmp0:
0x17: {  	s26 =	simm.s32 $0x980;
	s12 =	simm.s32 $0xE80;
	(pc) =	sbr.rel .LBB2_1-.Ltmp0, $4  }
0x18: {  	s13 =	simm.s32 $0x0;
	s11 =	sadd.s32 s5, s6;
	s0 =	sadd.s32 $0x4AA00, s0  }
0x19: {  	s6 =	simm.s32 $0xF80;
	[dreg:$0x3] =	wrdreg s11;
	s16 =	sadd.s32 $0x100, s11  }
0x1a: {  	[dreg:$0xb] =	wrdreg s0;
	s0 =	simm.s32 $0xB80;
	s11 =	simm.s32 $0xF00  }
0x1b: {  	v0 =	vimm.f32 $0.0e+00;
	[dreg:$0x5] =	wrdreg s16;
	s16 =	sadd.s32 s25, s5;
	s25 =	simm.s32 $0x1  }
.LBB2_6:
0x1c: {  	_ =	swait.ge [sflag:s29], $0x3E80  }
0x1d: {  	[sflag:s29] =	ssyncset.done $0x0  }
0x1e: {  	[sflag:s29] =	ssyncadd.s32 $0xFFFFC180  }
0x1f: {  	[spmem:s1] =	stream.indirect.scatter.add.f32 [tilespmem:s22], [sflag:$0x5], $0x80, s6, s20, $0xb8;
	[tilespmem:$0x1D000] =	vst v63  }
0x20: {  	_ =	swait.ge [sflag:s23], $0x3E80  }
0x21: {  	[sflag:s23] =	ssyncset.done $0x0  }
0x22: {  	[sflag:s23] =	ssyncadd.s32 $0xFFFFC180  }
0x23: {  	s7 =	stileid.u32;
	[bflag:$0x0] =	sbarrier.arrive $0xFFFF  }
0x24: {  	s7 =	sshll.u32 s7, $0x6;
	s17 =	rddreg [dreg:$0x4]  }
0x25: {  	s7 =	sor.u32 $0x1C05, s7;
	s15 =	rddreg [dreg:$0xb];
	s13 =	sshrl.u32 s17, $0x3  }
0x26: {  	[hbm:s15], [sflag:s7] =	dma.local [spmem:s13], $0x2800  }
0x27: {  	_ =	swait.ge [sflag:s23], $0x2800  }
0x28: {  	s7 =	rddreg [dreg:$0xe]  }
0x29: {  	s15 =	rddreg [dreg:$0xc];
	s13 =	sadd.s32 $0x1, s7  }
0x2a: {  	p0 =	sne.s32 s13, s15  }
.Ltmp1:
0x2b: {  	_ = 	snop;
	(pc) =	sbr.rel @!p0 .LBB2_7-.Ltmp1, $3  }
0x2c: {  	_ =	sdelay $0x1  }
0x2d: {  	[sflag:s23] =	ssyncset.done $0x0  }
0x2e: {  	[sflag:s23] =	ssyncadd.s32 $0xFFFFD800  }
.LBB2_1:
0x2f: {  	[dreg:$0xe] =	wrdreg s13  }
0x30: {  	s7 =	rddreg [dreg:$0x3];
	s13 =	simm.s32 $0x0;
	s15 =	simm.s32 $0x200  }
0x31: {  	[tilespmem:s3], [sflag:$0x3] =	stream.linear.gather [hbm4b:s7+s3], $0x800, $0x38;
	[tilespmem:$0x1D000] =	vst v63  }
.LBB2_2:
0x32: {  	p0 =	sne.s32 s15, $0xF800;
	[tilespmem:s13+$0x5070] =	vst v0  }
0x33: {  	[tilespmem:s13+$0x5000] =	vst v0  }
0x34: {  	[tilespmem:s13+$0x5010] =	vst v0  }
.Ltmp2:
0x35: {  	[tilespmem:s13+$0x5020] =	vst v0;
	(pc) =	sbr.rel @p0 .LBB2_2-.Ltmp2, $4  }
0x36: {  	[tilespmem:s13+$0x5030] =	vst v0  }
0x37: {  	[tilespmem:s13+$0x5040] =	vst v0  }
0x38: {  	[tilespmem:s13+$0x5050] =	vst v0  }
0x39: {  	[tilespmem:s13+$0x5060] =	vst v0;
	s13 =	sshra.s32 s15, $0x2;
	s15 =	sadd.s32 $0x200, s15  }
0x3a: {  	[tilespmem:s13+$0x5070] =	vst v0  }
0x3b: {  	[tilespmem:s13+$0x5000] =	vst v0  }
0x3c: {  	[tilespmem:s13+$0x5010] =	vst v0  }
0x3d: {  	[tilespmem:s13+$0x5020] =	vst v0  }
0x3e: {  	[tilespmem:s13+$0x5030] =	vst v0  }
0x3f: {  	[tilespmem:s13+$0x5040] =	vst v0  }
0x40: {  	[tilespmem:s13+$0x5050] =	vst v0  }
0x41: {  	[tilespmem:s13+$0x5060] =	vst v0  }
0x42: {  	_ =	swait.ge [sflag:s18], $0x800  }
0x43: {  	[sflag:s18] =	ssyncset.done $0x0  }
0x44: {  	s13 =	simm.s32 $0x0;
	s7 =	rddreg [dreg:$0x5];
	[sflag:s18] =	ssyncadd.s32 $0xFFFFF800  }
0x45: {  	[tilespmem:s19], [sflag:$0x4] =	stream.linear.gather [hbm4b:s7+s13], $0x800, $0x38;
	[tilespmem:$0x1D000] =	vst v63  }
0x46: {  	_ = 	snop  }
0x47: {  	[tilespmem:s21], [sflag:$0x1] =	stream.indirect.gather [hbm4b:s4+s20], $0x80, s13, s20, $0xb8;
	[tilespmem:$0x1D000] =	vst v63  }
0x48: {  	_ = 	snop  }
0x49: {  	[spmem:s17] =	stream.linear.scatter [tilespmem:s22], [sflag:$0x5], $0x3E80, $0x38;
	[tilespmem:$0x1D000] =	vst v63  }
0x4a: {  	_ =	swait.ge [sflag:s23], $0x3E80  }
0x4b: {  	[sflag:s23] =	ssyncset.done $0x0  }
0x4c: {  	s17 =	rddreg [dreg:$0x6];
	[sflag:s23] =	ssyncadd.s32 $0xFFFFC180  }
0x4d: {  	[spmem:s17] =	stream.linear.scatter [tilespmem:s22], [sflag:$0x5], $0x3E80, $0x38;
	[tilespmem:$0x1D000] =	vst v63  }
0x4e: {  	_ =	swait.ge [sflag:s23], $0x3E80  }
0x4f: {  	[sflag:s23] =	ssyncset.done $0x0  }
0x50: {  	s15 =	rddreg [dreg:$0x7];
	[sflag:s23] =	ssyncadd.s32 $0xFFFFC180  }
0x51: {  	[spmem:s15] =	stream.linear.scatter [tilespmem:s22], [sflag:$0x5], $0x3E80, $0x38;
	[tilespmem:$0x1D000] =	vst v63  }
0x52: {  	_ =	swait.ge [sflag:s23], $0x3E80  }
0x53: {  	[sflag:s23] =	ssyncset.done $0x0  }
0x54: {  	s17 =	rddreg [dreg:$0x8];
	[sflag:s23] =	ssyncadd.s32 $0xFFFFC180  }
0x55: {  	[spmem:s17] =	stream.linear.scatter [tilespmem:s22], [sflag:$0x5], $0x3E80, $0x38;
	[tilespmem:$0x1D000] =	vst v63  }
0x56: {  	_ =	swait.ge [sflag:s23], $0x3E80  }
0x57: {  	[sflag:s23] =	ssyncset.done $0x0  }
0x58: {  	s15 =	rddreg [dreg:$0x9];
	[sflag:s23] =	ssyncadd.s32 $0xFFFFC180  }
0x59: {  	[spmem:s15] =	stream.linear.scatter [tilespmem:s22], [sflag:$0x5], $0x3E80, $0x38;
	[tilespmem:$0x1D000] =	vst v63  }
0x5a: {  	_ =	swait.ge [sflag:s23], $0x3E80  }
0x5b: {  	[sflag:s23] =	ssyncset.done $0x0  }
0x5c: {  	s17 =	rddreg [dreg:$0xa];
	[sflag:s23] =	ssyncadd.s32 $0xFFFFC180  }
0x5d: {  	[spmem:s17] =	stream.linear.scatter [tilespmem:s22], [sflag:$0x5], $0x780, $0x38;
	[tilespmem:$0x1D000] =	vst v63  }
0x5e: {  	_ =	swait.ge [sflag:s23], $0x780  }
0x5f: {  	[sflag:s23] =	ssyncset.done $0x0  }
0x60: {  	[sflag:s23] =	ssyncadd.s32 $0xFFFFF880  }
0x61: {  	[bflag:$0x0] =	sbarrier.arrive $0xFFFF  }
0x62: {  	s15 =	rddreg [dreg:$0xd]  }
.LBB2_4:
0x63: {  	s7 =	simm.s32 $0x100  }
0x64: {  	[tilespmem:s22], [sflag:$0x2] =	stream.indirect.gather [hbm4b:s4+s20], $0x80, s7, s20, $0xb8;
	[tilespmem:$0x1D000] =	vst v63  }
0x65: {  	_ =	swait.ge [sflag:s25], $0x3E80  }
0x66: {  	[sflag:s25] =	ssyncset.done $0x0  }
0x67: {  	s17 =	simm.s32 $0x80;
	[sflag:s25] =	ssyncadd.s32 $0xFFFFC180  }
0x68: {  	[spmem:s1] =	stream.indirect.scatter.add.f32 [tilespmem:s21], [sflag:$0x5], $0x80, s17, s20, $0xb8;
	[tilespmem:$0x1D000] =	vst v63  }
0x69: {  	_ =	swait.ge [sflag:s23], $0x3E80  }
0x6a: {  	[sflag:s23] =	ssyncset.done $0x0  }
0x6b: {  	s17 =	simm.s32 $0x200;
	[sflag:s23] =	ssyncadd.s32 $0xFFFFC180  }
0x6c: {  	[tilespmem:s21], [sflag:$0x1] =	stream.indirect.gather [hbm4b:s4+s20], $0x80, s17, s20, $0xb8;
	[tilespmem:$0x1D000] =	vst v63  }
0x6d: {  	_ =	swait.ge [sflag:s29], $0x3E80  }
0x6e: {  	[sflag:s29] =	ssyncset.done $0x0  }
0x6f: {  	s17 =	simm.s32 $0x180;
	[sflag:s29] =	ssyncadd.s32 $0xFFFFC180  }
0x70: {  	[spmem:s1] =	stream.indirect.scatter.add.f32 [tilespmem:s22], [sflag:$0x5], $0x80, s17, s20, $0xb8;
	[tilespmem:$0x1D000] =	vst v63  }
0x71: {  	_ =	swait.ge [sflag:s23], $0x3E80  }
0x72: {  	[sflag:s23] =	ssyncset.done $0x0  }
0x73: {  	s17 =	simm.s32 $0x300;
	[sflag:s23] =	ssyncadd.s32 $0xFFFFC180  }
0x74: {  	[tilespmem:s22], [sflag:$0x2] =	stream.indirect.gather [hbm4b:s4+s20], $0x80, s17, s20, $0xb8;
	[tilespmem:$0x1D000] =	vst v63  }
0x75: {  	_ =	swait.ge [sflag:s25], $0x3E80  }
0x76: {  	[sflag:s25] =	ssyncset.done $0x0  }
0x77: {  	s17 =	simm.s32 $0x280;
	[sflag:s25] =	ssyncadd.s32 $0xFFFFC180  }
0x78: {  	[spmem:s1] =	stream.indirect.scatter.add.f32 [tilespmem:s21], [sflag:$0x5], $0x80, s17, s20, $0xb8;
	[tilespmem:$0x1D000] =	vst v63  }
0x79: {  	_ =	swait.ge [sflag:s23], $0x3E80  }
0x7a: {  	[sflag:s23] =	ssyncset.done $0x0  }
0x7b: {  	s17 =	simm.s32 $0x400;
	[sflag:s23] =	ssyncadd.s32 $0xFFFFC180  }
0x7c: {  	[tilespmem:s21], [sflag:$0x1] =	stream.indirect.gather [hbm4b:s4+s20], $0x80, s17, s20, $0xb8;
	[tilespmem:$0x1D000] =	vst v63  }
0x7d: {  	_ =	swait.ge [sflag:s29], $0x3E80  }
0x7e: {  	[sflag:s29] =	ssyncset.done $0x0  }
0x7f: {  	s17 =	simm.s32 $0x380;
	[sflag:s29] =	ssyncadd.s32 $0xFFFFC180  }
0x80: {  	[spmem:s1] =	stream.indirect.scatter.add.f32 [tilespmem:s22], [sflag:$0x5], $0x80, s17, s20, $0xb8;
	[tilespmem:$0x1D000] =	vst v63  }
0x81: {  	_ =	swait.ge [sflag:s23], $0x3E80  }
0x82: {  	[sflag:s23] =	ssyncset.done $0x0  }
0x83: {  	s17 =	simm.s32 $0x500;
	[sflag:s23] =	ssyncadd.s32 $0xFFFFC180  }
0x84: {  	[tilespmem:s22], [sflag:$0x2] =	stream.indirect.gather [hbm4b:s4+s20], $0x80, s17, s20, $0xb8;
	[tilespmem:$0x1D000] =	vst v63  }
0x85: {  	_ =	swait.ge [sflag:s25], $0x3E80  }
0x86: {  	[sflag:s25] =	ssyncset.done $0x0  }
0x87: {  	s17 =	simm.s32 $0x480;
	[sflag:s25] =	ssyncadd.s32 $0xFFFFC180  }
0x88: {  	[spmem:s1] =	stream.indirect.scatter.add.f32 [tilespmem:s21], [sflag:$0x5], $0x80, s17, s20, $0xb8;
	[tilespmem:$0x1D000] =	vst v63  }
0x89: {  	_ =	swait.ge [sflag:s23], $0x3E80  }
0x8a: {  	[sflag:s23] =	ssyncset.done $0x0  }
0x8b: {  	s17 =	simm.s32 $0x600;
	[sflag:s23] =	ssyncadd.s32 $0xFFFFC180  }
0x8c: {  	[tilespmem:s21], [sflag:$0x1] =	stream.indirect.gather [hbm4b:s4+s20], $0x80, s17, s20, $0xb8;
	[tilespmem:$0x1D000] =	vst v63  }
0x8d: {  	_ =	swait.ge [sflag:s29], $0x3E80  }
0x8e: {  	[sflag:s29] =	ssyncset.done $0x0  }
0x8f: {  	s17 =	simm.s32 $0x580;
	[sflag:s29] =	ssyncadd.s32 $0xFFFFC180  }
0x90: {  	[spmem:s1] =	stream.indirect.scatter.add.f32 [tilespmem:s22], [sflag:$0x5], $0x80, s17, s20, $0xb8;
	[tilespmem:$0x1D000] =	vst v63  }
0x91: {  	_ =	swait.ge [sflag:s23], $0x3E80  }
0x92: {  	[sflag:s23] =	ssyncset.done $0x0  }
0x93: {  	s17 =	simm.s32 $0x700;
	[sflag:s23] =	ssyncadd.s32 $0xFFFFC180  }
0x94: {  	[tilespmem:s22], [sflag:$0x2] =	stream.indirect.gather [hbm4b:s4+s20], $0x80, s17, s20, $0xb8;
	[tilespmem:$0x1D000] =	vst v63  }
0x95: {  	_ =	swait.ge [sflag:s25], $0x3E80  }
0x96: {  	[sflag:s25] =	ssyncset.done $0x0  }
0x97: {  	s17 =	simm.s32 $0x680;
	[sflag:s25] =	ssyncadd.s32 $0xFFFFC180  }
0x98: {  	[spmem:s1] =	stream.indirect.scatter.add.f32 [tilespmem:s21], [sflag:$0x5], $0x80, s17, s20, $0xb8;
	[tilespmem:$0x1D000] =	vst v63  }
0x99: {  	_ =	swait.ge [sflag:s23], $0x3E80  }
0x9a: {  	[sflag:s23] =	ssyncset.done $0x0  }
0x9b: {  	[sflag:s23] =	ssyncadd.s32 $0xFFFFC180  }
0x9c: {  	_ =	swait.ge [sflag:s14], $0x800  }
0x9d: {  	[sflag:s14] =	ssyncset.done $0x0  }
0x9e: {  	[sflag:s14] =	ssyncadd.s32 $0xFFFFF800  }
0x9f: {  	[tilespmem:s21], [sflag:$0x1] =	stream.indirect.gather [hbm4b:s4+s20], $0x80, s19, s20, $0xb8;
	[tilespmem:$0x1D000] =	vst v63  }
0xa0: {  	_ =	swait.ge [sflag:s29], $0x3E80  }
0xa1: {  	[sflag:s29] =	ssyncset.done $0x0  }
0xa2: {  	s17 =	simm.s32 $0x780;
	[sflag:s29] =	ssyncadd.s32 $0xFFFFC180  }
0xa3: {  	[spmem:s1] =	stream.indirect.scatter.add.f32 [tilespmem:s22], [sflag:$0x5], $0x80, s17, s20, $0xb8;
	[tilespmem:$0x1D000] =	vst v63  }
0xa4: {  	p0 =	seq.s32 s13, $0x800;
	_ =	swait.ge [sflag:s23], $0x3E80  }
0xa5: {  	s17 =	sshrl.u32 @!p0 s15, $0x3;
	[sflag:s23] =	ssyncset.done $0x0  }
0xa6: {  	s7 =	simm.s32 @!p0 $0x0;
	s17 =	sadd.s32 @!p0 s5, s17;
	[sflag:s23] =	ssyncadd.s32 $0xFFFFC180  }
0xa7: {  	[tilespmem:s7], [sflag:$0x3] =	stream.linear.gather @!p0 [hbm4b:s17+s7], $0x800, $0x38;
	[tilespmem:$0x1D000] =	vst v63  }
0xa8: {  	s17 =	simm.s32 $0x900  }
0xa9: {  	[tilespmem:s22], [sflag:$0x2] =	stream.indirect.gather [hbm4b:s4+s20], $0x80, s17, s20, $0xb8;
	[tilespmem:$0x1D000] =	vst v63  }
0xaa: {  	_ =	swait.ge [sflag:s25], $0x3E80  }
0xab: {  	[sflag:s25] =	ssyncset.done $0x0  }
0xac: {  	s17 =	simm.s32 $0x880;
	[sflag:s25] =	ssyncadd.s32 $0xFFFFC180  }
0xad: {  	[spmem:s1] =	stream.indirect.scatter.add.f32 [tilespmem:s21], [sflag:$0x5], $0x80, s17, s20, $0xb8;
	[tilespmem:$0x1D000] =	vst v63  }
0xae: {  	_ =	swait.ge [sflag:s23], $0x3E80  }
0xaf: {  	[sflag:s23] =	ssyncset.done $0x0  }
0xb0: {  	[sflag:s23] =	ssyncadd.s32 $0xFFFFC180  }
0xb1: {  	[tilespmem:s21], [sflag:$0x1] =	stream.indirect.gather [hbm4b:s4+s20], $0x80, s24, s20, $0xb8;
	[tilespmem:$0x1D000] =	vst v63  }
0xb2: {  	_ =	swait.ge [sflag:s29], $0x3E80  }
0xb3: {  	[sflag:s29] =	ssyncset.done $0x0  }
0xb4: {  	[sflag:s29] =	ssyncadd.s32 $0xFFFFC180  }
0xb5: {  	[spmem:s1] =	stream.indirect.scatter.add.f32 [tilespmem:s22], [sflag:$0x5], $0x80, s26, s20, $0xb8;
	[tilespmem:$0x1D000] =	vst v63  }
0xb6: {  	_ =	swait.ge [sflag:s23], $0x3E80  }
0xb7: {  	[sflag:s23] =	ssyncset.done $0x0  }
0xb8: {  	[sflag:s23] =	ssyncadd.s32 $0xFFFFC180  }
0xb9: {  	[tilespmem:s22], [sflag:$0x2] =	stream.indirect.gather [hbm4b:s4+s20], $0x80, s28, s20, $0xb8;
	[tilespmem:$0x1D000] =	vst v63  }
0xba: {  	_ =	swait.ge [sflag:s25], $0x3E80  }
0xbb: {  	[sflag:s25] =	ssyncset.done $0x0  }
0xbc: {  	[sflag:s25] =	ssyncadd.s32 $0xFFFFC180  }
0xbd: {  	[spmem:s1] =	stream.indirect.scatter.add.f32 [tilespmem:s21], [sflag:$0x5], $0x80, s30, s20, $0xb8;
	[tilespmem:$0x1D000] =	vst v63  }
0xbe: {  	_ =	swait.ge [sflag:s23], $0x3E80  }
0xbf: {  	[sflag:s23] =	ssyncset.done $0x0  }
0xc0: {  	[sflag:s23] =	ssyncadd.s32 $0xFFFFC180  }
0xc1: {  	[tilespmem:s21], [sflag:$0x1] =	stream.indirect.gather [hbm4b:s4+s20], $0x80, s31, s20, $0xb8;
	[tilespmem:$0x1D000] =	vst v63  }
0xc2: {  	_ =	swait.ge [sflag:s29], $0x3E80  }
0xc3: {  	[sflag:s29] =	ssyncset.done $0x0  }
0xc4: {  	[sflag:s29] =	ssyncadd.s32 $0xFFFFC180  }
0xc5: {  	[spmem:s1] =	stream.indirect.scatter.add.f32 [tilespmem:s22], [sflag:$0x5], $0x80, s0, s20, $0xb8;
	[tilespmem:$0x1D000] =	vst v63  }
0xc6: {  	_ =	swait.ge [sflag:s23], $0x3E80  }
0xc7: {  	[sflag:s23] =	ssyncset.done $0x0  }
0xc8: {  	[sflag:s23] =	ssyncadd.s32 $0xFFFFC180  }
0xc9: {  	[tilespmem:s22], [sflag:$0x2] =	stream.indirect.gather [hbm4b:s4+s20], $0x80, s2, s20, $0xb8;
	[tilespmem:$0x1D000] =	vst v63  }
0xca: {  	_ =	swait.ge [sflag:s25], $0x3E80  }
0xcb: {  	[sflag:s25] =	ssyncset.done $0x0  }
0xcc: {  	[sflag:s25] =	ssyncadd.s32 $0xFFFFC180  }
0xcd: {  	[spmem:s1] =	stream.indirect.scatter.add.f32 [tilespmem:s21], [sflag:$0x5], $0x80, s8, s20, $0xb8;
	[tilespmem:$0x1D000] =	vst v63  }
0xce: {  	_ =	swait.ge [sflag:s23], $0x3E80  }
0xcf: {  	[sflag:s23] =	ssyncset.done $0x0  }
0xd0: {  	[sflag:s23] =	ssyncadd.s32 $0xFFFFC180  }
0xd1: {  	[tilespmem:s21], [sflag:$0x1] =	stream.indirect.gather [hbm4b:s4+s20], $0x80, s9, s20, $0xb8;
	[tilespmem:$0x1D000] =	vst v63  }
0xd2: {  	_ =	swait.ge [sflag:s29], $0x3E80  }
0xd3: {  	[sflag:s29] =	ssyncset.done $0x0  }
0xd4: {  	[sflag:s29] =	ssyncadd.s32 $0xFFFFC180  }
0xd5: {  	[spmem:s1] =	stream.indirect.scatter.add.f32 [tilespmem:s22], [sflag:$0x5], $0x80, s10, s20, $0xb8;
	[tilespmem:$0x1D000] =	vst v63  }
0xd6: {  	_ =	swait.ge [sflag:s23], $0x3E80  }
0xd7: {  	[sflag:s23] =	ssyncset.done $0x0  }
0xd8: {  	[sflag:s23] =	ssyncadd.s32 $0xFFFFC180  }
0xd9: {  	[tilespmem:s22], [sflag:$0x2] =	stream.indirect.gather [hbm4b:s4+s20], $0x80, s11, s20, $0xb8;
	[tilespmem:$0x1D000] =	vst v63  }
0xda: {  	_ =	swait.ge [sflag:s25], $0x3E80  }
0xdb: {  	[sflag:s25] =	ssyncset.done $0x0  }
.Ltmp3:
0xdc: {  	[sflag:s25] =	ssyncadd.s32 $0xFFFFC180;
	(pc) =	sbr.rel @p0 .LBB2_6-.Ltmp3, $4  }
0xdd: {  	[spmem:s1] =	stream.indirect.scatter.add.f32 [tilespmem:s21], [sflag:$0x5], $0x80, s12, s20, $0xb8;
	[tilespmem:$0x1D000] =	vst v63  }
0xde: {  	_ =	swait.ge [sflag:s23], $0x3E80  }
0xdf: {  	[sflag:s23] =	ssyncset.done $0x0  }
0xe0: {  	[sflag:s23] =	ssyncadd.s32 $0xFFFFC180  }
0xe1: {  	_ =	swait.ge [sflag:s18], $0x800  }
0xe2: {  	[sflag:s18] =	ssyncset.done $0x0  }
0xe3: {  	[sflag:s18] =	ssyncadd.s32 $0xFFFFF800  }
0xe4: {  	[tilespmem:s21], [sflag:$0x1] =	stream.indirect.gather [hbm4b:s4+s20], $0x80, s3, s20, $0xb8;
	[tilespmem:$0x1D000] =	vst v63  }
0xe5: {  	_ =	swait.ge [sflag:s29], $0x3E80  }
0xe6: {  	[sflag:s29] =	ssyncset.done $0x0  }
0xe7: {  	[sflag:s29] =	ssyncadd.s32 $0xFFFFC180  }
0xe8: {  	[spmem:s1] =	stream.indirect.scatter.add.f32 [tilespmem:s22], [sflag:$0x5], $0x80, s6, s20, $0xb8;
	[tilespmem:$0x1D000] =	vst v63  }
.Ltmp4:
0xe9: {  	_ = 	snop;
	(pc) =	sbr.rel .LBB2_4-.Ltmp4, $4  }
0xea: {  	_ =	swait.ge [sflag:s23], $0x3E80  }
0xeb: {  	s7 =	sadd.s32 s13, s16;
	[sflag:s23] =	ssyncset.done $0x0  }
0xec: {  	s13 =	sadd.s32 $0x200, s13;
	s15 =	sadd.s32 $0x1000, s15;
	[sflag:s23] =	ssyncadd.s32 $0xFFFFC180  }
0xed: {  	[tilespmem:s19], [sflag:$0x4] =	stream.linear.gather [hbm4b:s7+s3], $0x800, $0x38;
	[tilespmem:$0x1D000] =	vst v63  }
.LBB2_7:
0xee: {  	_ =	sfence.sel $0x180000  }
0xef: {  	[bflag:$0x0] =	sbarrier.arrive $0xFFFF  }
0xf0: {  	_ =	strace $0x9000004D  }
0xf1: {  	s0 =	stileid.u32;
	[bflag:$0x2] =	sbarrier.arrive $0xFFFF  }
0xf2: {  	p0 =	sne.s32 s0, $0x0;
	s0 =	rddreg [dreg:$0x2]  }
0xf3: {  	s0 =	sadd.s32 @!p0 $0x100000, s0  }
0xf4: {  	[sflag:s0] =	ssyncadd.tile.s32 @!p0 $0x1;
	_ =	shalt  }
.Lfunc_end2:
_tile_overlayer_lowered:
.L_overlay_start_2:
0xf5: {  	(tag) =	ssettag $0x2  }
0xf6: {  	s0 =	rddreg [dreg:$0x0];
	s2 =	stileid.u32  }
0xf7: {  	s1 =	rddreg [dreg:$0x1];
	p0 =	sne.s32 s2, $0x0  }
0xf8: {  	s3 =	rddreg [dreg:$0x2];
	[bflag:$0x3] =	sbarrier.arrive $0xFFFF;
	s2 =	simm.s32 @!p0 $0x1C05  }
0xf9: {  	[timem:s3], [sflag:s2] =	dma.local @!p0 [hbm:s0], s1  }
0xfa: {  	s0 =	simm.s32 @!p0 $0x5  }
0xfb: {  	_ =	swait.ge @!p0 [sflag:s0], s1  }
0xfc: {  	s1 =	ssub.s32 @!p0 $0x0, s1;
	[sflag:s0] =	ssyncset.done @!p0 $0x0  }
0xfd: {  	[sflag:s0] =	ssyncadd.s32 @!p0 s1  }
0xfe: {  	[bflag:$0x3] =	sbarrier.arrive $0xFFFF  }
0xff: {  	_ =	shalt  }

// kernel: kernel.19.cloned.1.call-start
scs
__scs_entry_jumppad:
0x0: {  	(pc) =	sbr.rel $0x88, $3  }
0x1: {  	(tag) =	ssettag $0x0;
	lr =	simm.s32 $0x1  }
0x2: {  	[smem:$0x3F98] =	sst lr;
	_ =	strace $0xD0000000  }
0x3: {  	_ = 	snop  }
0x4: {  	_ = 	snop  }
0x5: {  	_ = 	snop  }
0x6: {  	_ = 	snop  }
0x7: {  	_ = 	snop  }
__scs_overlays_trampoline_lowered:
0x8: {  	[smem:$0x3FA7] =	sst s0  }
0x9: {  	[smem:$0x3FA8] =	sst s1  }
0xa: {  	[smem:$0x3FA9] =	sst s2  }
0xb: {  	[smem:$0x3FAA] =	sst s3  }
0xc: {  	[smem:$0x3FAB] =	sst s4  }
0xd: {  	[smem:$0x3FAC] =	sst s5  }
0xe: {  	[smem:$0x3FAD] =	sst s6  }
0xf: {  	[smem:$0x3FAE] =	sst s7  }
0x10: {  	[smem:$0x3FAF] =	sst s8  }
0x11: {  	[smem:$0x3FB0] =	sst s9;
	s0 =	simm.s32 @!p0 $0x0  }
0x12: {  	s1 =	sld [smem:$0x3F96];
	s0 =	simm.s32 @p0 $0x1  }
0x13: {  	[smem:$0x3FB1] =	sst s0;
	s0 =	simm.s32 @!p1 $0x0  }
0x14: {  	s2 =	sld [smem:$0x3F95];
	s0 =	simm.s32 @p1 $0x1  }
0x15: {  	[smem:$0x3FB2] =	sst s0;
	s0 =	simm.s32 @!p2 $0x0  }
0x16: {  	s3 =	sld [smem:$0x3FDB];
	s0 =	simm.s32 @p2 $0x1  }
0x17: {  	s4 =	simm.s32 $0x1BF5;
	[smem:$0x3FB4] =	sst s0  }
0x18: {  	s0 =	sld [smem:$0x3F97];
	_ =	swait.ge [sflag:s4], $0x0  }
0x19: {  	s7 =	sld [smem:$0x3F98]  }
0x1a: {  	s8 =	sadd.s32 $0xFFFFE003, lr  }
0x1b: {  	s9 =	sadd.s32 $0xFFFFFEF7, lr;
	s5 =	simm.s32 $0xFFFFFFFF;
	p2 =	slt.u32 s8, $0xFFFFF086  }
0x1c: {  	p1 =	slt.u32 s9, $0xF7A;
	s5 =	simm.s32 @!p2 $0x0  }
0x1d: {  	s5 =	simm.s32 @p1 $0x1;
	p0 =	seq.s32 s7, s2  }
0x1e: {  	s7 =	smul.u32 @!p0 $0xF7A, s2;
	p2 =	seq.s32 @!p0 s5, $0x0  }
0x1f: {  	s9 =	smul.u32 $0xF7A, s1;
	s8 =	simm.s32 @!p0 $0x1BF5;
	p2 =	por !p2, p0  }
0x20: {  	[sflag:s8] =	ssyncset.s32 @!p0 $0xFFFFF086;
	s6 =	sadd.s32 @!p0 s3, s7;
	s7 =	simm.s32 @!p0 $0x108  }
0x21: {  	s3 =	sadd.s32 s3, s9;
	s6 =	sadd.s32 @!p0 $0x88, s6;
	s7 =	simm.s32 @p2 $0x1082  }
0x22: {  	[simem:s7], [sflag:s8] =	dma.local @!p0 [hbm:s6], $0xF7A  }
0x23: {  	s9 =	sor.u32 $0xD0000000, s2;
	s6 =	simm.s32 $0x108;
	_ =	swait.ge @!p0 [sflag:s8], $0x0  }
0x24: {  	s3 =	sadd.s32 $0x88, s3;
	s6 =	simm.s32 @!p1 $0x1082;
	[sflag:s4] =	ssyncset.s32 $0xFFFFF086  }
0x25: {  	[simem:s6], [sflag:s4] =	dma.local [hbm:s3], $0xF7A  }
0x26: {  	[smem:$0x3F98] =	sst s1;
	(tag) =	ssettag s2;
	_ =	strace s9  }
0x27: {  	s1 =	sld [smem:$0x3FA8]  }
0x28: {  	s2 =	sld [smem:$0x3FA9]  }
0x29: {  	s4 =	sld [smem:$0x3FAB]  }
0x2a: {  	p0 =	seq.s32 s5, $0x0;
	s5 =	sld [smem:$0x3FAC]  }
0x2b: {  	s6 =	sld [smem:$0x3FAD]  }
0x2c: {  	s7 =	sld [smem:$0x3FAE]  }
0x2d: {  	s3 =	simm.s32 $0x108;
	s8 =	sld [smem:$0x3FAF]  }
0x2e: {  	s3 =	simm.s32 @!p0 $0x1082;
	s9 =	sld [smem:$0x3FB0]  }
0x2f: {  	lr =	sadd.s32 s0, s3;
	s0 =	sld [smem:$0x3FA7]  }
0x30: {  	s3 =	sld [smem:$0x3FAA]  }
0x31: {  	[smem:$0x3FB3] =	sst s10  }
0x32: {  	s10 =	sld [smem:$0x3FB1];
	_ =	sdelay $0x3  }
0x33: {  	p0 =	seq.s32 s10, $0x1;
	s10 =	sld [smem:$0x3FB3];
	_ =	sdelay $0x3  }
0x34: {  	[smem:$0x3FB3] =	sst s10  }
0x35: {  	s10 =	sld [smem:$0x3FB2];
	_ =	sdelay $0x3  }
0x36: {  	p1 =	seq.s32 s10, $0x1;
	s10 =	sld [smem:$0x3FB3];
	_ =	sdelay $0x3  }
0x37: {  	[smem:$0x3FB3] =	sst s10  }
0x38: {  	s10 =	sld [smem:$0x3FB4]  }
0x39: {  	_ = 	snop;
	(pc) =	sbr.ind lr, $3  }
0x3a: {  	_ = 	snop  }
0x3b: {  	_ = 	snop  }
0x3c: {  	p2 =	seq.s32 s10, $0x1;
	s10 =	sld [smem:$0x3FB3]  }
0x3d: {  	_ =	shalt  }
0x3e: {  	_ =	shalt  }
0x3f: {  	_ =	shalt  }
0x40: {  	_ =	shalt  }
0x41: {  	_ =	shalt  }
0x42: {  	_ =	shalt  }
0x43: {  	_ =	shalt  }
0x44: {  	_ =	shalt  }
0x45: {  	_ =	shalt  }
0x46: {  	_ =	shalt  }
0x47: {  	_ =	shalt  }
0x48: {  	_ =	shalt  }
0x49: {  	_ =	shalt  }
0x4a: {  	_ =	shalt  }
0x4b: {  	_ =	shalt  }
0x4c: {  	_ =	shalt  }
0x4d: {  	_ =	shalt  }
0x4e: {  	_ =	shalt  }
0x4f: {  	_ =	shalt  }
0x50: {  	_ =	shalt  }
0x51: {  	_ =	shalt  }
0x52: {  	_ =	shalt  }
0x53: {  	_ =	shalt  }
0x54: {  	_ =	shalt  }
0x55: {  	_ =	shalt  }
0x56: {  	_ =	shalt  }
0x57: {  	_ =	shalt  }
0x58: {  	_ =	shalt  }
0x59: {  	_ =	shalt  }
0x5a: {  	_ =	shalt  }
0x5b: {  	_ =	shalt  }
0x5c: {  	_ =	shalt  }
0x5d: {  	_ =	shalt  }
0x5e: {  	_ =	shalt  }
0x5f: {  	_ =	shalt  }
0x60: {  	_ =	shalt  }
0x61: {  	_ =	shalt  }
0x62: {  	_ =	shalt  }
0x63: {  	_ =	shalt  }
0x64: {  	_ =	shalt  }
0x65: {  	_ =	shalt  }
0x66: {  	_ =	shalt  }
0x67: {  	_ =	shalt  }
0x68: {  	_ =	shalt  }
0x69: {  	_ =	shalt  }
0x6a: {  	_ =	shalt  }
0x6b: {  	_ =	shalt  }
0x6c: {  	_ =	shalt  }
0x6d: {  	_ =	shalt  }
0x6e: {  	_ =	shalt  }
0x6f: {  	_ =	shalt  }
0x70: {  	_ =	shalt  }
0x71: {  	_ =	shalt  }
0x72: {  	_ =	shalt  }
0x73: {  	_ =	shalt  }
0x74: {  	_ =	shalt  }
0x75: {  	_ =	shalt  }
0x76: {  	_ =	shalt  }
0x77: {  	_ =	shalt  }
0x78: {  	_ =	shalt  }
0x79: {  	_ =	shalt  }
0x7a: {  	_ =	shalt  }
0x7b: {  	_ =	shalt  }
0x7c: {  	_ =	shalt  }
0x7d: {  	_ =	shalt  }
0x7e: {  	_ =	shalt  }
0x7f: {  	_ =	shalt  }
0x80: {  	_ =	shalt  }
0x81: {  	_ =	shalt  }
0x82: {  	_ =	shalt  }
0x83: {  	_ =	shalt  }
0x84: {  	_ =	shalt  }
0x85: {  	_ =	shalt  }
0x86: {  	_ =	shalt  }
0x87: {  	_ =	shalt  }
.Lfunc_end0:
.L_simem_size_0:
called_computation.3_lowered:
.L_overlay_start_0:
0x88: {  	s2 =	sld [smem:$0x3FD9]  }
0x89: {  	s3 =	sld [smem:$0x3FFE];
	_ =	sdelay $0x1  }
0x8a: {  	s1 =	srdreg.scid  }
0x8b: {  	s0 =	sand.u32 $0x1, s1  }
0x8c: {  	s16 =	sshll.u32 s0, $0xA;
	s2 =	sadd.s32 s3, s2  }
0x8d: {  	s2 =	sadd.s32 s2, s16  }
0x8e: {  	[smem:$0x3FBF] =	sst s2  }
0x8f: {  	_ = 	snop  }
0x90: {  	(tm) =	ssettm $0x1  }
0x91: {  	s17 =	sld [smem:$0x3FFB];
	_ =	sdelay $0x3  }
0x92: {  	_ =	strace s17  }
0x93: {  	s2 =	sld [smem:$0x3FFC];
	_ =	sdelay $0x3  }
0x94: {  	_ =	strace s2  }
0x95: {  	s2 =	sld [smem:$0x3FFD];
	_ =	sdelay $0x3  }
0x96: {  	_ =	strace s2  }
0x97: {  	_ =	strace $0x8FFFFFFF  }
0x98: {  	s18 =	sld [smem:$0x3FDB];
	_ =	sdelay $0x1  }
0x99: {  	s19 =	simm.s32 $_scs_section_size  }
0x9a: {  	s4 =	simm.s32 $_size__tile_overlayer_lowered;
	s5 =	simm.s32 $_tile_overlayer_lowered  }
0x9b: {  	s22 =	simm.s32 $0x1BFF;
	s21 =	sshll.u32 s5, $0x1;
	s2 =	sadd.s32 s19, s18  }
0x9c: {  	s6 =	simm.s32 $0x0;
	s20 =	sshll.u32 s4, $0x1;
	s4 =	sadd.s32 s21, s2  }
0x9d: {  	[timem:s6], [sflag:s22] =	dma.local [hbm:s4], s20  }
0x9e: {  	_ =	swait.ge [sflag:s22], s20  }
0x9f: {  	s3 =	ssub.s32 $0x0, s20;
	[sflag:s22] =	ssyncset.done $0x0  }
0xa0: {  	[sflag:s22] =	ssyncadd.s32 s3;
	_ =	sdelay $0x1  }
0xa1: {  	s23 =	simm.s32 $0x1B8B  }
0xa2: {  	_ =	swait.ge [sflag:s23], $0x1  }
0xa3: {  	[sflag:s23] =	ssyncset.done $0x0  }
0xa4: {  	s25 =	simm.s32 $0x1B8E;
	s24 =	sld [smem:$0x3FFE];
	[sflag:s23] =	ssyncadd.s32 $0xFFFFFFFF  }
0xa5: {  	s26 =	simm.s32 $execute0_lowered;
	[smem:$0x3FD2] =	sst s25  }
0xa6: {  	s4 =	sshll.u32 s26, $0x1;
	_ =	strace $0x8000004F;
	[dreg:$0x1] =	wrdreg $0xFFFFFFFF  }
0xa7: {  	s28 =	simm.s32 $_size_execute0_lowered;
	s2 =	sadd.s32 s2, s4;
	[dreg:$0x0] =	wrdreg $0x0  }
0xa8: {  	s4 =	sshll.u32 s28, $0x1;
	[dreg:$0x2] =	wrdreg s2  }
0xa9: {  	[dreg:$0x3] =	wrdreg s4  }
0xaa: {  	[dreg:$0x4] =	wrdreg $0xC0  }
0xab: {  	_ =	task [dreg:s6], $0x5FFFF  }
0xac: {  	[dreg:$0x1] =	wrdreg $0xFFFFFFFF  }
0xad: {  	[dreg:$0x0] =	wrdreg $0x60  }
0xae: {  	[dreg:$0x2] =	wrdreg s24  }
0xaf: {  	[dreg:$0x3] =	wrdreg $0x90000  }
0xb0: {  	[dreg:$0x4] =	wrdreg $0x9  }
0xb1: {  	_ =	task.clear_ibuf [dreg:s6], $0x5FFFF;
	_ =	strace $0x9000004F  }
0xb2: {  	s29 =	simm.s32 $0x9;
	_ =	strace $0x80000051  }
0xb3: {  	_ =	swait.ge [sflag:s29], $0x1  }
0xb4: {  	[sflag:s29] =	ssyncadd.s32 $0xFFFFFFFF  }
0xb5: {  	_ =	strace $0x90000051  }
0xb6: {  	_ =	sfence  }
0xb7: {  	s30 =	sld [smem:$0x0];
	_ =	sdelay $0x2  }
0xb8: {  	s31 =	sshll.u32 s1, $0xD;
	s1 =	sshrl.u32 s1, $0x2  }
0xb9: {  	s3 =	sand.u32 $0x4000, s31;
	s1 =	sadd.s32 s1, s30  }
0xba: {  	s0 =	sor.u32 s3, s0;
	s1 =	sshll.u32 s1, $0x11  }
0xbb: {  	s0 =	sor.u32 s1, s0  }
0xbc: {  	s0 =	sadd.s32 $0x8F2B, s0  }
0xbd: {  	[sflag:s0] =	ssyncadd.remote.s32 $0x1  }
0xbe: {  	_ =	sfence.sel $0xFFFF  }
0xbf: {  	[dreg:$0x0] =	wrdreg $0xFFFFFFFF;
	(pc) =	sbr.abs _section_cstart, $3  }
0xc0: {  	[dreg:$0x1] =	wrdreg $0xFFFFFFFF  }
0xc1: {  	_ =	task.clear_ibuf [dreg:s6], $0x2FFFF;
	_ =	strace $0x9FFFFFFF  }
0xc2: {  	(tm) =	ssettm $0x7FFFFFFF  }
0xc3: {  	_ =	shalt  }
tec
execute0_lowered:
.L_overlay_start_1:
0x0: {  	(tag) =	ssettag $0x1  }
0x1: {  	s0 =	rddreg [dreg:$0x0]  }
0x2: {  	s1 =	rddreg [dreg:$0x1]  }
0x3: {  	s2 =	srdreg.scid;
	s10 =	stileid.u32  }
0x4: {  	s3 =	simm.s32 $0x0;
	s29 =	simm.s32 $0x2;
	s6 =	smul.u32 $0x14000, s10  }
0x5: {  	s28 =	simm.s32 $0xB00;
	s30 =	simm.s32 $0xA80;
	s9 =	smul.u32 $0x50000, s10  }
0x6: {  	s31 =	simm.s32 $0xC00;
	s2 =	sand.u32 $0x1, s2;
	s15 =	smul.u32 $0x5000, s10  }
0x7: {  	[smem:$0x7FF] =	sst s3;
	s5 =	smul.u32 $0x140000, s2;
	s4 =	sshll.u32 s2, $0x4  }
0x8: {  	_ =	strace $0x80000050;
	s8 =	ssub.s32 $0x2, s2;
	s2 =	smul.u32 $0x50000, s2  }
0x9: {  	s7 =	sor.u32 s10, s4;
	s4 =	sadd.s32 $0x22A00, s0;
	s14 =	sshrl.u32 s8, $0x1  }
0xa: {  	s9 =	sshrl.u32 s9, $0x2;
	s10 =	simm.s32 $0xD80;
	s5 =	sadd.s32 s6, s5  }
0xb: {  	s12 =	smul.u32 $0x5000, s7;
	s17 =	sadd.s32 s9, s1;
	s7 =	ssub.s32 s8, s14  }
0xc: {  	s2 =	sadd.s32 s15, s2;
	s14 =	simm.s32 $0x4;
	s8 =	simm.s32 $0xC80  }
0xd: {  	s9 =	simm.s32 $0xE00;
	s18 =	sadd.s32 $0x3E80, s17;
	[dreg:$0x4] =	wrdreg s17  }
0xe: {  	s13 =	sshrl.u32 s5, $0x3;
	s19 =	sadd.s32 $0x7D00, s17;
	[dreg:$0x6] =	wrdreg s18  }
0xf: {  	s5 =	sadd.s32 $0xEA00, s0;
	s20 =	sadd.s32 $0xBB80, s17;
	[dreg:$0x7] =	wrdreg s19  }
0x10: {  	s21 =	sadd.s32 $0xFA00, s17;
	s22 =	sadd.s32 $0x13880, s17;
	[dreg:$0x8] =	wrdreg s20  }
0x11: {  	s23 =	sadd.s32 $0x1800, s2;
	s24 =	smax.u32 s7, $0x1;
	[dreg:$0x9] =	wrdreg s21  }
0x12: {  	s26 =	sadd.s32 $0x1000, s2;
	s2 =	simm.s32 $0xD00;
	[dreg:$0xa] =	wrdreg s22  }
0x13: {  	s0 =	sadd.s32 s13, s0;
	s6 =	sshrl.u32 s12, $0x3;
	[dreg:$0xc] =	wrdreg s24  }
0x14: {  	s25 =	sshrl.u32 s23, $0x3;
	[dreg:$0xd] =	wrdreg s26;
	s18 =	simm.s32 $0x3  }
0x15: {  	s19 =	simm.s32 $0x800;
	s20 =	simm.s32 $0x7D;
	s21 =	simm.s32 $0x1000  }
0x16: {  	s22 =	simm.s32 $0x5000;
	s23 =	simm.s32 $0x5;
	s24 =	simm.s32 $0xA00  }
.Ltmp0:
0x17: {  	s26 =	simm.s32 $0x980;
	s12 =	simm.s32 $0xE80;
	(pc) =	sbr.rel .LBB2_1-.Ltmp0, $4  }
0x18: {  	s13 =	simm.s32 $0x0;
	s11 =	sadd.s32 s5, s6;
	s0 =	sadd.s32 $0x4AA00, s0  }
0x19: {  	s6 =	simm.s32 $0xF80;
	[dreg:$0x3] =	wrdreg s11;
	s16 =	sadd.s32 $0x100, s11  }
0x1a: {  	[dreg:$0xb] =	wrdreg s0;
	s0 =	simm.s32 $0xB80;
	s11 =	simm.s32 $0xF00  }
0x1b: {  	v0 =	vimm.f32 $0.0e+00;
	[dreg:$0x5] =	wrdreg s16;
	s16 =	sadd.s32 s25, s5;
	s25 =	simm.s32 $0x1  }
.LBB2_6:
0x1c: {  	_ =	swait.ge [sflag:s29], $0x3E80  }
0x1d: {  	[sflag:s29] =	ssyncset.done $0x0  }
0x1e: {  	[sflag:s29] =	ssyncadd.s32 $0xFFFFC180  }
0x1f: {  	[spmem:s1] =	stream.indirect.scatter.add.f32 [tilespmem:s22], [sflag:$0x5], $0x80, s6, s20, $0xb8;
	[tilespmem:$0x1D000] =	vst v63  }
0x20: {  	_ =	swait.ge [sflag:s23], $0x3E80  }
0x21: {  	[sflag:s23] =	ssyncset.done $0x0  }
0x22: {  	[sflag:s23] =	ssyncadd.s32 $0xFFFFC180  }
0x23: {  	s7 =	stileid.u32;
	[bflag:$0x0] =	sbarrier.arrive $0xFFFF  }
0x24: {  	s7 =	sshll.u32 s7, $0x6;
	s17 =	rddreg [dreg:$0x4]  }
0x25: {  	s7 =	sor.u32 $0x1C05, s7;
	s15 =	rddreg [dreg:$0xb];
	s13 =	sshrl.u32 s17, $0x3  }
0x26: {  	[hbm:s15], [sflag:s7] =	dma.local [spmem:s13], $0x2800  }
0x27: {  	_ =	swait.ge [sflag:s23], $0x2800  }
0x28: {  	s7 =	rddreg [dreg:$0xe]  }
0x29: {  	s15 =	rddreg [dreg:$0xc];
	s13 =	sadd.s32 $0x1, s7  }
0x2a: {  	p0 =	sne.s32 s13, s15  }
.Ltmp1:
0x2b: {  	_ = 	snop;
	(pc) =	sbr.rel @!p0 .LBB2_7-.Ltmp1, $3  }
0x2c: {  	_ =	sdelay $0x1  }
0x2d: {  	[sflag:s23] =	ssyncset.done $0x0  }
0x2e: {  	[sflag:s23] =	ssyncadd.s32 $0xFFFFD800  }
.LBB2_1:
0x2f: {  	[dreg:$0xe] =	wrdreg s13  }
0x30: {  	s7 =	rddreg [dreg:$0x3];
	s13 =	simm.s32 $0x0;
	s15 =	simm.s32 $0x200  }
0x31: {  	[tilespmem:s3], [sflag:$0x3] =	stream.linear.gather [hbm4b:s7+s3], $0x800, $0x38;
	[tilespmem:$0x1D000] =	vst v63  }
.LBB2_2:
0x32: {  	p0 =	sne.s32 s15, $0xF800;
	[tilespmem:s13+$0x5070] =	vst v0  }
0x33: {  	[tilespmem:s13+$0x5000] =	vst v0  }
0x34: {  	[tilespmem:s13+$0x5010] =	vst v0  }
.Ltmp2:
0x35: {  	[tilespmem:s13+$0x5020] =	vst v0;
	(pc) =	sbr.rel @p0 .LBB2_2-.Ltmp2, $4  }
0x36: {  	[tilespmem:s13+$0x5030] =	vst v0  }
0x37: {  	[tilespmem:s13+$0x5040] =	vst v0  }
0x38: {  	[tilespmem:s13+$0x5050] =	vst v0  }
0x39: {  	[tilespmem:s13+$0x5060] =	vst v0;
	s13 =	sshra.s32 s15, $0x2;
	s15 =	sadd.s32 $0x200, s15  }
0x3a: {  	[tilespmem:s13+$0x5070] =	vst v0  }
0x3b: {  	[tilespmem:s13+$0x5000] =	vst v0  }
0x3c: {  	[tilespmem:s13+$0x5010] =	vst v0  }
0x3d: {  	[tilespmem:s13+$0x5020] =	vst v0  }
0x3e: {  	[tilespmem:s13+$0x5030] =	vst v0  }
0x3f: {  	[tilespmem:s13+$0x5040] =	vst v0  }
0x40: {  	[tilespmem:s13+$0x5050] =	vst v0  }
0x41: {  	[tilespmem:s13+$0x5060] =	vst v0  }
0x42: {  	_ =	swait.ge [sflag:s18], $0x800  }
0x43: {  	[sflag:s18] =	ssyncset.done $0x0  }
0x44: {  	s13 =	simm.s32 $0x0;
	s7 =	rddreg [dreg:$0x5];
	[sflag:s18] =	ssyncadd.s32 $0xFFFFF800  }
0x45: {  	[tilespmem:s19], [sflag:$0x4] =	stream.linear.gather [hbm4b:s7+s13], $0x800, $0x38;
	[tilespmem:$0x1D000] =	vst v63  }
0x46: {  	_ = 	snop  }
0x47: {  	[tilespmem:s21], [sflag:$0x1] =	stream.indirect.gather [hbm4b:s4+s20], $0x80, s13, s20, $0xb8;
	[tilespmem:$0x1D000] =	vst v63  }
0x48: {  	_ = 	snop  }
0x49: {  	[spmem:s17] =	stream.linear.scatter [tilespmem:s22], [sflag:$0x5], $0x3E80, $0x38;
	[tilespmem:$0x1D000] =	vst v63  }
0x4a: {  	_ =	swait.ge [sflag:s23], $0x3E80  }
0x4b: {  	[sflag:s23] =	ssyncset.done $0x0  }
0x4c: {  	s17 =	rddreg [dreg:$0x6];
	[sflag:s23] =	ssyncadd.s32 $0xFFFFC180  }
0x4d: {  	[spmem:s17] =	stream.linear.scatter [tilespmem:s22], [sflag:$0x5], $0x3E80, $0x38;
	[tilespmem:$0x1D000] =	vst v63  }
0x4e: {  	_ =	swait.ge [sflag:s23], $0x3E80  }
0x4f: {  	[sflag:s23] =	ssyncset.done $0x0  }
0x50: {  	s15 =	rddreg [dreg:$0x7];
	[sflag:s23] =	ssyncadd.s32 $0xFFFFC180  }
0x51: {  	[spmem:s15] =	stream.linear.scatter [tilespmem:s22], [sflag:$0x5], $0x3E80, $0x38;
	[tilespmem:$0x1D000] =	vst v63  }
0x52: {  	_ =	swait.ge [sflag:s23], $0x3E80  }
0x53: {  	[sflag:s23] =	ssyncset.done $0x0  }
0x54: {  	s17 =	rddreg [dreg:$0x8];
	[sflag:s23] =	ssyncadd.s32 $0xFFFFC180  }
0x55: {  	[spmem:s17] =	stream.linear.scatter [tilespmem:s22], [sflag:$0x5], $0x3E80, $0x38;
	[tilespmem:$0x1D000] =	vst v63  }
0x56: {  	_ =	swait.ge [sflag:s23], $0x3E80  }
0x57: {  	[sflag:s23] =	ssyncset.done $0x0  }
0x58: {  	s15 =	rddreg [dreg:$0x9];
	[sflag:s23] =	ssyncadd.s32 $0xFFFFC180  }
0x59: {  	[spmem:s15] =	stream.linear.scatter [tilespmem:s22], [sflag:$0x5], $0x3E80, $0x38;
	[tilespmem:$0x1D000] =	vst v63  }
0x5a: {  	_ =	swait.ge [sflag:s23], $0x3E80  }
0x5b: {  	[sflag:s23] =	ssyncset.done $0x0  }
0x5c: {  	s17 =	rddreg [dreg:$0xa];
	[sflag:s23] =	ssyncadd.s32 $0xFFFFC180  }
0x5d: {  	[spmem:s17] =	stream.linear.scatter [tilespmem:s22], [sflag:$0x5], $0x780, $0x38;
	[tilespmem:$0x1D000] =	vst v63  }
0x5e: {  	_ =	swait.ge [sflag:s23], $0x780  }
0x5f: {  	[sflag:s23] =	ssyncset.done $0x0  }
0x60: {  	[sflag:s23] =	ssyncadd.s32 $0xFFFFF880  }
0x61: {  	[bflag:$0x0] =	sbarrier.arrive $0xFFFF  }
0x62: {  	s15 =	rddreg [dreg:$0xd]  }
.LBB2_4:
0x63: {  	s7 =	simm.s32 $0x100  }
0x64: {  	[tilespmem:s22], [sflag:$0x2] =	stream.indirect.gather [hbm4b:s4+s20], $0x80, s7, s20, $0xb8;
	[tilespmem:$0x1D000] =	vst v63  }
0x65: {  	_ =	swait.ge [sflag:s25], $0x3E80  }
0x66: {  	[sflag:s25] =	ssyncset.done $0x0  }
0x67: {  	s17 =	simm.s32 $0x80;
	[sflag:s25] =	ssyncadd.s32 $0xFFFFC180  }
0x68: {  	[spmem:s1] =	stream.indirect.scatter.add.f32 [tilespmem:s21], [sflag:$0x5], $0x80, s17, s20, $0xb8;
	[tilespmem:$0x1D000] =	vst v63  }
0x69: {  	_ =	swait.ge [sflag:s23], $0x3E80  }
0x6a: {  	[sflag:s23] =	ssyncset.done $0x0  }
0x6b: {  	s17 =	simm.s32 $0x200;
	[sflag:s23] =	ssyncadd.s32 $0xFFFFC180  }
0x6c: {  	[tilespmem:s21], [sflag:$0x1] =	stream.indirect.gather [hbm4b:s4+s20], $0x80, s17, s20, $0xb8;
	[tilespmem:$0x1D000] =	vst v63  }
0x6d: {  	_ =	swait.ge [sflag:s29], $0x3E80  }
0x6e: {  	[sflag:s29] =	ssyncset.done $0x0  }
0x6f: {  	s17 =	simm.s32 $0x180;
	[sflag:s29] =	ssyncadd.s32 $0xFFFFC180  }
0x70: {  	[spmem:s1] =	stream.indirect.scatter.add.f32 [tilespmem:s22], [sflag:$0x5], $0x80, s17, s20, $0xb8;
	[tilespmem:$0x1D000] =	vst v63  }
0x71: {  	_ =	swait.ge [sflag:s23], $0x3E80  }
0x72: {  	[sflag:s23] =	ssyncset.done $0x0  }
0x73: {  	s17 =	simm.s32 $0x300;
	[sflag:s23] =	ssyncadd.s32 $0xFFFFC180  }
0x74: {  	[tilespmem:s22], [sflag:$0x2] =	stream.indirect.gather [hbm4b:s4+s20], $0x80, s17, s20, $0xb8;
	[tilespmem:$0x1D000] =	vst v63  }
0x75: {  	_ =	swait.ge [sflag:s25], $0x3E80  }
0x76: {  	[sflag:s25] =	ssyncset.done $0x0  }
0x77: {  	s17 =	simm.s32 $0x280;
	[sflag:s25] =	ssyncadd.s32 $0xFFFFC180  }
0x78: {  	[spmem:s1] =	stream.indirect.scatter.add.f32 [tilespmem:s21], [sflag:$0x5], $0x80, s17, s20, $0xb8;
	[tilespmem:$0x1D000] =	vst v63  }
0x79: {  	_ =	swait.ge [sflag:s23], $0x3E80  }
0x7a: {  	[sflag:s23] =	ssyncset.done $0x0  }
0x7b: {  	s17 =	simm.s32 $0x400;
	[sflag:s23] =	ssyncadd.s32 $0xFFFFC180  }
0x7c: {  	[tilespmem:s21], [sflag:$0x1] =	stream.indirect.gather [hbm4b:s4+s20], $0x80, s17, s20, $0xb8;
	[tilespmem:$0x1D000] =	vst v63  }
0x7d: {  	_ =	swait.ge [sflag:s29], $0x3E80  }
0x7e: {  	[sflag:s29] =	ssyncset.done $0x0  }
0x7f: {  	s17 =	simm.s32 $0x380;
	[sflag:s29] =	ssyncadd.s32 $0xFFFFC180  }
0x80: {  	[spmem:s1] =	stream.indirect.scatter.add.f32 [tilespmem:s22], [sflag:$0x5], $0x80, s17, s20, $0xb8;
	[tilespmem:$0x1D000] =	vst v63  }
0x81: {  	_ =	swait.ge [sflag:s23], $0x3E80  }
0x82: {  	[sflag:s23] =	ssyncset.done $0x0  }
0x83: {  	s17 =	simm.s32 $0x500;
	[sflag:s23] =	ssyncadd.s32 $0xFFFFC180  }
0x84: {  	[tilespmem:s22], [sflag:$0x2] =	stream.indirect.gather [hbm4b:s4+s20], $0x80, s17, s20, $0xb8;
	[tilespmem:$0x1D000] =	vst v63  }
0x85: {  	_ =	swait.ge [sflag:s25], $0x3E80  }
0x86: {  	[sflag:s25] =	ssyncset.done $0x0  }
0x87: {  	s17 =	simm.s32 $0x480;
	[sflag:s25] =	ssyncadd.s32 $0xFFFFC180  }
0x88: {  	[spmem:s1] =	stream.indirect.scatter.add.f32 [tilespmem:s21], [sflag:$0x5], $0x80, s17, s20, $0xb8;
	[tilespmem:$0x1D000] =	vst v63  }
0x89: {  	_ =	swait.ge [sflag:s23], $0x3E80  }
0x8a: {  	[sflag:s23] =	ssyncset.done $0x0  }
0x8b: {  	s17 =	simm.s32 $0x600;
	[sflag:s23] =	ssyncadd.s32 $0xFFFFC180  }
0x8c: {  	[tilespmem:s21], [sflag:$0x1] =	stream.indirect.gather [hbm4b:s4+s20], $0x80, s17, s20, $0xb8;
	[tilespmem:$0x1D000] =	vst v63  }
0x8d: {  	_ =	swait.ge [sflag:s29], $0x3E80  }
0x8e: {  	[sflag:s29] =	ssyncset.done $0x0  }
0x8f: {  	s17 =	simm.s32 $0x580;
	[sflag:s29] =	ssyncadd.s32 $0xFFFFC180  }
0x90: {  	[spmem:s1] =	stream.indirect.scatter.add.f32 [tilespmem:s22], [sflag:$0x5], $0x80, s17, s20, $0xb8;
	[tilespmem:$0x1D000] =	vst v63  }
0x91: {  	_ =	swait.ge [sflag:s23], $0x3E80  }
0x92: {  	[sflag:s23] =	ssyncset.done $0x0  }
0x93: {  	s17 =	simm.s32 $0x700;
	[sflag:s23] =	ssyncadd.s32 $0xFFFFC180  }
0x94: {  	[tilespmem:s22], [sflag:$0x2] =	stream.indirect.gather [hbm4b:s4+s20], $0x80, s17, s20, $0xb8;
	[tilespmem:$0x1D000] =	vst v63  }
0x95: {  	_ =	swait.ge [sflag:s25], $0x3E80  }
0x96: {  	[sflag:s25] =	ssyncset.done $0x0  }
0x97: {  	s17 =	simm.s32 $0x680;
	[sflag:s25] =	ssyncadd.s32 $0xFFFFC180  }
0x98: {  	[spmem:s1] =	stream.indirect.scatter.add.f32 [tilespmem:s21], [sflag:$0x5], $0x80, s17, s20, $0xb8;
	[tilespmem:$0x1D000] =	vst v63  }
0x99: {  	_ =	swait.ge [sflag:s23], $0x3E80  }
0x9a: {  	[sflag:s23] =	ssyncset.done $0x0  }
0x9b: {  	[sflag:s23] =	ssyncadd.s32 $0xFFFFC180  }
0x9c: {  	_ =	swait.ge [sflag:s14], $0x800  }
0x9d: {  	[sflag:s14] =	ssyncset.done $0x0  }
0x9e: {  	[sflag:s14] =	ssyncadd.s32 $0xFFFFF800  }
0x9f: {  	[tilespmem:s21], [sflag:$0x1] =	stream.indirect.gather [hbm4b:s4+s20], $0x80, s19, s20, $0xb8;
	[tilespmem:$0x1D000] =	vst v63  }
0xa0: {  	_ =	swait.ge [sflag:s29], $0x3E80  }
0xa1: {  	[sflag:s29] =	ssyncset.done $0x0  }
0xa2: {  	s17 =	simm.s32 $0x780;
	[sflag:s29] =	ssyncadd.s32 $0xFFFFC180  }
0xa3: {  	[spmem:s1] =	stream.indirect.scatter.add.f32 [tilespmem:s22], [sflag:$0x5], $0x80, s17, s20, $0xb8;
	[tilespmem:$0x1D000] =	vst v63  }
0xa4: {  	p0 =	seq.s32 s13, $0x800;
	_ =	swait.ge [sflag:s23], $0x3E80  }
0xa5: {  	s17 =	sshrl.u32 @!p0 s15, $0x3;
	[sflag:s23] =	ssyncset.done $0x0  }
0xa6: {  	s7 =	simm.s32 @!p0 $0x0;
	s17 =	sadd.s32 @!p0 s5, s17;
	[sflag:s23] =	ssyncadd.s32 $0xFFFFC180  }
0xa7: {  	[tilespmem:s7], [sflag:$0x3] =	stream.linear.gather @!p0 [hbm4b:s17+s7], $0x800, $0x38;
	[tilespmem:$0x1D000] =	vst v63  }
0xa8: {  	s17 =	simm.s32 $0x900  }
0xa9: {  	[tilespmem:s22], [sflag:$0x2] =	stream.indirect.gather [hbm4b:s4+s20], $0x80, s17, s20, $0xb8;
	[tilespmem:$0x1D000] =	vst v63  }
0xaa: {  	_ =	swait.ge [sflag:s25], $0x3E80  }
0xab: {  	[sflag:s25] =	ssyncset.done $0x0  }
0xac: {  	s17 =	simm.s32 $0x880;
	[sflag:s25] =	ssyncadd.s32 $0xFFFFC180  }
0xad: {  	[spmem:s1] =	stream.indirect.scatter.add.f32 [tilespmem:s21], [sflag:$0x5], $0x80, s17, s20, $0xb8;
	[tilespmem:$0x1D000] =	vst v63  }
0xae: {  	_ =	swait.ge [sflag:s23], $0x3E80  }
0xaf: {  	[sflag:s23] =	ssyncset.done $0x0  }
0xb0: {  	[sflag:s23] =	ssyncadd.s32 $0xFFFFC180  }
0xb1: {  	[tilespmem:s21], [sflag:$0x1] =	stream.indirect.gather [hbm4b:s4+s20], $0x80, s24, s20, $0xb8;
	[tilespmem:$0x1D000] =	vst v63  }
0xb2: {  	_ =	swait.ge [sflag:s29], $0x3E80  }
0xb3: {  	[sflag:s29] =	ssyncset.done $0x0  }
0xb4: {  	[sflag:s29] =	ssyncadd.s32 $0xFFFFC180  }
0xb5: {  	[spmem:s1] =	stream.indirect.scatter.add.f32 [tilespmem:s22], [sflag:$0x5], $0x80, s26, s20, $0xb8;
	[tilespmem:$0x1D000] =	vst v63  }
0xb6: {  	_ =	swait.ge [sflag:s23], $0x3E80  }
0xb7: {  	[sflag:s23] =	ssyncset.done $0x0  }
0xb8: {  	[sflag:s23] =	ssyncadd.s32 $0xFFFFC180  }
0xb9: {  	[tilespmem:s22], [sflag:$0x2] =	stream.indirect.gather [hbm4b:s4+s20], $0x80, s28, s20, $0xb8;
	[tilespmem:$0x1D000] =	vst v63  }
0xba: {  	_ =	swait.ge [sflag:s25], $0x3E80  }
0xbb: {  	[sflag:s25] =	ssyncset.done $0x0  }
0xbc: {  	[sflag:s25] =	ssyncadd.s32 $0xFFFFC180  }
0xbd: {  	[spmem:s1] =	stream.indirect.scatter.add.f32 [tilespmem:s21], [sflag:$0x5], $0x80, s30, s20, $0xb8;
	[tilespmem:$0x1D000] =	vst v63  }
0xbe: {  	_ =	swait.ge [sflag:s23], $0x3E80  }
0xbf: {  	[sflag:s23] =	ssyncset.done $0x0  }
0xc0: {  	[sflag:s23] =	ssyncadd.s32 $0xFFFFC180  }
0xc1: {  	[tilespmem:s21], [sflag:$0x1] =	stream.indirect.gather [hbm4b:s4+s20], $0x80, s31, s20, $0xb8;
	[tilespmem:$0x1D000] =	vst v63  }
0xc2: {  	_ =	swait.ge [sflag:s29], $0x3E80  }
0xc3: {  	[sflag:s29] =	ssyncset.done $0x0  }
0xc4: {  	[sflag:s29] =	ssyncadd.s32 $0xFFFFC180  }
0xc5: {  	[spmem:s1] =	stream.indirect.scatter.add.f32 [tilespmem:s22], [sflag:$0x5], $0x80, s0, s20, $0xb8;
	[tilespmem:$0x1D000] =	vst v63  }
0xc6: {  	_ =	swait.ge [sflag:s23], $0x3E80  }
0xc7: {  	[sflag:s23] =	ssyncset.done $0x0  }
0xc8: {  	[sflag:s23] =	ssyncadd.s32 $0xFFFFC180  }
0xc9: {  	[tilespmem:s22], [sflag:$0x2] =	stream.indirect.gather [hbm4b:s4+s20], $0x80, s2, s20, $0xb8;
	[tilespmem:$0x1D000] =	vst v63  }
0xca: {  	_ =	swait.ge [sflag:s25], $0x3E80  }
0xcb: {  	[sflag:s25] =	ssyncset.done $0x0  }
0xcc: {  	[sflag:s25] =	ssyncadd.s32 $0xFFFFC180  }
0xcd: {  	[spmem:s1] =	stream.indirect.scatter.add.f32 [tilespmem:s21], [sflag:$0x5], $0x80, s8, s20, $0xb8;
	[tilespmem:$0x1D000] =	vst v63  }
0xce: {  	_ =	swait.ge [sflag:s23], $0x3E80  }
0xcf: {  	[sflag:s23] =	ssyncset.done $0x0  }
0xd0: {  	[sflag:s23] =	ssyncadd.s32 $0xFFFFC180  }
0xd1: {  	[tilespmem:s21], [sflag:$0x1] =	stream.indirect.gather [hbm4b:s4+s20], $0x80, s9, s20, $0xb8;
	[tilespmem:$0x1D000] =	vst v63  }
0xd2: {  	_ =	swait.ge [sflag:s29], $0x3E80  }
0xd3: {  	[sflag:s29] =	ssyncset.done $0x0  }
0xd4: {  	[sflag:s29] =	ssyncadd.s32 $0xFFFFC180  }
0xd5: {  	[spmem:s1] =	stream.indirect.scatter.add.f32 [tilespmem:s22], [sflag:$0x5], $0x80, s10, s20, $0xb8;
	[tilespmem:$0x1D000] =	vst v63  }
0xd6: {  	_ =	swait.ge [sflag:s23], $0x3E80  }
0xd7: {  	[sflag:s23] =	ssyncset.done $0x0  }
0xd8: {  	[sflag:s23] =	ssyncadd.s32 $0xFFFFC180  }
0xd9: {  	[tilespmem:s22], [sflag:$0x2] =	stream.indirect.gather [hbm4b:s4+s20], $0x80, s11, s20, $0xb8;
	[tilespmem:$0x1D000] =	vst v63  }
0xda: {  	_ =	swait.ge [sflag:s25], $0x3E80  }
0xdb: {  	[sflag:s25] =	ssyncset.done $0x0  }
.Ltmp3:
0xdc: {  	[sflag:s25] =	ssyncadd.s32 $0xFFFFC180;
	(pc) =	sbr.rel @p0 .LBB2_6-.Ltmp3, $4  }
0xdd: {  	[spmem:s1] =	stream.indirect.scatter.add.f32 [tilespmem:s21], [sflag:$0x5], $0x80, s12, s20, $0xb8;
	[tilespmem:$0x1D000] =	vst v63  }
0xde: {  	_ =	swait.ge [sflag:s23], $0x3E80  }
0xdf: {  	[sflag:s23] =	ssyncset.done $0x0  }
0xe0: {  	[sflag:s23] =	ssyncadd.s32 $0xFFFFC180  }
0xe1: {  	_ =	swait.ge [sflag:s18], $0x800  }
0xe2: {  	[sflag:s18] =	ssyncset.done $0x0  }
0xe3: {  	[sflag:s18] =	ssyncadd.s32 $0xFFFFF800  }
0xe4: {  	[tilespmem:s21], [sflag:$0x1] =	stream.indirect.gather [hbm4b:s4+s20], $0x80, s3, s20, $0xb8;
	[tilespmem:$0x1D000] =	vst v63  }
0xe5: {  	_ =	swait.ge [sflag:s29], $0x3E80  }
0xe6: {  	[sflag:s29] =	ssyncset.done $0x0  }
0xe7: {  	[sflag:s29] =	ssyncadd.s32 $0xFFFFC180  }
0xe8: {  	[spmem:s1] =	stream.indirect.scatter.add.f32 [tilespmem:s22], [sflag:$0x5], $0x80, s6, s20, $0xb8;
	[tilespmem:$0x1D000] =	vst v63  }
.Ltmp4:
0xe9: {  	_ = 	snop;
	(pc) =	sbr.rel .LBB2_4-.Ltmp4, $4  }
0xea: {  	_ =	swait.ge [sflag:s23], $0x3E80  }
0xeb: {  	s7 =	sadd.s32 s13, s16;
	[sflag:s23] =	ssyncset.done $0x0  }
0xec: {  	s13 =	sadd.s32 $0x200, s13;
	s15 =	sadd.s32 $0x1000, s15;
	[sflag:s23] =	ssyncadd.s32 $0xFFFFC180  }
0xed: {  	[tilespmem:s19], [sflag:$0x4] =	stream.linear.gather [hbm4b:s7+s3], $0x800, $0x38;
	[tilespmem:$0x1D000] =	vst v63  }
.LBB2_7:
0xee: {  	_ =	sfence.sel $0x180000  }
0xef: {  	[bflag:$0x0] =	sbarrier.arrive $0xFFFF  }
0xf0: {  	_ =	strace $0x90000050  }
0xf1: {  	s0 =	stileid.u32;
	[bflag:$0x2] =	sbarrier.arrive $0xFFFF  }
0xf2: {  	p0 =	sne.s32 s0, $0x0;
	s0 =	rddreg [dreg:$0x2]  }
0xf3: {  	s0 =	sadd.s32 @!p0 $0x100000, s0  }
0xf4: {  	[sflag:s0] =	ssyncadd.tile.s32 @!p0 $0x1;
	_ =	shalt  }
.Lfunc_end2:
_tile_overlayer_lowered:
.L_overlay_start_2:
0xf5: {  	(tag) =	ssettag $0x2  }
0xf6: {  	s0 =	rddreg [dreg:$0x0];
	s2 =	stileid.u32  }
0xf7: {  	s1 =	rddreg [dreg:$0x1];
	p0 =	sne.s32 s2, $0x0  }
0xf8: {  	s3 =	rddreg [dreg:$0x2];
	[bflag:$0x3] =	sbarrier.arrive $0xFFFF;
	s2 =	simm.s32 @!p0 $0x1C05  }
0xf9: {  	[timem:s3], [sflag:s2] =	dma.local @!p0 [hbm:s0], s1  }
0xfa: {  	s0 =	simm.s32 @!p0 $0x5  }
0xfb: {  	_ =	swait.ge @!p0 [sflag:s0], s1  }
0xfc: {  	s1 =	ssub.s32 @!p0 $0x0, s1;
	[sflag:s0] =	ssyncset.done @!p0 $0x0  }
0xfd: {  	[sflag:s0] =	ssyncadd.s32 @!p0 s1  }
0xfe: {  	[bflag:$0x3] =	sbarrier.arrive $0xFFFF  }
0xff: {  	_ =	shalt  }

</sc_bundles>
